<compile_context>
chip_gen: v7x
topology: tpu7x:2x2x1
jax: 0.10.2.dev20260603
libtpu: 0.0.44.dev20260713+nightly
codegen_flags: <defaults>
</compile_context>

<pallas_src>
import functools

import jax
import jax.numpy as jnp
from jax import lax
from jax.experimental import pallas as pl
from jax.experimental.pallas import tpu as pltpu
from jax.experimental.pallas import tpu_sc as plsc

N_ROWS = 20000
N_CLS = 80
N_BOX = 4
CONF = 0.25
NC = 2
NS = 16
NW = NC * NS
ROWS_PER_W = N_ROWS // NW
WIN = 768
LAST_WS = (N_ROWS // 128) * 128 - 5 * 128
LAST_MAIN = 640
TAIL_WS = LAST_WS + LAST_MAIN
TAIL = N_ROWS - TAIL_WS
NG = WIN // 16
L = 16
BIG = 1 << 30

_mesh = plsc.VectorSubcoreMesh(core_axis_name="c", subcore_axis_name="s")


@functools.partial(
    pl.kernel,
    mesh=_mesh,
    out_type=[
        jax.ShapeDtypeStruct((NC, L), jnp.float32),
        jax.ShapeDtypeStruct((NC, L), jnp.int32),
        jax.ShapeDtypeStruct((NW, L), jnp.float32),
        jax.ShapeDtypeStruct((NW, L), jnp.int32),
    ],
    scratch_types=[
        pltpu.VMEM((N_CLS, WIN), jnp.float32),
        pltpu.VMEM((N_BOX, WIN), jnp.float32),
        pltpu.VMEM((N_CLS, TAIL), jnp.float32),
        pltpu.VMEM((N_BOX, TAIL), jnp.float32),
        pltpu.VMEM((NG + TAIL // L, L), jnp.float32),
        pltpu.VMEM((L,), jnp.float32),
        pltpu.VMEM((L,), jnp.int32),
        pltpu.VMEM((NS, L), jnp.float32),
        pltpu.VMEM((NS, L), jnp.int32),
        pltpu.SemaphoreType.DMA,
        pltpu.SemaphoreType.DMA,
    ],
    compiler_params=pltpu.CompilerParams(
        needs_layout_passes=False, use_tc_tiling_on_sc=True),
)
def _sc_prefix_sum(xT_hbm, bT_hbm, out_s, out_f, stg_s, stg_f,
                   lg_v, bx_v, lg_t, bx_t, ct_v, vec_f, vec_i, loc_s, loc_f,
                   sem1, sem2):
    c = lax.axis_index("c")
    s = lax.axis_index("s")
    wid = c * NS + s
    rs = wid * ROWS_PER_W
    ws = pl.multiple_of((rs // 128) * 128, 128)
    last = wid == NW - 1
    HALF = WIN // 2

    h1 = pltpu.async_copy(xT_hbm.at[:, pl.ds(ws, HALF)],
                          lg_v.at[:, pl.ds(0, HALF)], sem1)

    @pl.when(jnp.logical_not(last))
    def _():
        pltpu.async_copy(xT_hbm.at[:, pl.ds(ws + HALF, HALF)],
                         lg_v.at[:, pl.ds(HALF, HALF)], sem2)
        pltpu.sync_copy(bT_hbm.at[:, pl.ds(ws, WIN)], bx_v)

    @pl.when(last)
    def _():
        pltpu.async_copy(xT_hbm.at[:, pl.ds(LAST_WS + HALF, LAST_MAIN - HALF)],
                         lg_v.at[:, pl.ds(HALF, LAST_MAIN - HALF)], sem2)
        pltpu.async_copy(xT_hbm.at[:, pl.ds(TAIL_WS, TAIL)], lg_t, sem2)
        pltpu.sync_copy(bT_hbm.at[:, pl.ds(LAST_WS, LAST_MAIN)],
                        bx_v.at[:, pl.ds(0, LAST_MAIN)])
        pltpu.sync_copy(bT_hbm.at[:, pl.ds(TAIL_WS, TAIL)], bx_t)

    h1.wait()

    lanes = lax.iota(jnp.int32, L)
    rs_v = jnp.full((L,), rs, jnp.int32)
    re = jnp.minimum(rs + ROWS_PER_W,
                     ws + jnp.where(last, LAST_MAIN, WIN))
    re_v = jnp.full((L,), re, jnp.int32)

    def p1(g, fail_v):
        parts = [lg_v[k, pl.ds(g * L, L)] for k in range(8)]
        for cc in range(8, N_CLS):
            parts[cc % 8] = jnp.maximum(parts[cc % 8],
                                        lg_v[cc, pl.ds(g * L, L)])
        m = jnp.maximum(jnp.maximum(jnp.maximum(parts[0], parts[1]),
                                    jnp.maximum(parts[2], parts[3])),
                        jnp.maximum(jnp.maximum(parts[4], parts[5]),
                                    jnp.maximum(parts[6], parts[7])))
        bsum = ((bx_v[0, pl.ds(g * L, L)] + bx_v[1, pl.ds(g * L, L)])
                + (bx_v[2, pl.ds(g * L, L)] + bx_v[3, pl.ds(g * L, L)]))
        ct_v[g, pl.ds(0, L)] = m + bsum
        rowv = jnp.full((L,), ws + g * L, jnp.int32) + lanes
        bad = (rowv >= rs_v) & (rowv < re_v) & jnp.logical_not(m >= CONF)
        return jnp.minimum(fail_v, jnp.where(bad, rowv, BIG))

    fail_v = lax.fori_loop(0, NG // 2, p1, jnp.full((L,), BIG, jnp.int32))

    @pl.when(jnp.logical_not(last))
    def _():
        pltpu.make_async_copy(xT_hbm.at[:, pl.ds(ws + HALF, HALF)],
                              lg_v.at[:, pl.ds(HALF, HALF)], sem2).wait()

    @pl.when(last)
    def _():
        pltpu.make_async_copy(
            xT_hbm.at[:, pl.ds(LAST_WS + HALF, LAST_MAIN - HALF)],
            lg_v.at[:, pl.ds(HALF, LAST_MAIN - HALF)], sem2).wait()
        pltpu.make_async_copy(xT_hbm.at[:, pl.ds(TAIL_WS, TAIL)],
                              lg_t, sem2).wait()

    fail_v = lax.fori_loop(NG // 2, NG, p1, fail_v)

    @pl.when(last)
    def _():
        fv = fail_v
        for g in range(TAIL // L):
            m = lg_t[0, pl.ds(g * L, L)]
            for cc in range(1, N_CLS):
                m = jnp.maximum(m, lg_t[cc, pl.ds(g * L, L)])
            bsum = (bx_t[0, pl.ds(g * L, L)] + bx_t[1, pl.ds(g * L, L)]
                    + bx_t[2, pl.ds(g * L, L)] + bx_t[3, pl.ds(g * L, L)])
            ct_v[NG + g, pl.ds(0, L)] = m + bsum
            rowv = jnp.full((L,), TAIL_WS + g * L, jnp.int32) + lanes
            bad = jnp.logical_not(m >= CONF)
            fv = jnp.minimum(fv, jnp.where(bad, rowv, BIG))
        vec_i[...] = fv

    @pl.when(jnp.logical_not(last))
    def _():
        vec_i[...] = fail_v

    fail = jnp.min(vec_i[...])
    limit_v = jnp.full((L,), jnp.minimum(fail, re), jnp.int32)
    tail_limit_v = jnp.full((L,), jnp.minimum(fail, rs + ROWS_PER_W),
                            jnp.int32)

    def p2(g, acc):
        rowv = jnp.full((L,), ws + g * L, jnp.int32) + lanes
        mask = (rowv >= rs_v) & (rowv < limit_v)
        return acc + jnp.where(mask, ct_v[g, pl.ds(0, L)], jnp.float32(0.0))

    acc_v = lax.fori_loop(0, NG, p2, jnp.zeros((L,), jnp.float32), unroll=4)

    @pl.when(last)
    def _():
        av = acc_v
        for g in range(TAIL // L):
            rowv = jnp.full((L,), TAIL_WS + g * L, jnp.int32) + lanes
            mask = rowv < tail_limit_v
            av = av + jnp.where(mask, ct_v[NG + g, pl.ds(0, L)],
                                jnp.float32(0.0))
        vec_f[...] = av

    @pl.when(jnp.logical_not(last))
    def _():
        vec_f[...] = acc_v

    acc = jnp.sum(vec_f[...])

    vec_f[...] = jnp.full((L,), acc, jnp.float32)
    vec_i[...] = jnp.full((L,), fail, jnp.int32)
    p1h = pltpu.async_copy(vec_f, stg_s.at[wid], sem1)
    p2h = pltpu.async_copy(vec_i, stg_f.at[wid], sem2)
    p1h.wait()
    p2h.wait()
    plsc.subcore_barrier()

    @pl.when(s == 0)
    def _():
        r1 = pltpu.async_copy(stg_s.at[pl.ds(c * NS, NS)], loc_s, sem1)
        r2 = pltpu.async_copy(stg_f.at[pl.ds(c * NS, NS)], loc_f, sem2)
        r1.wait()
        r2.wait()
        s_coll = jnp.zeros((L,), jnp.float32)
        f_coll = jnp.full((L,), BIG, jnp.int32)
        for u in range(NS):
            s_coll = jnp.where(lanes == u, loc_s[u, pl.ds(0, L)], s_coll)
            f_coll = jnp.where(lanes == u, loc_f[u, pl.ds(0, L)], f_coll)
        core_fail = jnp.min(f_coll)
        starts = (c * NS + lanes) * ROWS_PER_W
        core_sum = jnp.sum(jnp.where(starts <= core_fail, s_coll,
                                     jnp.float32(0.0)))
        vec_f[...] = jnp.full((L,), core_sum, jnp.float32)
        vec_i[...] = jnp.full((L,), core_fail, jnp.int32)
        pltpu.sync_copy(vec_f, out_s.at[c])
        pltpu.sync_copy(vec_i, out_f.at[c])


def kernel(logits, boxes):
    sums, fails, _, _ = _sc_prefix_sum(logits.T, boxes.T)
    s0 = sums[0, 0]
    s1 = sums[1, 0]
    f0 = fails[0, 0]
    total = s0 + jnp.where(f0 >= NS * ROWS_PER_W, s1, jnp.float32(0.0))
    return total.astype(jnp.float32)

# --- scband reference (transcript-rebuilt; emitter-appended) ---
"""Pipeline reference for scband-yolov8-detection-target-11321533792584 (READ-ONLY COPY).

The authoritative reference and input builder live on the scoring server;
editing this copy changes nothing except your own understanding.
"""

import jax, jax.numpy as jnp
import numpy as np

OUTPUT_TYPE = "all"
CONF = 0.25
RATIO = 1.0


def setup_inputs(seed: int = 0) -> dict:
    key = jax.random.key(seed)
    k1, k2 = jax.random.split(key)
    logits = jax.random.normal(k1, (20000, 80), dtype=jnp.float32)
    boxes = jax.random.uniform(k2, (20000, 4), dtype=jnp.float32)
    return {"logits": logits, "boxes": boxes}


def reference(logits, boxes):
    # Faithful translation of the torch loop:
    #   iterate over the first num_to_consider detections, take per-detection
    #   max class score; break at the first score < conf; accumulate score
    #   (class/all) and the 4 box coords (box/all); sum everything.
    # The data-dependent break is expressed as a prefix-validity mask via cumprod.
    N = logits.shape[0]
    num = max(1, int(N * RATIO)) if N > 0 else 0
    if num == 0:
        return jnp.asarray(0.0, dtype=jnp.float32)
    scores = jnp.max(logits[:num], axis=1)  # [num]
    # element i survives iff scores[0..i] are all >= CONF (strict < breaks)
    valid = jnp.cumprod((scores >= CONF).astype(logits.dtype))  # [num]
    total = jnp.asarray(0.0, dtype=logits.dtype)
    if OUTPUT_TYPE in ("class", "all"):
        total = total + jnp.sum(valid * scores)
    if OUTPUT_TYPE in ("box", "all"):
        total = total + jnp.sum(valid * jnp.sum(boxes[:num], axis=1))
    any_valid = jnp.any(valid > 0)
    # if no targets were appended, torch returns tensor(0.0)
    return jnp.where(any_valid, total, jnp.asarray(0.0, dtype=logits.dtype))

if __name__ == "__main__":
    import jax
    _d = setup_inputs()
    print(jax.jit(kernel)(*tuple(_d.values())))

</pallas_src>

<mosaic_0001>
#map = affine_map<(d0, d1) -> (0, 0)>
module attributes {stable_mosaic.version = 14 : i64} {
  func.func @_sc_prefix_sum(%arg0: i32, %arg1: i32, %arg2: memref<80x20000xf32, #tpu.memory_space<hbm>>, %arg3: memref<4x20000xf32, #tpu.memory_space<hbm>>, %arg4: memref<2x16xf32, #tpu.memory_space<hbm>>, %arg5: memref<2x16xi32, #tpu.memory_space<hbm>>, %arg6: memref<32x16xf32, #tpu.memory_space<hbm>>, %arg7: memref<32x16xi32, #tpu.memory_space<hbm>>, %arg8: memref<80x768xf32, #tpu.memory_space<vmem>>, %arg9: memref<4x768xf32, #tpu.memory_space<vmem>>, %arg10: memref<80x32xf32, #tpu.memory_space<vmem>>, %arg11: memref<4x32xf32, #tpu.memory_space<vmem>>, %arg12: memref<50x16xf32, #tpu.memory_space<vmem>>, %arg13: memref<16xf32, #tpu.memory_space<vmem>>, %arg14: memref<16xi32, #tpu.memory_space<vmem>>, %arg15: memref<16x16xf32, #tpu.memory_space<vmem>>, %arg16: memref<16x16xi32, #tpu.memory_space<vmem>>, %arg17: memref<!tpu.dma_semaphore, #tpu.memory_space<semaphore_mem>>, %arg18: memref<!tpu.dma_semaphore, #tpu.memory_space<semaphore_mem>>) attributes {dimension_semantics = [#tpu.dimension_semantics<core_parallel>, #tpu.dimension_semantics<subcore_parallel>], iteration_bounds = array<i64: 2, 16>, scalar_prefetch = 0 : i64, scratch_operands = 11 : i64, tpu.core_type = #tpu.core_type<sc_vector_subcore>, window_params = [{transform_indices = #map}, {transform_indices = #map}, {transform_indices = #map}, {transform_indices = #map}, {transform_indices = #map}, {transform_indices = #map}]} {
    %mul3A = arith.constant 16 : i32
    %mul3A_0 = arith.muli %arg0, %mul3A : i32
    %add3A = arith.addi %mul3A_0, %arg1 : i32
    %mul3A_1 = arith.constant 625 : i32
    %mul3A_2 = arith.muli %add3A, %mul3A_1 : i32
    %jit3A = arith.constant 128 : i32
    %div3A = arith.divsi %mul3A_2, %jit3A : i32
    %sign3A = arith.constant 0 : i32
    %sign3A_3 = arith.cmpi sgt, %mul3A_2, %sign3A : i32
    %sign3A_4 = arith.extui %sign3A_3 : i1 to i32
    %sign3A_5 = arith.constant 0 : i32
    %sign3A_6 = arith.cmpi slt, %mul3A_2, %sign3A_5 : i32
    %sign3A_7 = arith.extui %sign3A_6 : i1 to i32
    %sign3A_8 = arith.subi %sign3A_4, %sign3A_7 : i32
    %sign3A_9 = arith.constant 0 : i32
    %sign3A_10 = arith.cmpi sgt, %jit3A, %sign3A_9 : i32
    %sign3A_11 = arith.extui %sign3A_10 : i1 to i32
    %sign3A_12 = arith.constant 0 : i32
    %sign3A_13 = arith.cmpi slt, %jit3A, %sign3A_12 : i32
    %sign3A_14 = arith.extui %sign3A_13 : i1 to i32
    %sign3A_15 = arith.subi %sign3A_11, %sign3A_14 : i32
    %ne3A = arith.cmpi ne, %sign3A_8, %sign3A_15 : i32
    %rem3A = arith.remsi %mul3A_2, %jit3A : i32
    %ne3A_16 = arith.constant 0 : i32
    %ne3A_17 = arith.cmpi ne, %rem3A, %ne3A_16 : i32
    %and3A = arith.andi %ne3A, %ne3A_17 : i1
    %sub3A = arith.constant 1 : i32
    %sub3A_18 = arith.subi %div3A, %sub3A : i32
    %select_n3A = arith.select %and3A, %sub3A_18, %div3A : i32
    %mul3A_19 = arith.constant 128 : i32
    %mul3A_20 = arith.muli %select_n3A, %mul3A_19 : i32
    %multiple_of3A = tpu.assume_multiple %mul3A_20, 128 : i32
    %eq3A = arith.constant 31 : i32
    %eq3A_21 = arith.cmpi eq, %add3A, %eq3A : i32
    %dma_start3A = arith.constant 0 : i32
    %dma_start3A_22 = arith.constant 0 : i32
    %dma_start3A_23 = tpu.memref_slice %arg8[%dma_start3A, %dma_start3A_22] : memref<80x768xf32, #tpu.memory_space<vmem>> -> memref<80x384xf32, #tpu.memory_space<vmem>>
    %dma_start3A_24 = arith.constant 0 : i32
    %dma_start3A_25 = tpu.memref_slice %arg2[%dma_start3A_24, %multiple_of3A] : memref<80x20000xf32, #tpu.memory_space<hbm>> -> memref<80x384xf32, #tpu.memory_space<hbm>>
    %dma_start3A_26 = arith.constant 0 : i32
    %dma_start3A_27 = arith.constant 0 : i32
    %dma_start3A_28 = tpu.memref_slice %arg8[%dma_start3A_26, %dma_start3A_27] : memref<80x768xf32, #tpu.memory_space<vmem>> -> memref<80x384xf32, #tpu.memory_space<vmem>>
    %dma_start3A_29 = arith.constant 0 : i32
    %dma_start3A_30 = tpu.memref_slice %arg2[%dma_start3A_29, %multiple_of3A] : memref<80x20000xf32, #tpu.memory_space<hbm>> -> memref<80x384xf32, #tpu.memory_space<hbm>>
    tpu.enqueue_dma source(%dma_start3A_30 : memref<80x384xf32, #tpu.memory_space<hbm>>) target(%dma_start3A_28 : memref<80x384xf32, #tpu.memory_space<vmem>>) target_semaphore(%arg17 : memref<!tpu.dma_semaphore, #tpu.memory_space<semaphore_mem>>)
    %not3A = arith.constant true
    %not3A_31 = arith.xori %eq3A_21, %not3A : i1
    %convert_element_type3A = arith.extui %not3A_31 : i1 to i32
    %cond3A = arith.constant 0 : i32
    %cond3A_32 = arith.cmpi ne, %convert_element_type3A, %cond3A : i32
    scf.if %cond3A_32 {
      %add3A_150 = arith.constant 384 : i32
      %add3A_151 = arith.addi %multiple_of3A, %add3A_150 : i32
      %dma_start3A_152 = arith.constant 0 : i32
      %dma_start3A_153 = arith.constant 384 : i32
      %dma_start3A_154 = tpu.memref_slice %arg8[%dma_start3A_152, %dma_start3A_153] : memref<80x768xf32, #tpu.memory_space<vmem>> -> memref<80x384xf32, #tpu.memory_space<vmem>>
      %dma_start3A_155 = arith.constant 0 : i32
      %dma_start3A_156 = tpu.memref_slice %arg2[%dma_start3A_155, %add3A_151] : memref<80x20000xf32, #tpu.memory_space<hbm>> -> memref<80x384xf32, #tpu.memory_space<hbm>>
      %dma_start3A_157 = arith.constant 0 : i32
      %dma_start3A_158 = arith.constant 384 : i32
      %dma_start3A_159 = tpu.memref_slice %arg8[%dma_start3A_157, %dma_start3A_158] : memref<80x768xf32, #tpu.memory_space<vmem>> -> memref<80x384xf32, #tpu.memory_space<vmem>>
      %dma_start3A_160 = arith.constant 0 : i32
      %dma_start3A_161 = tpu.memref_slice %arg2[%dma_start3A_160, %add3A_151] : memref<80x20000xf32, #tpu.memory_space<hbm>> -> memref<80x384xf32, #tpu.memory_space<hbm>>
      tpu.enqueue_dma source(%dma_start3A_161 : memref<80x384xf32, #tpu.memory_space<hbm>>) target(%dma_start3A_159 : memref<80x384xf32, #tpu.memory_space<vmem>>) target_semaphore(%arg18 : memref<!tpu.dma_semaphore, #tpu.memory_space<semaphore_mem>>)
      "tpu.region"() ({
        %run_scoped3A = tpu.sem_alloc : memref<!tpu.dma_semaphore, #tpu.memory_space<semaphore_mem>>
        %dma_start3A_162 = arith.constant 0 : i32
        %dma_start3A_163 = tpu.memref_slice %arg3[%dma_start3A_162, %multiple_of3A] : memref<4x20000xf32, #tpu.memory_space<hbm>> -> memref<4x768xf32, #tpu.memory_space<hbm>>
        %dma_start3A_164 = arith.constant 0 : i32
        %dma_start3A_165 = tpu.memref_slice %arg3[%dma_start3A_164, %multiple_of3A] : memref<4x20000xf32, #tpu.memory_space<hbm>> -> memref<4x768xf32, #tpu.memory_space<hbm>>
        tpu.enqueue_dma source(%dma_start3A_165 : memref<4x768xf32, #tpu.memory_space<hbm>>) target(%arg9 : memref<4x768xf32, #tpu.memory_space<vmem>>) target_semaphore(%run_scoped3A : memref<!tpu.dma_semaphore, #tpu.memory_space<semaphore_mem>>)
        %dma_wait3A_166 = arith.constant 0 : i32
        %dma_wait3A_167 = tpu.memref_slice %arg3[%dma_wait3A_166, %multiple_of3A] : memref<4x20000xf32, #tpu.memory_space<hbm>> -> memref<4x768xf32, #tpu.memory_space<hbm>>
        %dma_wait3A_168 = arith.constant 0 : i32
        %dma_wait3A_169 = tpu.memref_slice %arg3[%dma_wait3A_168, %multiple_of3A] : memref<4x20000xf32, #tpu.memory_space<hbm>> -> memref<4x768xf32, #tpu.memory_space<hbm>>
        tpu.wait_dma2 semaphore(%run_scoped3A : memref<!tpu.dma_semaphore, #tpu.memory_space<semaphore_mem>>) src(%dma_wait3A_169 : memref<4x768xf32, #tpu.memory_space<hbm>>) dst(%arg9 : memref<4x768xf32, #tpu.memory_space<vmem>>)
        tpu.yield
      }) : () -> ()
    } else {
    }
    %convert_element_type3A_33 = arith.extui %eq3A_21 : i1 to i32
    %cond3A_34 = arith.constant 0 : i32
    %cond3A_35 = arith.cmpi ne, %convert_element_type3A_33, %cond3A_34 : i32
    scf.if %cond3A_35 {
      %dma_start3A_150 = arith.constant 0 : i32
      %dma_start3A_151 = arith.constant 384 : i32
      %dma_start3A_152 = tpu.memref_slice %arg8[%dma_start3A_150, %dma_start3A_151] : memref<80x768xf32, #tpu.memory_space<vmem>> -> memref<80x256xf32, #tpu.memory_space<vmem>>
      %dma_start3A_153 = arith.constant 0 : i32
      %dma_start3A_154 = arith.constant 19712 : i32
      %dma_start3A_155 = tpu.memref_slice %arg2[%dma_start3A_153, %dma_start3A_154] : memref<80x20000xf32, #tpu.memory_space<hbm>> -> memref<80x256xf32, #tpu.memory_space<hbm>>
      %dma_start3A_156 = arith.constant 0 : i32
      %dma_start3A_157 = arith.constant 384 : i32
      %dma_start3A_158 = tpu.memref_slice %arg8[%dma_start3A_156, %dma_start3A_157] : memref<80x768xf32, #tpu.memory_space<vmem>> -> memref<80x256xf32, #tpu.memory_space<vmem>>
      %dma_start3A_159 = arith.constant 0 : i32
      %dma_start3A_160 = arith.constant 19712 : i32
      %dma_start3A_161 = tpu.memref_slice %arg2[%dma_start3A_159, %dma_start3A_160] : memref<80x20000xf32, #tpu.memory_space<hbm>> -> memref<80x256xf32, #tpu.memory_space<hbm>>
      tpu.enqueue_dma source(%dma_start3A_161 : memref<80x256xf32, #tpu.memory_space<hbm>>) target(%dma_start3A_158 : memref<80x256xf32, #tpu.memory_space<vmem>>) target_semaphore(%arg18 : memref<!tpu.dma_semaphore, #tpu.memory_space<semaphore_mem>>)
      %dma_start3A_162 = arith.constant 0 : i32
      %dma_start3A_163 = arith.constant 19968 : i32
      %dma_start3A_164 = tpu.memref_slice %arg2[%dma_start3A_162, %dma_start3A_163] : memref<80x20000xf32, #tpu.memory_space<hbm>> -> memref<80x32xf32, #tpu.memory_space<hbm>>
      %dma_start3A_165 = arith.constant 0 : i32
      %dma_start3A_166 = arith.constant 19968 : i32
      %dma_start3A_167 = tpu.memref_slice %arg2[%dma_start3A_165, %dma_start3A_166] : memref<80x20000xf32, #tpu.memory_space<hbm>> -> memref<80x32xf32, #tpu.memory_space<hbm>>
      tpu.enqueue_dma source(%dma_start3A_167 : memref<80x32xf32, #tpu.memory_space<hbm>>) target(%arg10 : memref<80x32xf32, #tpu.memory_space<vmem>>) target_semaphore(%arg18 : memref<!tpu.dma_semaphore, #tpu.memory_space<semaphore_mem>>)
      "tpu.region"() ({
        %run_scoped3A = tpu.sem_alloc : memref<!tpu.dma_semaphore, #tpu.memory_space<semaphore_mem>>
        %dma_start3A_168 = arith.constant 0 : i32
        %dma_start3A_169 = arith.constant 0 : i32
        %dma_start3A_170 = tpu.memref_slice %arg9[%dma_start3A_168, %dma_start3A_169] : memref<4x768xf32, #tpu.memory_space<vmem>> -> memref<4x640xf32, #tpu.memory_space<vmem>>
        %dma_start3A_171 = arith.constant 0 : i32
        %dma_start3A_172 = arith.constant 19328 : i32
        %dma_start3A_173 = tpu.memref_slice %arg3[%dma_start3A_171, %dma_start3A_172] : memref<4x20000xf32, #tpu.memory_space<hbm>> -> memref<4x640xf32, #tpu.memory_space<hbm>>
        %dma_start3A_174 = arith.constant 0 : i32
        %dma_start3A_175 = arith.constant 0 : i32
        %dma_start3A_176 = tpu.memref_slice %arg9[%dma_start3A_174, %dma_start3A_175] : memref<4x768xf32, #tpu.memory_space<vmem>> -> memref<4x640xf32, #tpu.memory_space<vmem>>
        %dma_start3A_177 = arith.constant 0 : i32
        %dma_start3A_178 = arith.constant 19328 : i32
        %dma_start3A_179 = tpu.memref_slice %arg3[%dma_start3A_177, %dma_start3A_178] : memref<4x20000xf32, #tpu.memory_space<hbm>> -> memref<4x640xf32, #tpu.memory_space<hbm>>
        tpu.enqueue_dma source(%dma_start3A_179 : memref<4x640xf32, #tpu.memory_space<hbm>>) target(%dma_start3A_176 : memref<4x640xf32, #tpu.memory_space<vmem>>) target_semaphore(%run_scoped3A : memref<!tpu.dma_semaphore, #tpu.memory_space<semaphore_mem>>)
        %dma_wait3A_180 = arith.constant 0 : i32
        %dma_wait3A_181 = arith.constant 0 : i32
        %dma_wait3A_182 = tpu.memref_slice %arg9[%dma_wait3A_180, %dma_wait3A_181] : memref<4x768xf32, #tpu.memory_space<vmem>> -> memref<4x640xf32, #tpu.memory_space<vmem>>
        %dma_wait3A_183 = arith.constant 0 : i32
        %dma_wait3A_184 = arith.constant 19328 : i32
        %dma_wait3A_185 = tpu.memref_slice %arg3[%dma_wait3A_183, %dma_wait3A_184] : memref<4x20000xf32, #tpu.memory_space<hbm>> -> memref<4x640xf32, #tpu.memory_space<hbm>>
        %dma_wait3A_186 = arith.constant 0 : i32
        %dma_wait3A_187 = arith.constant 0 : i32
        %dma_wait3A_188 = tpu.memref_slice %arg9[%dma_wait3A_186, %dma_wait3A_187] : memref<4x768xf32, #tpu.memory_space<vmem>> -> memref<4x640xf32, #tpu.memory_space<vmem>>
        %dma_wait3A_189 = arith.constant 0 : i32
        %dma_wait3A_190 = arith.constant 19328 : i32
        %dma_wait3A_191 = tpu.memref_slice %arg3[%dma_wait3A_189, %dma_wait3A_190] : memref<4x20000xf32, #tpu.memory_space<hbm>> -> memref<4x640xf32, #tpu.memory_space<hbm>>
        tpu.wait_dma2 semaphore(%run_scoped3A : memref<!tpu.dma_semaphore, #tpu.memory_space<semaphore_mem>>) src(%dma_wait3A_191 : memref<4x640xf32, #tpu.memory_space<hbm>>) dst(%dma_wait3A_188 : memref<4x640xf32, #tpu.memory_space<vmem>>)
        tpu.yield
      }) : () -> ()
      "tpu.region"() ({
        %run_scoped3A = tpu.sem_alloc : memref<!tpu.dma_semaphore, #tpu.memory_space<semaphore_mem>>
        %dma_start3A_168 = arith.constant 0 : i32
        %dma_start3A_169 = arith.constant 19968 : i32
        %dma_start3A_170 = tpu.memref_slice %arg3[%dma_start3A_168, %dma_start3A_169] : memref<4x20000xf32, #tpu.memory_space<hbm>> -> memref<4x32xf32, #tpu.memory_space<hbm>>
        %dma_start3A_171 = arith.constant 0 : i32
        %dma_start3A_172 = arith.constant 19968 : i32
        %dma_start3A_173 = tpu.memref_slice %arg3[%dma_start3A_171, %dma_start3A_172] : memref<4x20000xf32, #tpu.memory_space<hbm>> -> memref<4x32xf32, #tpu.memory_space<hbm>>
        tpu.enqueue_dma source(%dma_start3A_173 : memref<4x32xf32, #tpu.memory_space<hbm>>) target(%arg11 : memref<4x32xf32, #tpu.memory_space<vmem>>) target_semaphore(%run_scoped3A : memref<!tpu.dma_semaphore, #tpu.memory_space<semaphore_mem>>)
        %dma_wait3A_174 = arith.constant 0 : i32
        %dma_wait3A_175 = arith.constant 19968 : i32
        %dma_wait3A_176 = tpu.memref_slice %arg3[%dma_wait3A_174, %dma_wait3A_175] : memref<4x20000xf32, #tpu.memory_space<hbm>> -> memref<4x32xf32, #tpu.memory_space<hbm>>
        %dma_wait3A_177 = arith.constant 0 : i32
        %dma_wait3A_178 = arith.constant 19968 : i32
        %dma_wait3A_179 = tpu.memref_slice %arg3[%dma_wait3A_177, %dma_wait3A_178] : memref<4x20000xf32, #tpu.memory_space<hbm>> -> memref<4x32xf32, #tpu.memory_space<hbm>>
        tpu.wait_dma2 semaphore(%run_scoped3A : memref<!tpu.dma_semaphore, #tpu.memory_space<semaphore_mem>>) src(%dma_wait3A_179 : memref<4x32xf32, #tpu.memory_space<hbm>>) dst(%arg11 : memref<4x32xf32, #tpu.memory_space<vmem>>)
        tpu.yield
      }) : () -> ()
    } else {
    }
    %dma_wait3A = arith.constant 0 : i32
    %dma_wait3A_36 = arith.constant 0 : i32
    %dma_wait3A_37 = tpu.memref_slice %arg8[%dma_wait3A, %dma_wait3A_36] : memref<80x768xf32, #tpu.memory_space<vmem>> -> memref<80x384xf32, #tpu.memory_space<vmem>>
    %dma_wait3A_38 = arith.constant 0 : i32
    %dma_wait3A_39 = tpu.memref_slice %arg2[%dma_wait3A_38, %multiple_of3A] : memref<80x20000xf32, #tpu.memory_space<hbm>> -> memref<80x384xf32, #tpu.memory_space<hbm>>
    %dma_wait3A_40 = arith.constant 0 : i32
    %dma_wait3A_41 = arith.constant 0 : i32
    %dma_wait3A_42 = tpu.memref_slice %arg8[%dma_wait3A_40, %dma_wait3A_41] : memref<80x768xf32, #tpu.memory_space<vmem>> -> memref<80x384xf32, #tpu.memory_space<vmem>>
    %dma_wait3A_43 = arith.constant 0 : i32
    %dma_wait3A_44 = tpu.memref_slice %arg2[%dma_wait3A_43, %multiple_of3A] : memref<80x20000xf32, #tpu.memory_space<hbm>> -> memref<80x384xf32, #tpu.memory_space<hbm>>
    tpu.wait_dma2 semaphore(%arg17 : memref<!tpu.dma_semaphore, #tpu.memory_space<semaphore_mem>>) src(%dma_wait3A_44 : memref<80x384xf32, #tpu.memory_space<hbm>>) dst(%dma_wait3A_42 : memref<80x384xf32, #tpu.memory_space<vmem>>)
    %iota3A = tpu.iota {dimensions = array<i32: 0>} : vector<16xi32>
    %broadcast_in_dim3A = vector.broadcast %mul3A_2 : i32 to vector<16xi32>
    %add3A_45 = arith.constant 625 : i32
    %add3A_46 = arith.addi %mul3A_2, %add3A_45 : i32
    %jit3A_47 = arith.constant 640 : i32
    %jit3A_48 = arith.constant 768 : i32
    %select_n3A_49 = arith.select %eq3A_21, %jit3A_47, %jit3A_48 : i32
    %add3A_50 = arith.addi %multiple_of3A, %select_n3A_49 : i32
    %min3A = arith.minsi %add3A_46, %add3A_50 : i32
    %broadcast_in_dim3A_51 = vector.broadcast %min3A : i32 to vector<16xi32>
    %broadcast_in_dim3A_52 = arith.constant 1073741824 : i32
    %broadcast_in_dim3A_53 = vector.broadcast %broadcast_in_dim3A_52 : i32 to vector<16xi32>
    %scan3A = arith.constant 0 : i32
    %scan3A_54 = arith.constant 24 : i32
    %scan3A_55 = arith.addi %scan3A, %scan3A_54 : i32
    %scan3A_56 = arith.constant 1 : i32
    %scan3A_57 = scf.for %scan3A_150 = %scan3A to %scan3A_55 step %scan3A_56 iter_args(%scan3A_151 = %broadcast_in_dim3A_53) -> (vector<16xi32>)  : i32 {
      %mul3A_152 = arith.constant 16 : i32
      %mul3A_153 = arith.muli %scan3A_150, %mul3A_152 : i32
      %get3A_154 = arith.constant 0 : i32
      %get3A_155 = arith.index_cast %get3A_154 : i32 to index
      %get3A_156 = arith.index_cast %mul3A_153 : i32 to index
      %get3A_157 = tpu.vector_load %arg8[%get3A_155, %get3A_156] {strides = array<i32>} : memref<80x768xf32, #tpu.memory_space<vmem>>, vector<16xf32>,
      %mul3A_158 = arith.constant 16 : i32
      %mul3A_159 = arith.muli %scan3A_150, %mul3A_158 : i32
      %get3A_160 = arith.constant 1 : i32
      %get3A_161 = arith.index_cast %get3A_160 : i32 to index
      %get3A_162 = arith.index_cast %mul3A_159 : i32 to index
      %get3A_163 = tpu.vector_load %arg8[%get3A_161, %get3A_162] {strides = array<i32>} : memref<80x768xf32, #tpu.memory_space<vmem>>, vector<16xf32>,
      %mul3A_164 = arith.constant 16 : i32
      %mul3A_165 = arith.muli %scan3A_150, %mul3A_164 : i32
      %get3A_166 = arith.constant 2 : i32
      %get3A_167 = arith.index_cast %get3A_166 : i32 to index
      %get3A_168 = arith.index_cast %mul3A_165 : i32 to index
      %get3A_169 = tpu.vector_load %arg8[%get3A_167, %get3A_168] {strides = array<i32>} : memref<80x768xf32, #tpu.memory_space<vmem>>, vector<16xf32>,
      %mul3A_170 = arith.constant 16 : i32
      %mul3A_171 = arith.muli %scan3A_150, %mul3A_170 : i32
      %get3A_172 = arith.constant 3 : i32
      %get3A_173 = arith.index_cast %get3A_172 : i32 to index
      %get3A_174 = arith.index_cast %mul3A_171 : i32 to index
      %get3A_175 = tpu.vector_load %arg8[%get3A_173, %get3A_174] {strides = array<i32>} : memref<80x768xf32, #tpu.memory_space<vmem>>, vector<16xf32>,
      %mul3A_176 = arith.constant 16 : i32
      %mul3A_177 = arith.muli %scan3A_150, %mul3A_176 : i32
      %get3A_178 = arith.constant 4 : i32
      %get3A_179 = arith.index_cast %get3A_178 : i32 to index
      %get3A_180 = arith.index_cast %mul3A_177 : i32 to index
      %get3A_181 = tpu.vector_load %arg8[%get3A_179, %get3A_180] {strides = array<i32>} : memref<80x768xf32, #tpu.memory_space<vmem>>, vector<16xf32>,
      %mul3A_182 = arith.constant 16 : i32
      %mul3A_183 = arith.muli %scan3A_150, %mul3A_182 : i32
      %get3A_184 = arith.constant 5 : i32
      %get3A_185 = arith.index_cast %get3A_184 : i32 to index
      %get3A_186 = arith.index_cast %mul3A_183 : i32 to index
      %get3A_187 = tpu.vector_load %arg8[%get3A_185, %get3A_186] {strides = array<i32>} : memref<80x768xf32, #tpu.memory_space<vmem>>, vector<16xf32>,
      %mul3A_188 = arith.constant 16 : i32
      %mul3A_189 = arith.muli %scan3A_150, %mul3A_188 : i32
      %get3A_190 = arith.constant 6 : i32
      %get3A_191 = arith.index_cast %get3A_190 : i32 to index
      %get3A_192 = arith.index_cast %mul3A_189 : i32 to index
      %get3A_193 = tpu.vector_load %arg8[%get3A_191, %get3A_192] {strides = array<i32>} : memref<80x768xf32, #tpu.memory_space<vmem>>, vector<16xf32>,
      %mul3A_194 = arith.constant 16 : i32
      %mul3A_195 = arith.muli %scan3A_150, %mul3A_194 : i32
      %get3A_196 = arith.constant 7 : i32
      %get3A_197 = arith.index_cast %get3A_196 : i32 to index
      %get3A_198 = arith.index_cast %mul3A_195 : i32 to index
      %get3A_199 = tpu.vector_load %arg8[%get3A_197, %get3A_198] {strides = array<i32>} : memref<80x768xf32, #tpu.memory_space<vmem>>, vector<16xf32>,
      %mul3A_200 = arith.constant 16 : i32
      %mul3A_201 = arith.muli %scan3A_150, %mul3A_200 : i32
      %get3A_202 = arith.constant 8 : i32
      %get3A_203 = arith.index_cast %get3A_202 : i32 to index
      %get3A_204 = arith.index_cast %mul3A_201 : i32 to index
      %get3A_205 = tpu.vector_load %arg8[%get3A_203, %get3A_204] {strides = array<i32>} : memref<80x768xf32, #tpu.memory_space<vmem>>, vector<16xf32>,
      %max3A = arith.maximumf %get3A_157, %get3A_205 : vector<16xf32>
      %mul3A_206 = arith.constant 16 : i32
      %mul3A_207 = arith.muli %scan3A_150, %mul3A_206 : i32
      %get3A_208 = arith.constant 9 : i32
      %get3A_209 = arith.index_cast %get3A_208 : i32 to index
      %get3A_210 = arith.index_cast %mul3A_207 : i32 to index
      %get3A_211 = tpu.vector_load %arg8[%get3A_209, %get3A_210] {strides = array<i32>} : memref<80x768xf32, #tpu.memory_space<vmem>>, vector<16xf32>,
      %max3A_212 = arith.maximumf %get3A_163, %get3A_211 : vector<16xf32>
      %mul3A_213 = arith.constant 16 : i32
      %mul3A_214 = arith.muli %scan3A_150, %mul3A_213 : i32
      %get3A_215 = arith.constant 10 : i32
      %get3A_216 = arith.index_cast %get3A_215 : i32 to index
      %get3A_217 = arith.index_cast %mul3A_214 : i32 to index
      %get3A_218 = tpu.vector_load %arg8[%get3A_216, %get3A_217] {strides = array<i32>} : memref<80x768xf32, #tpu.memory_space<vmem>>, vector<16xf32>,
      %max3A_219 = arith.maximumf %get3A_169, %get3A_218 : vector<16xf32>
      %mul3A_220 = arith.constant 16 : i32
      %mul3A_221 = arith.muli %scan3A_150, %mul3A_220 : i32
      %get3A_222 = arith.constant 11 : i32
      %get3A_223 = arith.index_cast %get3A_222 : i32 to index
      %get3A_224 = arith.index_cast %mul3A_221 : i32 to index
      %get3A_225 = tpu.vector_load %arg8[%get3A_223, %get3A_224] {strides = array<i32>} : memref<80x768xf32, #tpu.memory_space<vmem>>, vector<16xf32>,
      %max3A_226 = arith.maximumf %get3A_175, %get3A_225 : vector<16xf32>
      %mul3A_227 = arith.constant 16 : i32
      %mul3A_228 = arith.muli %scan3A_150, %mul3A_227 : i32
      %get3A_229 = arith.constant 12 : i32
      %get3A_230 = arith.index_cast %get3A_229 : i32 to index
      %get3A_231 = arith.index_cast %mul3A_228 : i32 to index
      %get3A_232 = tpu.vector_load %arg8[%get3A_230, %get3A_231] {strides = array<i32>} : memref<80x768xf32, #tpu.memory_space<vmem>>, vector<16xf32>,
      %max3A_233 = arith.maximumf %get3A_181, %get3A_232 : vector<16xf32>
      %mul3A_234 = arith.constant 16 : i32
      %mul3A_235 = arith.muli %scan3A_150, %mul3A_234 : i32
      %get3A_236 = arith.constant 13 : i32
      %get3A_237 = arith.index_cast %get3A_236 : i32 to index
      %get3A_238 = arith.index_cast %mul3A_235 : i32 to index
      %get3A_239 = tpu.vector_load %arg8[%get3A_237, %get3A_238] {strides = array<i32>} : memref<80x768xf32, #tpu.memory_space<vmem>>, vector<16xf32>,
      %max3A_240 = arith.maximumf %get3A_187, %get3A_239 : vector<16xf32>
      %mul3A_241 = arith.constant 16 : i32
      %mul3A_242 = arith.muli %scan3A_150, %mul3A_241 : i32
      %get3A_243 = arith.constant 14 : i32
      %get3A_244 = arith.index_cast %get3A_243 : i32 to index
      %get3A_245 = arith.index_cast %mul3A_242 : i32 to index
      %get3A_246 = tpu.vector_load %arg8[%get3A_244, %get3A_245] {strides = array<i32>} : memref<80x768xf32, #tpu.memory_space<vmem>>, vector<16xf32>,
      %max3A_247 = arith.maximumf %get3A_193, %get3A_246 : vector<16xf32>
      %mul3A_248 = arith.constant 16 : i32
      %mul3A_249 = arith.muli %scan3A_150, %mul3A_248 : i32
      %get3A_250 = arith.constant 15 : i32
      %get3A_251 = arith.index_cast %get3A_250 : i32 to index
      %get3A_252 = arith.index_cast %mul3A_249 : i32 to index
      %get3A_253 = tpu.vector_load %arg8[%get3A_251, %get3A_252] {strides = array<i32>} : memref<80x768xf32, #tpu.memory_space<vmem>>, vector<16xf32>,
      %max3A_254 = arith.maximumf %get3A_199, %get3A_253 : vector<16xf32>
      %mul3A_255 = arith.constant 16 : i32
      %mul3A_256 = arith.muli %scan3A_150, %mul3A_255 : i32
      %get3A_257 = arith.constant 16 : i32
      %get3A_258 = arith.index_cast %get3A_257 : i32 to index
      %get3A_259 = arith.index_cast %mul3A_256 : i32 to index
      %get3A_260 = tpu.vector_load %arg8[%get3A_258, %get3A_259] {strides = array<i32>} : memref<80x768xf32, #tpu.memory_space<vmem>>, vector<16xf32>,
      %max3A_261 = arith.maximumf %max3A, %get3A_260 : vector<16xf32>
      %mul3A_262 = arith.constant 16 : i32
      %mul3A_263 = arith.muli %scan3A_150, %mul3A_262 : i32
      %get3A_264 = arith.constant 17 : i32
      %get3A_265 = arith.index_cast %get3A_264 : i32 to index
      %get3A_266 = arith.index_cast %mul3A_263 : i32 to index
      %get3A_267 = tpu.vector_load %arg8[%get3A_265, %get3A_266] {strides = array<i32>} : memref<80x768xf32, #tpu.memory_space<vmem>>, vector<16xf32>,
      %max3A_268 = arith.maximumf %max3A_212, %get3A_267 : vector<16xf32>
      %mul3A_269 = arith.constant 16 : i32
      %mul3A_270 = arith.muli %scan3A_150, %mul3A_269 : i32
      %get3A_271 = arith.constant 18 : i32
      %get3A_272 = arith.index_cast %get3A_271 : i32 to index
      %get3A_273 = arith.index_cast %mul3A_270 : i32 to index
      %get3A_274 = tpu.vector_load %arg8[%get3A_272, %get3A_273] {strides = array<i32>} : memref<80x768xf32, #tpu.memory_space<vmem>>, vector<16xf32>,
      %max3A_275 = arith.maximumf %max3A_219, %get3A_274 : vector<16xf32>
      %mul3A_276 = arith.constant 16 : i32
      %mul3A_277 = arith.muli %scan3A_150, %mul3A_276 : i32
      %get3A_278 = arith.constant 19 : i32
      %get3A_279 = arith.index_cast %get3A_278 : i32 to index
      %get3A_280 = arith.index_cast %mul3A_277 : i32 to index
      %get3A_281 = tpu.vector_load %arg8[%get3A_279, %get3A_280] {strides = array<i32>} : memref<80x768xf32, #tpu.memory_space<vmem>>, vector<16xf32>,
      %max3A_282 = arith.maximumf %max3A_226, %get3A_281 : vector<16xf32>
      %mul3A_283 = arith.constant 16 : i32
      %mul3A_284 = arith.muli %scan3A_150, %mul3A_283 : i32
      %get3A_285 = arith.constant 20 : i32
      %get3A_286 = arith.index_cast %get3A_285 : i32 to index
      %get3A_287 = arith.index_cast %mul3A_284 : i32 to index
      %get3A_288 = tpu.vector_load %arg8[%get3A_286, %get3A_287] {strides = array<i32>} : memref<80x768xf32, #tpu.memory_space<vmem>>, vector<16xf32>,
      %max3A_289 = arith.maximumf %max3A_233, %get3A_288 : vector<16xf32>
      %mul3A_290 = arith.constant 16 : i32
      %mul3A_291 = arith.muli %scan3A_150, %mul3A_290 : i32
      %get3A_292 = arith.constant 21 : i32
      %get3A_293 = arith.index_cast %get3A_292 : i32 to index
      %get3A_294 = arith.index_cast %mul3A_291 : i32 to index
      %get3A_295 = tpu.vector_load %arg8[%get3A_293, %get3A_294] {strides = array<i32>} : memref<80x768xf32, #tpu.memory_space<vmem>>, vector<16xf32>,
      %max3A_296 = arith.maximumf %max3A_240, %get3A_295 : vector<16xf32>
      %mul3A_297 = arith.constant 16 : i32
      %mul3A_298 = arith.muli %scan3A_150, %mul3A_297 : i32
      %get3A_299 = arith.constant 22 : i32
      %get3A_300 = arith.index_cast %get3A_299 : i32 to index
      %get3A_301 = arith.index_cast %mul3A_298 : i32 to index
      %get3A_302 = tpu.vector_load %arg8[%get3A_300, %get3A_301] {strides = array<i32>} : memref<80x768xf32, #tpu.memory_space<vmem>>, vector<16xf32>,
      %max3A_303 = arith.maximumf %max3A_247, %get3A_302 : vector<16xf32>
      %mul3A_304 = arith.constant 16 : i32
      %mul3A_305 = arith.muli %scan3A_150, %mul3A_304 : i32
      %get3A_306 = arith.constant 23 : i32
      %get3A_307 = arith.index_cast %get3A_306 : i32 to index
      %get3A_308 = arith.index_cast %mul3A_305 : i32 to index
      %get3A_309 = tpu.vector_load %arg8[%get3A_307, %get3A_308] {strides = array<i32>} : memref<80x768xf32, #tpu.memory_space<vmem>>, vector<16xf32>,
      %max3A_310 = arith.maximumf %max3A_254, %get3A_309 : vector<16xf32>
      %mul3A_311 = arith.constant 16 : i32
      %mul3A_312 = arith.muli %scan3A_150, %mul3A_311 : i32
      %get3A_313 = arith.constant 24 : i32
      %get3A_314 = arith.index_cast %get3A_313 : i32 to index
      %get3A_315 = arith.index_cast %mul3A_312 : i32 to index
      %get3A_316 = tpu.vector_load %arg8[%get3A_314, %get3A_315] {strides = array<i32>} : memref<80x768xf32, #tpu.memory_space<vmem>>, vector<16xf32>,
      %max3A_317 = arith.maximumf %max3A_261, %get3A_316 : vector<16xf32>
      %mul3A_318 = arith.constant 16 : i32
      %mul3A_319 = arith.muli %scan3A_150, %mul3A_318 : i32
      %get3A_320 = arith.constant 25 : i32
      %get3A_321 = arith.index_cast %get3A_320 : i32 to index
      %get3A_322 = arith.index_cast %mul3A_319 : i32 to index
      %get3A_323 = tpu.vector_load %arg8[%get3A_321, %get3A_322] {strides = array<i32>} : memref<80x768xf32, #tpu.memory_space<vmem>>, vector<16xf32>,
      %max3A_324 = arith.maximumf %max3A_268, %get3A_323 : vector<16xf32>
      %mul3A_325 = arith.constant 16 : i32
      %mul3A_326 = arith.muli %scan3A_150, %mul3A_325 : i32
      %get3A_327 = arith.constant 26 : i32
      %get3A_328 = arith.index_cast %get3A_327 : i32 to index
      %get3A_329 = arith.index_cast %mul3A_326 : i32 to index
      %get3A_330 = tpu.vector_load %arg8[%get3A_328, %get3A_329] {strides = array<i32>} : memref<80x768xf32, #tpu.memory_space<vmem>>, vector<16xf32>,
      %max3A_331 = arith.maximumf %max3A_275, %get3A_330 : vector<16xf32>
      %mul3A_332 = arith.constant 16 : i32
      %mul3A_333 = arith.muli %scan3A_150, %mul3A_332 : i32
      %get3A_334 = arith.constant 27 : i32
      %get3A_335 = arith.index_cast %get3A_334 : i32 to index
      %get3A_336 = arith.index_cast %mul3A_333 : i32 to index
      %get3A_337 = tpu.vector_load %arg8[%get3A_335, %get3A_336] {strides = array<i32>} : memref<80x768xf32, #tpu.memory_space<vmem>>, vector<16xf32>,
      %max3A_338 = arith.maximumf %max3A_282, %get3A_337 : vector<16xf32>
      %mul3A_339 = arith.constant 16 : i32
      %mul3A_340 = arith.muli %scan3A_150, %mul3A_339 : i32
      %get3A_341 = arith.constant 28 : i32
      %get3A_342 = arith.index_cast %get3A_341 : i32 to index
      %get3A_343 = arith.index_cast %mul3A_340 : i32 to index
      %get3A_344 = tpu.vector_load %arg8[%get3A_342, %get3A_343] {strides = array<i32>} : memref<80x768xf32, #tpu.memory_space<vmem>>, vector<16xf32>,
      %max3A_345 = arith.maximumf %max3A_289, %get3A_344 : vector<16xf32>
      %mul3A_346 = arith.constant 16 : i32
      %mul3A_347 = arith.muli %scan3A_150, %mul3A_346 : i32
      %get3A_348 = arith.constant 29 : i32
      %get3A_349 = arith.index_cast %get3A_348 : i32 to index
      %get3A_350 = arith.index_cast %mul3A_347 : i32 to index
      %get3A_351 = tpu.vector_load %arg8[%get3A_349, %get3A_350] {strides = array<i32>} : memref<80x768xf32, #tpu.memory_space<vmem>>, vector<16xf32>,
      %max3A_352 = arith.maximumf %max3A_296, %get3A_351 : vector<16xf32>
      %mul3A_353 = arith.constant 16 : i32
      %mul3A_354 = arith.muli %scan3A_150, %mul3A_353 : i32
      %get3A_355 = arith.constant 30 : i32
      %get3A_356 = arith.index_cast %get3A_355 : i32 to index
      %get3A_357 = arith.index_cast %mul3A_354 : i32 to index
      %get3A_358 = tpu.vector_load %arg8[%get3A_356, %get3A_357] {strides = array<i32>} : memref<80x768xf32, #tpu.memory_space<vmem>>, vector<16xf32>,
      %max3A_359 = arith.maximumf %max3A_303, %get3A_358 : vector<16xf32>
      %mul3A_360 = arith.constant 16 : i32
      %mul3A_361 = arith.muli %scan3A_150, %mul3A_360 : i32
      %get3A_362 = arith.constant 31 : i32
      %get3A_363 = arith.index_cast %get3A_362 : i32 to index
      %get3A_364 = arith.index_cast %mul3A_361 : i32 to index
      %get3A_365 = tpu.vector_load %arg8[%get3A_363, %get3A_364] {strides = array<i32>} : memref<80x768xf32, #tpu.memory_space<vmem>>, vector<16xf32>,
      %max3A_366 = arith.maximumf %max3A_310, %get3A_365 : vector<16xf32>
      %mul3A_367 = arith.constant 16 : i32
      %mul3A_368 = arith.muli %scan3A_150, %mul3A_367 : i32
      %get3A_369 = arith.constant 32 : i32
      %get3A_370 = arith.index_cast %get3A_369 : i32 to index
      %get3A_371 = arith.index_cast %mul3A_368 : i32 to index
      %get3A_372 = tpu.vector_load %arg8[%get3A_370, %get3A_371] {strides = array<i32>} : memref<80x768xf32, #tpu.memory_space<vmem>>, vector<16xf32>,
      %max3A_373 = arith.maximumf %max3A_317, %get3A_372 : vector<16xf32>
      %mul3A_374 = arith.constant 16 : i32
      %mul3A_375 = arith.muli %scan3A_150, %mul3A_374 : i32
      %get3A_376 = arith.constant 33 : i32
      %get3A_377 = arith.index_cast %get3A_376 : i32 to index
      %get3A_378 = arith.index_cast %mul3A_375 : i32 to index
      %get3A_379 = tpu.vector_load %arg8[%get3A_377, %get3A_378] {strides = array<i32>} : memref<80x768xf32, #tpu.memory_space<vmem>>, vector<16xf32>,
      %max3A_380 = arith.maximumf %max3A_324, %get3A_379 : vector<16xf32>
      %mul3A_381 = arith.constant 16 : i32
      %mul3A_382 = arith.muli %scan3A_150, %mul3A_381 : i32
      %get3A_383 = arith.constant 34 : i32
      %get3A_384 = arith.index_cast %get3A_383 : i32 to index
      %get3A_385 = arith.index_cast %mul3A_382 : i32 to index
      %get3A_386 = tpu.vector_load %arg8[%get3A_384, %get3A_385] {strides = array<i32>} : memref<80x768xf32, #tpu.memory_space<vmem>>, vector<16xf32>,
      %max3A_387 = arith.maximumf %max3A_331, %get3A_386 : vector<16xf32>
      %mul3A_388 = arith.constant 16 : i32
      %mul3A_389 = arith.muli %scan3A_150, %mul3A_388 : i32
      %get3A_390 = arith.constant 35 : i32
      %get3A_391 = arith.index_cast %get3A_390 : i32 to index
      %get3A_392 = arith.index_cast %mul3A_389 : i32 to index
      %get3A_393 = tpu.vector_load %arg8[%get3A_391, %get3A_392] {strides = array<i32>} : memref<80x768xf32, #tpu.memory_space<vmem>>, vector<16xf32>,
      %max3A_394 = arith.maximumf %max3A_338, %get3A_393 : vector<16xf32>
      %mul3A_395 = arith.constant 16 : i32
      %mul3A_396 = arith.muli %scan3A_150, %mul3A_395 : i32
      %get3A_397 = arith.constant 36 : i32
      %get3A_398 = arith.index_cast %get3A_397 : i32 to index
      %get3A_399 = arith.index_cast %mul3A_396 : i32 to index
      %get3A_400 = tpu.vector_load %arg8[%get3A_398, %get3A_399] {strides = array<i32>} : memref<80x768xf32, #tpu.memory_space<vmem>>, vector<16xf32>,
      %max3A_401 = arith.maximumf %max3A_345, %get3A_400 : vector<16xf32>
      %mul3A_402 = arith.constant 16 : i32
      %mul3A_403 = arith.muli %scan3A_150, %mul3A_402 : i32
      %get3A_404 = arith.constant 37 : i32
      %get3A_405 = arith.index_cast %get3A_404 : i32 to index
      %get3A_406 = arith.index_cast %mul3A_403 : i32 to index
      %get3A_407 = tpu.vector_load %arg8[%get3A_405, %get3A_406] {strides = array<i32>} : memref<80x768xf32, #tpu.memory_space<vmem>>, vector<16xf32>,
      %max3A_408 = arith.maximumf %max3A_352, %get3A_407 : vector<16xf32>
      %mul3A_409 = arith.constant 16 : i32
      %mul3A_410 = arith.muli %scan3A_150, %mul3A_409 : i32
      %get3A_411 = arith.constant 38 : i32
      %get3A_412 = arith.index_cast %get3A_411 : i32 to index
      %get3A_413 = arith.index_cast %mul3A_410 : i32 to index
      %get3A_414 = tpu.vector_load %arg8[%get3A_412, %get3A_413] {strides = array<i32>} : memref<80x768xf32, #tpu.memory_space<vmem>>, vector<16xf32>,
      %max3A_415 = arith.maximumf %max3A_359, %get3A_414 : vector<16xf32>
      %mul3A_416 = arith.constant 16 : i32
      %mul3A_417 = arith.muli %scan3A_150, %mul3A_416 : i32
      %get3A_418 = arith.constant 39 : i32
      %get3A_419 = arith.index_cast %get3A_418 : i32 to index
      %get3A_420 = arith.index_cast %mul3A_417 : i32 to index
      %get3A_421 = tpu.vector_load %arg8[%get3A_419, %get3A_420] {strides = array<i32>} : memref<80x768xf32, #tpu.memory_space<vmem>>, vector<16xf32>,
      %max3A_422 = arith.maximumf %max3A_366, %get3A_421 : vector<16xf32>
      %mul3A_423 = arith.constant 16 : i32
      %mul3A_424 = arith.muli %scan3A_150, %mul3A_423 : i32
      %get3A_425 = arith.constant 40 : i32
      %get3A_426 = arith.index_cast %get3A_425 : i32 to index
      %get3A_427 = arith.index_cast %mul3A_424 : i32 to index
      %get3A_428 = tpu.vector_load %arg8[%get3A_426, %get3A_427] {strides = array<i32>} : memref<80x768xf32, #tpu.memory_space<vmem>>, vector<16xf32>,
      %max3A_429 = arith.maximumf %max3A_373, %get3A_428 : vector<16xf32>
      %mul3A_430 = arith.constant 16 : i32
      %mul3A_431 = arith.muli %scan3A_150, %mul3A_430 : i32
      %get3A_432 = arith.constant 41 : i32
      %get3A_433 = arith.index_cast %get3A_432 : i32 to index
      %get3A_434 = arith.index_cast %mul3A_431 : i32 to index
      %get3A_435 = tpu.vector_load %arg8[%get3A_433, %get3A_434] {strides = array<i32>} : memref<80x768xf32, #tpu.memory_space<vmem>>, vector<16xf32>,
      %max3A_436 = arith.maximumf %max3A_380, %get3A_435 : vector<16xf32>
      %mul3A_437 = arith.constant 16 : i32
      %mul3A_438 = arith.muli %scan3A_150, %mul3A_437 : i32
      %get3A_439 = arith.constant 42 : i32
      %get3A_440 = arith.index_cast %get3A_439 : i32 to index
      %get3A_441 = arith.index_cast %mul3A_438 : i32 to index
      %get3A_442 = tpu.vector_load %arg8[%get3A_440, %get3A_441] {strides = array<i32>} : memref<80x768xf32, #tpu.memory_space<vmem>>, vector<16xf32>,
      %max3A_443 = arith.maximumf %max3A_387, %get3A_442 : vector<16xf32>
      %mul3A_444 = arith.constant 16 : i32
      %mul3A_445 = arith.muli %scan3A_150, %mul3A_444 : i32
      %get3A_446 = arith.constant 43 : i32
      %get3A_447 = arith.index_cast %get3A_446 : i32 to index
      %get3A_448 = arith.index_cast %mul3A_445 : i32 to index
      %get3A_449 = tpu.vector_load %arg8[%get3A_447, %get3A_448] {strides = array<i32>} : memref<80x768xf32, #tpu.memory_space<vmem>>, vector<16xf32>,
      %max3A_450 = arith.maximumf %max3A_394, %get3A_449 : vector<16xf32>
      %mul3A_451 = arith.constant 16 : i32
      %mul3A_452 = arith.muli %scan3A_150, %mul3A_451 : i32
      %get3A_453 = arith.constant 44 : i32
      %get3A_454 = arith.index_cast %get3A_453 : i32 to index
      %get3A_455 = arith.index_cast %mul3A_452 : i32 to index
      %get3A_456 = tpu.vector_load %arg8[%get3A_454, %get3A_455] {strides = array<i32>} : memref<80x768xf32, #tpu.memory_space<vmem>>, vector<16xf32>,
      %max3A_457 = arith.maximumf %max3A_401, %get3A_456 : vector<16xf32>
      %mul3A_458 = arith.constant 16 : i32
      %mul3A_459 = arith.muli %scan3A_150, %mul3A_458 : i32
      %get3A_460 = arith.constant 45 : i32
      %get3A_461 = arith.index_cast %get3A_460 : i32 to index
      %get3A_462 = arith.index_cast %mul3A_459 : i32 to index
      %get3A_463 = tpu.vector_load %arg8[%get3A_461, %get3A_462] {strides = array<i32>} : memref<80x768xf32, #tpu.memory_space<vmem>>, vector<16xf32>,
      %max3A_464 = arith.maximumf %max3A_408, %get3A_463 : vector<16xf32>
      %mul3A_465 = arith.constant 16 : i32
      %mul3A_466 = arith.muli %scan3A_150, %mul3A_465 : i32
      %get3A_467 = arith.constant 46 : i32
      %get3A_468 = arith.index_cast %get3A_467 : i32 to index
      %get3A_469 = arith.index_cast %mul3A_466 : i32 to index
      %get3A_470 = tpu.vector_load %arg8[%get3A_468, %get3A_469] {strides = array<i32>} : memref<80x768xf32, #tpu.memory_space<vmem>>, vector<16xf32>,
      %max3A_471 = arith.maximumf %max3A_415, %get3A_470 : vector<16xf32>
      %mul3A_472 = arith.constant 16 : i32
      %mul3A_473 = arith.muli %scan3A_150, %mul3A_472 : i32
      %get3A_474 = arith.constant 47 : i32
      %get3A_475 = arith.index_cast %get3A_474 : i32 to index
      %get3A_476 = arith.index_cast %mul3A_473 : i32 to index
      %get3A_477 = tpu.vector_load %arg8[%get3A_475, %get3A_476] {strides = array<i32>} : memref<80x768xf32, #tpu.memory_space<vmem>>, vector<16xf32>,
      %max3A_478 = arith.maximumf %max3A_422, %get3A_477 : vector<16xf32>
      %mul3A_479 = arith.constant 16 : i32
      %mul3A_480 = arith.muli %scan3A_150, %mul3A_479 : i32
      %get3A_481 = arith.constant 48 : i32
      %get3A_482 = arith.index_cast %get3A_481 : i32 to index
      %get3A_483 = arith.index_cast %mul3A_480 : i32 to index
      %get3A_484 = tpu.vector_load %arg8[%get3A_482, %get3A_483] {strides = array<i32>} : memref<80x768xf32, #tpu.memory_space<vmem>>, vector<16xf32>,
      %max3A_485 = arith.maximumf %max3A_429, %get3A_484 : vector<16xf32>
      %mul3A_486 = arith.constant 16 : i32
      %mul3A_487 = arith.muli %scan3A_150, %mul3A_486 : i32
      %get3A_488 = arith.constant 49 : i32
      %get3A_489 = arith.index_cast %get3A_488 : i32 to index
      %get3A_490 = arith.index_cast %mul3A_487 : i32 to index
      %get3A_491 = tpu.vector_load %arg8[%get3A_489, %get3A_490] {strides = array<i32>} : memref<80x768xf32, #tpu.memory_space<vmem>>, vector<16xf32>,
      %max3A_492 = arith.maximumf %max3A_436, %get3A_491 : vector<16xf32>
      %mul3A_493 = arith.constant 16 : i32
      %mul3A_494 = arith.muli %scan3A_150, %mul3A_493 : i32
      %get3A_495 = arith.constant 50 : i32
      %get3A_496 = arith.index_cast %get3A_495 : i32 to index
      %get3A_497 = arith.index_cast %mul3A_494 : i32 to index
      %get3A_498 = tpu.vector_load %arg8[%get3A_496, %get3A_497] {strides = array<i32>} : memref<80x768xf32, #tpu.memory_space<vmem>>, vector<16xf32>,
      %max3A_499 = arith.maximumf %max3A_443, %get3A_498 : vector<16xf32>
      %mul3A_500 = arith.constant 16 : i32
      %mul3A_501 = arith.muli %scan3A_150, %mul3A_500 : i32
      %get3A_502 = arith.constant 51 : i32
      %get3A_503 = arith.index_cast %get3A_502 : i32 to index
      %get3A_504 = arith.index_cast %mul3A_501 : i32 to index
      %get3A_505 = tpu.vector_load %arg8[%get3A_503, %get3A_504] {strides = array<i32>} : memref<80x768xf32, #tpu.memory_space<vmem>>, vector<16xf32>,
      %max3A_506 = arith.maximumf %max3A_450, %get3A_505 : vector<16xf32>
      %mul3A_507 = arith.constant 16 : i32
      %mul3A_508 = arith.muli %scan3A_150, %mul3A_507 : i32
      %get3A_509 = arith.constant 52 : i32
      %get3A_510 = arith.index_cast %get3A_509 : i32 to index
      %get3A_511 = arith.index_cast %mul3A_508 : i32 to index
      %get3A_512 = tpu.vector_load %arg8[%get3A_510, %get3A_511] {strides = array<i32>} : memref<80x768xf32, #tpu.memory_space<vmem>>, vector<16xf32>,
      %max3A_513 = arith.maximumf %max3A_457, %get3A_512 : vector<16xf32>
      %mul3A_514 = arith.constant 16 : i32
      %mul3A_515 = arith.muli %scan3A_150, %mul3A_514 : i32
      %get3A_516 = arith.constant 53 : i32
      %get3A_517 = arith.index_cast %get3A_516 : i32 to index
      %get3A_518 = arith.index_cast %mul3A_515 : i32 to index
      %get3A_519 = tpu.vector_load %arg8[%get3A_517, %get3A_518] {strides = array<i32>} : memref<80x768xf32, #tpu.memory_space<vmem>>, vector<16xf32>,
      %max3A_520 = arith.maximumf %max3A_464, %get3A_519 : vector<16xf32>
      %mul3A_521 = arith.constant 16 : i32
      %mul3A_522 = arith.muli %scan3A_150, %mul3A_521 : i32
      %get3A_523 = arith.constant 54 : i32
      %get3A_524 = arith.index_cast %get3A_523 : i32 to index
      %get3A_525 = arith.index_cast %mul3A_522 : i32 to index
      %get3A_526 = tpu.vector_load %arg8[%get3A_524, %get3A_525] {strides = array<i32>} : memref<80x768xf32, #tpu.memory_space<vmem>>, vector<16xf32>,
      %max3A_527 = arith.maximumf %max3A_471, %get3A_526 : vector<16xf32>
      %mul3A_528 = arith.constant 16 : i32
      %mul3A_529 = arith.muli %scan3A_150, %mul3A_528 : i32
      %get3A_530 = arith.constant 55 : i32
      %get3A_531 = arith.index_cast %get3A_530 : i32 to index
      %get3A_532 = arith.index_cast %mul3A_529 : i32 to index
      %get3A_533 = tpu.vector_load %arg8[%get3A_531, %get3A_532] {strides = array<i32>} : memref<80x768xf32, #tpu.memory_space<vmem>>, vector<16xf32>,
      %max3A_534 = arith.maximumf %max3A_478, %get3A_533 : vector<16xf32>
      %mul3A_535 = arith.constant 16 : i32
      %mul3A_536 = arith.muli %scan3A_150, %mul3A_535 : i32
      %get3A_537 = arith.constant 56 : i32
      %get3A_538 = arith.index_cast %get3A_537 : i32 to index
      %get3A_539 = arith.index_cast %mul3A_536 : i32 to index
      %get3A_540 = tpu.vector_load %arg8[%get3A_538, %get3A_539] {strides = array<i32>} : memref<80x768xf32, #tpu.memory_space<vmem>>, vector<16xf32>,
      %max3A_541 = arith.maximumf %max3A_485, %get3A_540 : vector<16xf32>
      %mul3A_542 = arith.constant 16 : i32
      %mul3A_543 = arith.muli %scan3A_150, %mul3A_542 : i32
      %get3A_544 = arith.constant 57 : i32
      %get3A_545 = arith.index_cast %get3A_544 : i32 to index
      %get3A_546 = arith.index_cast %mul3A_543 : i32 to index
      %get3A_547 = tpu.vector_load %arg8[%get3A_545, %get3A_546] {strides = array<i32>} : memref<80x768xf32, #tpu.memory_space<vmem>>, vector<16xf32>,
      %max3A_548 = arith.maximumf %max3A_492, %get3A_547 : vector<16xf32>
      %mul3A_549 = arith.constant 16 : i32
      %mul3A_550 = arith.muli %scan3A_150, %mul3A_549 : i32
      %get3A_551 = arith.constant 58 : i32
      %get3A_552 = arith.index_cast %get3A_551 : i32 to index
      %get3A_553 = arith.index_cast %mul3A_550 : i32 to index
      %get3A_554 = tpu.vector_load %arg8[%get3A_552, %get3A_553] {strides = array<i32>} : memref<80x768xf32, #tpu.memory_space<vmem>>, vector<16xf32>,
      %max3A_555 = arith.maximumf %max3A_499, %get3A_554 : vector<16xf32>
      %mul3A_556 = arith.constant 16 : i32
      %mul3A_557 = arith.muli %scan3A_150, %mul3A_556 : i32
      %get3A_558 = arith.constant 59 : i32
      %get3A_559 = arith.index_cast %get3A_558 : i32 to index
      %get3A_560 = arith.index_cast %mul3A_557 : i32 to index
      %get3A_561 = tpu.vector_load %arg8[%get3A_559, %get3A_560] {strides = array<i32>} : memref<80x768xf32, #tpu.memory_space<vmem>>, vector<16xf32>,
      %max3A_562 = arith.maximumf %max3A_506, %get3A_561 : vector<16xf32>
      %mul3A_563 = arith.constant 16 : i32
      %mul3A_564 = arith.muli %scan3A_150, %mul3A_563 : i32
      %get3A_565 = arith.constant 60 : i32
      %get3A_566 = arith.index_cast %get3A_565 : i32 to index
      %get3A_567 = arith.index_cast %mul3A_564 : i32 to index
      %get3A_568 = tpu.vector_load %arg8[%get3A_566, %get3A_567] {strides = array<i32>} : memref<80x768xf32, #tpu.memory_space<vmem>>, vector<16xf32>,
      %max3A_569 = arith.maximumf %max3A_513, %get3A_568 : vector<16xf32>
      %mul3A_570 = arith.constant 16 : i32
      %mul3A_571 = arith.muli %scan3A_150, %mul3A_570 : i32
      %get3A_572 = arith.constant 61 : i32
      %get3A_573 = arith.index_cast %get3A_572 : i32 to index
      %get3A_574 = arith.index_cast %mul3A_571 : i32 to index
      %get3A_575 = tpu.vector_load %arg8[%get3A_573, %get3A_574] {strides = array<i32>} : memref<80x768xf32, #tpu.memory_space<vmem>>, vector<16xf32>,
      %max3A_576 = arith.maximumf %max3A_520, %get3A_575 : vector<16xf32>
      %mul3A_577 = arith.constant 16 : i32
      %mul3A_578 = arith.muli %scan3A_150, %mul3A_577 : i32
      %get3A_579 = arith.constant 62 : i32
      %get3A_580 = arith.index_cast %get3A_579 : i32 to index
      %get3A_581 = arith.index_cast %mul3A_578 : i32 to index
      %get3A_582 = tpu.vector_load %arg8[%get3A_580, %get3A_581] {strides = array<i32>} : memref<80x768xf32, #tpu.memory_space<vmem>>, vector<16xf32>,
      %max3A_583 = arith.maximumf %max3A_527, %get3A_582 : vector<16xf32>
      %mul3A_584 = arith.constant 16 : i32
      %mul3A_585 = arith.muli %scan3A_150, %mul3A_584 : i32
      %get3A_586 = arith.constant 63 : i32
      %get3A_587 = arith.index_cast %get3A_586 : i32 to index
      %get3A_588 = arith.index_cast %mul3A_585 : i32 to index
      %get3A_589 = tpu.vector_load %arg8[%get3A_587, %get3A_588] {strides = array<i32>} : memref<80x768xf32, #tpu.memory_space<vmem>>, vector<16xf32>,
      %max3A_590 = arith.maximumf %max3A_534, %get3A_589 : vector<16xf32>
      %mul3A_591 = arith.constant 16 : i32
      %mul3A_592 = arith.muli %scan3A_150, %mul3A_591 : i32
      %get3A_593 = arith.constant 64 : i32
      %get3A_594 = arith.index_cast %get3A_593 : i32 to index
      %get3A_595 = arith.index_cast %mul3A_592 : i32 to index
      %get3A_596 = tpu.vector_load %arg8[%get3A_594, %get3A_595] {strides = array<i32>} : memref<80x768xf32, #tpu.memory_space<vmem>>, vector<16xf32>,
      %max3A_597 = arith.maximumf %max3A_541, %get3A_596 : vector<16xf32>
      %mul3A_598 = arith.constant 16 : i32
      %mul3A_599 = arith.muli %scan3A_150, %mul3A_598 : i32
      %get3A_600 = arith.constant 65 : i32
      %get3A_601 = arith.index_cast %get3A_600 : i32 to index
      %get3A_602 = arith.index_cast %mul3A_599 : i32 to index
      %get3A_603 = tpu.vector_load %arg8[%get3A_601, %get3A_602] {strides = array<i32>} : memref<80x768xf32, #tpu.memory_space<vmem>>, vector<16xf32>,
      %max3A_604 = arith.maximumf %max3A_548, %get3A_603 : vector<16xf32>
      %mul3A_605 = arith.constant 16 : i32
      %mul3A_606 = arith.muli %scan3A_150, %mul3A_605 : i32
      %get3A_607 = arith.constant 66 : i32
      %get3A_608 = arith.index_cast %get3A_607 : i32 to index
      %get3A_609 = arith.index_cast %mul3A_606 : i32 to index
      %get3A_610 = tpu.vector_load %arg8[%get3A_608, %get3A_609] {strides = array<i32>} : memref<80x768xf32, #tpu.memory_space<vmem>>, vector<16xf32>,
      %max3A_611 = arith.maximumf %max3A_555, %get3A_610 : vector<16xf32>
      %mul3A_612 = arith.constant 16 : i32
      %mul3A_613 = arith.muli %scan3A_150, %mul3A_612 : i32
      %get3A_614 = arith.constant 67 : i32
      %get3A_615 = arith.index_cast %get3A_614 : i32 to index
      %get3A_616 = arith.index_cast %mul3A_613 : i32 to index
      %get3A_617 = tpu.vector_load %arg8[%get3A_615, %get3A_616] {strides = array<i32>} : memref<80x768xf32, #tpu.memory_space<vmem>>, vector<16xf32>,
      %max3A_618 = arith.maximumf %max3A_562, %get3A_617 : vector<16xf32>
      %mul3A_619 = arith.constant 16 : i32
      %mul3A_620 = arith.muli %scan3A_150, %mul3A_619 : i32
      %get3A_621 = arith.constant 68 : i32
      %get3A_622 = arith.index_cast %get3A_621 : i32 to index
      %get3A_623 = arith.index_cast %mul3A_620 : i32 to index
      %get3A_624 = tpu.vector_load %arg8[%get3A_622, %get3A_623] {strides = array<i32>} : memref<80x768xf32, #tpu.memory_space<vmem>>, vector<16xf32>,
      %max3A_625 = arith.maximumf %max3A_569, %get3A_624 : vector<16xf32>
      %mul3A_626 = arith.constant 16 : i32
      %mul3A_627 = arith.muli %scan3A_150, %mul3A_626 : i32
      %get3A_628 = arith.constant 69 : i32
      %get3A_629 = arith.index_cast %get3A_628 : i32 to index
      %get3A_630 = arith.index_cast %mul3A_627 : i32 to index
      %get3A_631 = tpu.vector_load %arg8[%get3A_629, %get3A_630] {strides = array<i32>} : memref<80x768xf32, #tpu.memory_space<vmem>>, vector<16xf32>,
      %max3A_632 = arith.maximumf %max3A_576, %get3A_631 : vector<16xf32>
      %mul3A_633 = arith.constant 16 : i32
      %mul3A_634 = arith.muli %scan3A_150, %mul3A_633 : i32
      %get3A_635 = arith.constant 70 : i32
      %get3A_636 = arith.index_cast %get3A_635 : i32 to index
      %get3A_637 = arith.index_cast %mul3A_634 : i32 to index
      %get3A_638 = tpu.vector_load %arg8[%get3A_636, %get3A_637] {strides = array<i32>} : memref<80x768xf32, #tpu.memory_space<vmem>>, vector<16xf32>,
      %max3A_639 = arith.maximumf %max3A_583, %get3A_638 : vector<16xf32>
      %mul3A_640 = arith.constant 16 : i32
      %mul3A_641 = arith.muli %scan3A_150, %mul3A_640 : i32
      %get3A_642 = arith.constant 71 : i32
      %get3A_643 = arith.index_cast %get3A_642 : i32 to index
      %get3A_644 = arith.index_cast %mul3A_641 : i32 to index
      %get3A_645 = tpu.vector_load %arg8[%get3A_643, %get3A_644] {strides = array<i32>} : memref<80x768xf32, #tpu.memory_space<vmem>>, vector<16xf32>,
      %max3A_646 = arith.maximumf %max3A_590, %get3A_645 : vector<16xf32>
      %mul3A_647 = arith.constant 16 : i32
      %mul3A_648 = arith.muli %scan3A_150, %mul3A_647 : i32
      %get3A_649 = arith.constant 72 : i32
      %get3A_650 = arith.index_cast %get3A_649 : i32 to index
      %get3A_651 = arith.index_cast %mul3A_648 : i32 to index
      %get3A_652 = tpu.vector_load %arg8[%get3A_650, %get3A_651] {strides = array<i32>} : memref<80x768xf32, #tpu.memory_space<vmem>>, vector<16xf32>,
      %max3A_653 = arith.maximumf %max3A_597, %get3A_652 : vector<16xf32>
      %mul3A_654 = arith.constant 16 : i32
      %mul3A_655 = arith.muli %scan3A_150, %mul3A_654 : i32
      %get3A_656 = arith.constant 73 : i32
      %get3A_657 = arith.index_cast %get3A_656 : i32 to index
      %get3A_658 = arith.index_cast %mul3A_655 : i32 to index
      %get3A_659 = tpu.vector_load %arg8[%get3A_657, %get3A_658] {strides = array<i32>} : memref<80x768xf32, #tpu.memory_space<vmem>>, vector<16xf32>,
      %max3A_660 = arith.maximumf %max3A_604, %get3A_659 : vector<16xf32>
      %mul3A_661 = arith.constant 16 : i32
      %mul3A_662 = arith.muli %scan3A_150, %mul3A_661 : i32
      %get3A_663 = arith.constant 74 : i32
      %get3A_664 = arith.index_cast %get3A_663 : i32 to index
      %get3A_665 = arith.index_cast %mul3A_662 : i32 to index
      %get3A_666 = tpu.vector_load %arg8[%get3A_664, %get3A_665] {strides = array<i32>} : memref<80x768xf32, #tpu.memory_space<vmem>>, vector<16xf32>,
      %max3A_667 = arith.maximumf %max3A_611, %get3A_666 : vector<16xf32>
      %mul3A_668 = arith.constant 16 : i32
      %mul3A_669 = arith.muli %scan3A_150, %mul3A_668 : i32
      %get3A_670 = arith.constant 75 : i32
      %get3A_671 = arith.index_cast %get3A_670 : i32 to index
      %get3A_672 = arith.index_cast %mul3A_669 : i32 to index
      %get3A_673 = tpu.vector_load %arg8[%get3A_671, %get3A_672] {strides = array<i32>} : memref<80x768xf32, #tpu.memory_space<vmem>>, vector<16xf32>,
      %max3A_674 = arith.maximumf %max3A_618, %get3A_673 : vector<16xf32>
      %mul3A_675 = arith.constant 16 : i32
      %mul3A_676 = arith.muli %scan3A_150, %mul3A_675 : i32
      %get3A_677 = arith.constant 76 : i32
      %get3A_678 = arith.index_cast %get3A_677 : i32 to index
      %get3A_679 = arith.index_cast %mul3A_676 : i32 to index
      %get3A_680 = tpu.vector_load %arg8[%get3A_678, %get3A_679] {strides = array<i32>} : memref<80x768xf32, #tpu.memory_space<vmem>>, vector<16xf32>,
      %max3A_681 = arith.maximumf %max3A_625, %get3A_680 : vector<16xf32>
      %mul3A_682 = arith.constant 16 : i32
      %mul3A_683 = arith.muli %scan3A_150, %mul3A_682 : i32
      %get3A_684 = arith.constant 77 : i32
      %get3A_685 = arith.index_cast %get3A_684 : i32 to index
      %get3A_686 = arith.index_cast %mul3A_683 : i32 to index
      %get3A_687 = tpu.vector_load %arg8[%get3A_685, %get3A_686] {strides = array<i32>} : memref<80x768xf32, #tpu.memory_space<vmem>>, vector<16xf32>,
      %max3A_688 = arith.maximumf %max3A_632, %get3A_687 : vector<16xf32>
      %mul3A_689 = arith.constant 16 : i32
      %mul3A_690 = arith.muli %scan3A_150, %mul3A_689 : i32
      %get3A_691 = arith.constant 78 : i32
      %get3A_692 = arith.index_cast %get3A_691 : i32 to index
      %get3A_693 = arith.index_cast %mul3A_690 : i32 to index
      %get3A_694 = tpu.vector_load %arg8[%get3A_692, %get3A_693] {strides = array<i32>} : memref<80x768xf32, #tpu.memory_space<vmem>>, vector<16xf32>,
      %max3A_695 = arith.maximumf %max3A_639, %get3A_694 : vector<16xf32>
      %mul3A_696 = arith.constant 16 : i32
      %mul3A_697 = arith.muli %scan3A_150, %mul3A_696 : i32
      %get3A_698 = arith.constant 79 : i32
      %get3A_699 = arith.index_cast %get3A_698 : i32 to index
      %get3A_700 = arith.index_cast %mul3A_697 : i32 to index
      %get3A_701 = tpu.vector_load %arg8[%get3A_699, %get3A_700] {strides = array<i32>} : memref<80x768xf32, #tpu.memory_space<vmem>>, vector<16xf32>,
      %max3A_702 = arith.maximumf %max3A_646, %get3A_701 : vector<16xf32>
      %max3A_703 = arith.maximumf %max3A_653, %max3A_660 : vector<16xf32>
      %max3A_704 = arith.maximumf %max3A_667, %max3A_674 : vector<16xf32>
      %max3A_705 = arith.maximumf %max3A_703, %max3A_704 : vector<16xf32>
      %max3A_706 = arith.maximumf %max3A_681, %max3A_688 : vector<16xf32>
      %max3A_707 = arith.maximumf %max3A_695, %max3A_702 : vector<16xf32>
      %max3A_708 = arith.maximumf %max3A_706, %max3A_707 : vector<16xf32>
      %max3A_709 = arith.maximumf %max3A_705, %max3A_708 : vector<16xf32>
      %mul3A_710 = arith.constant 16 : i32
      %mul3A_711 = arith.muli %scan3A_150, %mul3A_710 : i32
      %get3A_712 = arith.constant 0 : i32
      %get3A_713 = arith.index_cast %get3A_712 : i32 to index
      %get3A_714 = arith.index_cast %mul3A_711 : i32 to index
      %get3A_715 = tpu.vector_load %arg9[%get3A_713, %get3A_714] {strides = array<i32>} : memref<4x768xf32, #tpu.memory_space<vmem>>, vector<16xf32>,
      %mul3A_716 = arith.constant 16 : i32
      %mul3A_717 = arith.muli %scan3A_150, %mul3A_716 : i32
      %get3A_718 = arith.constant 1 : i32
      %get3A_719 = arith.index_cast %get3A_718 : i32 to index
      %get3A_720 = arith.index_cast %mul3A_717 : i32 to index
      %get3A_721 = tpu.vector_load %arg9[%get3A_719, %get3A_720] {strides = array<i32>} : memref<4x768xf32, #tpu.memory_space<vmem>>, vector<16xf32>,
      %add3A_722 = arith.addf %get3A_715, %get3A_721 : vector<16xf32>
      %mul3A_723 = arith.constant 16 : i32
      %mul3A_724 = arith.muli %scan3A_150, %mul3A_723 : i32
      %get3A_725 = arith.constant 2 : i32
      %get3A_726 = arith.index_cast %get3A_725 : i32 to index
      %get3A_727 = arith.index_cast %mul3A_724 : i32 to index
      %get3A_728 = tpu.vector_load %arg9[%get3A_726, %get3A_727] {strides = array<i32>} : memref<4x768xf32, #tpu.memory_space<vmem>>, vector<16xf32>,
      %mul3A_729 = arith.constant 16 : i32
      %mul3A_730 = arith.muli %scan3A_150, %mul3A_729 : i32
      %get3A_731 = arith.constant 3 : i32
      %get3A_732 = arith.index_cast %get3A_731 : i32 to index
      %get3A_733 = arith.index_cast %mul3A_730 : i32 to index
      %get3A_734 = tpu.vector_load %arg9[%get3A_732, %get3A_733] {strides = array<i32>} : memref<4x768xf32, #tpu.memory_space<vmem>>, vector<16xf32>,
      %add3A_735 = arith.addf %get3A_728, %get3A_734 : vector<16xf32>
      %add3A_736 = arith.addf %add3A_722, %add3A_735 : vector<16xf32>
      %add3A_737 = arith.addf %max3A_709, %add3A_736 : vector<16xf32>
      %swap3A_738 = arith.index_cast %scan3A_150 : i32 to index
      %swap3A_739 = arith.constant 0 : index
      %swap3A_740 = tpu.vector_load %arg12[%swap3A_738, %swap3A_739] {strides = array<i32>} : memref<50x16xf32, #tpu.memory_space<vmem>>, vector<16xf32>,
      tpu.vector_store %arg12[%swap3A_738, %swap3A_739], %add3A_737 {strides = array<i32>} : memref<50x16xf32, #tpu.memory_space<vmem>>, vector<16xf32>,
      %mul3A_741 = arith.constant 16 : i32
      %mul3A_742 = arith.muli %scan3A_150, %mul3A_741 : i32
      %add3A_743 = arith.addi %multiple_of3A, %mul3A_742 : i32
      %broadcast_in_dim3A_744 = vector.broadcast %add3A_743 : i32 to vector<16xi32>
      %add3A_745 = arith.addi %broadcast_in_dim3A_744, %iota3A : vector<16xi32>
      %ge3A = arith.cmpi sge, %add3A_745, %broadcast_in_dim3A : vector<16xi32>
      %lt3A = arith.cmpi slt, %add3A_745, %broadcast_in_dim3A_51 : vector<16xi32>
      %and3A_746 = arith.andi %ge3A, %lt3A : vector<16xi1>
      %ge3A_747 = arith.constant 2.500000e-01 : f32
      %ge3A_748 = vector.broadcast %ge3A_747 : f32 to vector<16xf32>
      %ge3A_749 = arith.cmpf oge, %max3A_709, %ge3A_748 : vector<16xf32>
      %not3A_750 = arith.constant dense<true> : vector<16xi1>
      %not3A_751 = arith.xori %ge3A_749, %not3A_750 : vector<16xi1>
      %and3A_752 = arith.andi %and3A_746, %not3A_751 : vector<16xi1>
      %jit3A_753 = arith.constant 1073741824 : i32
      %broadcast_in_dim3A_754 = vector.broadcast %jit3A_753 : i32 to vector<16xi32>
      %select_n3A_755 = arith.select %and3A_752, %add3A_745, %broadcast_in_dim3A_754 : vector<16xi1>, vector<16xi32>
      %min3A_756 = arith.minsi %scan3A_151, %select_n3A_755 : vector<16xi32>
      scf.yield %min3A_756 : vector<16xi32>
    }
    %scan3A_58 = arith.constant 24 : i32
    %not3A_59 = arith.constant true
    %not3A_60 = arith.xori %eq3A_21, %not3A_59 : i1
    %convert_element_type3A_61 = arith.extui %not3A_60 : i1 to i32
    %cond3A_62 = arith.constant 0 : i32
    %cond3A_63 = arith.cmpi ne, %convert_element_type3A_61, %cond3A_62 : i32
    scf.if %cond3A_63 {
      %add3A_150 = arith.constant 384 : i32
      %add3A_151 = arith.addi %multiple_of3A, %add3A_150 : i32
      %dma_wait3A_152 = arith.constant 0 : i32
      %dma_wait3A_153 = arith.constant 384 : i32
      %dma_wait3A_154 = tpu.memref_slice %arg8[%dma_wait3A_152, %dma_wait3A_153] : memref<80x768xf32, #tpu.memory_space<vmem>> -> memref<80x384xf32, #tpu.memory_space<vmem>>
      %dma_wait3A_155 = arith.constant 0 : i32
      %dma_wait3A_156 = tpu.memref_slice %arg2[%dma_wait3A_155, %add3A_151] : memref<80x20000xf32, #tpu.memory_space<hbm>> -> memref<80x384xf32, #tpu.memory_space<hbm>>
      %dma_wait3A_157 = arith.constant 0 : i32
      %dma_wait3A_158 = arith.constant 384 : i32
      %dma_wait3A_159 = tpu.memref_slice %arg8[%dma_wait3A_157, %dma_wait3A_158] : memref<80x768xf32, #tpu.memory_space<vmem>> -> memref<80x384xf32, #tpu.memory_space<vmem>>
      %dma_wait3A_160 = arith.constant 0 : i32
      %dma_wait3A_161 = tpu.memref_slice %arg2[%dma_wait3A_160, %add3A_151] : memref<80x20000xf32, #tpu.memory_space<hbm>> -> memref<80x384xf32, #tpu.memory_space<hbm>>
      tpu.wait_dma2 semaphore(%arg18 : memref<!tpu.dma_semaphore, #tpu.memory_space<semaphore_mem>>) src(%dma_wait3A_161 : memref<80x384xf32, #tpu.memory_space<hbm>>) dst(%dma_wait3A_159 : memref<80x384xf32, #tpu.memory_space<vmem>>)
    } else {
    }
    %convert_element_type3A_64 = arith.extui %eq3A_21 : i1 to i32
    %cond3A_65 = arith.constant 0 : i32
    %cond3A_66 = arith.cmpi ne, %convert_element_type3A_64, %cond3A_65 : i32
    scf.if %cond3A_66 {
      %dma_wait3A_150 = arith.constant 0 : i32
      %dma_wait3A_151 = arith.constant 384 : i32
      %dma_wait3A_152 = tpu.memref_slice %arg8[%dma_wait3A_150, %dma_wait3A_151] : memref<80x768xf32, #tpu.memory_space<vmem>> -> memref<80x256xf32, #tpu.memory_space<vmem>>
      %dma_wait3A_153 = arith.constant 0 : i32
      %dma_wait3A_154 = arith.constant 19712 : i32
      %dma_wait3A_155 = tpu.memref_slice %arg2[%dma_wait3A_153, %dma_wait3A_154] : memref<80x20000xf32, #tpu.memory_space<hbm>> -> memref<80x256xf32, #tpu.memory_space<hbm>>
      %dma_wait3A_156 = arith.constant 0 : i32
      %dma_wait3A_157 = arith.constant 384 : i32
      %dma_wait3A_158 = tpu.memref_slice %arg8[%dma_wait3A_156, %dma_wait3A_157] : memref<80x768xf32, #tpu.memory_space<vmem>> -> memref<80x256xf32, #tpu.memory_space<vmem>>
      %dma_wait3A_159 = arith.constant 0 : i32
      %dma_wait3A_160 = arith.constant 19712 : i32
      %dma_wait3A_161 = tpu.memref_slice %arg2[%dma_wait3A_159, %dma_wait3A_160] : memref<80x20000xf32, #tpu.memory_space<hbm>> -> memref<80x256xf32, #tpu.memory_space<hbm>>
      tpu.wait_dma2 semaphore(%arg18 : memref<!tpu.dma_semaphore, #tpu.memory_space<semaphore_mem>>) src(%dma_wait3A_161 : memref<80x256xf32, #tpu.memory_space<hbm>>) dst(%dma_wait3A_158 : memref<80x256xf32, #tpu.memory_space<vmem>>)
      %dma_wait3A_162 = arith.constant 0 : i32
      %dma_wait3A_163 = arith.constant 19968 : i32
      %dma_wait3A_164 = tpu.memref_slice %arg2[%dma_wait3A_162, %dma_wait3A_163] : memref<80x20000xf32, #tpu.memory_space<hbm>> -> memref<80x32xf32, #tpu.memory_space<hbm>>
      %dma_wait3A_165 = arith.constant 0 : i32
      %dma_wait3A_166 = arith.constant 19968 : i32
      %dma_wait3A_167 = tpu.memref_slice %arg2[%dma_wait3A_165, %dma_wait3A_166] : memref<80x20000xf32, #tpu.memory_space<hbm>> -> memref<80x32xf32, #tpu.memory_space<hbm>>
      tpu.wait_dma2 semaphore(%arg18 : memref<!tpu.dma_semaphore, #tpu.memory_space<semaphore_mem>>) src(%dma_wait3A_167 : memref<80x32xf32, #tpu.memory_space<hbm>>) dst(%arg10 : memref<80x32xf32, #tpu.memory_space<vmem>>)
    } else {
    }
    %scan3A_67 = arith.constant 24 : i32
    %scan3A_68 = arith.constant 24 : i32
    %scan3A_69 = arith.addi %scan3A_67, %scan3A_68 : i32
    %scan3A_70 = arith.constant 1 : i32
    %scan3A_71 = scf.for %scan3A_150 = %scan3A_67 to %scan3A_69 step %scan3A_70 iter_args(%scan3A_151 = %scan3A_57) -> (vector<16xi32>)  : i32 {
      %mul3A_152 = arith.constant 16 : i32
      %mul3A_153 = arith.muli %scan3A_150, %mul3A_152 : i32
      %get3A_154 = arith.constant 0 : i32
      %get3A_155 = arith.index_cast %get3A_154 : i32 to index
      %get3A_156 = arith.index_cast %mul3A_153 : i32 to index
      %get3A_157 = tpu.vector_load %arg8[%get3A_155, %get3A_156] {strides = array<i32>} : memref<80x768xf32, #tpu.memory_space<vmem>>, vector<16xf32>,
      %mul3A_158 = arith.constant 16 : i32
      %mul3A_159 = arith.muli %scan3A_150, %mul3A_158 : i32
      %get3A_160 = arith.constant 1 : i32
      %get3A_161 = arith.index_cast %get3A_160 : i32 to index
      %get3A_162 = arith.index_cast %mul3A_159 : i32 to index
      %get3A_163 = tpu.vector_load %arg8[%get3A_161, %get3A_162] {strides = array<i32>} : memref<80x768xf32, #tpu.memory_space<vmem>>, vector<16xf32>,
      %mul3A_164 = arith.constant 16 : i32
      %mul3A_165 = arith.muli %scan3A_150, %mul3A_164 : i32
      %get3A_166 = arith.constant 2 : i32
      %get3A_167 = arith.index_cast %get3A_166 : i32 to index
      %get3A_168 = arith.index_cast %mul3A_165 : i32 to index
      %get3A_169 = tpu.vector_load %arg8[%get3A_167, %get3A_168] {strides = array<i32>} : memref<80x768xf32, #tpu.memory_space<vmem>>, vector<16xf32>,
      %mul3A_170 = arith.constant 16 : i32
      %mul3A_171 = arith.muli %scan3A_150, %mul3A_170 : i32
      %get3A_172 = arith.constant 3 : i32
      %get3A_173 = arith.index_cast %get3A_172 : i32 to index
      %get3A_174 = arith.index_cast %mul3A_171 : i32 to index
      %get3A_175 = tpu.vector_load %arg8[%get3A_173, %get3A_174] {strides = array<i32>} : memref<80x768xf32, #tpu.memory_space<vmem>>, vector<16xf32>,
      %mul3A_176 = arith.constant 16 : i32
      %mul3A_177 = arith.muli %scan3A_150, %mul3A_176 : i32
      %get3A_178 = arith.constant 4 : i32
      %get3A_179 = arith.index_cast %get3A_178 : i32 to index
      %get3A_180 = arith.index_cast %mul3A_177 : i32 to index
      %get3A_181 = tpu.vector_load %arg8[%get3A_179, %get3A_180] {strides = array<i32>} : memref<80x768xf32, #tpu.memory_space<vmem>>, vector<16xf32>,
      %mul3A_182 = arith.constant 16 : i32
      %mul3A_183 = arith.muli %scan3A_150, %mul3A_182 : i32
      %get3A_184 = arith.constant 5 : i32
      %get3A_185 = arith.index_cast %get3A_184 : i32 to index
      %get3A_186 = arith.index_cast %mul3A_183 : i32 to index
      %get3A_187 = tpu.vector_load %arg8[%get3A_185, %get3A_186] {strides = array<i32>} : memref<80x768xf32, #tpu.memory_space<vmem>>, vector<16xf32>,
      %mul3A_188 = arith.constant 16 : i32
      %mul3A_189 = arith.muli %scan3A_150, %mul3A_188 : i32
      %get3A_190 = arith.constant 6 : i32
      %get3A_191 = arith.index_cast %get3A_190 : i32 to index
      %get3A_192 = arith.index_cast %mul3A_189 : i32 to index
      %get3A_193 = tpu.vector_load %arg8[%get3A_191, %get3A_192] {strides = array<i32>} : memref<80x768xf32, #tpu.memory_space<vmem>>, vector<16xf32>,
      %mul3A_194 = arith.constant 16 : i32
      %mul3A_195 = arith.muli %scan3A_150, %mul3A_194 : i32
      %get3A_196 = arith.constant 7 : i32
      %get3A_197 = arith.index_cast %get3A_196 : i32 to index
      %get3A_198 = arith.index_cast %mul3A_195 : i32 to index
      %get3A_199 = tpu.vector_load %arg8[%get3A_197, %get3A_198] {strides = array<i32>} : memref<80x768xf32, #tpu.memory_space<vmem>>, vector<16xf32>,
      %mul3A_200 = arith.constant 16 : i32
      %mul3A_201 = arith.muli %scan3A_150, %mul3A_200 : i32
      %get3A_202 = arith.constant 8 : i32
      %get3A_203 = arith.index_cast %get3A_202 : i32 to index
      %get3A_204 = arith.index_cast %mul3A_201 : i32 to index
      %get3A_205 = tpu.vector_load %arg8[%get3A_203, %get3A_204] {strides = array<i32>} : memref<80x768xf32, #tpu.memory_space<vmem>>, vector<16xf32>,
      %max3A = arith.maximumf %get3A_157, %get3A_205 : vector<16xf32>
      %mul3A_206 = arith.constant 16 : i32
      %mul3A_207 = arith.muli %scan3A_150, %mul3A_206 : i32
      %get3A_208 = arith.constant 9 : i32
      %get3A_209 = arith.index_cast %get3A_208 : i32 to index
      %get3A_210 = arith.index_cast %mul3A_207 : i32 to index
      %get3A_211 = tpu.vector_load %arg8[%get3A_209, %get3A_210] {strides = array<i32>} : memref<80x768xf32, #tpu.memory_space<vmem>>, vector<16xf32>,
      %max3A_212 = arith.maximumf %get3A_163, %get3A_211 : vector<16xf32>
      %mul3A_213 = arith.constant 16 : i32
      %mul3A_214 = arith.muli %scan3A_150, %mul3A_213 : i32
      %get3A_215 = arith.constant 10 : i32
      %get3A_216 = arith.index_cast %get3A_215 : i32 to index
      %get3A_217 = arith.index_cast %mul3A_214 : i32 to index
      %get3A_218 = tpu.vector_load %arg8[%get3A_216, %get3A_217] {strides = array<i32>} : memref<80x768xf32, #tpu.memory_space<vmem>>, vector<16xf32>,
      %max3A_219 = arith.maximumf %get3A_169, %get3A_218 : vector<16xf32>
      %mul3A_220 = arith.constant 16 : i32
      %mul3A_221 = arith.muli %scan3A_150, %mul3A_220 : i32
      %get3A_222 = arith.constant 11 : i32
      %get3A_223 = arith.index_cast %get3A_222 : i32 to index
      %get3A_224 = arith.index_cast %mul3A_221 : i32 to index
      %get3A_225 = tpu.vector_load %arg8[%get3A_223, %get3A_224] {strides = array<i32>} : memref<80x768xf32, #tpu.memory_space<vmem>>, vector<16xf32>,
      %max3A_226 = arith.maximumf %get3A_175, %get3A_225 : vector<16xf32>
      %mul3A_227 = arith.constant 16 : i32
      %mul3A_228 = arith.muli %scan3A_150, %mul3A_227 : i32
      %get3A_229 = arith.constant 12 : i32
      %get3A_230 = arith.index_cast %get3A_229 : i32 to index
      %get3A_231 = arith.index_cast %mul3A_228 : i32 to index
      %get3A_232 = tpu.vector_load %arg8[%get3A_230, %get3A_231] {strides = array<i32>} : memref<80x768xf32, #tpu.memory_space<vmem>>, vector<16xf32>,
      %max3A_233 = arith.maximumf %get3A_181, %get3A_232 : vector<16xf32>
      %mul3A_234 = arith.constant 16 : i32
      %mul3A_235 = arith.muli %scan3A_150, %mul3A_234 : i32
      %get3A_236 = arith.constant 13 : i32
      %get3A_237 = arith.index_cast %get3A_236 : i32 to index
      %get3A_238 = arith.index_cast %mul3A_235 : i32 to index
      %get3A_239 = tpu.vector_load %arg8[%get3A_237, %get3A_238] {strides = array<i32>} : memref<80x768xf32, #tpu.memory_space<vmem>>, vector<16xf32>,
      %max3A_240 = arith.maximumf %get3A_187, %get3A_239 : vector<16xf32>
      %mul3A_241 = arith.constant 16 : i32
      %mul3A_242 = arith.muli %scan3A_150, %mul3A_241 : i32
      %get3A_243 = arith.constant 14 : i32
      %get3A_244 = arith.index_cast %get3A_243 : i32 to index
      %get3A_245 = arith.index_cast %mul3A_242 : i32 to index
      %get3A_246 = tpu.vector_load %arg8[%get3A_244, %get3A_245] {strides = array<i32>} : memref<80x768xf32, #tpu.memory_space<vmem>>, vector<16xf32>,
      %max3A_247 = arith.maximumf %get3A_193, %get3A_246 : vector<16xf32>
      %mul3A_248 = arith.constant 16 : i32
      %mul3A_249 = arith.muli %scan3A_150, %mul3A_248 : i32
      %get3A_250 = arith.constant 15 : i32
      %get3A_251 = arith.index_cast %get3A_250 : i32 to index
      %get3A_252 = arith.index_cast %mul3A_249 : i32 to index
      %get3A_253 = tpu.vector_load %arg8[%get3A_251, %get3A_252] {strides = array<i32>} : memref<80x768xf32, #tpu.memory_space<vmem>>, vector<16xf32>,
      %max3A_254 = arith.maximumf %get3A_199, %get3A_253 : vector<16xf32>
      %mul3A_255 = arith.constant 16 : i32
      %mul3A_256 = arith.muli %scan3A_150, %mul3A_255 : i32
      %get3A_257 = arith.constant 16 : i32
      %get3A_258 = arith.index_cast %get3A_257 : i32 to index
      %get3A_259 = arith.index_cast %mul3A_256 : i32 to index
      %get3A_260 = tpu.vector_load %arg8[%get3A_258, %get3A_259] {strides = array<i32>} : memref<80x768xf32, #tpu.memory_space<vmem>>, vector<16xf32>,
      %max3A_261 = arith.maximumf %max3A, %get3A_260 : vector<16xf32>
      %mul3A_262 = arith.constant 16 : i32
      %mul3A_263 = arith.muli %scan3A_150, %mul3A_262 : i32
      %get3A_264 = arith.constant 17 : i32
      %get3A_265 = arith.index_cast %get3A_264 : i32 to index
      %get3A_266 = arith.index_cast %mul3A_263 : i32 to index
      %get3A_267 = tpu.vector_load %arg8[%get3A_265, %get3A_266] {strides = array<i32>} : memref<80x768xf32, #tpu.memory_space<vmem>>, vector<16xf32>,
      %max3A_268 = arith.maximumf %max3A_212, %get3A_267 : vector<16xf32>
      %mul3A_269 = arith.constant 16 : i32
      %mul3A_270 = arith.muli %scan3A_150, %mul3A_269 : i32
      %get3A_271 = arith.constant 18 : i32
      %get3A_272 = arith.index_cast %get3A_271 : i32 to index
      %get3A_273 = arith.index_cast %mul3A_270 : i32 to index
      %get3A_274 = tpu.vector_load %arg8[%get3A_272, %get3A_273] {strides = array<i32>} : memref<80x768xf32, #tpu.memory_space<vmem>>, vector<16xf32>,
      %max3A_275 = arith.maximumf %max3A_219, %get3A_274 : vector<16xf32>
      %mul3A_276 = arith.constant 16 : i32
      %mul3A_277 = arith.muli %scan3A_150, %mul3A_276 : i32
      %get3A_278 = arith.constant 19 : i32
      %get3A_279 = arith.index_cast %get3A_278 : i32 to index
      %get3A_280 = arith.index_cast %mul3A_277 : i32 to index
      %get3A_281 = tpu.vector_load %arg8[%get3A_279, %get3A_280] {strides = array<i32>} : memref<80x768xf32, #tpu.memory_space<vmem>>, vector<16xf32>,
      %max3A_282 = arith.maximumf %max3A_226, %get3A_281 : vector<16xf32>
      %mul3A_283 = arith.constant 16 : i32
      %mul3A_284 = arith.muli %scan3A_150, %mul3A_283 : i32
      %get3A_285 = arith.constant 20 : i32
      %get3A_286 = arith.index_cast %get3A_285 : i32 to index
      %get3A_287 = arith.index_cast %mul3A_284 : i32 to index
      %get3A_288 = tpu.vector_load %arg8[%get3A_286, %get3A_287] {strides = array<i32>} : memref<80x768xf32, #tpu.memory_space<vmem>>, vector<16xf32>,
      %max3A_289 = arith.maximumf %max3A_233, %get3A_288 : vector<16xf32>
      %mul3A_290 = arith.constant 16 : i32
      %mul3A_291 = arith.muli %scan3A_150, %mul3A_290 : i32
      %get3A_292 = arith.constant 21 : i32
      %get3A_293 = arith.index_cast %get3A_292 : i32 to index
      %get3A_294 = arith.index_cast %mul3A_291 : i32 to index
      %get3A_295 = tpu.vector_load %arg8[%get3A_293, %get3A_294] {strides = array<i32>} : memref<80x768xf32, #tpu.memory_space<vmem>>, vector<16xf32>,
      %max3A_296 = arith.maximumf %max3A_240, %get3A_295 : vector<16xf32>
      %mul3A_297 = arith.constant 16 : i32
      %mul3A_298 = arith.muli %scan3A_150, %mul3A_297 : i32
      %get3A_299 = arith.constant 22 : i32
      %get3A_300 = arith.index_cast %get3A_299 : i32 to index
      %get3A_301 = arith.index_cast %mul3A_298 : i32 to index
      %get3A_302 = tpu.vector_load %arg8[%get3A_300, %get3A_301] {strides = array<i32>} : memref<80x768xf32, #tpu.memory_space<vmem>>, vector<16xf32>,
      %max3A_303 = arith.maximumf %max3A_247, %get3A_302 : vector<16xf32>
      %mul3A_304 = arith.constant 16 : i32
      %mul3A_305 = arith.muli %scan3A_150, %mul3A_304 : i32
      %get3A_306 = arith.constant 23 : i32
      %get3A_307 = arith.index_cast %get3A_306 : i32 to index
      %get3A_308 = arith.index_cast %mul3A_305 : i32 to index
      %get3A_309 = tpu.vector_load %arg8[%get3A_307, %get3A_308] {strides = array<i32>} : memref<80x768xf32, #tpu.memory_space<vmem>>, vector<16xf32>,
      %max3A_310 = arith.maximumf %max3A_254, %get3A_309 : vector<16xf32>
      %mul3A_311 = arith.constant 16 : i32
      %mul3A_312 = arith.muli %scan3A_150, %mul3A_311 : i32
      %get3A_313 = arith.constant 24 : i32
      %get3A_314 = arith.index_cast %get3A_313 : i32 to index
      %get3A_315 = arith.index_cast %mul3A_312 : i32 to index
      %get3A_316 = tpu.vector_load %arg8[%get3A_314, %get3A_315] {strides = array<i32>} : memref<80x768xf32, #tpu.memory_space<vmem>>, vector<16xf32>,
      %max3A_317 = arith.maximumf %max3A_261, %get3A_316 : vector<16xf32>
      %mul3A_318 = arith.constant 16 : i32
      %mul3A_319 = arith.muli %scan3A_150, %mul3A_318 : i32
      %get3A_320 = arith.constant 25 : i32
      %get3A_321 = arith.index_cast %get3A_320 : i32 to index
      %get3A_322 = arith.index_cast %mul3A_319 : i32 to index
      %get3A_323 = tpu.vector_load %arg8[%get3A_321, %get3A_322] {strides = array<i32>} : memref<80x768xf32, #tpu.memory_space<vmem>>, vector<16xf32>,
      %max3A_324 = arith.maximumf %max3A_268, %get3A_323 : vector<16xf32>
      %mul3A_325 = arith.constant 16 : i32
      %mul3A_326 = arith.muli %scan3A_150, %mul3A_325 : i32
      %get3A_327 = arith.constant 26 : i32
      %get3A_328 = arith.index_cast %get3A_327 : i32 to index
      %get3A_329 = arith.index_cast %mul3A_326 : i32 to index
      %get3A_330 = tpu.vector_load %arg8[%get3A_328, %get3A_329] {strides = array<i32>} : memref<80x768xf32, #tpu.memory_space<vmem>>, vector<16xf32>,
      %max3A_331 = arith.maximumf %max3A_275, %get3A_330 : vector<16xf32>
      %mul3A_332 = arith.constant 16 : i32
      %mul3A_333 = arith.muli %scan3A_150, %mul3A_332 : i32
      %get3A_334 = arith.constant 27 : i32
      %get3A_335 = arith.index_cast %get3A_334 : i32 to index
      %get3A_336 = arith.index_cast %mul3A_333 : i32 to index
      %get3A_337 = tpu.vector_load %arg8[%get3A_335, %get3A_336] {strides = array<i32>} : memref<80x768xf32, #tpu.memory_space<vmem>>, vector<16xf32>,
      %max3A_338 = arith.maximumf %max3A_282, %get3A_337 : vector<16xf32>
      %mul3A_339 = arith.constant 16 : i32
      %mul3A_340 = arith.muli %scan3A_150, %mul3A_339 : i32
      %get3A_341 = arith.constant 28 : i32
      %get3A_342 = arith.index_cast %get3A_341 : i32 to index
      %get3A_343 = arith.index_cast %mul3A_340 : i32 to index
      %get3A_344 = tpu.vector_load %arg8[%get3A_342, %get3A_343] {strides = array<i32>} : memref<80x768xf32, #tpu.memory_space<vmem>>, vector<16xf32>,
      %max3A_345 = arith.maximumf %max3A_289, %get3A_344 : vector<16xf32>
      %mul3A_346 = arith.constant 16 : i32
      %mul3A_347 = arith.muli %scan3A_150, %mul3A_346 : i32
      %get3A_348 = arith.constant 29 : i32
      %get3A_349 = arith.index_cast %get3A_348 : i32 to index
      %get3A_350 = arith.index_cast %mul3A_347 : i32 to index
      %get3A_351 = tpu.vector_load %arg8[%get3A_349, %get3A_350] {strides = array<i32>} : memref<80x768xf32, #tpu.memory_space<vmem>>, vector<16xf32>,
      %max3A_352 = arith.maximumf %max3A_296, %get3A_351 : vector<16xf32>
      %mul3A_353 = arith.constant 16 : i32
      %mul3A_354 = arith.muli %scan3A_150, %mul3A_353 : i32
      %get3A_355 = arith.constant 30 : i32
      %get3A_356 = arith.index_cast %get3A_355 : i32 to index
      %get3A_357 = arith.index_cast %mul3A_354 : i32 to index
      %get3A_358 = tpu.vector_load %arg8[%get3A_356, %get3A_357] {strides = array<i32>} : memref<80x768xf32, #tpu.memory_space<vmem>>, vector<16xf32>,
      %max3A_359 = arith.maximumf %max3A_303, %get3A_358 : vector<16xf32>
      %mul3A_360 = arith.constant 16 : i32
      %mul3A_361 = arith.muli %scan3A_150, %mul3A_360 : i32
      %get3A_362 = arith.constant 31 : i32
      %get3A_363 = arith.index_cast %get3A_362 : i32 to index
      %get3A_364 = arith.index_cast %mul3A_361 : i32 to index
      %get3A_365 = tpu.vector_load %arg8[%get3A_363, %get3A_364] {strides = array<i32>} : memref<80x768xf32, #tpu.memory_space<vmem>>, vector<16xf32>,
      %max3A_366 = arith.maximumf %max3A_310, %get3A_365 : vector<16xf32>
      %mul3A_367 = arith.constant 16 : i32
      %mul3A_368 = arith.muli %scan3A_150, %mul3A_367 : i32
      %get3A_369 = arith.constant 32 : i32
      %get3A_370 = arith.index_cast %get3A_369 : i32 to index
      %get3A_371 = arith.index_cast %mul3A_368 : i32 to index
      %get3A_372 = tpu.vector_load %arg8[%get3A_370, %get3A_371] {strides = array<i32>} : memref<80x768xf32, #tpu.memory_space<vmem>>, vector<16xf32>,
      %max3A_373 = arith.maximumf %max3A_317, %get3A_372 : vector<16xf32>
      %mul3A_374 = arith.constant 16 : i32
      %mul3A_375 = arith.muli %scan3A_150, %mul3A_374 : i32
      %get3A_376 = arith.constant 33 : i32
      %get3A_377 = arith.index_cast %get3A_376 : i32 to index
      %get3A_378 = arith.index_cast %mul3A_375 : i32 to index
      %get3A_379 = tpu.vector_load %arg8[%get3A_377, %get3A_378] {strides = array<i32>} : memref<80x768xf32, #tpu.memory_space<vmem>>, vector<16xf32>,
      %max3A_380 = arith.maximumf %max3A_324, %get3A_379 : vector<16xf32>
      %mul3A_381 = arith.constant 16 : i32
      %mul3A_382 = arith.muli %scan3A_150, %mul3A_381 : i32
      %get3A_383 = arith.constant 34 : i32
      %get3A_384 = arith.index_cast %get3A_383 : i32 to index
      %get3A_385 = arith.index_cast %mul3A_382 : i32 to index
      %get3A_386 = tpu.vector_load %arg8[%get3A_384, %get3A_385] {strides = array<i32>} : memref<80x768xf32, #tpu.memory_space<vmem>>, vector<16xf32>,
      %max3A_387 = arith.maximumf %max3A_331, %get3A_386 : vector<16xf32>
      %mul3A_388 = arith.constant 16 : i32
      %mul3A_389 = arith.muli %scan3A_150, %mul3A_388 : i32
      %get3A_390 = arith.constant 35 : i32
      %get3A_391 = arith.index_cast %get3A_390 : i32 to index
      %get3A_392 = arith.index_cast %mul3A_389 : i32 to index
      %get3A_393 = tpu.vector_load %arg8[%get3A_391, %get3A_392] {strides = array<i32>} : memref<80x768xf32, #tpu.memory_space<vmem>>, vector<16xf32>,
      %max3A_394 = arith.maximumf %max3A_338, %get3A_393 : vector<16xf32>
      %mul3A_395 = arith.constant 16 : i32
      %mul3A_396 = arith.muli %scan3A_150, %mul3A_395 : i32
      %get3A_397 = arith.constant 36 : i32
      %get3A_398 = arith.index_cast %get3A_397 : i32 to index
      %get3A_399 = arith.index_cast %mul3A_396 : i32 to index
      %get3A_400 = tpu.vector_load %arg8[%get3A_398, %get3A_399] {strides = array<i32>} : memref<80x768xf32, #tpu.memory_space<vmem>>, vector<16xf32>,
      %max3A_401 = arith.maximumf %max3A_345, %get3A_400 : vector<16xf32>
      %mul3A_402 = arith.constant 16 : i32
      %mul3A_403 = arith.muli %scan3A_150, %mul3A_402 : i32
      %get3A_404 = arith.constant 37 : i32
      %get3A_405 = arith.index_cast %get3A_404 : i32 to index
      %get3A_406 = arith.index_cast %mul3A_403 : i32 to index
      %get3A_407 = tpu.vector_load %arg8[%get3A_405, %get3A_406] {strides = array<i32>} : memref<80x768xf32, #tpu.memory_space<vmem>>, vector<16xf32>,
      %max3A_408 = arith.maximumf %max3A_352, %get3A_407 : vector<16xf32>
      %mul3A_409 = arith.constant 16 : i32
      %mul3A_410 = arith.muli %scan3A_150, %mul3A_409 : i32
      %get3A_411 = arith.constant 38 : i32
      %get3A_412 = arith.index_cast %get3A_411 : i32 to index
      %get3A_413 = arith.index_cast %mul3A_410 : i32 to index
      %get3A_414 = tpu.vector_load %arg8[%get3A_412, %get3A_413] {strides = array<i32>} : memref<80x768xf32, #tpu.memory_space<vmem>>, vector<16xf32>,
      %max3A_415 = arith.maximumf %max3A_359, %get3A_414 : vector<16xf32>
      %mul3A_416 = arith.constant 16 : i32
      %mul3A_417 = arith.muli %scan3A_150, %mul3A_416 : i32
      %get3A_418 = arith.constant 39 : i32
      %get3A_419 = arith.index_cast %get3A_418 : i32 to index
      %get3A_420 = arith.index_cast %mul3A_417 : i32 to index
      %get3A_421 = tpu.vector_load %arg8[%get3A_419, %get3A_420] {strides = array<i32>} : memref<80x768xf32, #tpu.memory_space<vmem>>, vector<16xf32>,
      %max3A_422 = arith.maximumf %max3A_366, %get3A_421 : vector<16xf32>
      %mul3A_423 = arith.constant 16 : i32
      %mul3A_424 = arith.muli %scan3A_150, %mul3A_423 : i32
      %get3A_425 = arith.constant 40 : i32
      %get3A_426 = arith.index_cast %get3A_425 : i32 to index
      %get3A_427 = arith.index_cast %mul3A_424 : i32 to index
      %get3A_428 = tpu.vector_load %arg8[%get3A_426, %get3A_427] {strides = array<i32>} : memref<80x768xf32, #tpu.memory_space<vmem>>, vector<16xf32>,
      %max3A_429 = arith.maximumf %max3A_373, %get3A_428 : vector<16xf32>
      %mul3A_430 = arith.constant 16 : i32
      %mul3A_431 = arith.muli %scan3A_150, %mul3A_430 : i32
      %get3A_432 = arith.constant 41 : i32
      %get3A_433 = arith.index_cast %get3A_432 : i32 to index
      %get3A_434 = arith.index_cast %mul3A_431 : i32 to index
      %get3A_435 = tpu.vector_load %arg8[%get3A_433, %get3A_434] {strides = array<i32>} : memref<80x768xf32, #tpu.memory_space<vmem>>, vector<16xf32>,
      %max3A_436 = arith.maximumf %max3A_380, %get3A_435 : vector<16xf32>
      %mul3A_437 = arith.constant 16 : i32
      %mul3A_438 = arith.muli %scan3A_150, %mul3A_437 : i32
      %get3A_439 = arith.constant 42 : i32
      %get3A_440 = arith.index_cast %get3A_439 : i32 to index
      %get3A_441 = arith.index_cast %mul3A_438 : i32 to index
      %get3A_442 = tpu.vector_load %arg8[%get3A_440, %get3A_441] {strides = array<i32>} : memref<80x768xf32, #tpu.memory_space<vmem>>, vector<16xf32>,
      %max3A_443 = arith.maximumf %max3A_387, %get3A_442 : vector<16xf32>
      %mul3A_444 = arith.constant 16 : i32
      %mul3A_445 = arith.muli %scan3A_150, %mul3A_444 : i32
      %get3A_446 = arith.constant 43 : i32
      %get3A_447 = arith.index_cast %get3A_446 : i32 to index
      %get3A_448 = arith.index_cast %mul3A_445 : i32 to index
      %get3A_449 = tpu.vector_load %arg8[%get3A_447, %get3A_448] {strides = array<i32>} : memref<80x768xf32, #tpu.memory_space<vmem>>, vector<16xf32>,
      %max3A_450 = arith.maximumf %max3A_394, %get3A_449 : vector<16xf32>
      %mul3A_451 = arith.constant 16 : i32
      %mul3A_452 = arith.muli %scan3A_150, %mul3A_451 : i32
      %get3A_453 = arith.constant 44 : i32
      %get3A_454 = arith.index_cast %get3A_453 : i32 to index
      %get3A_455 = arith.index_cast %mul3A_452 : i32 to index
      %get3A_456 = tpu.vector_load %arg8[%get3A_454, %get3A_455] {strides = array<i32>} : memref<80x768xf32, #tpu.memory_space<vmem>>, vector<16xf32>,
      %max3A_457 = arith.maximumf %max3A_401, %get3A_456 : vector<16xf32>
      %mul3A_458 = arith.constant 16 : i32
      %mul3A_459 = arith.muli %scan3A_150, %mul3A_458 : i32
      %get3A_460 = arith.constant 45 : i32
      %get3A_461 = arith.index_cast %get3A_460 : i32 to index
      %get3A_462 = arith.index_cast %mul3A_459 : i32 to index
      %get3A_463 = tpu.vector_load %arg8[%get3A_461, %get3A_462] {strides = array<i32>} : memref<80x768xf32, #tpu.memory_space<vmem>>, vector<16xf32>,
      %max3A_464 = arith.maximumf %max3A_408, %get3A_463 : vector<16xf32>
      %mul3A_465 = arith.constant 16 : i32
      %mul3A_466 = arith.muli %scan3A_150, %mul3A_465 : i32
      %get3A_467 = arith.constant 46 : i32
      %get3A_468 = arith.index_cast %get3A_467 : i32 to index
      %get3A_469 = arith.index_cast %mul3A_466 : i32 to index
      %get3A_470 = tpu.vector_load %arg8[%get3A_468, %get3A_469] {strides = array<i32>} : memref<80x768xf32, #tpu.memory_space<vmem>>, vector<16xf32>,
      %max3A_471 = arith.maximumf %max3A_415, %get3A_470 : vector<16xf32>
      %mul3A_472 = arith.constant 16 : i32
      %mul3A_473 = arith.muli %scan3A_150, %mul3A_472 : i32
      %get3A_474 = arith.constant 47 : i32
      %get3A_475 = arith.index_cast %get3A_474 : i32 to index
      %get3A_476 = arith.index_cast %mul3A_473 : i32 to index
      %get3A_477 = tpu.vector_load %arg8[%get3A_475, %get3A_476] {strides = array<i32>} : memref<80x768xf32, #tpu.memory_space<vmem>>, vector<16xf32>,
      %max3A_478 = arith.maximumf %max3A_422, %get3A_477 : vector<16xf32>
      %mul3A_479 = arith.constant 16 : i32
      %mul3A_480 = arith.muli %scan3A_150, %mul3A_479 : i32
      %get3A_481 = arith.constant 48 : i32
      %get3A_482 = arith.index_cast %get3A_481 : i32 to index
      %get3A_483 = arith.index_cast %mul3A_480 : i32 to index
      %get3A_484 = tpu.vector_load %arg8[%get3A_482, %get3A_483] {strides = array<i32>} : memref<80x768xf32, #tpu.memory_space<vmem>>, vector<16xf32>,
      %max3A_485 = arith.maximumf %max3A_429, %get3A_484 : vector<16xf32>
      %mul3A_486 = arith.constant 16 : i32
      %mul3A_487 = arith.muli %scan3A_150, %mul3A_486 : i32
      %get3A_488 = arith.constant 49 : i32
      %get3A_489 = arith.index_cast %get3A_488 : i32 to index
      %get3A_490 = arith.index_cast %mul3A_487 : i32 to index
      %get3A_491 = tpu.vector_load %arg8[%get3A_489, %get3A_490] {strides = array<i32>} : memref<80x768xf32, #tpu.memory_space<vmem>>, vector<16xf32>,
      %max3A_492 = arith.maximumf %max3A_436, %get3A_491 : vector<16xf32>
      %mul3A_493 = arith.constant 16 : i32
      %mul3A_494 = arith.muli %scan3A_150, %mul3A_493 : i32
      %get3A_495 = arith.constant 50 : i32
      %get3A_496 = arith.index_cast %get3A_495 : i32 to index
      %get3A_497 = arith.index_cast %mul3A_494 : i32 to index
      %get3A_498 = tpu.vector_load %arg8[%get3A_496, %get3A_497] {strides = array<i32>} : memref<80x768xf32, #tpu.memory_space<vmem>>, vector<16xf32>,
      %max3A_499 = arith.maximumf %max3A_443, %get3A_498 : vector<16xf32>
      %mul3A_500 = arith.constant 16 : i32
      %mul3A_501 = arith.muli %scan3A_150, %mul3A_500 : i32
      %get3A_502 = arith.constant 51 : i32
      %get3A_503 = arith.index_cast %get3A_502 : i32 to index
      %get3A_504 = arith.index_cast %mul3A_501 : i32 to index
      %get3A_505 = tpu.vector_load %arg8[%get3A_503, %get3A_504] {strides = array<i32>} : memref<80x768xf32, #tpu.memory_space<vmem>>, vector<16xf32>,
      %max3A_506 = arith.maximumf %max3A_450, %get3A_505 : vector<16xf32>
      %mul3A_507 = arith.constant 16 : i32
      %mul3A_508 = arith.muli %scan3A_150, %mul3A_507 : i32
      %get3A_509 = arith.constant 52 : i32
      %get3A_510 = arith.index_cast %get3A_509 : i32 to index
      %get3A_511 = arith.index_cast %mul3A_508 : i32 to index
      %get3A_512 = tpu.vector_load %arg8[%get3A_510, %get3A_511] {strides = array<i32>} : memref<80x768xf32, #tpu.memory_space<vmem>>, vector<16xf32>,
      %max3A_513 = arith.maximumf %max3A_457, %get3A_512 : vector<16xf32>
      %mul3A_514 = arith.constant 16 : i32
      %mul3A_515 = arith.muli %scan3A_150, %mul3A_514 : i32
      %get3A_516 = arith.constant 53 : i32
      %get3A_517 = arith.index_cast %get3A_516 : i32 to index
      %get3A_518 = arith.index_cast %mul3A_515 : i32 to index
      %get3A_519 = tpu.vector_load %arg8[%get3A_517, %get3A_518] {strides = array<i32>} : memref<80x768xf32, #tpu.memory_space<vmem>>, vector<16xf32>,
      %max3A_520 = arith.maximumf %max3A_464, %get3A_519 : vector<16xf32>
      %mul3A_521 = arith.constant 16 : i32
      %mul3A_522 = arith.muli %scan3A_150, %mul3A_521 : i32
      %get3A_523 = arith.constant 54 : i32
      %get3A_524 = arith.index_cast %get3A_523 : i32 to index
      %get3A_525 = arith.index_cast %mul3A_522 : i32 to index
      %get3A_526 = tpu.vector_load %arg8[%get3A_524, %get3A_525] {strides = array<i32>} : memref<80x768xf32, #tpu.memory_space<vmem>>, vector<16xf32>,
      %max3A_527 = arith.maximumf %max3A_471, %get3A_526 : vector<16xf32>
      %mul3A_528 = arith.constant 16 : i32
      %mul3A_529 = arith.muli %scan3A_150, %mul3A_528 : i32
      %get3A_530 = arith.constant 55 : i32
      %get3A_531 = arith.index_cast %get3A_530 : i32 to index
      %get3A_532 = arith.index_cast %mul3A_529 : i32 to index
      %get3A_533 = tpu.vector_load %arg8[%get3A_531, %get3A_532] {strides = array<i32>} : memref<80x768xf32, #tpu.memory_space<vmem>>, vector<16xf32>,
      %max3A_534 = arith.maximumf %max3A_478, %get3A_533 : vector<16xf32>
      %mul3A_535 = arith.constant 16 : i32
      %mul3A_536 = arith.muli %scan3A_150, %mul3A_535 : i32
      %get3A_537 = arith.constant 56 : i32
      %get3A_538 = arith.index_cast %get3A_537 : i32 to index
      %get3A_539 = arith.index_cast %mul3A_536 : i32 to index
      %get3A_540 = tpu.vector_load %arg8[%get3A_538, %get3A_539] {strides = array<i32>} : memref<80x768xf32, #tpu.memory_space<vmem>>, vector<16xf32>,
      %max3A_541 = arith.maximumf %max3A_485, %get3A_540 : vector<16xf32>
      %mul3A_542 = arith.constant 16 : i32
      %mul3A_543 = arith.muli %scan3A_150, %mul3A_542 : i32
      %get3A_544 = arith.constant 57 : i32
      %get3A_545 = arith.index_cast %get3A_544 : i32 to index
      %get3A_546 = arith.index_cast %mul3A_543 : i32 to index
      %get3A_547 = tpu.vector_load %arg8[%get3A_545, %get3A_546] {strides = array<i32>} : memref<80x768xf32, #tpu.memory_space<vmem>>, vector<16xf32>,
      %max3A_548 = arith.maximumf %max3A_492, %get3A_547 : vector<16xf32>
      %mul3A_549 = arith.constant 16 : i32
      %mul3A_550 = arith.muli %scan3A_150, %mul3A_549 : i32
      %get3A_551 = arith.constant 58 : i32
      %get3A_552 = arith.index_cast %get3A_551 : i32 to index
      %get3A_553 = arith.index_cast %mul3A_550 : i32 to index
      %get3A_554 = tpu.vector_load %arg8[%get3A_552, %get3A_553] {strides = array<i32>} : memref<80x768xf32, #tpu.memory_space<vmem>>, vector<16xf32>,
      %max3A_555 = arith.maximumf %max3A_499, %get3A_554 : vector<16xf32>
      %mul3A_556 = arith.constant 16 : i32
      %mul3A_557 = arith.muli %scan3A_150, %mul3A_556 : i32
      %get3A_558 = arith.constant 59 : i32
      %get3A_559 = arith.index_cast %get3A_558 : i32 to index
      %get3A_560 = arith.index_cast %mul3A_557 : i32 to index
      %get3A_561 = tpu.vector_load %arg8[%get3A_559, %get3A_560] {strides = array<i32>} : memref<80x768xf32, #tpu.memory_space<vmem>>, vector<16xf32>,
      %max3A_562 = arith.maximumf %max3A_506, %get3A_561 : vector<16xf32>
      %mul3A_563 = arith.constant 16 : i32
      %mul3A_564 = arith.muli %scan3A_150, %mul3A_563 : i32
      %get3A_565 = arith.constant 60 : i32
      %get3A_566 = arith.index_cast %get3A_565 : i32 to index
      %get3A_567 = arith.index_cast %mul3A_564 : i32 to index
      %get3A_568 = tpu.vector_load %arg8[%get3A_566, %get3A_567] {strides = array<i32>} : memref<80x768xf32, #tpu.memory_space<vmem>>, vector<16xf32>,
      %max3A_569 = arith.maximumf %max3A_513, %get3A_568 : vector<16xf32>
      %mul3A_570 = arith.constant 16 : i32
      %mul3A_571 = arith.muli %scan3A_150, %mul3A_570 : i32
      %get3A_572 = arith.constant 61 : i32
      %get3A_573 = arith.index_cast %get3A_572 : i32 to index
      %get3A_574 = arith.index_cast %mul3A_571 : i32 to index
      %get3A_575 = tpu.vector_load %arg8[%get3A_573, %get3A_574] {strides = array<i32>} : memref<80x768xf32, #tpu.memory_space<vmem>>, vector<16xf32>,
      %max3A_576 = arith.maximumf %max3A_520, %get3A_575 : vector<16xf32>
      %mul3A_577 = arith.constant 16 : i32
      %mul3A_578 = arith.muli %scan3A_150, %mul3A_577 : i32
      %get3A_579 = arith.constant 62 : i32
      %get3A_580 = arith.index_cast %get3A_579 : i32 to index
      %get3A_581 = arith.index_cast %mul3A_578 : i32 to index
      %get3A_582 = tpu.vector_load %arg8[%get3A_580, %get3A_581] {strides = array<i32>} : memref<80x768xf32, #tpu.memory_space<vmem>>, vector<16xf32>,
      %max3A_583 = arith.maximumf %max3A_527, %get3A_582 : vector<16xf32>
      %mul3A_584 = arith.constant 16 : i32
      %mul3A_585 = arith.muli %scan3A_150, %mul3A_584 : i32
      %get3A_586 = arith.constant 63 : i32
      %get3A_587 = arith.index_cast %get3A_586 : i32 to index
      %get3A_588 = arith.index_cast %mul3A_585 : i32 to index
      %get3A_589 = tpu.vector_load %arg8[%get3A_587, %get3A_588] {strides = array<i32>} : memref<80x768xf32, #tpu.memory_space<vmem>>, vector<16xf32>,
      %max3A_590 = arith.maximumf %max3A_534, %get3A_589 : vector<16xf32>
      %mul3A_591 = arith.constant 16 : i32
      %mul3A_592 = arith.muli %scan3A_150, %mul3A_591 : i32
      %get3A_593 = arith.constant 64 : i32
      %get3A_594 = arith.index_cast %get3A_593 : i32 to index
      %get3A_595 = arith.index_cast %mul3A_592 : i32 to index
      %get3A_596 = tpu.vector_load %arg8[%get3A_594, %get3A_595] {strides = array<i32>} : memref<80x768xf32, #tpu.memory_space<vmem>>, vector<16xf32>,
      %max3A_597 = arith.maximumf %max3A_541, %get3A_596 : vector<16xf32>
      %mul3A_598 = arith.constant 16 : i32
      %mul3A_599 = arith.muli %scan3A_150, %mul3A_598 : i32
      %get3A_600 = arith.constant 65 : i32
      %get3A_601 = arith.index_cast %get3A_600 : i32 to index
      %get3A_602 = arith.index_cast %mul3A_599 : i32 to index
      %get3A_603 = tpu.vector_load %arg8[%get3A_601, %get3A_602] {strides = array<i32>} : memref<80x768xf32, #tpu.memory_space<vmem>>, vector<16xf32>,
      %max3A_604 = arith.maximumf %max3A_548, %get3A_603 : vector<16xf32>
      %mul3A_605 = arith.constant 16 : i32
      %mul3A_606 = arith.muli %scan3A_150, %mul3A_605 : i32
      %get3A_607 = arith.constant 66 : i32
      %get3A_608 = arith.index_cast %get3A_607 : i32 to index
      %get3A_609 = arith.index_cast %mul3A_606 : i32 to index
      %get3A_610 = tpu.vector_load %arg8[%get3A_608, %get3A_609] {strides = array<i32>} : memref<80x768xf32, #tpu.memory_space<vmem>>, vector<16xf32>,
      %max3A_611 = arith.maximumf %max3A_555, %get3A_610 : vector<16xf32>
      %mul3A_612 = arith.constant 16 : i32
      %mul3A_613 = arith.muli %scan3A_150, %mul3A_612 : i32
      %get3A_614 = arith.constant 67 : i32
      %get3A_615 = arith.index_cast %get3A_614 : i32 to index
      %get3A_616 = arith.index_cast %mul3A_613 : i32 to index
      %get3A_617 = tpu.vector_load %arg8[%get3A_615, %get3A_616] {strides = array<i32>} : memref<80x768xf32, #tpu.memory_space<vmem>>, vector<16xf32>,
      %max3A_618 = arith.maximumf %max3A_562, %get3A_617 : vector<16xf32>
      %mul3A_619 = arith.constant 16 : i32
      %mul3A_620 = arith.muli %scan3A_150, %mul3A_619 : i32
      %get3A_621 = arith.constant 68 : i32
      %get3A_622 = arith.index_cast %get3A_621 : i32 to index
      %get3A_623 = arith.index_cast %mul3A_620 : i32 to index
      %get3A_624 = tpu.vector_load %arg8[%get3A_622, %get3A_623] {strides = array<i32>} : memref<80x768xf32, #tpu.memory_space<vmem>>, vector<16xf32>,
      %max3A_625 = arith.maximumf %max3A_569, %get3A_624 : vector<16xf32>
      %mul3A_626 = arith.constant 16 : i32
      %mul3A_627 = arith.muli %scan3A_150, %mul3A_626 : i32
      %get3A_628 = arith.constant 69 : i32
      %get3A_629 = arith.index_cast %get3A_628 : i32 to index
      %get3A_630 = arith.index_cast %mul3A_627 : i32 to index
      %get3A_631 = tpu.vector_load %arg8[%get3A_629, %get3A_630] {strides = array<i32>} : memref<80x768xf32, #tpu.memory_space<vmem>>, vector<16xf32>,
      %max3A_632 = arith.maximumf %max3A_576, %get3A_631 : vector<16xf32>
      %mul3A_633 = arith.constant 16 : i32
      %mul3A_634 = arith.muli %scan3A_150, %mul3A_633 : i32
      %get3A_635 = arith.constant 70 : i32
      %get3A_636 = arith.index_cast %get3A_635 : i32 to index
      %get3A_637 = arith.index_cast %mul3A_634 : i32 to index
      %get3A_638 = tpu.vector_load %arg8[%get3A_636, %get3A_637] {strides = array<i32>} : memref<80x768xf32, #tpu.memory_space<vmem>>, vector<16xf32>,
      %max3A_639 = arith.maximumf %max3A_583, %get3A_638 : vector<16xf32>
      %mul3A_640 = arith.constant 16 : i32
      %mul3A_641 = arith.muli %scan3A_150, %mul3A_640 : i32
      %get3A_642 = arith.constant 71 : i32
      %get3A_643 = arith.index_cast %get3A_642 : i32 to index
      %get3A_644 = arith.index_cast %mul3A_641 : i32 to index
      %get3A_645 = tpu.vector_load %arg8[%get3A_643, %get3A_644] {strides = array<i32>} : memref<80x768xf32, #tpu.memory_space<vmem>>, vector<16xf32>,
      %max3A_646 = arith.maximumf %max3A_590, %get3A_645 : vector<16xf32>
      %mul3A_647 = arith.constant 16 : i32
      %mul3A_648 = arith.muli %scan3A_150, %mul3A_647 : i32
      %get3A_649 = arith.constant 72 : i32
      %get3A_650 = arith.index_cast %get3A_649 : i32 to index
      %get3A_651 = arith.index_cast %mul3A_648 : i32 to index
      %get3A_652 = tpu.vector_load %arg8[%get3A_650, %get3A_651] {strides = array<i32>} : memref<80x768xf32, #tpu.memory_space<vmem>>, vector<16xf32>,
      %max3A_653 = arith.maximumf %max3A_597, %get3A_652 : vector<16xf32>
      %mul3A_654 = arith.constant 16 : i32
      %mul3A_655 = arith.muli %scan3A_150, %mul3A_654 : i32
      %get3A_656 = arith.constant 73 : i32
      %get3A_657 = arith.index_cast %get3A_656 : i32 to index
      %get3A_658 = arith.index_cast %mul3A_655 : i32 to index
      %get3A_659 = tpu.vector_load %arg8[%get3A_657, %get3A_658] {strides = array<i32>} : memref<80x768xf32, #tpu.memory_space<vmem>>, vector<16xf32>,
      %max3A_660 = arith.maximumf %max3A_604, %get3A_659 : vector<16xf32>
      %mul3A_661 = arith.constant 16 : i32
      %mul3A_662 = arith.muli %scan3A_150, %mul3A_661 : i32
      %get3A_663 = arith.constant 74 : i32
      %get3A_664 = arith.index_cast %get3A_663 : i32 to index
      %get3A_665 = arith.index_cast %mul3A_662 : i32 to index
      %get3A_666 = tpu.vector_load %arg8[%get3A_664, %get3A_665] {strides = array<i32>} : memref<80x768xf32, #tpu.memory_space<vmem>>, vector<16xf32>,
      %max3A_667 = arith.maximumf %max3A_611, %get3A_666 : vector<16xf32>
      %mul3A_668 = arith.constant 16 : i32
      %mul3A_669 = arith.muli %scan3A_150, %mul3A_668 : i32
      %get3A_670 = arith.constant 75 : i32
      %get3A_671 = arith.index_cast %get3A_670 : i32 to index
      %get3A_672 = arith.index_cast %mul3A_669 : i32 to index
      %get3A_673 = tpu.vector_load %arg8[%get3A_671, %get3A_672] {strides = array<i32>} : memref<80x768xf32, #tpu.memory_space<vmem>>, vector<16xf32>,
      %max3A_674 = arith.maximumf %max3A_618, %get3A_673 : vector<16xf32>
      %mul3A_675 = arith.constant 16 : i32
      %mul3A_676 = arith.muli %scan3A_150, %mul3A_675 : i32
      %get3A_677 = arith.constant 76 : i32
      %get3A_678 = arith.index_cast %get3A_677 : i32 to index
      %get3A_679 = arith.index_cast %mul3A_676 : i32 to index
      %get3A_680 = tpu.vector_load %arg8[%get3A_678, %get3A_679] {strides = array<i32>} : memref<80x768xf32, #tpu.memory_space<vmem>>, vector<16xf32>,
      %max3A_681 = arith.maximumf %max3A_625, %get3A_680 : vector<16xf32>
      %mul3A_682 = arith.constant 16 : i32
      %mul3A_683 = arith.muli %scan3A_150, %mul3A_682 : i32
      %get3A_684 = arith.constant 77 : i32
      %get3A_685 = arith.index_cast %get3A_684 : i32 to index
      %get3A_686 = arith.index_cast %mul3A_683 : i32 to index
      %get3A_687 = tpu.vector_load %arg8[%get3A_685, %get3A_686] {strides = array<i32>} : memref<80x768xf32, #tpu.memory_space<vmem>>, vector<16xf32>,
      %max3A_688 = arith.maximumf %max3A_632, %get3A_687 : vector<16xf32>
      %mul3A_689 = arith.constant 16 : i32
      %mul3A_690 = arith.muli %scan3A_150, %mul3A_689 : i32
      %get3A_691 = arith.constant 78 : i32
      %get3A_692 = arith.index_cast %get3A_691 : i32 to index
      %get3A_693 = arith.index_cast %mul3A_690 : i32 to index
      %get3A_694 = tpu.vector_load %arg8[%get3A_692, %get3A_693] {strides = array<i32>} : memref<80x768xf32, #tpu.memory_space<vmem>>, vector<16xf32>,
      %max3A_695 = arith.maximumf %max3A_639, %get3A_694 : vector<16xf32>
      %mul3A_696 = arith.constant 16 : i32
      %mul3A_697 = arith.muli %scan3A_150, %mul3A_696 : i32
      %get3A_698 = arith.constant 79 : i32
      %get3A_699 = arith.index_cast %get3A_698 : i32 to index
      %get3A_700 = arith.index_cast %mul3A_697 : i32 to index
      %get3A_701 = tpu.vector_load %arg8[%get3A_699, %get3A_700] {strides = array<i32>} : memref<80x768xf32, #tpu.memory_space<vmem>>, vector<16xf32>,
      %max3A_702 = arith.maximumf %max3A_646, %get3A_701 : vector<16xf32>
      %max3A_703 = arith.maximumf %max3A_653, %max3A_660 : vector<16xf32>
      %max3A_704 = arith.maximumf %max3A_667, %max3A_674 : vector<16xf32>
      %max3A_705 = arith.maximumf %max3A_703, %max3A_704 : vector<16xf32>
      %max3A_706 = arith.maximumf %max3A_681, %max3A_688 : vector<16xf32>
      %max3A_707 = arith.maximumf %max3A_695, %max3A_702 : vector<16xf32>
      %max3A_708 = arith.maximumf %max3A_706, %max3A_707 : vector<16xf32>
      %max3A_709 = arith.maximumf %max3A_705, %max3A_708 : vector<16xf32>
      %mul3A_710 = arith.constant 16 : i32
      %mul3A_711 = arith.muli %scan3A_150, %mul3A_710 : i32
      %get3A_712 = arith.constant 0 : i32
      %get3A_713 = arith.index_cast %get3A_712 : i32 to index
      %get3A_714 = arith.index_cast %mul3A_711 : i32 to index
      %get3A_715 = tpu.vector_load %arg9[%get3A_713, %get3A_714] {strides = array<i32>} : memref<4x768xf32, #tpu.memory_space<vmem>>, vector<16xf32>,
      %mul3A_716 = arith.constant 16 : i32
      %mul3A_717 = arith.muli %scan3A_150, %mul3A_716 : i32
      %get3A_718 = arith.constant 1 : i32
      %get3A_719 = arith.index_cast %get3A_718 : i32 to index
      %get3A_720 = arith.index_cast %mul3A_717 : i32 to index
      %get3A_721 = tpu.vector_load %arg9[%get3A_719, %get3A_720] {strides = array<i32>} : memref<4x768xf32, #tpu.memory_space<vmem>>, vector<16xf32>,
      %add3A_722 = arith.addf %get3A_715, %get3A_721 : vector<16xf32>
      %mul3A_723 = arith.constant 16 : i32
      %mul3A_724 = arith.muli %scan3A_150, %mul3A_723 : i32
      %get3A_725 = arith.constant 2 : i32
      %get3A_726 = arith.index_cast %get3A_725 : i32 to index
      %get3A_727 = arith.index_cast %mul3A_724 : i32 to index
      %get3A_728 = tpu.vector_load %arg9[%get3A_726, %get3A_727] {strides = array<i32>} : memref<4x768xf32, #tpu.memory_space<vmem>>, vector<16xf32>,
      %mul3A_729 = arith.constant 16 : i32
      %mul3A_730 = arith.muli %scan3A_150, %mul3A_729 : i32
      %get3A_731 = arith.constant 3 : i32
      %get3A_732 = arith.index_cast %get3A_731 : i32 to index
      %get3A_733 = arith.index_cast %mul3A_730 : i32 to index
      %get3A_734 = tpu.vector_load %arg9[%get3A_732, %get3A_733] {strides = array<i32>} : memref<4x768xf32, #tpu.memory_space<vmem>>, vector<16xf32>,
      %add3A_735 = arith.addf %get3A_728, %get3A_734 : vector<16xf32>
      %add3A_736 = arith.addf %add3A_722, %add3A_735 : vector<16xf32>
      %add3A_737 = arith.addf %max3A_709, %add3A_736 : vector<16xf32>
      %swap3A_738 = arith.index_cast %scan3A_150 : i32 to index
      %swap3A_739 = arith.constant 0 : index
      %swap3A_740 = tpu.vector_load %arg12[%swap3A_738, %swap3A_739] {strides = array<i32>} : memref<50x16xf32, #tpu.memory_space<vmem>>, vector<16xf32>,
      tpu.vector_store %arg12[%swap3A_738, %swap3A_739], %add3A_737 {strides = array<i32>} : memref<50x16xf32, #tpu.memory_space<vmem>>, vector<16xf32>,
      %mul3A_741 = arith.constant 16 : i32
      %mul3A_742 = arith.muli %scan3A_150, %mul3A_741 : i32
      %add3A_743 = arith.addi %multiple_of3A, %mul3A_742 : i32
      %broadcast_in_dim3A_744 = vector.broadcast %add3A_743 : i32 to vector<16xi32>
      %add3A_745 = arith.addi %broadcast_in_dim3A_744, %iota3A : vector<16xi32>
      %ge3A = arith.cmpi sge, %add3A_745, %broadcast_in_dim3A : vector<16xi32>
      %lt3A = arith.cmpi slt, %add3A_745, %broadcast_in_dim3A_51 : vector<16xi32>
      %and3A_746 = arith.andi %ge3A, %lt3A : vector<16xi1>
      %ge3A_747 = arith.constant 2.500000e-01 : f32
      %ge3A_748 = vector.broadcast %ge3A_747 : f32 to vector<16xf32>
      %ge3A_749 = arith.cmpf oge, %max3A_709, %ge3A_748 : vector<16xf32>
      %not3A_750 = arith.constant dense<true> : vector<16xi1>
      %not3A_751 = arith.xori %ge3A_749, %not3A_750 : vector<16xi1>
      %and3A_752 = arith.andi %and3A_746, %not3A_751 : vector<16xi1>
      %jit3A_753 = arith.constant 1073741824 : i32
      %broadcast_in_dim3A_754 = vector.broadcast %jit3A_753 : i32 to vector<16xi32>
      %select_n3A_755 = arith.select %and3A_752, %add3A_745, %broadcast_in_dim3A_754 : vector<16xi1>, vector<16xi32>
      %min3A_756 = arith.minsi %scan3A_151, %select_n3A_755 : vector<16xi32>
      scf.yield %min3A_756 : vector<16xi32>
    }
    %scan3A_72 = arith.constant 24 : i32
    %convert_element_type3A_73 = arith.extui %eq3A_21 : i1 to i32
    %cond3A_74 = arith.constant 0 : i32
    %cond3A_75 = arith.cmpi ne, %convert_element_type3A_73, %cond3A_74 : i32
    scf.if %cond3A_75 {
      %get3A_150 = arith.constant 0 : i32
      %get3A_151 = arith.index_cast %get3A_150 : i32 to index
      %get3A_152 = arith.constant 0 : index
      %get3A_153 = tpu.vector_load %arg10[%get3A_151, %get3A_152] {strides = array<i32>} : memref<80x32xf32, #tpu.memory_space<vmem>>, vector<16xf32>,
      %get3A_154 = arith.constant 1 : i32
      %get3A_155 = arith.index_cast %get3A_154 : i32 to index
      %get3A_156 = arith.constant 0 : index
      %get3A_157 = tpu.vector_load %arg10[%get3A_155, %get3A_156] {strides = array<i32>} : memref<80x32xf32, #tpu.memory_space<vmem>>, vector<16xf32>,
      %max3A = arith.maximumf %get3A_153, %get3A_157 : vector<16xf32>
      %get3A_158 = arith.constant 2 : i32
      %get3A_159 = arith.index_cast %get3A_158 : i32 to index
      %get3A_160 = arith.constant 0 : index
      %get3A_161 = tpu.vector_load %arg10[%get3A_159, %get3A_160] {strides = array<i32>} : memref<80x32xf32, #tpu.memory_space<vmem>>, vector<16xf32>,
      %max3A_162 = arith.maximumf %max3A, %get3A_161 : vector<16xf32>
      %get3A_163 = arith.constant 3 : i32
      %get3A_164 = arith.index_cast %get3A_163 : i32 to index
      %get3A_165 = arith.constant 0 : index
      %get3A_166 = tpu.vector_load %arg10[%get3A_164, %get3A_165] {strides = array<i32>} : memref<80x32xf32, #tpu.memory_space<vmem>>, vector<16xf32>,
      %max3A_167 = arith.maximumf %max3A_162, %get3A_166 : vector<16xf32>
      %get3A_168 = arith.constant 4 : i32
      %get3A_169 = arith.index_cast %get3A_168 : i32 to index
      %get3A_170 = arith.constant 0 : index
      %get3A_171 = tpu.vector_load %arg10[%get3A_169, %get3A_170] {strides = array<i32>} : memref<80x32xf32, #tpu.memory_space<vmem>>, vector<16xf32>,
      %max3A_172 = arith.maximumf %max3A_167, %get3A_171 : vector<16xf32>
      %get3A_173 = arith.constant 5 : i32
      %get3A_174 = arith.index_cast %get3A_173 : i32 to index
      %get3A_175 = arith.constant 0 : index
      %get3A_176 = tpu.vector_load %arg10[%get3A_174, %get3A_175] {strides = array<i32>} : memref<80x32xf32, #tpu.memory_space<vmem>>, vector<16xf32>,
      %max3A_177 = arith.maximumf %max3A_172, %get3A_176 : vector<16xf32>
      %get3A_178 = arith.constant 6 : i32
      %get3A_179 = arith.index_cast %get3A_178 : i32 to index
      %get3A_180 = arith.constant 0 : index
      %get3A_181 = tpu.vector_load %arg10[%get3A_179, %get3A_180] {strides = array<i32>} : memref<80x32xf32, #tpu.memory_space<vmem>>, vector<16xf32>,
      %max3A_182 = arith.maximumf %max3A_177, %get3A_181 : vector<16xf32>
      %get3A_183 = arith.constant 7 : i32
      %get3A_184 = arith.index_cast %get3A_183 : i32 to index
      %get3A_185 = arith.constant 0 : index
      %get3A_186 = tpu.vector_load %arg10[%get3A_184, %get3A_185] {strides = array<i32>} : memref<80x32xf32, #tpu.memory_space<vmem>>, vector<16xf32>,
      %max3A_187 = arith.maximumf %max3A_182, %get3A_186 : vector<16xf32>
      %get3A_188 = arith.constant 8 : i32
      %get3A_189 = arith.index_cast %get3A_188 : i32 to index
      %get3A_190 = arith.constant 0 : index
      %get3A_191 = tpu.vector_load %arg10[%get3A_189, %get3A_190] {strides = array<i32>} : memref<80x32xf32, #tpu.memory_space<vmem>>, vector<16xf32>,
      %max3A_192 = arith.maximumf %max3A_187, %get3A_191 : vector<16xf32>
      %get3A_193 = arith.constant 9 : i32
      %get3A_194 = arith.index_cast %get3A_193 : i32 to index
      %get3A_195 = arith.constant 0 : index
      %get3A_196 = tpu.vector_load %arg10[%get3A_194, %get3A_195] {strides = array<i32>} : memref<80x32xf32, #tpu.memory_space<vmem>>, vector<16xf32>,
      %max3A_197 = arith.maximumf %max3A_192, %get3A_196 : vector<16xf32>
      %get3A_198 = arith.constant 10 : i32
      %get3A_199 = arith.index_cast %get3A_198 : i32 to index
      %get3A_200 = arith.constant 0 : index
      %get3A_201 = tpu.vector_load %arg10[%get3A_199, %get3A_200] {strides = array<i32>} : memref<80x32xf32, #tpu.memory_space<vmem>>, vector<16xf32>,
      %max3A_202 = arith.maximumf %max3A_197, %get3A_201 : vector<16xf32>
      %get3A_203 = arith.constant 11 : i32
      %get3A_204 = arith.index_cast %get3A_203 : i32 to index
      %get3A_205 = arith.constant 0 : index
      %get3A_206 = tpu.vector_load %arg10[%get3A_204, %get3A_205] {strides = array<i32>} : memref<80x32xf32, #tpu.memory_space<vmem>>, vector<16xf32>,
      %max3A_207 = arith.maximumf %max3A_202, %get3A_206 : vector<16xf32>
      %get3A_208 = arith.constant 12 : i32
      %get3A_209 = arith.index_cast %get3A_208 : i32 to index
      %get3A_210 = arith.constant 0 : index
      %get3A_211 = tpu.vector_load %arg10[%get3A_209, %get3A_210] {strides = array<i32>} : memref<80x32xf32, #tpu.memory_space<vmem>>, vector<16xf32>,
      %max3A_212 = arith.maximumf %max3A_207, %get3A_211 : vector<16xf32>
      %get3A_213 = arith.constant 13 : i32
      %get3A_214 = arith.index_cast %get3A_213 : i32 to index
      %get3A_215 = arith.constant 0 : index
      %get3A_216 = tpu.vector_load %arg10[%get3A_214, %get3A_215] {strides = array<i32>} : memref<80x32xf32, #tpu.memory_space<vmem>>, vector<16xf32>,
      %max3A_217 = arith.maximumf %max3A_212, %get3A_216 : vector<16xf32>
      %get3A_218 = arith.constant 14 : i32
      %get3A_219 = arith.index_cast %get3A_218 : i32 to index
      %get3A_220 = arith.constant 0 : index
      %get3A_221 = tpu.vector_load %arg10[%get3A_219, %get3A_220] {strides = array<i32>} : memref<80x32xf32, #tpu.memory_space<vmem>>, vector<16xf32>,
      %max3A_222 = arith.maximumf %max3A_217, %get3A_221 : vector<16xf32>
      %get3A_223 = arith.constant 15 : i32
      %get3A_224 = arith.index_cast %get3A_223 : i32 to index
      %get3A_225 = arith.constant 0 : index
      %get3A_226 = tpu.vector_load %arg10[%get3A_224, %get3A_225] {strides = array<i32>} : memref<80x32xf32, #tpu.memory_space<vmem>>, vector<16xf32>,
      %max3A_227 = arith.maximumf %max3A_222, %get3A_226 : vector<16xf32>
      %get3A_228 = arith.constant 16 : i32
      %get3A_229 = arith.index_cast %get3A_228 : i32 to index
      %get3A_230 = arith.constant 0 : index
      %get3A_231 = tpu.vector_load %arg10[%get3A_229, %get3A_230] {strides = array<i32>} : memref<80x32xf32, #tpu.memory_space<vmem>>, vector<16xf32>,
      %max3A_232 = arith.maximumf %max3A_227, %get3A_231 : vector<16xf32>
      %get3A_233 = arith.constant 17 : i32
      %get3A_234 = arith.index_cast %get3A_233 : i32 to index
      %get3A_235 = arith.constant 0 : index
      %get3A_236 = tpu.vector_load %arg10[%get3A_234, %get3A_235] {strides = array<i32>} : memref<80x32xf32, #tpu.memory_space<vmem>>, vector<16xf32>,
      %max3A_237 = arith.maximumf %max3A_232, %get3A_236 : vector<16xf32>
      %get3A_238 = arith.constant 18 : i32
      %get3A_239 = arith.index_cast %get3A_238 : i32 to index
      %get3A_240 = arith.constant 0 : index
      %get3A_241 = tpu.vector_load %arg10[%get3A_239, %get3A_240] {strides = array<i32>} : memref<80x32xf32, #tpu.memory_space<vmem>>, vector<16xf32>,
      %max3A_242 = arith.maximumf %max3A_237, %get3A_241 : vector<16xf32>
      %get3A_243 = arith.constant 19 : i32
      %get3A_244 = arith.index_cast %get3A_243 : i32 to index
      %get3A_245 = arith.constant 0 : index
      %get3A_246 = tpu.vector_load %arg10[%get3A_244, %get3A_245] {strides = array<i32>} : memref<80x32xf32, #tpu.memory_space<vmem>>, vector<16xf32>,
      %max3A_247 = arith.maximumf %max3A_242, %get3A_246 : vector<16xf32>
      %get3A_248 = arith.constant 20 : i32
      %get3A_249 = arith.index_cast %get3A_248 : i32 to index
      %get3A_250 = arith.constant 0 : index
      %get3A_251 = tpu.vector_load %arg10[%get3A_249, %get3A_250] {strides = array<i32>} : memref<80x32xf32, #tpu.memory_space<vmem>>, vector<16xf32>,
      %max3A_252 = arith.maximumf %max3A_247, %get3A_251 : vector<16xf32>
      %get3A_253 = arith.constant 21 : i32
      %get3A_254 = arith.index_cast %get3A_253 : i32 to index
      %get3A_255 = arith.constant 0 : index
      %get3A_256 = tpu.vector_load %arg10[%get3A_254, %get3A_255] {strides = array<i32>} : memref<80x32xf32, #tpu.memory_space<vmem>>, vector<16xf32>,
      %max3A_257 = arith.maximumf %max3A_252, %get3A_256 : vector<16xf32>
      %get3A_258 = arith.constant 22 : i32
      %get3A_259 = arith.index_cast %get3A_258 : i32 to index
      %get3A_260 = arith.constant 0 : index
      %get3A_261 = tpu.vector_load %arg10[%get3A_259, %get3A_260] {strides = array<i32>} : memref<80x32xf32, #tpu.memory_space<vmem>>, vector<16xf32>,
      %max3A_262 = arith.maximumf %max3A_257, %get3A_261 : vector<16xf32>
      %get3A_263 = arith.constant 23 : i32
      %get3A_264 = arith.index_cast %get3A_263 : i32 to index
      %get3A_265 = arith.constant 0 : index
      %get3A_266 = tpu.vector_load %arg10[%get3A_264, %get3A_265] {strides = array<i32>} : memref<80x32xf32, #tpu.memory_space<vmem>>, vector<16xf32>,
      %max3A_267 = arith.maximumf %max3A_262, %get3A_266 : vector<16xf32>
      %get3A_268 = arith.constant 24 : i32
      %get3A_269 = arith.index_cast %get3A_268 : i32 to index
      %get3A_270 = arith.constant 0 : index
      %get3A_271 = tpu.vector_load %arg10[%get3A_269, %get3A_270] {strides = array<i32>} : memref<80x32xf32, #tpu.memory_space<vmem>>, vector<16xf32>,
      %max3A_272 = arith.maximumf %max3A_267, %get3A_271 : vector<16xf32>
      %get3A_273 = arith.constant 25 : i32
      %get3A_274 = arith.index_cast %get3A_273 : i32 to index
      %get3A_275 = arith.constant 0 : index
      %get3A_276 = tpu.vector_load %arg10[%get3A_274, %get3A_275] {strides = array<i32>} : memref<80x32xf32, #tpu.memory_space<vmem>>, vector<16xf32>,
      %max3A_277 = arith.maximumf %max3A_272, %get3A_276 : vector<16xf32>
      %get3A_278 = arith.constant 26 : i32
      %get3A_279 = arith.index_cast %get3A_278 : i32 to index
      %get3A_280 = arith.constant 0 : index
      %get3A_281 = tpu.vector_load %arg10[%get3A_279, %get3A_280] {strides = array<i32>} : memref<80x32xf32, #tpu.memory_space<vmem>>, vector<16xf32>,
      %max3A_282 = arith.maximumf %max3A_277, %get3A_281 : vector<16xf32>
      %get3A_283 = arith.constant 27 : i32
      %get3A_284 = arith.index_cast %get3A_283 : i32 to index
      %get3A_285 = arith.constant 0 : index
      %get3A_286 = tpu.vector_load %arg10[%get3A_284, %get3A_285] {strides = array<i32>} : memref<80x32xf32, #tpu.memory_space<vmem>>, vector<16xf32>,
      %max3A_287 = arith.maximumf %max3A_282, %get3A_286 : vector<16xf32>
      %get3A_288 = arith.constant 28 : i32
      %get3A_289 = arith.index_cast %get3A_288 : i32 to index
      %get3A_290 = arith.constant 0 : index
      %get3A_291 = tpu.vector_load %arg10[%get3A_289, %get3A_290] {strides = array<i32>} : memref<80x32xf32, #tpu.memory_space<vmem>>, vector<16xf32>,
      %max3A_292 = arith.maximumf %max3A_287, %get3A_291 : vector<16xf32>
      %get3A_293 = arith.constant 29 : i32
      %get3A_294 = arith.index_cast %get3A_293 : i32 to index
      %get3A_295 = arith.constant 0 : index
      %get3A_296 = tpu.vector_load %arg10[%get3A_294, %get3A_295] {strides = array<i32>} : memref<80x32xf32, #tpu.memory_space<vmem>>, vector<16xf32>,
      %max3A_297 = arith.maximumf %max3A_292, %get3A_296 : vector<16xf32>
      %get3A_298 = arith.constant 30 : i32
      %get3A_299 = arith.index_cast %get3A_298 : i32 to index
      %get3A_300 = arith.constant 0 : index
      %get3A_301 = tpu.vector_load %arg10[%get3A_299, %get3A_300] {strides = array<i32>} : memref<80x32xf32, #tpu.memory_space<vmem>>, vector<16xf32>,
      %max3A_302 = arith.maximumf %max3A_297, %get3A_301 : vector<16xf32>
      %get3A_303 = arith.constant 31 : i32
      %get3A_304 = arith.index_cast %get3A_303 : i32 to index
      %get3A_305 = arith.constant 0 : index
      %get3A_306 = tpu.vector_load %arg10[%get3A_304, %get3A_305] {strides = array<i32>} : memref<80x32xf32, #tpu.memory_space<vmem>>, vector<16xf32>,
      %max3A_307 = arith.maximumf %max3A_302, %get3A_306 : vector<16xf32>
      %get3A_308 = arith.constant 32 : i32
      %get3A_309 = arith.index_cast %get3A_308 : i32 to index
      %get3A_310 = arith.constant 0 : index
      %get3A_311 = tpu.vector_load %arg10[%get3A_309, %get3A_310] {strides = array<i32>} : memref<80x32xf32, #tpu.memory_space<vmem>>, vector<16xf32>,
      %max3A_312 = arith.maximumf %max3A_307, %get3A_311 : vector<16xf32>
      %get3A_313 = arith.constant 33 : i32
      %get3A_314 = arith.index_cast %get3A_313 : i32 to index
      %get3A_315 = arith.constant 0 : index
      %get3A_316 = tpu.vector_load %arg10[%get3A_314, %get3A_315] {strides = array<i32>} : memref<80x32xf32, #tpu.memory_space<vmem>>, vector<16xf32>,
      %max3A_317 = arith.maximumf %max3A_312, %get3A_316 : vector<16xf32>
      %get3A_318 = arith.constant 34 : i32
      %get3A_319 = arith.index_cast %get3A_318 : i32 to index
      %get3A_320 = arith.constant 0 : index
      %get3A_321 = tpu.vector_load %arg10[%get3A_319, %get3A_320] {strides = array<i32>} : memref<80x32xf32, #tpu.memory_space<vmem>>, vector<16xf32>,
      %max3A_322 = arith.maximumf %max3A_317, %get3A_321 : vector<16xf32>
      %get3A_323 = arith.constant 35 : i32
      %get3A_324 = arith.index_cast %get3A_323 : i32 to index
      %get3A_325 = arith.constant 0 : index
      %get3A_326 = tpu.vector_load %arg10[%get3A_324, %get3A_325] {strides = array<i32>} : memref<80x32xf32, #tpu.memory_space<vmem>>, vector<16xf32>,
      %max3A_327 = arith.maximumf %max3A_322, %get3A_326 : vector<16xf32>
      %get3A_328 = arith.constant 36 : i32
      %get3A_329 = arith.index_cast %get3A_328 : i32 to index
      %get3A_330 = arith.constant 0 : index
      %get3A_331 = tpu.vector_load %arg10[%get3A_329, %get3A_330] {strides = array<i32>} : memref<80x32xf32, #tpu.memory_space<vmem>>, vector<16xf32>,
      %max3A_332 = arith.maximumf %max3A_327, %get3A_331 : vector<16xf32>
      %get3A_333 = arith.constant 37 : i32
      %get3A_334 = arith.index_cast %get3A_333 : i32 to index
      %get3A_335 = arith.constant 0 : index
      %get3A_336 = tpu.vector_load %arg10[%get3A_334, %get3A_335] {strides = array<i32>} : memref<80x32xf32, #tpu.memory_space<vmem>>, vector<16xf32>,
      %max3A_337 = arith.maximumf %max3A_332, %get3A_336 : vector<16xf32>
      %get3A_338 = arith.constant 38 : i32
      %get3A_339 = arith.index_cast %get3A_338 : i32 to index
      %get3A_340 = arith.constant 0 : index
      %get3A_341 = tpu.vector_load %arg10[%get3A_339, %get3A_340] {strides = array<i32>} : memref<80x32xf32, #tpu.memory_space<vmem>>, vector<16xf32>,
      %max3A_342 = arith.maximumf %max3A_337, %get3A_341 : vector<16xf32>
      %get3A_343 = arith.constant 39 : i32
      %get3A_344 = arith.index_cast %get3A_343 : i32 to index
      %get3A_345 = arith.constant 0 : index
      %get3A_346 = tpu.vector_load %arg10[%get3A_344, %get3A_345] {strides = array<i32>} : memref<80x32xf32, #tpu.memory_space<vmem>>, vector<16xf32>,
      %max3A_347 = arith.maximumf %max3A_342, %get3A_346 : vector<16xf32>
      %get3A_348 = arith.constant 40 : i32
      %get3A_349 = arith.index_cast %get3A_348 : i32 to index
      %get3A_350 = arith.constant 0 : index
      %get3A_351 = tpu.vector_load %arg10[%get3A_349, %get3A_350] {strides = array<i32>} : memref<80x32xf32, #tpu.memory_space<vmem>>, vector<16xf32>,
      %max3A_352 = arith.maximumf %max3A_347, %get3A_351 : vector<16xf32>
      %get3A_353 = arith.constant 41 : i32
      %get3A_354 = arith.index_cast %get3A_353 : i32 to index
      %get3A_355 = arith.constant 0 : index
      %get3A_356 = tpu.vector_load %arg10[%get3A_354, %get3A_355] {strides = array<i32>} : memref<80x32xf32, #tpu.memory_space<vmem>>, vector<16xf32>,
      %max3A_357 = arith.maximumf %max3A_352, %get3A_356 : vector<16xf32>
      %get3A_358 = arith.constant 42 : i32
      %get3A_359 = arith.index_cast %get3A_358 : i32 to index
      %get3A_360 = arith.constant 0 : index
      %get3A_361 = tpu.vector_load %arg10[%get3A_359, %get3A_360] {strides = array<i32>} : memref<80x32xf32, #tpu.memory_space<vmem>>, vector<16xf32>,
      %max3A_362 = arith.maximumf %max3A_357, %get3A_361 : vector<16xf32>
      %get3A_363 = arith.constant 43 : i32
      %get3A_364 = arith.index_cast %get3A_363 : i32 to index
      %get3A_365 = arith.constant 0 : index
      %get3A_366 = tpu.vector_load %arg10[%get3A_364, %get3A_365] {strides = array<i32>} : memref<80x32xf32, #tpu.memory_space<vmem>>, vector<16xf32>,
      %max3A_367 = arith.maximumf %max3A_362, %get3A_366 : vector<16xf32>
      %get3A_368 = arith.constant 44 : i32
      %get3A_369 = arith.index_cast %get3A_368 : i32 to index
      %get3A_370 = arith.constant 0 : index
      %get3A_371 = tpu.vector_load %arg10[%get3A_369, %get3A_370] {strides = array<i32>} : memref<80x32xf32, #tpu.memory_space<vmem>>, vector<16xf32>,
      %max3A_372 = arith.maximumf %max3A_367, %get3A_371 : vector<16xf32>
      %get3A_373 = arith.constant 45 : i32
      %get3A_374 = arith.index_cast %get3A_373 : i32 to index
      %get3A_375 = arith.constant 0 : index
      %get3A_376 = tpu.vector_load %arg10[%get3A_374, %get3A_375] {strides = array<i32>} : memref<80x32xf32, #tpu.memory_space<vmem>>, vector<16xf32>,
      %max3A_377 = arith.maximumf %max3A_372, %get3A_376 : vector<16xf32>
      %get3A_378 = arith.constant 46 : i32
      %get3A_379 = arith.index_cast %get3A_378 : i32 to index
      %get3A_380 = arith.constant 0 : index
      %get3A_381 = tpu.vector_load %arg10[%get3A_379, %get3A_380] {strides = array<i32>} : memref<80x32xf32, #tpu.memory_space<vmem>>, vector<16xf32>,
      %max3A_382 = arith.maximumf %max3A_377, %get3A_381 : vector<16xf32>
      %get3A_383 = arith.constant 47 : i32
      %get3A_384 = arith.index_cast %get3A_383 : i32 to index
      %get3A_385 = arith.constant 0 : index
      %get3A_386 = tpu.vector_load %arg10[%get3A_384, %get3A_385] {strides = array<i32>} : memref<80x32xf32, #tpu.memory_space<vmem>>, vector<16xf32>,
      %max3A_387 = arith.maximumf %max3A_382, %get3A_386 : vector<16xf32>
      %get3A_388 = arith.constant 48 : i32
      %get3A_389 = arith.index_cast %get3A_388 : i32 to index
      %get3A_390 = arith.constant 0 : index
      %get3A_391 = tpu.vector_load %arg10[%get3A_389, %get3A_390] {strides = array<i32>} : memref<80x32xf32, #tpu.memory_space<vmem>>, vector<16xf32>,
      %max3A_392 = arith.maximumf %max3A_387, %get3A_391 : vector<16xf32>
      %get3A_393 = arith.constant 49 : i32
      %get3A_394 = arith.index_cast %get3A_393 : i32 to index
      %get3A_395 = arith.constant 0 : index
      %get3A_396 = tpu.vector_load %arg10[%get3A_394, %get3A_395] {strides = array<i32>} : memref<80x32xf32, #tpu.memory_space<vmem>>, vector<16xf32>,
      %max3A_397 = arith.maximumf %max3A_392, %get3A_396 : vector<16xf32>
      %get3A_398 = arith.constant 50 : i32
      %get3A_399 = arith.index_cast %get3A_398 : i32 to index
      %get3A_400 = arith.constant 0 : index
      %get3A_401 = tpu.vector_load %arg10[%get3A_399, %get3A_400] {strides = array<i32>} : memref<80x32xf32, #tpu.memory_space<vmem>>, vector<16xf32>,
      %max3A_402 = arith.maximumf %max3A_397, %get3A_401 : vector<16xf32>
      %get3A_403 = arith.constant 51 : i32
      %get3A_404 = arith.index_cast %get3A_403 : i32 to index
      %get3A_405 = arith.constant 0 : index
      %get3A_406 = tpu.vector_load %arg10[%get3A_404, %get3A_405] {strides = array<i32>} : memref<80x32xf32, #tpu.memory_space<vmem>>, vector<16xf32>,
      %max3A_407 = arith.maximumf %max3A_402, %get3A_406 : vector<16xf32>
      %get3A_408 = arith.constant 52 : i32
      %get3A_409 = arith.index_cast %get3A_408 : i32 to index
      %get3A_410 = arith.constant 0 : index
      %get3A_411 = tpu.vector_load %arg10[%get3A_409, %get3A_410] {strides = array<i32>} : memref<80x32xf32, #tpu.memory_space<vmem>>, vector<16xf32>,
      %max3A_412 = arith.maximumf %max3A_407, %get3A_411 : vector<16xf32>
      %get3A_413 = arith.constant 53 : i32
      %get3A_414 = arith.index_cast %get3A_413 : i32 to index
      %get3A_415 = arith.constant 0 : index
      %get3A_416 = tpu.vector_load %arg10[%get3A_414, %get3A_415] {strides = array<i32>} : memref<80x32xf32, #tpu.memory_space<vmem>>, vector<16xf32>,
      %max3A_417 = arith.maximumf %max3A_412, %get3A_416 : vector<16xf32>
      %get3A_418 = arith.constant 54 : i32
      %get3A_419 = arith.index_cast %get3A_418 : i32 to index
      %get3A_420 = arith.constant 0 : index
      %get3A_421 = tpu.vector_load %arg10[%get3A_419, %get3A_420] {strides = array<i32>} : memref<80x32xf32, #tpu.memory_space<vmem>>, vector<16xf32>,
      %max3A_422 = arith.maximumf %max3A_417, %get3A_421 : vector<16xf32>
      %get3A_423 = arith.constant 55 : i32
      %get3A_424 = arith.index_cast %get3A_423 : i32 to index
      %get3A_425 = arith.constant 0 : index
      %get3A_426 = tpu.vector_load %arg10[%get3A_424, %get3A_425] {strides = array<i32>} : memref<80x32xf32, #tpu.memory_space<vmem>>, vector<16xf32>,
      %max3A_427 = arith.maximumf %max3A_422, %get3A_426 : vector<16xf32>
      %get3A_428 = arith.constant 56 : i32
      %get3A_429 = arith.index_cast %get3A_428 : i32 to index
      %get3A_430 = arith.constant 0 : index
      %get3A_431 = tpu.vector_load %arg10[%get3A_429, %get3A_430] {strides = array<i32>} : memref<80x32xf32, #tpu.memory_space<vmem>>, vector<16xf32>,
      %max3A_432 = arith.maximumf %max3A_427, %get3A_431 : vector<16xf32>
      %get3A_433 = arith.constant 57 : i32
      %get3A_434 = arith.index_cast %get3A_433 : i32 to index
      %get3A_435 = arith.constant 0 : index
      %get3A_436 = tpu.vector_load %arg10[%get3A_434, %get3A_435] {strides = array<i32>} : memref<80x32xf32, #tpu.memory_space<vmem>>, vector<16xf32>,
      %max3A_437 = arith.maximumf %max3A_432, %get3A_436 : vector<16xf32>
      %get3A_438 = arith.constant 58 : i32
      %get3A_439 = arith.index_cast %get3A_438 : i32 to index
      %get3A_440 = arith.constant 0 : index
      %get3A_441 = tpu.vector_load %arg10[%get3A_439, %get3A_440] {strides = array<i32>} : memref<80x32xf32, #tpu.memory_space<vmem>>, vector<16xf32>,
      %max3A_442 = arith.maximumf %max3A_437, %get3A_441 : vector<16xf32>
      %get3A_443 = arith.constant 59 : i32
      %get3A_444 = arith.index_cast %get3A_443 : i32 to index
      %get3A_445 = arith.constant 0 : index
      %get3A_446 = tpu.vector_load %arg10[%get3A_444, %get3A_445] {strides = array<i32>} : memref<80x32xf32, #tpu.memory_space<vmem>>, vector<16xf32>,
      %max3A_447 = arith.maximumf %max3A_442, %get3A_446 : vector<16xf32>
      %get3A_448 = arith.constant 60 : i32
      %get3A_449 = arith.index_cast %get3A_448 : i32 to index
      %get3A_450 = arith.constant 0 : index
      %get3A_451 = tpu.vector_load %arg10[%get3A_449, %get3A_450] {strides = array<i32>} : memref<80x32xf32, #tpu.memory_space<vmem>>, vector<16xf32>,
      %max3A_452 = arith.maximumf %max3A_447, %get3A_451 : vector<16xf32>
      %get3A_453 = arith.constant 61 : i32
      %get3A_454 = arith.index_cast %get3A_453 : i32 to index
      %get3A_455 = arith.constant 0 : index
      %get3A_456 = tpu.vector_load %arg10[%get3A_454, %get3A_455] {strides = array<i32>} : memref<80x32xf32, #tpu.memory_space<vmem>>, vector<16xf32>,
      %max3A_457 = arith.maximumf %max3A_452, %get3A_456 : vector<16xf32>
      %get3A_458 = arith.constant 62 : i32
      %get3A_459 = arith.index_cast %get3A_458 : i32 to index
      %get3A_460 = arith.constant 0 : index
      %get3A_461 = tpu.vector_load %arg10[%get3A_459, %get3A_460] {strides = array<i32>} : memref<80x32xf32, #tpu.memory_space<vmem>>, vector<16xf32>,
      %max3A_462 = arith.maximumf %max3A_457, %get3A_461 : vector<16xf32>
      %get3A_463 = arith.constant 63 : i32
      %get3A_464 = arith.index_cast %get3A_463 : i32 to index
      %get3A_465 = arith.constant 0 : index
      %get3A_466 = tpu.vector_load %arg10[%get3A_464, %get3A_465] {strides = array<i32>} : memref<80x32xf32, #tpu.memory_space<vmem>>, vector<16xf32>,
      %max3A_467 = arith.maximumf %max3A_462, %get3A_466 : vector<16xf32>
      %get3A_468 = arith.constant 64 : i32
      %get3A_469 = arith.index_cast %get3A_468 : i32 to index
      %get3A_470 = arith.constant 0 : index
      %get3A_471 = tpu.vector_load %arg10[%get3A_469, %get3A_470] {strides = array<i32>} : memref<80x32xf32, #tpu.memory_space<vmem>>, vector<16xf32>,
      %max3A_472 = arith.maximumf %max3A_467, %get3A_471 : vector<16xf32>
      %get3A_473 = arith.constant 65 : i32
      %get3A_474 = arith.index_cast %get3A_473 : i32 to index
      %get3A_475 = arith.constant 0 : index
      %get3A_476 = tpu.vector_load %arg10[%get3A_474, %get3A_475] {strides = array<i32>} : memref<80x32xf32, #tpu.memory_space<vmem>>, vector<16xf32>,
      %max3A_477 = arith.maximumf %max3A_472, %get3A_476 : vector<16xf32>
      %get3A_478 = arith.constant 66 : i32
      %get3A_479 = arith.index_cast %get3A_478 : i32 to index
      %get3A_480 = arith.constant 0 : index
      %get3A_481 = tpu.vector_load %arg10[%get3A_479, %get3A_480] {strides = array<i32>} : memref<80x32xf32, #tpu.memory_space<vmem>>, vector<16xf32>,
      %max3A_482 = arith.maximumf %max3A_477, %get3A_481 : vector<16xf32>
      %get3A_483 = arith.constant 67 : i32
      %get3A_484 = arith.index_cast %get3A_483 : i32 to index
      %get3A_485 = arith.constant 0 : index
      %get3A_486 = tpu.vector_load %arg10[%get3A_484, %get3A_485] {strides = array<i32>} : memref<80x32xf32, #tpu.memory_space<vmem>>, vector<16xf32>,
      %max3A_487 = arith.maximumf %max3A_482, %get3A_486 : vector<16xf32>
      %get3A_488 = arith.constant 68 : i32
      %get3A_489 = arith.index_cast %get3A_488 : i32 to index
      %get3A_490 = arith.constant 0 : index
      %get3A_491 = tpu.vector_load %arg10[%get3A_489, %get3A_490] {strides = array<i32>} : memref<80x32xf32, #tpu.memory_space<vmem>>, vector<16xf32>,
      %max3A_492 = arith.maximumf %max3A_487, %get3A_491 : vector<16xf32>
      %get3A_493 = arith.constant 69 : i32
      %get3A_494 = arith.index_cast %get3A_493 : i32 to index
      %get3A_495 = arith.constant 0 : index
      %get3A_496 = tpu.vector_load %arg10[%get3A_494, %get3A_495] {strides = array<i32>} : memref<80x32xf32, #tpu.memory_space<vmem>>, vector<16xf32>,
      %max3A_497 = arith.maximumf %max3A_492, %get3A_496 : vector<16xf32>
      %get3A_498 = arith.constant 70 : i32
      %get3A_499 = arith.index_cast %get3A_498 : i32 to index
      %get3A_500 = arith.constant 0 : index
      %get3A_501 = tpu.vector_load %arg10[%get3A_499, %get3A_500] {strides = array<i32>} : memref<80x32xf32, #tpu.memory_space<vmem>>, vector<16xf32>,
      %max3A_502 = arith.maximumf %max3A_497, %get3A_501 : vector<16xf32>
      %get3A_503 = arith.constant 71 : i32
      %get3A_504 = arith.index_cast %get3A_503 : i32 to index
      %get3A_505 = arith.constant 0 : index
      %get3A_506 = tpu.vector_load %arg10[%get3A_504, %get3A_505] {strides = array<i32>} : memref<80x32xf32, #tpu.memory_space<vmem>>, vector<16xf32>,
      %max3A_507 = arith.maximumf %max3A_502, %get3A_506 : vector<16xf32>
      %get3A_508 = arith.constant 72 : i32
      %get3A_509 = arith.index_cast %get3A_508 : i32 to index
      %get3A_510 = arith.constant 0 : index
      %get3A_511 = tpu.vector_load %arg10[%get3A_509, %get3A_510] {strides = array<i32>} : memref<80x32xf32, #tpu.memory_space<vmem>>, vector<16xf32>,
      %max3A_512 = arith.maximumf %max3A_507, %get3A_511 : vector<16xf32>
      %get3A_513 = arith.constant 73 : i32
      %get3A_514 = arith.index_cast %get3A_513 : i32 to index
      %get3A_515 = arith.constant 0 : index
      %get3A_516 = tpu.vector_load %arg10[%get3A_514, %get3A_515] {strides = array<i32>} : memref<80x32xf32, #tpu.memory_space<vmem>>, vector<16xf32>,
      %max3A_517 = arith.maximumf %max3A_512, %get3A_516 : vector<16xf32>
      %get3A_518 = arith.constant 74 : i32
      %get3A_519 = arith.index_cast %get3A_518 : i32 to index
      %get3A_520 = arith.constant 0 : index
      %get3A_521 = tpu.vector_load %arg10[%get3A_519, %get3A_520] {strides = array<i32>} : memref<80x32xf32, #tpu.memory_space<vmem>>, vector<16xf32>,
      %max3A_522 = arith.maximumf %max3A_517, %get3A_521 : vector<16xf32>
      %get3A_523 = arith.constant 75 : i32
      %get3A_524 = arith.index_cast %get3A_523 : i32 to index
      %get3A_525 = arith.constant 0 : index
      %get3A_526 = tpu.vector_load %arg10[%get3A_524, %get3A_525] {strides = array<i32>} : memref<80x32xf32, #tpu.memory_space<vmem>>, vector<16xf32>,
      %max3A_527 = arith.maximumf %max3A_522, %get3A_526 : vector<16xf32>
      %get3A_528 = arith.constant 76 : i32
      %get3A_529 = arith.index_cast %get3A_528 : i32 to index
      %get3A_530 = arith.constant 0 : index
      %get3A_531 = tpu.vector_load %arg10[%get3A_529, %get3A_530] {strides = array<i32>} : memref<80x32xf32, #tpu.memory_space<vmem>>, vector<16xf32>,
      %max3A_532 = arith.maximumf %max3A_527, %get3A_531 : vector<16xf32>
      %get3A_533 = arith.constant 77 : i32
      %get3A_534 = arith.index_cast %get3A_533 : i32 to index
      %get3A_535 = arith.constant 0 : index
      %get3A_536 = tpu.vector_load %arg10[%get3A_534, %get3A_535] {strides = array<i32>} : memref<80x32xf32, #tpu.memory_space<vmem>>, vector<16xf32>,
      %max3A_537 = arith.maximumf %max3A_532, %get3A_536 : vector<16xf32>
      %get3A_538 = arith.constant 78 : i32
      %get3A_539 = arith.index_cast %get3A_538 : i32 to index
      %get3A_540 = arith.constant 0 : index
      %get3A_541 = tpu.vector_load %arg10[%get3A_539, %get3A_540] {strides = array<i32>} : memref<80x32xf32, #tpu.memory_space<vmem>>, vector<16xf32>,
      %max3A_542 = arith.maximumf %max3A_537, %get3A_541 : vector<16xf32>
      %get3A_543 = arith.constant 79 : i32
      %get3A_544 = arith.index_cast %get3A_543 : i32 to index
      %get3A_545 = arith.constant 0 : index
      %get3A_546 = tpu.vector_load %arg10[%get3A_544, %get3A_545] {strides = array<i32>} : memref<80x32xf32, #tpu.memory_space<vmem>>, vector<16xf32>,
      %max3A_547 = arith.maximumf %max3A_542, %get3A_546 : vector<16xf32>
      %get3A_548 = arith.constant 0 : i32
      %get3A_549 = arith.index_cast %get3A_548 : i32 to index
      %get3A_550 = arith.constant 0 : index
      %get3A_551 = tpu.vector_load %arg11[%get3A_549, %get3A_550] {strides = array<i32>} : memref<4x32xf32, #tpu.memory_space<vmem>>, vector<16xf32>,
      %get3A_552 = arith.constant 1 : i32
      %get3A_553 = arith.index_cast %get3A_552 : i32 to index
      %get3A_554 = arith.constant 0 : index
      %get3A_555 = tpu.vector_load %arg11[%get3A_553, %get3A_554] {strides = array<i32>} : memref<4x32xf32, #tpu.memory_space<vmem>>, vector<16xf32>,
      %add3A_556 = arith.addf %get3A_551, %get3A_555 : vector<16xf32>
      %get3A_557 = arith.constant 2 : i32
      %get3A_558 = arith.index_cast %get3A_557 : i32 to index
      %get3A_559 = arith.constant 0 : index
      %get3A_560 = tpu.vector_load %arg11[%get3A_558, %get3A_559] {strides = array<i32>} : memref<4x32xf32, #tpu.memory_space<vmem>>, vector<16xf32>,
      %add3A_561 = arith.addf %add3A_556, %get3A_560 : vector<16xf32>
      %get3A_562 = arith.constant 3 : i32
      %get3A_563 = arith.index_cast %get3A_562 : i32 to index
      %get3A_564 = arith.constant 0 : index
      %get3A_565 = tpu.vector_load %arg11[%get3A_563, %get3A_564] {strides = array<i32>} : memref<4x32xf32, #tpu.memory_space<vmem>>, vector<16xf32>,
      %add3A_566 = arith.addf %add3A_561, %get3A_565 : vector<16xf32>
      %add3A_567 = arith.addf %max3A_547, %add3A_566 : vector<16xf32>
      %swap3A_568 = arith.constant 48 : i32
      %swap3A_569 = arith.index_cast %swap3A_568 : i32 to index
      %swap3A_570 = arith.constant 0 : index
      %swap3A_571 = tpu.vector_load %arg12[%swap3A_569, %swap3A_570] {strides = array<i32>} : memref<50x16xf32, #tpu.memory_space<vmem>>, vector<16xf32>,
      tpu.vector_store %arg12[%swap3A_569, %swap3A_570], %add3A_567 {strides = array<i32>} : memref<50x16xf32, #tpu.memory_space<vmem>>, vector<16xf32>,
      %broadcast_in_dim3A_572 = arith.constant 19968 : i32
      %broadcast_in_dim3A_573 = vector.broadcast %broadcast_in_dim3A_572 : i32 to vector<16xi32>
      %add3A_574 = arith.addi %broadcast_in_dim3A_573, %iota3A : vector<16xi32>
      %ge3A = arith.constant 2.500000e-01 : f32
      %ge3A_575 = vector.broadcast %ge3A : f32 to vector<16xf32>
      %ge3A_576 = arith.cmpf oge, %max3A_547, %ge3A_575 : vector<16xf32>
      %not3A_577 = arith.constant dense<true> : vector<16xi1>
      %not3A_578 = arith.xori %ge3A_576, %not3A_577 : vector<16xi1>
      %jit3A_579 = arith.constant 1073741824 : i32
      %broadcast_in_dim3A_580 = vector.broadcast %jit3A_579 : i32 to vector<16xi32>
      %select_n3A_581 = arith.select %not3A_578, %add3A_574, %broadcast_in_dim3A_580 : vector<16xi1>, vector<16xi32>
      %min3A_582 = arith.minsi %scan3A_71, %select_n3A_581 : vector<16xi32>
      %get3A_583 = arith.constant 0 : i32
      %get3A_584 = arith.index_cast %get3A_583 : i32 to index
      %get3A_585 = arith.constant 16 : index
      %get3A_586 = tpu.vector_load %arg10[%get3A_584, %get3A_585] {strides = array<i32>} : memref<80x32xf32, #tpu.memory_space<vmem>>, vector<16xf32>,
      %get3A_587 = arith.constant 1 : i32
      %get3A_588 = arith.index_cast %get3A_587 : i32 to index
      %get3A_589 = arith.constant 16 : index
      %get3A_590 = tpu.vector_load %arg10[%get3A_588, %get3A_589] {strides = array<i32>} : memref<80x32xf32, #tpu.memory_space<vmem>>, vector<16xf32>,
      %max3A_591 = arith.maximumf %get3A_586, %get3A_590 : vector<16xf32>
      %get3A_592 = arith.constant 2 : i32
      %get3A_593 = arith.index_cast %get3A_592 : i32 to index
      %get3A_594 = arith.constant 16 : index
      %get3A_595 = tpu.vector_load %arg10[%get3A_593, %get3A_594] {strides = array<i32>} : memref<80x32xf32, #tpu.memory_space<vmem>>, vector<16xf32>,
      %max3A_596 = arith.maximumf %max3A_591, %get3A_595 : vector<16xf32>
      %get3A_597 = arith.constant 3 : i32
      %get3A_598 = arith.index_cast %get3A_597 : i32 to index
      %get3A_599 = arith.constant 16 : index
      %get3A_600 = tpu.vector_load %arg10[%get3A_598, %get3A_599] {strides = array<i32>} : memref<80x32xf32, #tpu.memory_space<vmem>>, vector<16xf32>,
      %max3A_601 = arith.maximumf %max3A_596, %get3A_600 : vector<16xf32>
      %get3A_602 = arith.constant 4 : i32
      %get3A_603 = arith.index_cast %get3A_602 : i32 to index
      %get3A_604 = arith.constant 16 : index
      %get3A_605 = tpu.vector_load %arg10[%get3A_603, %get3A_604] {strides = array<i32>} : memref<80x32xf32, #tpu.memory_space<vmem>>, vector<16xf32>,
      %max3A_606 = arith.maximumf %max3A_601, %get3A_605 : vector<16xf32>
      %get3A_607 = arith.constant 5 : i32
      %get3A_608 = arith.index_cast %get3A_607 : i32 to index
      %get3A_609 = arith.constant 16 : index
      %get3A_610 = tpu.vector_load %arg10[%get3A_608, %get3A_609] {strides = array<i32>} : memref<80x32xf32, #tpu.memory_space<vmem>>, vector<16xf32>,
      %max3A_611 = arith.maximumf %max3A_606, %get3A_610 : vector<16xf32>
      %get3A_612 = arith.constant 6 : i32
      %get3A_613 = arith.index_cast %get3A_612 : i32 to index
      %get3A_614 = arith.constant 16 : index
      %get3A_615 = tpu.vector_load %arg10[%get3A_613, %get3A_614] {strides = array<i32>} : memref<80x32xf32, #tpu.memory_space<vmem>>, vector<16xf32>,
      %max3A_616 = arith.maximumf %max3A_611, %get3A_615 : vector<16xf32>
      %get3A_617 = arith.constant 7 : i32
      %get3A_618 = arith.index_cast %get3A_617 : i32 to index
      %get3A_619 = arith.constant 16 : index
      %get3A_620 = tpu.vector_load %arg10[%get3A_618, %get3A_619] {strides = array<i32>} : memref<80x32xf32, #tpu.memory_space<vmem>>, vector<16xf32>,
      %max3A_621 = arith.maximumf %max3A_616, %get3A_620 : vector<16xf32>
      %get3A_622 = arith.constant 8 : i32
      %get3A_623 = arith.index_cast %get3A_622 : i32 to index
      %get3A_624 = arith.constant 16 : index
      %get3A_625 = tpu.vector_load %arg10[%get3A_623, %get3A_624] {strides = array<i32>} : memref<80x32xf32, #tpu.memory_space<vmem>>, vector<16xf32>,
      %max3A_626 = arith.maximumf %max3A_621, %get3A_625 : vector<16xf32>
      %get3A_627 = arith.constant 9 : i32
      %get3A_628 = arith.index_cast %get3A_627 : i32 to index
      %get3A_629 = arith.constant 16 : index
      %get3A_630 = tpu.vector_load %arg10[%get3A_628, %get3A_629] {strides = array<i32>} : memref<80x32xf32, #tpu.memory_space<vmem>>, vector<16xf32>,
      %max3A_631 = arith.maximumf %max3A_626, %get3A_630 : vector<16xf32>
      %get3A_632 = arith.constant 10 : i32
      %get3A_633 = arith.index_cast %get3A_632 : i32 to index
      %get3A_634 = arith.constant 16 : index
      %get3A_635 = tpu.vector_load %arg10[%get3A_633, %get3A_634] {strides = array<i32>} : memref<80x32xf32, #tpu.memory_space<vmem>>, vector<16xf32>,
      %max3A_636 = arith.maximumf %max3A_631, %get3A_635 : vector<16xf32>
      %get3A_637 = arith.constant 11 : i32
      %get3A_638 = arith.index_cast %get3A_637 : i32 to index
      %get3A_639 = arith.constant 16 : index
      %get3A_640 = tpu.vector_load %arg10[%get3A_638, %get3A_639] {strides = array<i32>} : memref<80x32xf32, #tpu.memory_space<vmem>>, vector<16xf32>,
      %max3A_641 = arith.maximumf %max3A_636, %get3A_640 : vector<16xf32>
      %get3A_642 = arith.constant 12 : i32
      %get3A_643 = arith.index_cast %get3A_642 : i32 to index
      %get3A_644 = arith.constant 16 : index
      %get3A_645 = tpu.vector_load %arg10[%get3A_643, %get3A_644] {strides = array<i32>} : memref<80x32xf32, #tpu.memory_space<vmem>>, vector<16xf32>,
      %max3A_646 = arith.maximumf %max3A_641, %get3A_645 : vector<16xf32>
      %get3A_647 = arith.constant 13 : i32
      %get3A_648 = arith.index_cast %get3A_647 : i32 to index
      %get3A_649 = arith.constant 16 : index
      %get3A_650 = tpu.vector_load %arg10[%get3A_648, %get3A_649] {strides = array<i32>} : memref<80x32xf32, #tpu.memory_space<vmem>>, vector<16xf32>,
      %max3A_651 = arith.maximumf %max3A_646, %get3A_650 : vector<16xf32>
      %get3A_652 = arith.constant 14 : i32
      %get3A_653 = arith.index_cast %get3A_652 : i32 to index
      %get3A_654 = arith.constant 16 : index
      %get3A_655 = tpu.vector_load %arg10[%get3A_653, %get3A_654] {strides = array<i32>} : memref<80x32xf32, #tpu.memory_space<vmem>>, vector<16xf32>,
      %max3A_656 = arith.maximumf %max3A_651, %get3A_655 : vector<16xf32>
      %get3A_657 = arith.constant 15 : i32
      %get3A_658 = arith.index_cast %get3A_657 : i32 to index
      %get3A_659 = arith.constant 16 : index
      %get3A_660 = tpu.vector_load %arg10[%get3A_658, %get3A_659] {strides = array<i32>} : memref<80x32xf32, #tpu.memory_space<vmem>>, vector<16xf32>,
      %max3A_661 = arith.maximumf %max3A_656, %get3A_660 : vector<16xf32>
      %get3A_662 = arith.constant 16 : i32
      %get3A_663 = arith.index_cast %get3A_662 : i32 to index
      %get3A_664 = arith.constant 16 : index
      %get3A_665 = tpu.vector_load %arg10[%get3A_663, %get3A_664] {strides = array<i32>} : memref<80x32xf32, #tpu.memory_space<vmem>>, vector<16xf32>,
      %max3A_666 = arith.maximumf %max3A_661, %get3A_665 : vector<16xf32>
      %get3A_667 = arith.constant 17 : i32
      %get3A_668 = arith.index_cast %get3A_667 : i32 to index
      %get3A_669 = arith.constant 16 : index
      %get3A_670 = tpu.vector_load %arg10[%get3A_668, %get3A_669] {strides = array<i32>} : memref<80x32xf32, #tpu.memory_space<vmem>>, vector<16xf32>,
      %max3A_671 = arith.maximumf %max3A_666, %get3A_670 : vector<16xf32>
      %get3A_672 = arith.constant 18 : i32
      %get3A_673 = arith.index_cast %get3A_672 : i32 to index
      %get3A_674 = arith.constant 16 : index
      %get3A_675 = tpu.vector_load %arg10[%get3A_673, %get3A_674] {strides = array<i32>} : memref<80x32xf32, #tpu.memory_space<vmem>>, vector<16xf32>,
      %max3A_676 = arith.maximumf %max3A_671, %get3A_675 : vector<16xf32>
      %get3A_677 = arith.constant 19 : i32
      %get3A_678 = arith.index_cast %get3A_677 : i32 to index
      %get3A_679 = arith.constant 16 : index
      %get3A_680 = tpu.vector_load %arg10[%get3A_678, %get3A_679] {strides = array<i32>} : memref<80x32xf32, #tpu.memory_space<vmem>>, vector<16xf32>,
      %max3A_681 = arith.maximumf %max3A_676, %get3A_680 : vector<16xf32>
      %get3A_682 = arith.constant 20 : i32
      %get3A_683 = arith.index_cast %get3A_682 : i32 to index
      %get3A_684 = arith.constant 16 : index
      %get3A_685 = tpu.vector_load %arg10[%get3A_683, %get3A_684] {strides = array<i32>} : memref<80x32xf32, #tpu.memory_space<vmem>>, vector<16xf32>,
      %max3A_686 = arith.maximumf %max3A_681, %get3A_685 : vector<16xf32>
      %get3A_687 = arith.constant 21 : i32
      %get3A_688 = arith.index_cast %get3A_687 : i32 to index
      %get3A_689 = arith.constant 16 : index
      %get3A_690 = tpu.vector_load %arg10[%get3A_688, %get3A_689] {strides = array<i32>} : memref<80x32xf32, #tpu.memory_space<vmem>>, vector<16xf32>,
      %max3A_691 = arith.maximumf %max3A_686, %get3A_690 : vector<16xf32>
      %get3A_692 = arith.constant 22 : i32
      %get3A_693 = arith.index_cast %get3A_692 : i32 to index
      %get3A_694 = arith.constant 16 : index
      %get3A_695 = tpu.vector_load %arg10[%get3A_693, %get3A_694] {strides = array<i32>} : memref<80x32xf32, #tpu.memory_space<vmem>>, vector<16xf32>,
      %max3A_696 = arith.maximumf %max3A_691, %get3A_695 : vector<16xf32>
      %get3A_697 = arith.constant 23 : i32
      %get3A_698 = arith.index_cast %get3A_697 : i32 to index
      %get3A_699 = arith.constant 16 : index
      %get3A_700 = tpu.vector_load %arg10[%get3A_698, %get3A_699] {strides = array<i32>} : memref<80x32xf32, #tpu.memory_space<vmem>>, vector<16xf32>,
      %max3A_701 = arith.maximumf %max3A_696, %get3A_700 : vector<16xf32>
      %get3A_702 = arith.constant 24 : i32
      %get3A_703 = arith.index_cast %get3A_702 : i32 to index
      %get3A_704 = arith.constant 16 : index
      %get3A_705 = tpu.vector_load %arg10[%get3A_703, %get3A_704] {strides = array<i32>} : memref<80x32xf32, #tpu.memory_space<vmem>>, vector<16xf32>,
      %max3A_706 = arith.maximumf %max3A_701, %get3A_705 : vector<16xf32>
      %get3A_707 = arith.constant 25 : i32
      %get3A_708 = arith.index_cast %get3A_707 : i32 to index
      %get3A_709 = arith.constant 16 : index
      %get3A_710 = tpu.vector_load %arg10[%get3A_708, %get3A_709] {strides = array<i32>} : memref<80x32xf32, #tpu.memory_space<vmem>>, vector<16xf32>,
      %max3A_711 = arith.maximumf %max3A_706, %get3A_710 : vector<16xf32>
      %get3A_712 = arith.constant 26 : i32
      %get3A_713 = arith.index_cast %get3A_712 : i32 to index
      %get3A_714 = arith.constant 16 : index
      %get3A_715 = tpu.vector_load %arg10[%get3A_713, %get3A_714] {strides = array<i32>} : memref<80x32xf32, #tpu.memory_space<vmem>>, vector<16xf32>,
      %max3A_716 = arith.maximumf %max3A_711, %get3A_715 : vector<16xf32>
      %get3A_717 = arith.constant 27 : i32
      %get3A_718 = arith.index_cast %get3A_717 : i32 to index
      %get3A_719 = arith.constant 16 : index
      %get3A_720 = tpu.vector_load %arg10[%get3A_718, %get3A_719] {strides = array<i32>} : memref<80x32xf32, #tpu.memory_space<vmem>>, vector<16xf32>,
      %max3A_721 = arith.maximumf %max3A_716, %get3A_720 : vector<16xf32>
      %get3A_722 = arith.constant 28 : i32
      %get3A_723 = arith.index_cast %get3A_722 : i32 to index
      %get3A_724 = arith.constant 16 : index
      %get3A_725 = tpu.vector_load %arg10[%get3A_723, %get3A_724] {strides = array<i32>} : memref<80x32xf32, #tpu.memory_space<vmem>>, vector<16xf32>,
      %max3A_726 = arith.maximumf %max3A_721, %get3A_725 : vector<16xf32>
      %get3A_727 = arith.constant 29 : i32
      %get3A_728 = arith.index_cast %get3A_727 : i32 to index
      %get3A_729 = arith.constant 16 : index
      %get3A_730 = tpu.vector_load %arg10[%get3A_728, %get3A_729] {strides = array<i32>} : memref<80x32xf32, #tpu.memory_space<vmem>>, vector<16xf32>,
      %max3A_731 = arith.maximumf %max3A_726, %get3A_730 : vector<16xf32>
      %get3A_732 = arith.constant 30 : i32
      %get3A_733 = arith.index_cast %get3A_732 : i32 to index
      %get3A_734 = arith.constant 16 : index
      %get3A_735 = tpu.vector_load %arg10[%get3A_733, %get3A_734] {strides = array<i32>} : memref<80x32xf32, #tpu.memory_space<vmem>>, vector<16xf32>,
      %max3A_736 = arith.maximumf %max3A_731, %get3A_735 : vector<16xf32>
      %get3A_737 = arith.constant 31 : i32
      %get3A_738 = arith.index_cast %get3A_737 : i32 to index
      %get3A_739 = arith.constant 16 : index
      %get3A_740 = tpu.vector_load %arg10[%get3A_738, %get3A_739] {strides = array<i32>} : memref<80x32xf32, #tpu.memory_space<vmem>>, vector<16xf32>,
      %max3A_741 = arith.maximumf %max3A_736, %get3A_740 : vector<16xf32>
      %get3A_742 = arith.constant 32 : i32
      %get3A_743 = arith.index_cast %get3A_742 : i32 to index
      %get3A_744 = arith.constant 16 : index
      %get3A_745 = tpu.vector_load %arg10[%get3A_743, %get3A_744] {strides = array<i32>} : memref<80x32xf32, #tpu.memory_space<vmem>>, vector<16xf32>,
      %max3A_746 = arith.maximumf %max3A_741, %get3A_745 : vector<16xf32>
      %get3A_747 = arith.constant 33 : i32
      %get3A_748 = arith.index_cast %get3A_747 : i32 to index
      %get3A_749 = arith.constant 16 : index
      %get3A_750 = tpu.vector_load %arg10[%get3A_748, %get3A_749] {strides = array<i32>} : memref<80x32xf32, #tpu.memory_space<vmem>>, vector<16xf32>,
      %max3A_751 = arith.maximumf %max3A_746, %get3A_750 : vector<16xf32>
      %get3A_752 = arith.constant 34 : i32
      %get3A_753 = arith.index_cast %get3A_752 : i32 to index
      %get3A_754 = arith.constant 16 : index
      %get3A_755 = tpu.vector_load %arg10[%get3A_753, %get3A_754] {strides = array<i32>} : memref<80x32xf32, #tpu.memory_space<vmem>>, vector<16xf32>,
      %max3A_756 = arith.maximumf %max3A_751, %get3A_755 : vector<16xf32>
      %get3A_757 = arith.constant 35 : i32
      %get3A_758 = arith.index_cast %get3A_757 : i32 to index
      %get3A_759 = arith.constant 16 : index
      %get3A_760 = tpu.vector_load %arg10[%get3A_758, %get3A_759] {strides = array<i32>} : memref<80x32xf32, #tpu.memory_space<vmem>>, vector<16xf32>,
      %max3A_761 = arith.maximumf %max3A_756, %get3A_760 : vector<16xf32>
      %get3A_762 = arith.constant 36 : i32
      %get3A_763 = arith.index_cast %get3A_762 : i32 to index
      %get3A_764 = arith.constant 16 : index
      %get3A_765 = tpu.vector_load %arg10[%get3A_763, %get3A_764] {strides = array<i32>} : memref<80x32xf32, #tpu.memory_space<vmem>>, vector<16xf32>,
      %max3A_766 = arith.maximumf %max3A_761, %get3A_765 : vector<16xf32>
      %get3A_767 = arith.constant 37 : i32
      %get3A_768 = arith.index_cast %get3A_767 : i32 to index
      %get3A_769 = arith.constant 16 : index
      %get3A_770 = tpu.vector_load %arg10[%get3A_768, %get3A_769] {strides = array<i32>} : memref<80x32xf32, #tpu.memory_space<vmem>>, vector<16xf32>,
      %max3A_771 = arith.maximumf %max3A_766, %get3A_770 : vector<16xf32>
      %get3A_772 = arith.constant 38 : i32
      %get3A_773 = arith.index_cast %get3A_772 : i32 to index
      %get3A_774 = arith.constant 16 : index
      %get3A_775 = tpu.vector_load %arg10[%get3A_773, %get3A_774] {strides = array<i32>} : memref<80x32xf32, #tpu.memory_space<vmem>>, vector<16xf32>,
      %max3A_776 = arith.maximumf %max3A_771, %get3A_775 : vector<16xf32>
      %get3A_777 = arith.constant 39 : i32
      %get3A_778 = arith.index_cast %get3A_777 : i32 to index
      %get3A_779 = arith.constant 16 : index
      %get3A_780 = tpu.vector_load %arg10[%get3A_778, %get3A_779] {strides = array<i32>} : memref<80x32xf32, #tpu.memory_space<vmem>>, vector<16xf32>,
      %max3A_781 = arith.maximumf %max3A_776, %get3A_780 : vector<16xf32>
      %get3A_782 = arith.constant 40 : i32
      %get3A_783 = arith.index_cast %get3A_782 : i32 to index
      %get3A_784 = arith.constant 16 : index
      %get3A_785 = tpu.vector_load %arg10[%get3A_783, %get3A_784] {strides = array<i32>} : memref<80x32xf32, #tpu.memory_space<vmem>>, vector<16xf32>,
      %max3A_786 = arith.maximumf %max3A_781, %get3A_785 : vector<16xf32>
      %get3A_787 = arith.constant 41 : i32
      %get3A_788 = arith.index_cast %get3A_787 : i32 to index
      %get3A_789 = arith.constant 16 : index
      %get3A_790 = tpu.vector_load %arg10[%get3A_788, %get3A_789] {strides = array<i32>} : memref<80x32xf32, #tpu.memory_space<vmem>>, vector<16xf32>,
      %max3A_791 = arith.maximumf %max3A_786, %get3A_790 : vector<16xf32>
      %get3A_792 = arith.constant 42 : i32
      %get3A_793 = arith.index_cast %get3A_792 : i32 to index
      %get3A_794 = arith.constant 16 : index
      %get3A_795 = tpu.vector_load %arg10[%get3A_793, %get3A_794] {strides = array<i32>} : memref<80x32xf32, #tpu.memory_space<vmem>>, vector<16xf32>,
      %max3A_796 = arith.maximumf %max3A_791, %get3A_795 : vector<16xf32>
      %get3A_797 = arith.constant 43 : i32
      %get3A_798 = arith.index_cast %get3A_797 : i32 to index
      %get3A_799 = arith.constant 16 : index
      %get3A_800 = tpu.vector_load %arg10[%get3A_798, %get3A_799] {strides = array<i32>} : memref<80x32xf32, #tpu.memory_space<vmem>>, vector<16xf32>,
      %max3A_801 = arith.maximumf %max3A_796, %get3A_800 : vector<16xf32>
      %get3A_802 = arith.constant 44 : i32
      %get3A_803 = arith.index_cast %get3A_802 : i32 to index
      %get3A_804 = arith.constant 16 : index
      %get3A_805 = tpu.vector_load %arg10[%get3A_803, %get3A_804] {strides = array<i32>} : memref<80x32xf32, #tpu.memory_space<vmem>>, vector<16xf32>,
      %max3A_806 = arith.maximumf %max3A_801, %get3A_805 : vector<16xf32>
      %get3A_807 = arith.constant 45 : i32
      %get3A_808 = arith.index_cast %get3A_807 : i32 to index
      %get3A_809 = arith.constant 16 : index
      %get3A_810 = tpu.vector_load %arg10[%get3A_808, %get3A_809] {strides = array<i32>} : memref<80x32xf32, #tpu.memory_space<vmem>>, vector<16xf32>,
      %max3A_811 = arith.maximumf %max3A_806, %get3A_810 : vector<16xf32>
      %get3A_812 = arith.constant 46 : i32
      %get3A_813 = arith.index_cast %get3A_812 : i32 to index
      %get3A_814 = arith.constant 16 : index
      %get3A_815 = tpu.vector_load %arg10[%get3A_813, %get3A_814] {strides = array<i32>} : memref<80x32xf32, #tpu.memory_space<vmem>>, vector<16xf32>,
      %max3A_816 = arith.maximumf %max3A_811, %get3A_815 : vector<16xf32>
      %get3A_817 = arith.constant 47 : i32
      %get3A_818 = arith.index_cast %get3A_817 : i32 to index
      %get3A_819 = arith.constant 16 : index
      %get3A_820 = tpu.vector_load %arg10[%get3A_818, %get3A_819] {strides = array<i32>} : memref<80x32xf32, #tpu.memory_space<vmem>>, vector<16xf32>,
      %max3A_821 = arith.maximumf %max3A_816, %get3A_820 : vector<16xf32>
      %get3A_822 = arith.constant 48 : i32
      %get3A_823 = arith.index_cast %get3A_822 : i32 to index
      %get3A_824 = arith.constant 16 : index
      %get3A_825 = tpu.vector_load %arg10[%get3A_823, %get3A_824] {strides = array<i32>} : memref<80x32xf32, #tpu.memory_space<vmem>>, vector<16xf32>,
      %max3A_826 = arith.maximumf %max3A_821, %get3A_825 : vector<16xf32>
      %get3A_827 = arith.constant 49 : i32
      %get3A_828 = arith.index_cast %get3A_827 : i32 to index
      %get3A_829 = arith.constant 16 : index
      %get3A_830 = tpu.vector_load %arg10[%get3A_828, %get3A_829] {strides = array<i32>} : memref<80x32xf32, #tpu.memory_space<vmem>>, vector<16xf32>,
      %max3A_831 = arith.maximumf %max3A_826, %get3A_830 : vector<16xf32>
      %get3A_832 = arith.constant 50 : i32
      %get3A_833 = arith.index_cast %get3A_832 : i32 to index
      %get3A_834 = arith.constant 16 : index
      %get3A_835 = tpu.vector_load %arg10[%get3A_833, %get3A_834] {strides = array<i32>} : memref<80x32xf32, #tpu.memory_space<vmem>>, vector<16xf32>,
      %max3A_836 = arith.maximumf %max3A_831, %get3A_835 : vector<16xf32>
      %get3A_837 = arith.constant 51 : i32
      %get3A_838 = arith.index_cast %get3A_837 : i32 to index
      %get3A_839 = arith.constant 16 : index
      %get3A_840 = tpu.vector_load %arg10[%get3A_838, %get3A_839] {strides = array<i32>} : memref<80x32xf32, #tpu.memory_space<vmem>>, vector<16xf32>,
      %max3A_841 = arith.maximumf %max3A_836, %get3A_840 : vector<16xf32>
      %get3A_842 = arith.constant 52 : i32
      %get3A_843 = arith.index_cast %get3A_842 : i32 to index
      %get3A_844 = arith.constant 16 : index
      %get3A_845 = tpu.vector_load %arg10[%get3A_843, %get3A_844] {strides = array<i32>} : memref<80x32xf32, #tpu.memory_space<vmem>>, vector<16xf32>,
      %max3A_846 = arith.maximumf %max3A_841, %get3A_845 : vector<16xf32>
      %get3A_847 = arith.constant 53 : i32
      %get3A_848 = arith.index_cast %get3A_847 : i32 to index
      %get3A_849 = arith.constant 16 : index
      %get3A_850 = tpu.vector_load %arg10[%get3A_848, %get3A_849] {strides = array<i32>} : memref<80x32xf32, #tpu.memory_space<vmem>>, vector<16xf32>,
      %max3A_851 = arith.maximumf %max3A_846, %get3A_850 : vector<16xf32>
      %get3A_852 = arith.constant 54 : i32
      %get3A_853 = arith.index_cast %get3A_852 : i32 to index
      %get3A_854 = arith.constant 16 : index
      %get3A_855 = tpu.vector_load %arg10[%get3A_853, %get3A_854] {strides = array<i32>} : memref<80x32xf32, #tpu.memory_space<vmem>>, vector<16xf32>,
      %max3A_856 = arith.maximumf %max3A_851, %get3A_855 : vector<16xf32>
      %get3A_857 = arith.constant 55 : i32
      %get3A_858 = arith.index_cast %get3A_857 : i32 to index
      %get3A_859 = arith.constant 16 : index
      %get3A_860 = tpu.vector_load %arg10[%get3A_858, %get3A_859] {strides = array<i32>} : memref<80x32xf32, #tpu.memory_space<vmem>>, vector<16xf32>,
      %max3A_861 = arith.maximumf %max3A_856, %get3A_860 : vector<16xf32>
      %get3A_862 = arith.constant 56 : i32
      %get3A_863 = arith.index_cast %get3A_862 : i32 to index
      %get3A_864 = arith.constant 16 : index
      %get3A_865 = tpu.vector_load %arg10[%get3A_863, %get3A_864] {strides = array<i32>} : memref<80x32xf32, #tpu.memory_space<vmem>>, vector<16xf32>,
      %max3A_866 = arith.maximumf %max3A_861, %get3A_865 : vector<16xf32>
      %get3A_867 = arith.constant 57 : i32
      %get3A_868 = arith.index_cast %get3A_867 : i32 to index
      %get3A_869 = arith.constant 16 : index
      %get3A_870 = tpu.vector_load %arg10[%get3A_868, %get3A_869] {strides = array<i32>} : memref<80x32xf32, #tpu.memory_space<vmem>>, vector<16xf32>,
      %max3A_871 = arith.maximumf %max3A_866, %get3A_870 : vector<16xf32>
      %get3A_872 = arith.constant 58 : i32
      %get3A_873 = arith.index_cast %get3A_872 : i32 to index
      %get3A_874 = arith.constant 16 : index
      %get3A_875 = tpu.vector_load %arg10[%get3A_873, %get3A_874] {strides = array<i32>} : memref<80x32xf32, #tpu.memory_space<vmem>>, vector<16xf32>,
      %max3A_876 = arith.maximumf %max3A_871, %get3A_875 : vector<16xf32>
      %get3A_877 = arith.constant 59 : i32
      %get3A_878 = arith.index_cast %get3A_877 : i32 to index
      %get3A_879 = arith.constant 16 : index
      %get3A_880 = tpu.vector_load %arg10[%get3A_878, %get3A_879] {strides = array<i32>} : memref<80x32xf32, #tpu.memory_space<vmem>>, vector<16xf32>,
      %max3A_881 = arith.maximumf %max3A_876, %get3A_880 : vector<16xf32>
      %get3A_882 = arith.constant 60 : i32
      %get3A_883 = arith.index_cast %get3A_882 : i32 to index
      %get3A_884 = arith.constant 16 : index
      %get3A_885 = tpu.vector_load %arg10[%get3A_883, %get3A_884] {strides = array<i32>} : memref<80x32xf32, #tpu.memory_space<vmem>>, vector<16xf32>,
      %max3A_886 = arith.maximumf %max3A_881, %get3A_885 : vector<16xf32>
      %get3A_887 = arith.constant 61 : i32
      %get3A_888 = arith.index_cast %get3A_887 : i32 to index
      %get3A_889 = arith.constant 16 : index
      %get3A_890 = tpu.vector_load %arg10[%get3A_888, %get3A_889] {strides = array<i32>} : memref<80x32xf32, #tpu.memory_space<vmem>>, vector<16xf32>,
      %max3A_891 = arith.maximumf %max3A_886, %get3A_890 : vector<16xf32>
      %get3A_892 = arith.constant 62 : i32
      %get3A_893 = arith.index_cast %get3A_892 : i32 to index
      %get3A_894 = arith.constant 16 : index
      %get3A_895 = tpu.vector_load %arg10[%get3A_893, %get3A_894] {strides = array<i32>} : memref<80x32xf32, #tpu.memory_space<vmem>>, vector<16xf32>,
      %max3A_896 = arith.maximumf %max3A_891, %get3A_895 : vector<16xf32>
      %get3A_897 = arith.constant 63 : i32
      %get3A_898 = arith.index_cast %get3A_897 : i32 to index
      %get3A_899 = arith.constant 16 : index
      %get3A_900 = tpu.vector_load %arg10[%get3A_898, %get3A_899] {strides = array<i32>} : memref<80x32xf32, #tpu.memory_space<vmem>>, vector<16xf32>,
      %max3A_901 = arith.maximumf %max3A_896, %get3A_900 : vector<16xf32>
      %get3A_902 = arith.constant 64 : i32
      %get3A_903 = arith.index_cast %get3A_902 : i32 to index
      %get3A_904 = arith.constant 16 : index
      %get3A_905 = tpu.vector_load %arg10[%get3A_903, %get3A_904] {strides = array<i32>} : memref<80x32xf32, #tpu.memory_space<vmem>>, vector<16xf32>,
      %max3A_906 = arith.maximumf %max3A_901, %get3A_905 : vector<16xf32>
      %get3A_907 = arith.constant 65 : i32
      %get3A_908 = arith.index_cast %get3A_907 : i32 to index
      %get3A_909 = arith.constant 16 : index
      %get3A_910 = tpu.vector_load %arg10[%get3A_908, %get3A_909] {strides = array<i32>} : memref<80x32xf32, #tpu.memory_space<vmem>>, vector<16xf32>,
      %max3A_911 = arith.maximumf %max3A_906, %get3A_910 : vector<16xf32>
      %get3A_912 = arith.constant 66 : i32
      %get3A_913 = arith.index_cast %get3A_912 : i32 to index
      %get3A_914 = arith.constant 16 : index
      %get3A_915 = tpu.vector_load %arg10[%get3A_913, %get3A_914] {strides = array<i32>} : memref<80x32xf32, #tpu.memory_space<vmem>>, vector<16xf32>,
      %max3A_916 = arith.maximumf %max3A_911, %get3A_915 : vector<16xf32>
      %get3A_917 = arith.constant 67 : i32
      %get3A_918 = arith.index_cast %get3A_917 : i32 to index
      %get3A_919 = arith.constant 16 : index
      %get3A_920 = tpu.vector_load %arg10[%get3A_918, %get3A_919] {strides = array<i32>} : memref<80x32xf32, #tpu.memory_space<vmem>>, vector<16xf32>,
      %max3A_921 = arith.maximumf %max3A_916, %get3A_920 : vector<16xf32>
      %get3A_922 = arith.constant 68 : i32
      %get3A_923 = arith.index_cast %get3A_922 : i32 to index
      %get3A_924 = arith.constant 16 : index
      %get3A_925 = tpu.vector_load %arg10[%get3A_923, %get3A_924] {strides = array<i32>} : memref<80x32xf32, #tpu.memory_space<vmem>>, vector<16xf32>,
      %max3A_926 = arith.maximumf %max3A_921, %get3A_925 : vector<16xf32>
      %get3A_927 = arith.constant 69 : i32
      %get3A_928 = arith.index_cast %get3A_927 : i32 to index
      %get3A_929 = arith.constant 16 : index
      %get3A_930 = tpu.vector_load %arg10[%get3A_928, %get3A_929] {strides = array<i32>} : memref<80x32xf32, #tpu.memory_space<vmem>>, vector<16xf32>,
      %max3A_931 = arith.maximumf %max3A_926, %get3A_930 : vector<16xf32>
      %get3A_932 = arith.constant 70 : i32
      %get3A_933 = arith.index_cast %get3A_932 : i32 to index
      %get3A_934 = arith.constant 16 : index
      %get3A_935 = tpu.vector_load %arg10[%get3A_933, %get3A_934] {strides = array<i32>} : memref<80x32xf32, #tpu.memory_space<vmem>>, vector<16xf32>,
      %max3A_936 = arith.maximumf %max3A_931, %get3A_935 : vector<16xf32>
      %get3A_937 = arith.constant 71 : i32
      %get3A_938 = arith.index_cast %get3A_937 : i32 to index
      %get3A_939 = arith.constant 16 : index
      %get3A_940 = tpu.vector_load %arg10[%get3A_938, %get3A_939] {strides = array<i32>} : memref<80x32xf32, #tpu.memory_space<vmem>>, vector<16xf32>,
      %max3A_941 = arith.maximumf %max3A_936, %get3A_940 : vector<16xf32>
      %get3A_942 = arith.constant 72 : i32
      %get3A_943 = arith.index_cast %get3A_942 : i32 to index
      %get3A_944 = arith.constant 16 : index
      %get3A_945 = tpu.vector_load %arg10[%get3A_943, %get3A_944] {strides = array<i32>} : memref<80x32xf32, #tpu.memory_space<vmem>>, vector<16xf32>,
      %max3A_946 = arith.maximumf %max3A_941, %get3A_945 : vector<16xf32>
      %get3A_947 = arith.constant 73 : i32
      %get3A_948 = arith.index_cast %get3A_947 : i32 to index
      %get3A_949 = arith.constant 16 : index
      %get3A_950 = tpu.vector_load %arg10[%get3A_948, %get3A_949] {strides = array<i32>} : memref<80x32xf32, #tpu.memory_space<vmem>>, vector<16xf32>,
      %max3A_951 = arith.maximumf %max3A_946, %get3A_950 : vector<16xf32>
      %get3A_952 = arith.constant 74 : i32
      %get3A_953 = arith.index_cast %get3A_952 : i32 to index
      %get3A_954 = arith.constant 16 : index
      %get3A_955 = tpu.vector_load %arg10[%get3A_953, %get3A_954] {strides = array<i32>} : memref<80x32xf32, #tpu.memory_space<vmem>>, vector<16xf32>,
      %max3A_956 = arith.maximumf %max3A_951, %get3A_955 : vector<16xf32>
      %get3A_957 = arith.constant 75 : i32
      %get3A_958 = arith.index_cast %get3A_957 : i32 to index
      %get3A_959 = arith.constant 16 : index
      %get3A_960 = tpu.vector_load %arg10[%get3A_958, %get3A_959] {strides = array<i32>} : memref<80x32xf32, #tpu.memory_space<vmem>>, vector<16xf32>,
      %max3A_961 = arith.maximumf %max3A_956, %get3A_960 : vector<16xf32>
      %get3A_962 = arith.constant 76 : i32
      %get3A_963 = arith.index_cast %get3A_962 : i32 to index
      %get3A_964 = arith.constant 16 : index
      %get3A_965 = tpu.vector_load %arg10[%get3A_963, %get3A_964] {strides = array<i32>} : memref<80x32xf32, #tpu.memory_space<vmem>>, vector<16xf32>,
      %max3A_966 = arith.maximumf %max3A_961, %get3A_965 : vector<16xf32>
      %get3A_967 = arith.constant 77 : i32
      %get3A_968 = arith.index_cast %get3A_967 : i32 to index
      %get3A_969 = arith.constant 16 : index
      %get3A_970 = tpu.vector_load %arg10[%get3A_968, %get3A_969] {strides = array<i32>} : memref<80x32xf32, #tpu.memory_space<vmem>>, vector<16xf32>,
      %max3A_971 = arith.maximumf %max3A_966, %get3A_970 : vector<16xf32>
      %get3A_972 = arith.constant 78 : i32
      %get3A_973 = arith.index_cast %get3A_972 : i32 to index
      %get3A_974 = arith.constant 16 : index
      %get3A_975 = tpu.vector_load %arg10[%get3A_973, %get3A_974] {strides = array<i32>} : memref<80x32xf32, #tpu.memory_space<vmem>>, vector<16xf32>,
      %max3A_976 = arith.maximumf %max3A_971, %get3A_975 : vector<16xf32>
      %get3A_977 = arith.constant 79 : i32
      %get3A_978 = arith.index_cast %get3A_977 : i32 to index
      %get3A_979 = arith.constant 16 : index
      %get3A_980 = tpu.vector_load %arg10[%get3A_978, %get3A_979] {strides = array<i32>} : memref<80x32xf32, #tpu.memory_space<vmem>>, vector<16xf32>,
      %max3A_981 = arith.maximumf %max3A_976, %get3A_980 : vector<16xf32>
      %get3A_982 = arith.constant 0 : i32
      %get3A_983 = arith.index_cast %get3A_982 : i32 to index
      %get3A_984 = arith.constant 16 : index
      %get3A_985 = tpu.vector_load %arg11[%get3A_983, %get3A_984] {strides = array<i32>} : memref<4x32xf32, #tpu.memory_space<vmem>>, vector<16xf32>,
      %get3A_986 = arith.constant 1 : i32
      %get3A_987 = arith.index_cast %get3A_986 : i32 to index
      %get3A_988 = arith.constant 16 : index
      %get3A_989 = tpu.vector_load %arg11[%get3A_987, %get3A_988] {strides = array<i32>} : memref<4x32xf32, #tpu.memory_space<vmem>>, vector<16xf32>,
      %add3A_990 = arith.addf %get3A_985, %get3A_989 : vector<16xf32>
      %get3A_991 = arith.constant 2 : i32
      %get3A_992 = arith.index_cast %get3A_991 : i32 to index
      %get3A_993 = arith.constant 16 : index
      %get3A_994 = tpu.vector_load %arg11[%get3A_992, %get3A_993] {strides = array<i32>} : memref<4x32xf32, #tpu.memory_space<vmem>>, vector<16xf32>,
      %add3A_995 = arith.addf %add3A_990, %get3A_994 : vector<16xf32>
      %get3A_996 = arith.constant 3 : i32
      %get3A_997 = arith.index_cast %get3A_996 : i32 to index
      %get3A_998 = arith.constant 16 : index
      %get3A_999 = tpu.vector_load %arg11[%get3A_997, %get3A_998] {strides = array<i32>} : memref<4x32xf32, #tpu.memory_space<vmem>>, vector<16xf32>,
      %add3A_1000 = arith.addf %add3A_995, %get3A_999 : vector<16xf32>
      %add3A_1001 = arith.addf %max3A_981, %add3A_1000 : vector<16xf32>
      %swap3A_1002 = arith.constant 49 : i32
      %swap3A_1003 = arith.index_cast %swap3A_1002 : i32 to index
      %swap3A_1004 = arith.constant 0 : index
      %swap3A_1005 = tpu.vector_load %arg12[%swap3A_1003, %swap3A_1004] {strides = array<i32>} : memref<50x16xf32, #tpu.memory_space<vmem>>, vector<16xf32>,
      tpu.vector_store %arg12[%swap3A_1003, %swap3A_1004], %add3A_1001 {strides = array<i32>} : memref<50x16xf32, #tpu.memory_space<vmem>>, vector<16xf32>,
      %broadcast_in_dim3A_1006 = arith.constant 19984 : i32
      %broadcast_in_dim3A_1007 = vector.broadcast %broadcast_in_dim3A_1006 : i32 to vector<16xi32>
      %add3A_1008 = arith.addi %broadcast_in_dim3A_1007, %iota3A : vector<16xi32>
      %ge3A_1009 = arith.constant 2.500000e-01 : f32
      %ge3A_1010 = vector.broadcast %ge3A_1009 : f32 to vector<16xf32>
      %ge3A_1011 = arith.cmpf oge, %max3A_981, %ge3A_1010 : vector<16xf32>
      %not3A_1012 = arith.constant dense<true> : vector<16xi1>
      %not3A_1013 = arith.xori %ge3A_1011, %not3A_1012 : vector<16xi1>
      %jit3A_1014 = arith.constant 1073741824 : i32
      %broadcast_in_dim3A_1015 = vector.broadcast %jit3A_1014 : i32 to vector<16xi32>
      %select_n3A_1016 = arith.select %not3A_1013, %add3A_1008, %broadcast_in_dim3A_1015 : vector<16xi1>, vector<16xi32>
      %min3A_1017 = arith.minsi %min3A_582, %select_n3A_1016 : vector<16xi32>
      %swap3A_1018 = arith.constant 0 : index
      %swap3A_1019 = tpu.vector_load %arg14[%swap3A_1018] {strides = array<i32>} : memref<16xi32, #tpu.memory_space<vmem>>, vector<16xi32>,
      tpu.vector_store %arg14[%swap3A_1018], %min3A_1017 {strides = array<i32>} : memref<16xi32, #tpu.memory_space<vmem>>, vector<16xi32>,
    } else {
    }
    %not3A_76 = arith.constant true
    %not3A_77 = arith.xori %eq3A_21, %not3A_76 : i1
    %convert_element_type3A_78 = arith.extui %not3A_77 : i1 to i32
    %cond3A_79 = arith.constant 0 : i32
    %cond3A_80 = arith.cmpi ne, %convert_element_type3A_78, %cond3A_79 : i32
    scf.if %cond3A_80 {
      %swap3A_150 = arith.constant 0 : index
      %swap3A_151 = tpu.vector_load %arg14[%swap3A_150] {strides = array<i32>} : memref<16xi32, #tpu.memory_space<vmem>>, vector<16xi32>,
      tpu.vector_store %arg14[%swap3A_150], %scan3A_71 {strides = array<i32>} : memref<16xi32, #tpu.memory_space<vmem>>, vector<16xi32>,
    } else {
    }
    %get3A = arith.constant 0 : index
    %get3A_81 = tpu.vector_load %arg14[%get3A] {strides = array<i32>} : memref<16xi32, #tpu.memory_space<vmem>>, vector<16xi32>,
    %reduce_min3A = arith.constant true
    %reduce_min3A_82 = vector.broadcast %reduce_min3A : i1 to vector<16xi1>
    %reduce_min3A_83 = arith.constant -2147483648 : i32
    %reduce_min3A_84 = vector.broadcast %reduce_min3A_83 : i32 to vector<16xi32>
    %reduce_min3A_85 = arith.xori %get3A_81, %reduce_min3A_84 : vector<16xi32>
    %reduce_min3A_86 = tpu.scan <min>, %reduce_min3A_85 masked %reduce_min3A_82 : vector<16xi32>, vector<16xi1> -> vector<16xi32>
    %reduce_min3A_87 = arith.xori %reduce_min3A_86, %reduce_min3A_84 : vector<16xi32>
    %reduce_min3A_88 = vector.extract %reduce_min3A_87[15] : i32 from vector<16xi32>
    %min3A_89 = arith.minsi %reduce_min3A_88, %min3A : i32
    %broadcast_in_dim3A_90 = vector.broadcast %min3A_89 : i32 to vector<16xi32>
    %add3A_91 = arith.constant 625 : i32
    %add3A_92 = arith.addi %mul3A_2, %add3A_91 : i32
    %min3A_93 = arith.minsi %reduce_min3A_88, %add3A_92 : i32
    %broadcast_in_dim3A_94 = vector.broadcast %min3A_93 : i32 to vector<16xi32>
    %broadcast_in_dim3A_95 = arith.constant 0.000000e+00 : f32
    %broadcast_in_dim3A_96 = vector.broadcast %broadcast_in_dim3A_95 : f32 to vector<16xf32>
    %scan3A_97 = arith.constant 0 : i32
    %scan3A_98 = arith.constant 48 : i32
    %scan3A_99 = arith.addi %scan3A_97, %scan3A_98 : i32
    %scan3A_100 = arith.constant 4 : i32
    %scan3A_101 = scf.for %scan3A_150 = %scan3A_97 to %scan3A_99 step %scan3A_100 iter_args(%scan3A_151 = %broadcast_in_dim3A_96) -> (vector<16xf32>)  : i32 {
      %mul3A_152 = arith.constant 16 : i32
      %mul3A_153 = arith.muli %scan3A_150, %mul3A_152 : i32
      %add3A_154 = arith.addi %multiple_of3A, %mul3A_153 : i32
      %broadcast_in_dim3A_155 = vector.broadcast %add3A_154 : i32 to vector<16xi32>
      %add3A_156 = arith.addi %broadcast_in_dim3A_155, %iota3A : vector<16xi32>
      %ge3A = arith.cmpi sge, %add3A_156, %broadcast_in_dim3A : vector<16xi32>
      %lt3A = arith.cmpi slt, %add3A_156, %broadcast_in_dim3A_90 : vector<16xi32>
      %and3A_157 = arith.andi %ge3A, %lt3A : vector<16xi1>
      %get3A_158 = arith.index_cast %scan3A_150 : i32 to index
      %get3A_159 = arith.constant 0 : index
      %get3A_160 = tpu.vector_load %arg12[%get3A_158, %get3A_159] {strides = array<i32>} : memref<50x16xf32, #tpu.memory_space<vmem>>, vector<16xf32>,
      %jit3A_161 = arith.constant 0.000000e+00 : f32
      %broadcast_in_dim3A_162 = vector.broadcast %jit3A_161 : f32 to vector<16xf32>
      %select_n3A_163 = arith.select %and3A_157, %get3A_160, %broadcast_in_dim3A_162 : vector<16xi1>, vector<16xf32>
      %add3A_164 = arith.addf %scan3A_151, %select_n3A_163 : vector<16xf32>
      %scan3A_165 = arith.constant 1 : i32
      %scan3A_166 = arith.addi %scan3A_150, %scan3A_165 : i32
      %mul3A_167 = arith.constant 16 : i32
      %mul3A_168 = arith.muli %scan3A_166, %mul3A_167 : i32
      %add3A_169 = arith.addi %multiple_of3A, %mul3A_168 : i32
      %broadcast_in_dim3A_170 = vector.broadcast %add3A_169 : i32 to vector<16xi32>
      %add3A_171 = arith.addi %broadcast_in_dim3A_170, %iota3A : vector<16xi32>
      %ge3A_172 = arith.cmpi sge, %add3A_171, %broadcast_in_dim3A : vector<16xi32>
      %lt3A_173 = arith.cmpi slt, %add3A_171, %broadcast_in_dim3A_90 : vector<16xi32>
      %and3A_174 = arith.andi %ge3A_172, %lt3A_173 : vector<16xi1>
      %get3A_175 = arith.index_cast %scan3A_166 : i32 to index
      %get3A_176 = arith.constant 0 : index
      %get3A_177 = tpu.vector_load %arg12[%get3A_175, %get3A_176] {strides = array<i32>} : memref<50x16xf32, #tpu.memory_space<vmem>>, vector<16xf32>,
      %jit3A_178 = arith.constant 0.000000e+00 : f32
      %broadcast_in_dim3A_179 = vector.broadcast %jit3A_178 : f32 to vector<16xf32>
      %select_n3A_180 = arith.select %and3A_174, %get3A_177, %broadcast_in_dim3A_179 : vector<16xi1>, vector<16xf32>
      %add3A_181 = arith.addf %add3A_164, %select_n3A_180 : vector<16xf32>
      %scan3A_182 = arith.constant 2 : i32
      %scan3A_183 = arith.addi %scan3A_150, %scan3A_182 : i32
      %mul3A_184 = arith.constant 16 : i32
      %mul3A_185 = arith.muli %scan3A_183, %mul3A_184 : i32
      %add3A_186 = arith.addi %multiple_of3A, %mul3A_185 : i32
      %broadcast_in_dim3A_187 = vector.broadcast %add3A_186 : i32 to vector<16xi32>
      %add3A_188 = arith.addi %broadcast_in_dim3A_187, %iota3A : vector<16xi32>
      %ge3A_189 = arith.cmpi sge, %add3A_188, %broadcast_in_dim3A : vector<16xi32>
      %lt3A_190 = arith.cmpi slt, %add3A_188, %broadcast_in_dim3A_90 : vector<16xi32>
      %and3A_191 = arith.andi %ge3A_189, %lt3A_190 : vector<16xi1>
      %get3A_192 = arith.index_cast %scan3A_183 : i32 to index
      %get3A_193 = arith.constant 0 : index
      %get3A_194 = tpu.vector_load %arg12[%get3A_192, %get3A_193] {strides = array<i32>} : memref<50x16xf32, #tpu.memory_space<vmem>>, vector<16xf32>,
      %jit3A_195 = arith.constant 0.000000e+00 : f32
      %broadcast_in_dim3A_196 = vector.broadcast %jit3A_195 : f32 to vector<16xf32>
      %select_n3A_197 = arith.select %and3A_191, %get3A_194, %broadcast_in_dim3A_196 : vector<16xi1>, vector<16xf32>
      %add3A_198 = arith.addf %add3A_181, %select_n3A_197 : vector<16xf32>
      %scan3A_199 = arith.constant 3 : i32
      %scan3A_200 = arith.addi %scan3A_150, %scan3A_199 : i32
      %mul3A_201 = arith.constant 16 : i32
      %mul3A_202 = arith.muli %scan3A_200, %mul3A_201 : i32
      %add3A_203 = arith.addi %multiple_of3A, %mul3A_202 : i32
      %broadcast_in_dim3A_204 = vector.broadcast %add3A_203 : i32 to vector<16xi32>
      %add3A_205 = arith.addi %broadcast_in_dim3A_204, %iota3A : vector<16xi32>
      %ge3A_206 = arith.cmpi sge, %add3A_205, %broadcast_in_dim3A : vector<16xi32>
      %lt3A_207 = arith.cmpi slt, %add3A_205, %broadcast_in_dim3A_90 : vector<16xi32>
      %and3A_208 = arith.andi %ge3A_206, %lt3A_207 : vector<16xi1>
      %get3A_209 = arith.index_cast %scan3A_200 : i32 to index
      %get3A_210 = arith.constant 0 : index
      %get3A_211 = tpu.vector_load %arg12[%get3A_209, %get3A_210] {strides = array<i32>} : memref<50x16xf32, #tpu.memory_space<vmem>>, vector<16xf32>,
      %jit3A_212 = arith.constant 0.000000e+00 : f32
      %broadcast_in_dim3A_213 = vector.broadcast %jit3A_212 : f32 to vector<16xf32>
      %select_n3A_214 = arith.select %and3A_208, %get3A_211, %broadcast_in_dim3A_213 : vector<16xi1>, vector<16xf32>
      %add3A_215 = arith.addf %add3A_198, %select_n3A_214 : vector<16xf32>
      scf.yield %add3A_215 : vector<16xf32>
    }
    %scan3A_102 = arith.constant 48 : i32
    %convert_element_type3A_103 = arith.extui %eq3A_21 : i1 to i32
    %cond3A_104 = arith.constant 0 : i32
    %cond3A_105 = arith.cmpi ne, %convert_element_type3A_103, %cond3A_104 : i32
    scf.if %cond3A_105 {
      %broadcast_in_dim3A_150 = arith.constant 19968 : i32
      %broadcast_in_dim3A_151 = vector.broadcast %broadcast_in_dim3A_150 : i32 to vector<16xi32>
      %add3A_152 = arith.addi %broadcast_in_dim3A_151, %iota3A : vector<16xi32>
      %lt3A = arith.cmpi slt, %add3A_152, %broadcast_in_dim3A_94 : vector<16xi32>
      %get3A_153 = arith.constant 48 : i32
      %get3A_154 = arith.index_cast %get3A_153 : i32 to index
      %get3A_155 = arith.constant 0 : index
      %get3A_156 = tpu.vector_load %arg12[%get3A_154, %get3A_155] {strides = array<i32>} : memref<50x16xf32, #tpu.memory_space<vmem>>, vector<16xf32>,
      %jit3A_157 = arith.constant 0.000000e+00 : f32
      %broadcast_in_dim3A_158 = vector.broadcast %jit3A_157 : f32 to vector<16xf32>
      %select_n3A_159 = arith.select %lt3A, %get3A_156, %broadcast_in_dim3A_158 : vector<16xi1>, vector<16xf32>
      %add3A_160 = arith.addf %scan3A_101, %select_n3A_159 : vector<16xf32>
      %broadcast_in_dim3A_161 = arith.constant 19984 : i32
      %broadcast_in_dim3A_162 = vector.broadcast %broadcast_in_dim3A_161 : i32 to vector<16xi32>
      %add3A_163 = arith.addi %broadcast_in_dim3A_162, %iota3A : vector<16xi32>
      %lt3A_164 = arith.cmpi slt, %add3A_163, %broadcast_in_dim3A_94 : vector<16xi32>
      %get3A_165 = arith.constant 49 : i32
      %get3A_166 = arith.index_cast %get3A_165 : i32 to index
      %get3A_167 = arith.constant 0 : index
      %get3A_168 = tpu.vector_load %arg12[%get3A_166, %get3A_167] {strides = array<i32>} : memref<50x16xf32, #tpu.memory_space<vmem>>, vector<16xf32>,
      %jit3A_169 = arith.constant 0.000000e+00 : f32
      %broadcast_in_dim3A_170 = vector.broadcast %jit3A_169 : f32 to vector<16xf32>
      %select_n3A_171 = arith.select %lt3A_164, %get3A_168, %broadcast_in_dim3A_170 : vector<16xi1>, vector<16xf32>
      %add3A_172 = arith.addf %add3A_160, %select_n3A_171 : vector<16xf32>
      %swap3A_173 = arith.constant 0 : index
      %swap3A_174 = tpu.vector_load %arg13[%swap3A_173] {strides = array<i32>} : memref<16xf32, #tpu.memory_space<vmem>>, vector<16xf32>,
      tpu.vector_store %arg13[%swap3A_173], %add3A_172 {strides = array<i32>} : memref<16xf32, #tpu.memory_space<vmem>>, vector<16xf32>,
    } else {
    }
    %not3A_106 = arith.constant true
    %not3A_107 = arith.xori %eq3A_21, %not3A_106 : i1
    %convert_element_type3A_108 = arith.extui %not3A_107 : i1 to i32
    %cond3A_109 = arith.constant 0 : i32
    %cond3A_110 = arith.cmpi ne, %convert_element_type3A_108, %cond3A_109 : i32
    scf.if %cond3A_110 {
      %swap3A_150 = arith.constant 0 : index
      %swap3A_151 = tpu.vector_load %arg13[%swap3A_150] {strides = array<i32>} : memref<16xf32, #tpu.memory_space<vmem>>, vector<16xf32>,
      tpu.vector_store %arg13[%swap3A_150], %scan3A_101 {strides = array<i32>} : memref<16xf32, #tpu.memory_space<vmem>>, vector<16xf32>,
    } else {
    }
    %get3A_111 = arith.constant 0 : index
    %get3A_112 = tpu.vector_load %arg13[%get3A_111] {strides = array<i32>} : memref<16xf32, #tpu.memory_space<vmem>>, vector<16xf32>,
    %reduce_sum3A = arith.constant true
    %reduce_sum3A_113 = vector.broadcast %reduce_sum3A : i1 to vector<16xi1>
    %reduce_sum3A_114 = tpu.scan <sum>, %get3A_112 masked %reduce_sum3A_113 : vector<16xf32>, vector<16xi1> -> vector<16xf32>
    %reduce_sum3A_115 = vector.extract %reduce_sum3A_114[15] : f32 from vector<16xf32>
    %broadcast_in_dim3A_116 = vector.broadcast %reduce_sum3A_115 : f32 to vector<16xf32>
    %swap3A = arith.constant 0 : index
    %swap3A_117 = tpu.vector_load %arg13[%swap3A] {strides = array<i32>} : memref<16xf32, #tpu.memory_space<vmem>>, vector<16xf32>,
    tpu.vector_store %arg13[%swap3A], %broadcast_in_dim3A_116 {strides = array<i32>} : memref<16xf32, #tpu.memory_space<vmem>>, vector<16xf32>,
    %broadcast_in_dim3A_118 = vector.broadcast %reduce_min3A_88 : i32 to vector<16xi32>
    %swap3A_119 = arith.constant 0 : index
    %swap3A_120 = tpu.vector_load %arg14[%swap3A_119] {strides = array<i32>} : memref<16xi32, #tpu.memory_space<vmem>>, vector<16xi32>,
    tpu.vector_store %arg14[%swap3A_119], %broadcast_in_dim3A_118 {strides = array<i32>} : memref<16xi32, #tpu.memory_space<vmem>>, vector<16xi32>,
    %dma_start3A_121 = arith.constant 0 : i32
    %dma_start3A_122 = tpu.memref_slice %arg6[%add3A, %dma_start3A_121] : memref<32x16xf32, #tpu.memory_space<hbm>> -> memref<1x16xf32, #tpu.memory_space<hbm>>
    %dma_start3A_123 = tpu.memref_squeeze %dma_start3A_122 : memref<1x16xf32, #tpu.memory_space<hbm>> -> memref<16xf32, #tpu.memory_space<hbm>>
    %dma_start3A_124 = arith.constant 0 : i32
    %dma_start3A_125 = tpu.memref_slice %arg6[%add3A, %dma_start3A_124] : memref<32x16xf32, #tpu.memory_space<hbm>> -> memref<1x16xf32, #tpu.memory_space<hbm>>
    %dma_start3A_126 = tpu.memref_squeeze %dma_start3A_125 : memref<1x16xf32, #tpu.memory_space<hbm>> -> memref<16xf32, #tpu.memory_space<hbm>>
    tpu.enqueue_dma source(%arg13 : memref<16xf32, #tpu.memory_space<vmem>>) target(%dma_start3A_126 : memref<16xf32, #tpu.memory_space<hbm>>) target_semaphore(%arg17 : memref<!tpu.dma_semaphore, #tpu.memory_space<semaphore_mem>>)
    %dma_start3A_127 = arith.constant 0 : i32
    %dma_start3A_128 = tpu.memref_slice %arg7[%add3A, %dma_start3A_127] : memref<32x16xi32, #tpu.memory_space<hbm>> -> memref<1x16xi32, #tpu.memory_space<hbm>>
    %dma_start3A_129 = tpu.memref_squeeze %dma_start3A_128 : memref<1x16xi32, #tpu.memory_space<hbm>> -> memref<16xi32, #tpu.memory_space<hbm>>
    %dma_start3A_130 = arith.constant 0 : i32
    %dma_start3A_131 = tpu.memref_slice %arg7[%add3A, %dma_start3A_130] : memref<32x16xi32, #tpu.memory_space<hbm>> -> memref<1x16xi32, #tpu.memory_space<hbm>>
    %dma_start3A_132 = tpu.memref_squeeze %dma_start3A_131 : memref<1x16xi32, #tpu.memory_space<hbm>> -> memref<16xi32, #tpu.memory_space<hbm>>
    tpu.enqueue_dma source(%arg14 : memref<16xi32, #tpu.memory_space<vmem>>) target(%dma_start3A_132 : memref<16xi32, #tpu.memory_space<hbm>>) target_semaphore(%arg18 : memref<!tpu.dma_semaphore, #tpu.memory_space<semaphore_mem>>)
    %dma_wait3A_133 = arith.constant 0 : i32
    %dma_wait3A_134 = tpu.memref_slice %arg6[%add3A, %dma_wait3A_133] : memref<32x16xf32, #tpu.memory_space<hbm>> -> memref<1x16xf32, #tpu.memory_space<hbm>>
    %dma_wait3A_135 = tpu.memref_squeeze %dma_wait3A_134 : memref<1x16xf32, #tpu.memory_space<hbm>> -> memref<16xf32, #tpu.memory_space<hbm>>
    %dma_wait3A_136 = arith.constant 0 : i32
    %dma_wait3A_137 = tpu.memref_slice %arg6[%add3A, %dma_wait3A_136] : memref<32x16xf32, #tpu.memory_space<hbm>> -> memref<1x16xf32, #tpu.memory_space<hbm>>
    %dma_wait3A_138 = tpu.memref_squeeze %dma_wait3A_137 : memref<1x16xf32, #tpu.memory_space<hbm>> -> memref<16xf32, #tpu.memory_space<hbm>>
    tpu.wait_dma2 semaphore(%arg17 : memref<!tpu.dma_semaphore, #tpu.memory_space<semaphore_mem>>) src(%arg13 : memref<16xf32, #tpu.memory_space<vmem>>) dst(%dma_wait3A_138 : memref<16xf32, #tpu.memory_space<hbm>>)
    %dma_wait3A_139 = arith.constant 0 : i32
    %dma_wait3A_140 = tpu.memref_slice %arg7[%add3A, %dma_wait3A_139] : memref<32x16xi32, #tpu.memory_space<hbm>> -> memref<1x16xi32, #tpu.memory_space<hbm>>
    %dma_wait3A_141 = tpu.memref_squeeze %dma_wait3A_140 : memref<1x16xi32, #tpu.memory_space<hbm>> -> memref<16xi32, #tpu.memory_space<hbm>>
    %dma_wait3A_142 = arith.constant 0 : i32
    %dma_wait3A_143 = tpu.memref_slice %arg7[%add3A, %dma_wait3A_142] : memref<32x16xi32, #tpu.memory_space<hbm>> -> memref<1x16xi32, #tpu.memory_space<hbm>>
    %dma_wait3A_144 = tpu.memref_squeeze %dma_wait3A_143 : memref<1x16xi32, #tpu.memory_space<hbm>> -> memref<16xi32, #tpu.memory_space<hbm>>
    tpu.wait_dma2 semaphore(%arg18 : memref<!tpu.dma_semaphore, #tpu.memory_space<semaphore_mem>>) src(%arg14 : memref<16xi32, #tpu.memory_space<vmem>>) dst(%dma_wait3A_144 : memref<16xi32, #tpu.memory_space<hbm>>)
    %barrier3A = arith.constant 0 : index
    tpu.barrier barrier_id(%barrier3A)
    %eq3A_145 = arith.constant 0 : i32
    %eq3A_146 = arith.cmpi eq, %arg1, %eq3A_145 : i32
    %convert_element_type3A_147 = arith.extui %eq3A_146 : i1 to i32
    %cond3A_148 = arith.constant 0 : i32
    %cond3A_149 = arith.cmpi ne, %convert_element_type3A_147, %cond3A_148 : i32
    scf.if %cond3A_149 {
      %mul3A_150 = arith.constant 16 : i32
      %mul3A_151 = arith.muli %arg0, %mul3A_150 : i32
      %dma_start3A_152 = arith.constant 0 : i32
      %dma_start3A_153 = tpu.memref_slice %arg6[%mul3A_151, %dma_start3A_152] : memref<32x16xf32, #tpu.memory_space<hbm>> -> memref<16x16xf32, #tpu.memory_space<hbm>>
      %dma_start3A_154 = arith.constant 0 : i32
      %dma_start3A_155 = tpu.memref_slice %arg6[%mul3A_151, %dma_start3A_154] : memref<32x16xf32, #tpu.memory_space<hbm>> -> memref<16x16xf32, #tpu.memory_space<hbm>>
      tpu.enqueue_dma source(%dma_start3A_155 : memref<16x16xf32, #tpu.memory_space<hbm>>) target(%arg15 : memref<16x16xf32, #tpu.memory_space<vmem>>) target_semaphore(%arg17 : memref<!tpu.dma_semaphore, #tpu.memory_space<semaphore_mem>>)
      %mul3A_156 = arith.constant 16 : i32
      %mul3A_157 = arith.muli %arg0, %mul3A_156 : i32
      %dma_start3A_158 = arith.constant 0 : i32
      %dma_start3A_159 = tpu.memref_slice %arg7[%mul3A_157, %dma_start3A_158] : memref<32x16xi32, #tpu.memory_space<hbm>> -> memref<16x16xi32, #tpu.memory_space<hbm>>
      %dma_start3A_160 = arith.constant 0 : i32
      %dma_start3A_161 = tpu.memref_slice %arg7[%mul3A_157, %dma_start3A_160] : memref<32x16xi32, #tpu.memory_space<hbm>> -> memref<16x16xi32, #tpu.memory_space<hbm>>
      tpu.enqueue_dma source(%dma_start3A_161 : memref<16x16xi32, #tpu.memory_space<hbm>>) target(%arg16 : memref<16x16xi32, #tpu.memory_space<vmem>>) target_semaphore(%arg18 : memref<!tpu.dma_semaphore, #tpu.memory_space<semaphore_mem>>)
      %dma_wait3A_162 = arith.constant 0 : i32
      %dma_wait3A_163 = tpu.memref_slice %arg6[%mul3A_151, %dma_wait3A_162] : memref<32x16xf32, #tpu.memory_space<hbm>> -> memref<16x16xf32, #tpu.memory_space<hbm>>
      %dma_wait3A_164 = arith.constant 0 : i32
      %dma_wait3A_165 = tpu.memref_slice %arg6[%mul3A_151, %dma_wait3A_164] : memref<32x16xf32, #tpu.memory_space<hbm>> -> memref<16x16xf32, #tpu.memory_space<hbm>>
      tpu.wait_dma2 semaphore(%arg17 : memref<!tpu.dma_semaphore, #tpu.memory_space<semaphore_mem>>) src(%dma_wait3A_165 : memref<16x16xf32, #tpu.memory_space<hbm>>) dst(%arg15 : memref<16x16xf32, #tpu.memory_space<vmem>>)
      %dma_wait3A_166 = arith.constant 0 : i32
      %dma_wait3A_167 = tpu.memref_slice %arg7[%mul3A_157, %dma_wait3A_166] : memref<32x16xi32, #tpu.memory_space<hbm>> -> memref<16x16xi32, #tpu.memory_space<hbm>>
      %dma_wait3A_168 = arith.constant 0 : i32
      %dma_wait3A_169 = tpu.memref_slice %arg7[%mul3A_157, %dma_wait3A_168] : memref<32x16xi32, #tpu.memory_space<hbm>> -> memref<16x16xi32, #tpu.memory_space<hbm>>
      tpu.wait_dma2 semaphore(%arg18 : memref<!tpu.dma_semaphore, #tpu.memory_space<semaphore_mem>>) src(%dma_wait3A_169 : memref<16x16xi32, #tpu.memory_space<hbm>>) dst(%arg16 : memref<16x16xi32, #tpu.memory_space<vmem>>)
      %broadcast_in_dim3A_170 = arith.constant 0.000000e+00 : f32
      %broadcast_in_dim3A_171 = vector.broadcast %broadcast_in_dim3A_170 : f32 to vector<16xf32>
      %broadcast_in_dim3A_172 = arith.constant 1073741824 : i32
      %broadcast_in_dim3A_173 = vector.broadcast %broadcast_in_dim3A_172 : i32 to vector<16xi32>
      %eq3A_174 = arith.constant 0 : i32
      %eq3A_175 = vector.broadcast %eq3A_174 : i32 to vector<16xi32>
      %eq3A_176 = arith.cmpi eq, %iota3A, %eq3A_175 : vector<16xi32>
      %get3A_177 = arith.constant 0 : i32
      %get3A_178 = arith.index_cast %get3A_177 : i32 to index
      %get3A_179 = arith.constant 0 : index
      %get3A_180 = tpu.vector_load %arg15[%get3A_178, %get3A_179] {strides = array<i32>} : memref<16x16xf32, #tpu.memory_space<vmem>>, vector<16xf32>,
      %select_n3A_181 = arith.select %eq3A_176, %get3A_180, %broadcast_in_dim3A_171 : vector<16xi1>, vector<16xf32>
      %eq3A_182 = arith.constant 0 : i32
      %eq3A_183 = vector.broadcast %eq3A_182 : i32 to vector<16xi32>
      %eq3A_184 = arith.cmpi eq, %iota3A, %eq3A_183 : vector<16xi32>
      %get3A_185 = arith.constant 0 : i32
      %get3A_186 = arith.index_cast %get3A_185 : i32 to index
      %get3A_187 = arith.constant 0 : index
      %get3A_188 = tpu.vector_load %arg16[%get3A_186, %get3A_187] {strides = array<i32>} : memref<16x16xi32, #tpu.memory_space<vmem>>, vector<16xi32>,
      %select_n3A_189 = arith.select %eq3A_184, %get3A_188, %broadcast_in_dim3A_173 : vector<16xi1>, vector<16xi32>
      %eq3A_190 = arith.constant 1 : i32
      %eq3A_191 = vector.broadcast %eq3A_190 : i32 to vector<16xi32>
      %eq3A_192 = arith.cmpi eq, %iota3A, %eq3A_191 : vector<16xi32>
      %get3A_193 = arith.constant 1 : i32
      %get3A_194 = arith.index_cast %get3A_193 : i32 to index
      %get3A_195 = arith.constant 0 : index
      %get3A_196 = tpu.vector_load %arg15[%get3A_194, %get3A_195] {strides = array<i32>} : memref<16x16xf32, #tpu.memory_space<vmem>>, vector<16xf32>,
      %select_n3A_197 = arith.select %eq3A_192, %get3A_196, %select_n3A_181 : vector<16xi1>, vector<16xf32>
      %eq3A_198 = arith.constant 1 : i32
      %eq3A_199 = vector.broadcast %eq3A_198 : i32 to vector<16xi32>
      %eq3A_200 = arith.cmpi eq, %iota3A, %eq3A_199 : vector<16xi32>
      %get3A_201 = arith.constant 1 : i32
      %get3A_202 = arith.index_cast %get3A_201 : i32 to index
      %get3A_203 = arith.constant 0 : index
      %get3A_204 = tpu.vector_load %arg16[%get3A_202, %get3A_203] {strides = array<i32>} : memref<16x16xi32, #tpu.memory_space<vmem>>, vector<16xi32>,
      %select_n3A_205 = arith.select %eq3A_200, %get3A_204, %select_n3A_189 : vector<16xi1>, vector<16xi32>
      %eq3A_206 = arith.constant 2 : i32
      %eq3A_207 = vector.broadcast %eq3A_206 : i32 to vector<16xi32>
      %eq3A_208 = arith.cmpi eq, %iota3A, %eq3A_207 : vector<16xi32>
      %get3A_209 = arith.constant 2 : i32
      %get3A_210 = arith.index_cast %get3A_209 : i32 to index
      %get3A_211 = arith.constant 0 : index
      %get3A_212 = tpu.vector_load %arg15[%get3A_210, %get3A_211] {strides = array<i32>} : memref<16x16xf32, #tpu.memory_space<vmem>>, vector<16xf32>,
      %select_n3A_213 = arith.select %eq3A_208, %get3A_212, %select_n3A_197 : vector<16xi1>, vector<16xf32>
      %eq3A_214 = arith.constant 2 : i32
      %eq3A_215 = vector.broadcast %eq3A_214 : i32 to vector<16xi32>
      %eq3A_216 = arith.cmpi eq, %iota3A, %eq3A_215 : vector<16xi32>
      %get3A_217 = arith.constant 2 : i32
      %get3A_218 = arith.index_cast %get3A_217 : i32 to index
      %get3A_219 = arith.constant 0 : index
      %get3A_220 = tpu.vector_load %arg16[%get3A_218, %get3A_219] {strides = array<i32>} : memref<16x16xi32, #tpu.memory_space<vmem>>, vector<16xi32>,
      %select_n3A_221 = arith.select %eq3A_216, %get3A_220, %select_n3A_205 : vector<16xi1>, vector<16xi32>
      %eq3A_222 = arith.constant 3 : i32
      %eq3A_223 = vector.broadcast %eq3A_222 : i32 to vector<16xi32>
      %eq3A_224 = arith.cmpi eq, %iota3A, %eq3A_223 : vector<16xi32>
      %get3A_225 = arith.constant 3 : i32
      %get3A_226 = arith.index_cast %get3A_225 : i32 to index
      %get3A_227 = arith.constant 0 : index
      %get3A_228 = tpu.vector_load %arg15[%get3A_226, %get3A_227] {strides = array<i32>} : memref<16x16xf32, #tpu.memory_space<vmem>>, vector<16xf32>,
      %select_n3A_229 = arith.select %eq3A_224, %get3A_228, %select_n3A_213 : vector<16xi1>, vector<16xf32>
      %eq3A_230 = arith.constant 3 : i32
      %eq3A_231 = vector.broadcast %eq3A_230 : i32 to vector<16xi32>
      %eq3A_232 = arith.cmpi eq, %iota3A, %eq3A_231 : vector<16xi32>
      %get3A_233 = arith.constant 3 : i32
      %get3A_234 = arith.index_cast %get3A_233 : i32 to index
      %get3A_235 = arith.constant 0 : index
      %get3A_236 = tpu.vector_load %arg16[%get3A_234, %get3A_235] {strides = array<i32>} : memref<16x16xi32, #tpu.memory_space<vmem>>, vector<16xi32>,
      %select_n3A_237 = arith.select %eq3A_232, %get3A_236, %select_n3A_221 : vector<16xi1>, vector<16xi32>
      %eq3A_238 = arith.constant 4 : i32
      %eq3A_239 = vector.broadcast %eq3A_238 : i32 to vector<16xi32>
      %eq3A_240 = arith.cmpi eq, %iota3A, %eq3A_239 : vector<16xi32>
      %get3A_241 = arith.constant 4 : i32
      %get3A_242 = arith.index_cast %get3A_241 : i32 to index
      %get3A_243 = arith.constant 0 : index
      %get3A_244 = tpu.vector_load %arg15[%get3A_242, %get3A_243] {strides = array<i32>} : memref<16x16xf32, #tpu.memory_space<vmem>>, vector<16xf32>,
      %select_n3A_245 = arith.select %eq3A_240, %get3A_244, %select_n3A_229 : vector<16xi1>, vector<16xf32>
      %eq3A_246 = arith.constant 4 : i32
      %eq3A_247 = vector.broadcast %eq3A_246 : i32 to vector<16xi32>
      %eq3A_248 = arith.cmpi eq, %iota3A, %eq3A_247 : vector<16xi32>
      %get3A_249 = arith.constant 4 : i32
      %get3A_250 = arith.index_cast %get3A_249 : i32 to index
      %get3A_251 = arith.constant 0 : index
      %get3A_252 = tpu.vector_load %arg16[%get3A_250, %get3A_251] {strides = array<i32>} : memref<16x16xi32, #tpu.memory_space<vmem>>, vector<16xi32>,
      %select_n3A_253 = arith.select %eq3A_248, %get3A_252, %select_n3A_237 : vector<16xi1>, vector<16xi32>
      %eq3A_254 = arith.constant 5 : i32
      %eq3A_255 = vector.broadcast %eq3A_254 : i32 to vector<16xi32>
      %eq3A_256 = arith.cmpi eq, %iota3A, %eq3A_255 : vector<16xi32>
      %get3A_257 = arith.constant 5 : i32
      %get3A_258 = arith.index_cast %get3A_257 : i32 to index
      %get3A_259 = arith.constant 0 : index
      %get3A_260 = tpu.vector_load %arg15[%get3A_258, %get3A_259] {strides = array<i32>} : memref<16x16xf32, #tpu.memory_space<vmem>>, vector<16xf32>,
      %select_n3A_261 = arith.select %eq3A_256, %get3A_260, %select_n3A_245 : vector<16xi1>, vector<16xf32>
      %eq3A_262 = arith.constant 5 : i32
      %eq3A_263 = vector.broadcast %eq3A_262 : i32 to vector<16xi32>
      %eq3A_264 = arith.cmpi eq, %iota3A, %eq3A_263 : vector<16xi32>
      %get3A_265 = arith.constant 5 : i32
      %get3A_266 = arith.index_cast %get3A_265 : i32 to index
      %get3A_267 = arith.constant 0 : index
      %get3A_268 = tpu.vector_load %arg16[%get3A_266, %get3A_267] {strides = array<i32>} : memref<16x16xi32, #tpu.memory_space<vmem>>, vector<16xi32>,
      %select_n3A_269 = arith.select %eq3A_264, %get3A_268, %select_n3A_253 : vector<16xi1>, vector<16xi32>
      %eq3A_270 = arith.constant 6 : i32
      %eq3A_271 = vector.broadcast %eq3A_270 : i32 to vector<16xi32>
      %eq3A_272 = arith.cmpi eq, %iota3A, %eq3A_271 : vector<16xi32>
      %get3A_273 = arith.constant 6 : i32
      %get3A_274 = arith.index_cast %get3A_273 : i32 to index
      %get3A_275 = arith.constant 0 : index
      %get3A_276 = tpu.vector_load %arg15[%get3A_274, %get3A_275] {strides = array<i32>} : memref<16x16xf32, #tpu.memory_space<vmem>>, vector<16xf32>,
      %select_n3A_277 = arith.select %eq3A_272, %get3A_276, %select_n3A_261 : vector<16xi1>, vector<16xf32>
      %eq3A_278 = arith.constant 6 : i32
      %eq3A_279 = vector.broadcast %eq3A_278 : i32 to vector<16xi32>
      %eq3A_280 = arith.cmpi eq, %iota3A, %eq3A_279 : vector<16xi32>
      %get3A_281 = arith.constant 6 : i32
      %get3A_282 = arith.index_cast %get3A_281 : i32 to index
      %get3A_283 = arith.constant 0 : index
      %get3A_284 = tpu.vector_load %arg16[%get3A_282, %get3A_283] {strides = array<i32>} : memref<16x16xi32, #tpu.memory_space<vmem>>, vector<16xi32>,
      %select_n3A_285 = arith.select %eq3A_280, %get3A_284, %select_n3A_269 : vector<16xi1>, vector<16xi32>
      %eq3A_286 = arith.constant 7 : i32
      %eq3A_287 = vector.broadcast %eq3A_286 : i32 to vector<16xi32>
      %eq3A_288 = arith.cmpi eq, %iota3A, %eq3A_287 : vector<16xi32>
      %get3A_289 = arith.constant 7 : i32
      %get3A_290 = arith.index_cast %get3A_289 : i32 to index
      %get3A_291 = arith.constant 0 : index
      %get3A_292 = tpu.vector_load %arg15[%get3A_290, %get3A_291] {strides = array<i32>} : memref<16x16xf32, #tpu.memory_space<vmem>>, vector<16xf32>,
      %select_n3A_293 = arith.select %eq3A_288, %get3A_292, %select_n3A_277 : vector<16xi1>, vector<16xf32>
      %eq3A_294 = arith.constant 7 : i32
      %eq3A_295 = vector.broadcast %eq3A_294 : i32 to vector<16xi32>
      %eq3A_296 = arith.cmpi eq, %iota3A, %eq3A_295 : vector<16xi32>
      %get3A_297 = arith.constant 7 : i32
      %get3A_298 = arith.index_cast %get3A_297 : i32 to index
      %get3A_299 = arith.constant 0 : index
      %get3A_300 = tpu.vector_load %arg16[%get3A_298, %get3A_299] {strides = array<i32>} : memref<16x16xi32, #tpu.memory_space<vmem>>, vector<16xi32>,
      %select_n3A_301 = arith.select %eq3A_296, %get3A_300, %select_n3A_285 : vector<16xi1>, vector<16xi32>
      %eq3A_302 = arith.constant 8 : i32
      %eq3A_303 = vector.broadcast %eq3A_302 : i32 to vector<16xi32>
      %eq3A_304 = arith.cmpi eq, %iota3A, %eq3A_303 : vector<16xi32>
      %get3A_305 = arith.constant 8 : i32
      %get3A_306 = arith.index_cast %get3A_305 : i32 to index
      %get3A_307 = arith.constant 0 : index
      %get3A_308 = tpu.vector_load %arg15[%get3A_306, %get3A_307] {strides = array<i32>} : memref<16x16xf32, #tpu.memory_space<vmem>>, vector<16xf32>,
      %select_n3A_309 = arith.select %eq3A_304, %get3A_308, %select_n3A_293 : vector<16xi1>, vector<16xf32>
      %eq3A_310 = arith.constant 8 : i32
      %eq3A_311 = vector.broadcast %eq3A_310 : i32 to vector<16xi32>
      %eq3A_312 = arith.cmpi eq, %iota3A, %eq3A_311 : vector<16xi32>
      %get3A_313 = arith.constant 8 : i32
      %get3A_314 = arith.index_cast %get3A_313 : i32 to index
      %get3A_315 = arith.constant 0 : index
      %get3A_316 = tpu.vector_load %arg16[%get3A_314, %get3A_315] {strides = array<i32>} : memref<16x16xi32, #tpu.memory_space<vmem>>, vector<16xi32>,
      %select_n3A_317 = arith.select %eq3A_312, %get3A_316, %select_n3A_301 : vector<16xi1>, vector<16xi32>
      %eq3A_318 = arith.constant 9 : i32
      %eq3A_319 = vector.broadcast %eq3A_318 : i32 to vector<16xi32>
      %eq3A_320 = arith.cmpi eq, %iota3A, %eq3A_319 : vector<16xi32>
      %get3A_321 = arith.constant 9 : i32
      %get3A_322 = arith.index_cast %get3A_321 : i32 to index
      %get3A_323 = arith.constant 0 : index
      %get3A_324 = tpu.vector_load %arg15[%get3A_322, %get3A_323] {strides = array<i32>} : memref<16x16xf32, #tpu.memory_space<vmem>>, vector<16xf32>,
      %select_n3A_325 = arith.select %eq3A_320, %get3A_324, %select_n3A_309 : vector<16xi1>, vector<16xf32>
      %eq3A_326 = arith.constant 9 : i32
      %eq3A_327 = vector.broadcast %eq3A_326 : i32 to vector<16xi32>
      %eq3A_328 = arith.cmpi eq, %iota3A, %eq3A_327 : vector<16xi32>
      %get3A_329 = arith.constant 9 : i32
      %get3A_330 = arith.index_cast %get3A_329 : i32 to index
      %get3A_331 = arith.constant 0 : index
      %get3A_332 = tpu.vector_load %arg16[%get3A_330, %get3A_331] {strides = array<i32>} : memref<16x16xi32, #tpu.memory_space<vmem>>, vector<16xi32>,
      %select_n3A_333 = arith.select %eq3A_328, %get3A_332, %select_n3A_317 : vector<16xi1>, vector<16xi32>
      %eq3A_334 = arith.constant 10 : i32
      %eq3A_335 = vector.broadcast %eq3A_334 : i32 to vector<16xi32>
      %eq3A_336 = arith.cmpi eq, %iota3A, %eq3A_335 : vector<16xi32>
      %get3A_337 = arith.constant 10 : i32
      %get3A_338 = arith.index_cast %get3A_337 : i32 to index
      %get3A_339 = arith.constant 0 : index
      %get3A_340 = tpu.vector_load %arg15[%get3A_338, %get3A_339] {strides = array<i32>} : memref<16x16xf32, #tpu.memory_space<vmem>>, vector<16xf32>,
      %select_n3A_341 = arith.select %eq3A_336, %get3A_340, %select_n3A_325 : vector<16xi1>, vector<16xf32>
      %eq3A_342 = arith.constant 10 : i32
      %eq3A_343 = vector.broadcast %eq3A_342 : i32 to vector<16xi32>
      %eq3A_344 = arith.cmpi eq, %iota3A, %eq3A_343 : vector<16xi32>
      %get3A_345 = arith.constant 10 : i32
      %get3A_346 = arith.index_cast %get3A_345 : i32 to index
      %get3A_347 = arith.constant 0 : index
      %get3A_348 = tpu.vector_load %arg16[%get3A_346, %get3A_347] {strides = array<i32>} : memref<16x16xi32, #tpu.memory_space<vmem>>, vector<16xi32>,
      %select_n3A_349 = arith.select %eq3A_344, %get3A_348, %select_n3A_333 : vector<16xi1>, vector<16xi32>
      %eq3A_350 = arith.constant 11 : i32
      %eq3A_351 = vector.broadcast %eq3A_350 : i32 to vector<16xi32>
      %eq3A_352 = arith.cmpi eq, %iota3A, %eq3A_351 : vector<16xi32>
      %get3A_353 = arith.constant 11 : i32
      %get3A_354 = arith.index_cast %get3A_353 : i32 to index
      %get3A_355 = arith.constant 0 : index
      %get3A_356 = tpu.vector_load %arg15[%get3A_354, %get3A_355] {strides = array<i32>} : memref<16x16xf32, #tpu.memory_space<vmem>>, vector<16xf32>,
      %select_n3A_357 = arith.select %eq3A_352, %get3A_356, %select_n3A_341 : vector<16xi1>, vector<16xf32>
      %eq3A_358 = arith.constant 11 : i32
      %eq3A_359 = vector.broadcast %eq3A_358 : i32 to vector<16xi32>
      %eq3A_360 = arith.cmpi eq, %iota3A, %eq3A_359 : vector<16xi32>
      %get3A_361 = arith.constant 11 : i32
      %get3A_362 = arith.index_cast %get3A_361 : i32 to index
      %get3A_363 = arith.constant 0 : index
      %get3A_364 = tpu.vector_load %arg16[%get3A_362, %get3A_363] {strides = array<i32>} : memref<16x16xi32, #tpu.memory_space<vmem>>, vector<16xi32>,
      %select_n3A_365 = arith.select %eq3A_360, %get3A_364, %select_n3A_349 : vector<16xi1>, vector<16xi32>
      %eq3A_366 = arith.constant 12 : i32
      %eq3A_367 = vector.broadcast %eq3A_366 : i32 to vector<16xi32>
      %eq3A_368 = arith.cmpi eq, %iota3A, %eq3A_367 : vector<16xi32>
      %get3A_369 = arith.constant 12 : i32
      %get3A_370 = arith.index_cast %get3A_369 : i32 to index
      %get3A_371 = arith.constant 0 : index
      %get3A_372 = tpu.vector_load %arg15[%get3A_370, %get3A_371] {strides = array<i32>} : memref<16x16xf32, #tpu.memory_space<vmem>>, vector<16xf32>,
      %select_n3A_373 = arith.select %eq3A_368, %get3A_372, %select_n3A_357 : vector<16xi1>, vector<16xf32>
      %eq3A_374 = arith.constant 12 : i32
      %eq3A_375 = vector.broadcast %eq3A_374 : i32 to vector<16xi32>
      %eq3A_376 = arith.cmpi eq, %iota3A, %eq3A_375 : vector<16xi32>
      %get3A_377 = arith.constant 12 : i32
      %get3A_378 = arith.index_cast %get3A_377 : i32 to index
      %get3A_379 = arith.constant 0 : index
      %get3A_380 = tpu.vector_load %arg16[%get3A_378, %get3A_379] {strides = array<i32>} : memref<16x16xi32, #tpu.memory_space<vmem>>, vector<16xi32>,
      %select_n3A_381 = arith.select %eq3A_376, %get3A_380, %select_n3A_365 : vector<16xi1>, vector<16xi32>
      %eq3A_382 = arith.constant 13 : i32
      %eq3A_383 = vector.broadcast %eq3A_382 : i32 to vector<16xi32>
      %eq3A_384 = arith.cmpi eq, %iota3A, %eq3A_383 : vector<16xi32>
      %get3A_385 = arith.constant 13 : i32
      %get3A_386 = arith.index_cast %get3A_385 : i32 to index
      %get3A_387 = arith.constant 0 : index
      %get3A_388 = tpu.vector_load %arg15[%get3A_386, %get3A_387] {strides = array<i32>} : memref<16x16xf32, #tpu.memory_space<vmem>>, vector<16xf32>,
      %select_n3A_389 = arith.select %eq3A_384, %get3A_388, %select_n3A_373 : vector<16xi1>, vector<16xf32>
      %eq3A_390 = arith.constant 13 : i32
      %eq3A_391 = vector.broadcast %eq3A_390 : i32 to vector<16xi32>
      %eq3A_392 = arith.cmpi eq, %iota3A, %eq3A_391 : vector<16xi32>
      %get3A_393 = arith.constant 13 : i32
      %get3A_394 = arith.index_cast %get3A_393 : i32 to index
      %get3A_395 = arith.constant 0 : index
      %get3A_396 = tpu.vector_load %arg16[%get3A_394, %get3A_395] {strides = array<i32>} : memref<16x16xi32, #tpu.memory_space<vmem>>, vector<16xi32>,
      %select_n3A_397 = arith.select %eq3A_392, %get3A_396, %select_n3A_381 : vector<16xi1>, vector<16xi32>
      %eq3A_398 = arith.constant 14 : i32
      %eq3A_399 = vector.broadcast %eq3A_398 : i32 to vector<16xi32>
      %eq3A_400 = arith.cmpi eq, %iota3A, %eq3A_399 : vector<16xi32>
      %get3A_401 = arith.constant 14 : i32
      %get3A_402 = arith.index_cast %get3A_401 : i32 to index
      %get3A_403 = arith.constant 0 : index
      %get3A_404 = tpu.vector_load %arg15[%get3A_402, %get3A_403] {strides = array<i32>} : memref<16x16xf32, #tpu.memory_space<vmem>>, vector<16xf32>,
      %select_n3A_405 = arith.select %eq3A_400, %get3A_404, %select_n3A_389 : vector<16xi1>, vector<16xf32>
      %eq3A_406 = arith.constant 14 : i32
      %eq3A_407 = vector.broadcast %eq3A_406 : i32 to vector<16xi32>
      %eq3A_408 = arith.cmpi eq, %iota3A, %eq3A_407 : vector<16xi32>
      %get3A_409 = arith.constant 14 : i32
      %get3A_410 = arith.index_cast %get3A_409 : i32 to index
      %get3A_411 = arith.constant 0 : index
      %get3A_412 = tpu.vector_load %arg16[%get3A_410, %get3A_411] {strides = array<i32>} : memref<16x16xi32, #tpu.memory_space<vmem>>, vector<16xi32>,
      %select_n3A_413 = arith.select %eq3A_408, %get3A_412, %select_n3A_397 : vector<16xi1>, vector<16xi32>
      %eq3A_414 = arith.constant 15 : i32
      %eq3A_415 = vector.broadcast %eq3A_414 : i32 to vector<16xi32>
      %eq3A_416 = arith.cmpi eq, %iota3A, %eq3A_415 : vector<16xi32>
      %get3A_417 = arith.constant 15 : i32
      %get3A_418 = arith.index_cast %get3A_417 : i32 to index
      %get3A_419 = arith.constant 0 : index
      %get3A_420 = tpu.vector_load %arg15[%get3A_418, %get3A_419] {strides = array<i32>} : memref<16x16xf32, #tpu.memory_space<vmem>>, vector<16xf32>,
      %select_n3A_421 = arith.select %eq3A_416, %get3A_420, %select_n3A_405 : vector<16xi1>, vector<16xf32>
      %eq3A_422 = arith.constant 15 : i32
      %eq3A_423 = vector.broadcast %eq3A_422 : i32 to vector<16xi32>
      %eq3A_424 = arith.cmpi eq, %iota3A, %eq3A_423 : vector<16xi32>
      %get3A_425 = arith.constant 15 : i32
      %get3A_426 = arith.index_cast %get3A_425 : i32 to index
      %get3A_427 = arith.constant 0 : index
      %get3A_428 = tpu.vector_load %arg16[%get3A_426, %get3A_427] {strides = array<i32>} : memref<16x16xi32, #tpu.memory_space<vmem>>, vector<16xi32>,
      %select_n3A_429 = arith.select %eq3A_424, %get3A_428, %select_n3A_413 : vector<16xi1>, vector<16xi32>
      %reduce_min3A_430 = arith.constant true
      %reduce_min3A_431 = vector.broadcast %reduce_min3A_430 : i1 to vector<16xi1>
      %reduce_min3A_432 = arith.constant -2147483648 : i32
      %reduce_min3A_433 = vector.broadcast %reduce_min3A_432 : i32 to vector<16xi32>
      %reduce_min3A_434 = arith.xori %select_n3A_429, %reduce_min3A_433 : vector<16xi32>
      %reduce_min3A_435 = tpu.scan <min>, %reduce_min3A_434 masked %reduce_min3A_431 : vector<16xi32>, vector<16xi1> -> vector<16xi32>
      %reduce_min3A_436 = arith.xori %reduce_min3A_435, %reduce_min3A_433 : vector<16xi32>
      %reduce_min3A_437 = vector.extract %reduce_min3A_436[15] : i32 from vector<16xi32>
      %mul3A_438 = arith.constant 16 : i32
      %mul3A_439 = arith.muli %arg0, %mul3A_438 : i32
      %add3A_440 = vector.broadcast %mul3A_439 : i32 to vector<16xi32>
      %add3A_441 = arith.addi %add3A_440, %iota3A : vector<16xi32>
      %mul3A_442 = arith.constant 625 : i32
      %mul3A_443 = vector.broadcast %mul3A_442 : i32 to vector<16xi32>
      %mul3A_444 = arith.muli %add3A_441, %mul3A_443 : vector<16xi32>
      %le3A = vector.broadcast %reduce_min3A_437 : i32 to vector<16xi32>
      %le3A_445 = arith.cmpi sle, %mul3A_444, %le3A : vector<16xi32>
      %jit3A_446 = arith.constant 0.000000e+00 : f32
      %broadcast_in_dim3A_447 = vector.broadcast %jit3A_446 : f32 to vector<16xf32>
      %select_n3A_448 = arith.select %le3A_445, %select_n3A_421, %broadcast_in_dim3A_447 : vector<16xi1>, vector<16xf32>
      %reduce_sum3A_449 = arith.constant true
      %reduce_sum3A_450 = vector.broadcast %reduce_sum3A_449 : i1 to vector<16xi1>
      %reduce_sum3A_451 = tpu.scan <sum>, %select_n3A_448 masked %reduce_sum3A_450 : vector<16xf32>, vector<16xi1> -> vector<16xf32>
      %reduce_sum3A_452 = vector.extract %reduce_sum3A_451[15] : f32 from vector<16xf32>
      %broadcast_in_dim3A_453 = vector.broadcast %reduce_sum3A_452 : f32 to vector<16xf32>
      %swap3A_454 = arith.constant 0 : index
      %swap3A_455 = tpu.vector_load %arg13[%swap3A_454] {strides = array<i32>} : memref<16xf32, #tpu.memory_space<vmem>>, vector<16xf32>,
      tpu.vector_store %arg13[%swap3A_454], %broadcast_in_dim3A_453 {strides = array<i32>} : memref<16xf32, #tpu.memory_space<vmem>>, vector<16xf32>,
      %broadcast_in_dim3A_456 = vector.broadcast %reduce_min3A_437 : i32 to vector<16xi32>
      %swap3A_457 = arith.constant 0 : index
      %swap3A_458 = tpu.vector_load %arg14[%swap3A_457] {strides = array<i32>} : memref<16xi32, #tpu.memory_space<vmem>>, vector<16xi32>,
      tpu.vector_store %arg14[%swap3A_457], %broadcast_in_dim3A_456 {strides = array<i32>} : memref<16xi32, #tpu.memory_space<vmem>>, vector<16xi32>,
      "tpu.region"() ({
        %run_scoped3A = tpu.sem_alloc : memref<!tpu.dma_semaphore, #tpu.memory_space<semaphore_mem>>
        %dma_start3A_459 = arith.constant 0 : i32
        %dma_start3A_460 = tpu.memref_slice %arg4[%arg0, %dma_start3A_459] : memref<2x16xf32, #tpu.memory_space<hbm>> -> memref<1x16xf32, #tpu.memory_space<hbm>>
        %dma_start3A_461 = tpu.memref_squeeze %dma_start3A_460 : memref<1x16xf32, #tpu.memory_space<hbm>> -> memref<16xf32, #tpu.memory_space<hbm>>
        %dma_start3A_462 = arith.constant 0 : i32
        %dma_start3A_463 = tpu.memref_slice %arg4[%arg0, %dma_start3A_462] : memref<2x16xf32, #tpu.memory_space<hbm>> -> memref<1x16xf32, #tpu.memory_space<hbm>>
        %dma_start3A_464 = tpu.memref_squeeze %dma_start3A_463 : memref<1x16xf32, #tpu.memory_space<hbm>> -> memref<16xf32, #tpu.memory_space<hbm>>
        tpu.enqueue_dma source(%arg13 : memref<16xf32, #tpu.memory_space<vmem>>) target(%dma_start3A_464 : memref<16xf32, #tpu.memory_space<hbm>>) target_semaphore(%run_scoped3A : memref<!tpu.dma_semaphore, #tpu.memory_space<semaphore_mem>>)
        %dma_wait3A_465 = arith.constant 0 : i32
        %dma_wait3A_466 = tpu.memref_slice %arg4[%arg0, %dma_wait3A_465] : memref<2x16xf32, #tpu.memory_space<hbm>> -> memref<1x16xf32, #tpu.memory_space<hbm>>
        %dma_wait3A_467 = tpu.memref_squeeze %dma_wait3A_466 : memref<1x16xf32, #tpu.memory_space<hbm>> -> memref<16xf32, #tpu.memory_space<hbm>>
        %dma_wait3A_468 = arith.constant 0 : i32
        %dma_wait3A_469 = tpu.memref_slice %arg4[%arg0, %dma_wait3A_468] : memref<2x16xf32, #tpu.memory_space<hbm>> -> memref<1x16xf32, #tpu.memory_space<hbm>>
        %dma_wait3A_470 = tpu.memref_squeeze %dma_wait3A_469 : memref<1x16xf32, #tpu.memory_space<hbm>> -> memref<16xf32, #tpu.memory_space<hbm>>
        tpu.wait_dma2 semaphore(%run_scoped3A : memref<!tpu.dma_semaphore, #tpu.memory_space<semaphore_mem>>) src(%arg13 : memref<16xf32, #tpu.memory_space<vmem>>) dst(%dma_wait3A_470 : memref<16xf32, #tpu.memory_space<hbm>>)
        tpu.yield
      }) : () -> ()
      "tpu.region"() ({
        %run_scoped3A = tpu.sem_alloc : memref<!tpu.dma_semaphore, #tpu.memory_space<semaphore_mem>>
        %dma_start3A_459 = arith.constant 0 : i32
        %dma_start3A_460 = tpu.memref_slice %arg5[%arg0, %dma_start3A_459] : memref<2x16xi32, #tpu.memory_space<hbm>> -> memref<1x16xi32, #tpu.memory_space<hbm>>
        %dma_start3A_461 = tpu.memref_squeeze %dma_start3A_460 : memref<1x16xi32, #tpu.memory_space<hbm>> -> memref<16xi32, #tpu.memory_space<hbm>>
        %dma_start3A_462 = arith.constant 0 : i32
        %dma_start3A_463 = tpu.memref_slice %arg5[%arg0, %dma_start3A_462] : memref<2x16xi32, #tpu.memory_space<hbm>> -> memref<1x16xi32, #tpu.memory_space<hbm>>
        %dma_start3A_464 = tpu.memref_squeeze %dma_start3A_463 : memref<1x16xi32, #tpu.memory_space<hbm>> -> memref<16xi32, #tpu.memory_space<hbm>>
        tpu.enqueue_dma source(%arg14 : memref<16xi32, #tpu.memory_space<vmem>>) target(%dma_start3A_464 : memref<16xi32, #tpu.memory_space<hbm>>) target_semaphore(%run_scoped3A : memref<!tpu.dma_semaphore, #tpu.memory_space<semaphore_mem>>)
        %dma_wait3A_465 = arith.constant 0 : i32
        %dma_wait3A_466 = tpu.memref_slice %arg5[%arg0, %dma_wait3A_465] : memref<2x16xi32, #tpu.memory_space<hbm>> -> memref<1x16xi32, #tpu.memory_space<hbm>>
        %dma_wait3A_467 = tpu.memref_squeeze %dma_wait3A_466 : memref<1x16xi32, #tpu.memory_space<hbm>> -> memref<16xi32, #tpu.memory_space<hbm>>
        %dma_wait3A_468 = arith.constant 0 : i32
        %dma_wait3A_469 = tpu.memref_slice %arg5[%arg0, %dma_wait3A_468] : memref<2x16xi32, #tpu.memory_space<hbm>> -> memref<1x16xi32, #tpu.memory_space<hbm>>
        %dma_wait3A_470 = tpu.memref_squeeze %dma_wait3A_469 : memref<1x16xi32, #tpu.memory_space<hbm>> -> memref<16xi32, #tpu.memory_space<hbm>>
        tpu.wait_dma2 semaphore(%run_scoped3A : memref<!tpu.dma_semaphore, #tpu.memory_space<semaphore_mem>>) src(%arg14 : memref<16xi32, #tpu.memory_space<vmem>>) dst(%dma_wait3A_470 : memref<16xi32, #tpu.memory_space<hbm>>)
        tpu.yield
      }) : () -> ()
    } else {
    }
    return
  }
}

</mosaic_0001>

<sc_bundles>
// kernel: kernel.3.cloned.1.call-start
scs
__scs_entry_jumppad:
0x0: {  	(pc) =	sbr.rel $0x88, $3  }
0x1: {  	(tag) =	ssettag $0x0;
	lr =	simm.s32 $0x1  }
0x2: {  	[smem:$0x3F9F] =	sst lr;
	_ =	strace $0xD0000000  }
0x3: {  	_ = 	snop  }
0x4: {  	_ = 	snop  }
0x5: {  	_ = 	snop  }
0x6: {  	_ = 	snop  }
0x7: {  	_ = 	snop  }
__scs_overlays_trampoline_lowered:
0x8: {  	[smem:$0x3FAE] =	sst s0  }
0x9: {  	[smem:$0x3FAF] =	sst s1  }
0xa: {  	[smem:$0x3FB0] =	sst s2  }
0xb: {  	[smem:$0x3FB1] =	sst s3  }
0xc: {  	[smem:$0x3FB2] =	sst s4  }
0xd: {  	[smem:$0x3FB3] =	sst s5  }
0xe: {  	[smem:$0x3FB4] =	sst s6  }
0xf: {  	[smem:$0x3FB5] =	sst s7  }
0x10: {  	[smem:$0x3FB6] =	sst s8  }
0x11: {  	[smem:$0x3FB7] =	sst s9;
	s0 =	simm.s32 @!p0 $0x0  }
0x12: {  	s1 =	sld [smem:$0x3F9D];
	s0 =	simm.s32 @p0 $0x1  }
0x13: {  	[smem:$0x3FB8] =	sst s0;
	s0 =	simm.s32 @!p1 $0x0  }
0x14: {  	s2 =	sld [smem:$0x3F9C];
	s0 =	simm.s32 @p1 $0x1  }
0x15: {  	[smem:$0x3FB9] =	sst s0;
	s0 =	simm.s32 @!p2 $0x0  }
0x16: {  	s3 =	sld [smem:$0x3FDB];
	s0 =	simm.s32 @p2 $0x1  }
0x17: {  	s4 =	simm.s32 $0x1BF5;
	[smem:$0x3FBB] =	sst s0  }
0x18: {  	s0 =	sld [smem:$0x3F9E];
	_ =	swait.ge [sflag:s4], $0x0  }
0x19: {  	s7 =	sld [smem:$0x3F9F]  }
0x1a: {  	s8 =	sadd.s32 $0xFFFFE003, lr  }
0x1b: {  	s9 =	sadd.s32 $0xFFFFFEF7, lr;
	s5 =	simm.s32 $0xFFFFFFFF;
	p2 =	slt.u32 s8, $0xFFFFF086  }
0x1c: {  	p1 =	slt.u32 s9, $0xF7A;
	s5 =	simm.s32 @!p2 $0x0  }
0x1d: {  	s5 =	simm.s32 @p1 $0x1;
	p0 =	seq.s32 s7, s2  }
0x1e: {  	s7 =	smul.u32 @!p0 $0xF7A, s2;
	p2 =	seq.s32 @!p0 s5, $0x0  }
0x1f: {  	s9 =	smul.u32 $0xF7A, s1;
	s8 =	simm.s32 @!p0 $0x1BF5;
	p2 =	por !p2, p0  }
0x20: {  	[sflag:s8] =	ssyncset.s32 @!p0 $0xFFFFF086;
	s6 =	sadd.s32 @!p0 s3, s7;
	s7 =	simm.s32 @!p0 $0x108  }
0x21: {  	s3 =	sadd.s32 s3, s9;
	s6 =	sadd.s32 @!p0 $0x88, s6;
	s7 =	simm.s32 @p2 $0x1082  }
0x22: {  	[simem:s7], [sflag:s8] =	dma.local @!p0 [hbm:s6], $0xF7A  }
0x23: {  	s9 =	sor.u32 $0xD0000000, s2;
	s6 =	simm.s32 $0x108;
	_ =	swait.ge @!p0 [sflag:s8], $0x0  }
0x24: {  	s3 =	sadd.s32 $0x88, s3;
	s6 =	simm.s32 @!p1 $0x1082;
	[sflag:s4] =	ssyncset.s32 $0xFFFFF086  }
0x25: {  	[simem:s6], [sflag:s4] =	dma.local [hbm:s3], $0xF7A  }
0x26: {  	[smem:$0x3F9F] =	sst s1;
	(tag) =	ssettag s2;
	_ =	strace s9  }
0x27: {  	s1 =	sld [smem:$0x3FAF]  }
0x28: {  	s2 =	sld [smem:$0x3FB0]  }
0x29: {  	s4 =	sld [smem:$0x3FB2]  }
0x2a: {  	p0 =	seq.s32 s5, $0x0;
	s5 =	sld [smem:$0x3FB3]  }
0x2b: {  	s6 =	sld [smem:$0x3FB4]  }
0x2c: {  	s7 =	sld [smem:$0x3FB5]  }
0x2d: {  	s3 =	simm.s32 $0x108;
	s8 =	sld [smem:$0x3FB6]  }
0x2e: {  	s3 =	simm.s32 @!p0 $0x1082;
	s9 =	sld [smem:$0x3FB7]  }
0x2f: {  	lr =	sadd.s32 s0, s3;
	s0 =	sld [smem:$0x3FAE]  }
0x30: {  	s3 =	sld [smem:$0x3FB1]  }
0x31: {  	[smem:$0x3FBA] =	sst s10  }
0x32: {  	s10 =	sld [smem:$0x3FB8];
	_ =	sdelay $0x3  }
0x33: {  	p0 =	seq.s32 s10, $0x1;
	s10 =	sld [smem:$0x3FBA];
	_ =	sdelay $0x3  }
0x34: {  	[smem:$0x3FBA] =	sst s10  }
0x35: {  	s10 =	sld [smem:$0x3FB9];
	_ =	sdelay $0x3  }
0x36: {  	p1 =	seq.s32 s10, $0x1;
	s10 =	sld [smem:$0x3FBA];
	_ =	sdelay $0x3  }
0x37: {  	[smem:$0x3FBA] =	sst s10  }
0x38: {  	s10 =	sld [smem:$0x3FBB]  }
0x39: {  	_ = 	snop;
	(pc) =	sbr.ind lr, $3  }
0x3a: {  	_ = 	snop  }
0x3b: {  	_ = 	snop  }
0x3c: {  	p2 =	seq.s32 s10, $0x1;
	s10 =	sld [smem:$0x3FBA]  }
0x3d: {  	_ =	shalt  }
0x3e: {  	_ =	shalt  }
0x3f: {  	_ =	shalt  }
0x40: {  	_ =	shalt  }
0x41: {  	_ =	shalt  }
0x42: {  	_ =	shalt  }
0x43: {  	_ =	shalt  }
0x44: {  	_ =	shalt  }
0x45: {  	_ =	shalt  }
0x46: {  	_ =	shalt  }
0x47: {  	_ =	shalt  }
0x48: {  	_ =	shalt  }
0x49: {  	_ =	shalt  }
0x4a: {  	_ =	shalt  }
0x4b: {  	_ =	shalt  }
0x4c: {  	_ =	shalt  }
0x4d: {  	_ =	shalt  }
0x4e: {  	_ =	shalt  }
0x4f: {  	_ =	shalt  }
0x50: {  	_ =	shalt  }
0x51: {  	_ =	shalt  }
0x52: {  	_ =	shalt  }
0x53: {  	_ =	shalt  }
0x54: {  	_ =	shalt  }
0x55: {  	_ =	shalt  }
0x56: {  	_ =	shalt  }
0x57: {  	_ =	shalt  }
0x58: {  	_ =	shalt  }
0x59: {  	_ =	shalt  }
0x5a: {  	_ =	shalt  }
0x5b: {  	_ =	shalt  }
0x5c: {  	_ =	shalt  }
0x5d: {  	_ =	shalt  }
0x5e: {  	_ =	shalt  }
0x5f: {  	_ =	shalt  }
0x60: {  	_ =	shalt  }
0x61: {  	_ =	shalt  }
0x62: {  	_ =	shalt  }
0x63: {  	_ =	shalt  }
0x64: {  	_ =	shalt  }
0x65: {  	_ =	shalt  }
0x66: {  	_ =	shalt  }
0x67: {  	_ =	shalt  }
0x68: {  	_ =	shalt  }
0x69: {  	_ =	shalt  }
0x6a: {  	_ =	shalt  }
0x6b: {  	_ =	shalt  }
0x6c: {  	_ =	shalt  }
0x6d: {  	_ =	shalt  }
0x6e: {  	_ =	shalt  }
0x6f: {  	_ =	shalt  }
0x70: {  	_ =	shalt  }
0x71: {  	_ =	shalt  }
0x72: {  	_ =	shalt  }
0x73: {  	_ =	shalt  }
0x74: {  	_ =	shalt  }
0x75: {  	_ =	shalt  }
0x76: {  	_ =	shalt  }
0x77: {  	_ =	shalt  }
0x78: {  	_ =	shalt  }
0x79: {  	_ =	shalt  }
0x7a: {  	_ =	shalt  }
0x7b: {  	_ =	shalt  }
0x7c: {  	_ =	shalt  }
0x7d: {  	_ =	shalt  }
0x7e: {  	_ =	shalt  }
0x7f: {  	_ =	shalt  }
0x80: {  	_ =	shalt  }
0x81: {  	_ =	shalt  }
0x82: {  	_ =	shalt  }
0x83: {  	_ =	shalt  }
0x84: {  	_ =	shalt  }
0x85: {  	_ =	shalt  }
0x86: {  	_ =	shalt  }
0x87: {  	_ =	shalt  }
.Lfunc_end0:
.L_simem_size_0:
called_computation_lowered:
.L_overlay_start_0:
0x88: {  	s2 =	sld [smem:$0x3FD9]  }
0x89: {  	s3 =	sld [smem:$0x3FFE];
	_ =	sdelay $0x1  }
0x8a: {  	s1 =	srdreg.scid  }
0x8b: {  	s0 =	sand.u32 $0x1, s1  }
0x8c: {  	s17 =	sshll.u32 s0, $0xA;
	s2 =	sadd.s32 s3, s2  }
0x8d: {  	s2 =	sadd.s32 s2, s17  }
0x8e: {  	[smem:$0x3FC6] =	sst s2  }
0x8f: {  	_ = 	snop  }
0x90: {  	s2 =	sld [smem:$0x3FC9]  }
0x91: {  	s18 =	sld [smem:$0x3FC8];
	(tm) =	ssettm $0x1  }
0x92: {  	s4 =	sld [smem:$0x3FFB];
	_ =	sdelay $0x3  }
0x93: {  	_ =	strace s4  }
0x94: {  	s4 =	sld [smem:$0x3FFC];
	_ =	sdelay $0x3  }
0x95: {  	_ =	strace s4  }
0x96: {  	s4 =	sld [smem:$0x3FFD];
	_ =	sdelay $0x3  }
0x97: {  	_ =	strace s4  }
0x98: {  	_ =	strace $0x8FFFFFFF  }
0x99: {  	s19 =	sld [smem:$0x3FDB];
	_ =	sdelay $0x1  }
0x9a: {  	s5 =	simm.s32 $_scs_section_size  }
0x9b: {  	s6 =	simm.s32 $_size__tile_overlayer_lowered;
	s7 =	simm.s32 $_tile_overlayer_lowered  }
0x9c: {  	s22 =	simm.s32 $0x1BFF;
	s21 =	sshll.u32 s7, $0x1;
	s4 =	sadd.s32 s5, s19  }
0x9d: {  	s8 =	simm.s32 $0x0;
	s20 =	sshll.u32 s6, $0x1;
	s6 =	sadd.s32 s21, s4  }
0x9e: {  	[timem:s8], [sflag:s22] =	dma.local [hbm:s6], s20  }
0x9f: {  	_ =	swait.ge [sflag:s22], s20  }
0xa0: {  	s5 =	ssub.s32 $0x0, s20;
	[sflag:s22] =	ssyncset.done $0x0  }
0xa1: {  	[sflag:s22] =	ssyncadd.s32 s5;
	_ =	sdelay $0x1  }
0xa2: {  	s23 =	simm.s32 $0x1B8B  }
0xa3: {  	_ =	swait.ge [sflag:s23], $0x1  }
0xa4: {  	[sflag:s23] =	ssyncset.done $0x0  }
0xa5: {  	s25 =	simm.s32 $0x1B8E;
	s24 =	sld [smem:$0x3FFE];
	[sflag:s23] =	ssyncadd.s32 $0xFFFFFFFF  }
0xa6: {  	s26 =	simm.s32 $execute0_lowered;
	[smem:$0x3FD2] =	sst s25  }
0xa7: {  	s6 =	sshll.u32 s26, $0x1;
	_ =	strace $0x80000046;
	[dreg:$0x1] =	wrdreg $0xFFFFFFFF  }
0xa8: {  	s28 =	simm.s32 $_size_execute0_lowered;
	s4 =	sadd.s32 s4, s6;
	[dreg:$0x0] =	wrdreg $0x0  }
0xa9: {  	s6 =	sshll.u32 s28, $0x1;
	[dreg:$0x2] =	wrdreg s4  }
0xaa: {  	[dreg:$0x3] =	wrdreg s6  }
0xab: {  	[dreg:$0x4] =	wrdreg $0xC0  }
0xac: {  	_ =	task [dreg:s8], $0x5FFFF  }
0xad: {  	[dreg:$0x1] =	wrdreg $0xFFFFFFFF  }
0xae: {  	[dreg:$0x0] =	wrdreg $0x60  }
0xaf: {  	[dreg:$0x2] =	wrdreg s2  }
0xb0: {  	[dreg:$0x3] =	wrdreg s18  }
0xb1: {  	[dreg:$0x4] =	wrdreg s24  }
0xb2: {  	[dreg:$0x5] =	wrdreg $0x9  }
0xb3: {  	_ =	task.clear_ibuf [dreg:s8], $0x6FFFF;
	_ =	strace $0x90000046  }
0xb4: {  	s29 =	simm.s32 $0x9;
	_ =	strace $0x80000048  }
0xb5: {  	_ =	swait.ge [sflag:s29], $0x1  }
0xb6: {  	[sflag:s29] =	ssyncadd.s32 $0xFFFFFFFF  }
0xb7: {  	_ =	strace $0x90000048  }
0xb8: {  	_ =	sfence  }
0xb9: {  	s30 =	sld [smem:$0x0];
	_ =	sdelay $0x2  }
0xba: {  	s31 =	sshll.u32 s1, $0xD;
	s1 =	sshrl.u32 s1, $0x2  }
0xbb: {  	s3 =	sand.u32 $0x4000, s31;
	s1 =	sadd.s32 s1, s30  }
0xbc: {  	s0 =	sor.u32 s3, s0;
	s1 =	sshll.u32 s1, $0x11  }
0xbd: {  	s0 =	sor.u32 s1, s0  }
0xbe: {  	s0 =	sadd.s32 $0x8F2B, s0  }
0xbf: {  	[sflag:s0] =	ssyncadd.remote.s32 $0x1  }
0xc0: {  	_ =	sfence.sel $0xFFFF  }
0xc1: {  	[dreg:$0x0] =	wrdreg $0xFFFFFFFF;
	(pc) =	sbr.abs _section_cstart, $3  }
0xc2: {  	[dreg:$0x1] =	wrdreg $0xFFFFFFFF  }
0xc3: {  	_ =	task.clear_ibuf [dreg:s8], $0x2FFFF;
	_ =	strace $0x9FFFFFFF  }
0xc4: {  	(tm) =	ssettm $0x7FFFFFFF  }
0xc5: {  	_ =	shalt  }
tec
execute0_lowered:
.L_overlay_start_1:
0x0: {  	(tag) =	ssettag $0x1  }
0x1: {  	s0 =	rddreg [dreg:$0x0]  }
0x2: {  	s5 =	rddreg [dreg:$0x1]  }
0x3: {  	s2 =	rddreg [dreg:$0x2]  }
0x4: {  	s1 =	srdreg.scid;
	s14 =	stileid.u32;
	s30 =	simm.s32 $0x0  }
0x5: {  	s7 =	sand.u32 $0x1, s1;
	s1 =	simm.s32 $0x0;
	s17 =	sadd.s32 $0xA00, s2  }
0x6: {  	s18 =	sadd.s32 $0xC00, s2;
	s9 =	sshll.u32 s14, $0x4;
	s8 =	sadd.s32 $0x25C0, s5  }
0x7: {  	s31 =	smul.u32 $0x271, s14;
	p0 =	sne.s32 s14, $0x0;
	s13 =	sshll.u32 s7, $0x4  }
0x8: {  	[smem:$0x7FF] =	sst s1;
	s3 =	ssub.s32 $0x2, s7;
	s11 =	sand.u32 $0x70, s9  }
0x9: {  	s21 =	sshll.u32 s7, $0x8;
	s23 =	smul.u32 $0x2710, s7;
	s15 =	sor.u32 s14, s13  }
0xa: {  	_ =	strace $0x80000047;
	s16 =	sadd.s32 s13, s2;
	s4 =	sshrl.u32 s3, $0x1  }
0xb: {  	[dreg:$0x6] =	wrdreg s8;
	s22 =	sadd.s32 s17, s21;
	s25 =	smul.u32 $0x271, s15  }
0xc: {  	s19 =	ssub.s32 s3, s4;
	s20 =	sshll.u32 s15, $0x4;
	[dreg:$0x8] =	wrdreg s22  }
0xd: {  	s24 =	sadd.s32 $0x1000, s16;
	s26 =	sadd.s32 $0xE00, s16;
	p1 =	seq.s32 s15, $0x1F  }
0xe: {  	v0 =	vmov s13;
	p2 =	sne.s32 s15, $0x1F;
	s15 =	simm.s32 $0x2;
	s16 =	simm.s32 $0x3  }
0xf: {  	v1 =	vmul.u32 $0x271, v0;
	[dreg:$0xa] =	wrdreg s24;
	s2 =	sand.u32 $0x7F80, s25;
	s6 =	sshrl.u32 s25, $0x1  }
0x10: {  	v63 =	vlaneseq.u32;
	[dreg:$0xb] =	wrdreg s26;
	s3 =	sadd.s32 s0, s2;
	s6 =	sand.u32 $0x3FC0, s6  }
0x11: {  	v3 =	vmul.u32 $0x271, v63;
	s10 =	sadd.s32 $0x271, s25;
	v2 =	vbroadcast v1, $0x0;
	s4 =	sadd.s32 $0x180, s3;
	s6 =	sadd.s32 s5, s6  }
0x12: {  	s5 =	sadd.s32 $0x2700, s5;
	s22 =	sadd.s32 $0x18880, s3;
	s24 =	sadd.s32 $0x22580, s3  }
0x13: {  	vm0 =	vmmov $0x1;
	v0 =	vadd.s32 v3, v2;
	[dreg:$0x4] =	wrdreg s6;
	s6 =	sadd.s32 $0x4D00, s0;
	s0 =	sadd.s32 $0x4E00, s0  }
0x14: {  	vm2 =	vmmov $0x7;
	vm3 =	vmmov $0xf;
	s26 =	sadd.s32 $0x27400, s3;
	[tilespmem:$0x1FFB0] =	vst v0;
	v0 =	vor.u32 $0x4E00, v63;
	[dreg:$0x5] =	wrdreg s0;
	s0 =	sand.u32 $0x180, s20  }
0x15: {  	vm4 =	vmmov $0x1f;
	vm5 =	vmmov $0x3f;
	s28 =	sadd.s32 $0x2C280, s3;
	[dreg:$0x7] =	wrdreg s5;
	[tilespmem:$0x1FFC0] =	vst v0;
	v0 =	vor.u32 $0x4E10, v63;
	s0 =	sor.u32 s11, s0  }
.Ltmp0:
0x16: {  	vm6 =	vmmov $0x7f;
	vm7 =	vmmov $0xff;
	s20 =	sadd.s32 $0xEB80, s3;
	[tilespmem:$0x1FFD0] =	vst v0;
	v0 =	vimm.s32 $0x0;
	s11 =	sadd.s32 s17, s0;
	(pc) =	sbr.rel .LBB2_1-.Ltmp0, $4  }
0x17: {  	vm8 =	vmmov $0x1ff;
	vm9 =	vmmov $0x3ff;
	s12 =	sadd.s32 s18, s0;
	s0 =	sadd.s32 s18, s21;
	s17 =	smax.u32 s19, $0x1;
	v0 =	vsel vm0, $0xFFFFFFFF, v0  }
0x18: {  	vm10 =	vmmov $0x7ff;
	s18 =	sadd.s32 $0x4E80, s3;
	vm0 =	vmmov $0x3;
	[dreg:$0x9] =	wrdreg s0;
	s0 =	sadd.s32 s31, s23;
	[tilespmem:$0x1FFE0] =	vst v0;
	v0 =	vimm.s32 $0x0  }
0x19: {  	vm11 =	vmmov $0xfff;
	v1 =	vmov s25;
	s19 =	sadd.s32 $0x9D00, s3;
	s21 =	sadd.s32 $0x13A00, s3;
	s25 =	sand.u32 $0x7F80, s0;
	v0 =	vsel vm0, $0xFFFFFFFF, v0  }
0x1a: {  	vm12 =	vmmov $0x1fff;
	vm13 =	vmmov $0x3fff;
	vm14 =	vmmov $0x7fff;
	s23 =	sadd.s32 $0x1D700, s3;
	s0 =	simm.s32 $0x1;
	s29 =	sor.u32 $0x30, s25;
	[tilespmem:$0x1FFF0] =	vst v0  }
.LBB2_11:
0x1b: {  	s30 =	sadd.s32 $0x1, s30  }
0x1c: {  	p3 =	sne.s32 s30, s17  }
.Ltmp1:
0x1d: {  	_ = 	snop;
	(pc) =	sbr.rel @!p3 .LBB2_12-.Ltmp1, $1  }
0x1e: {  	_ =	sdelay $0x3  }
.LBB2_1:
0x1f: {  	[tilespmem:s1], [sflag:$0x1] =	stream.linear.gather [hbm4b:s3+s1], $0xC00, $0x38;
	[tilespmem:$0x15300] =	vst v63  }
0x20: {  	s5 =	simm.s32 $0x1800  }
0x21: {  	[tilespmem:s5], [sflag:$0x1] =	stream.linear.gather [hbm4b:s18+s1], $0xC00, $0x38;
	[tilespmem:$0x15300] =	vst v63  }
0x22: {  	s9 =	simm.s32 $0x3000  }
0x23: {  	[tilespmem:s9], [sflag:$0x1] =	stream.linear.gather [hbm4b:s19+s1], $0xC00, $0x38;
	[tilespmem:$0x15300] =	vst v63  }
0x24: {  	s13 =	simm.s32 $0x4800  }
0x25: {  	[tilespmem:s13], [sflag:$0x1] =	stream.linear.gather [hbm4b:s20+s1], $0xC00, $0x38;
	[tilespmem:$0x15300] =	vst v63  }
0x26: {  	s14 =	simm.s32 $0x6000  }
0x27: {  	[tilespmem:s14], [sflag:$0x1] =	stream.linear.gather [hbm4b:s21+s1], $0xC00, $0x38;
	[tilespmem:$0x15300] =	vst v63  }
0x28: {  	s7 =	simm.s32 $0x7800  }
0x29: {  	[tilespmem:s7], [sflag:$0x1] =	stream.linear.gather [hbm4b:s22+s1], $0xC00, $0x38;
	[tilespmem:$0x15300] =	vst v63  }
0x2a: {  	s8 =	simm.s32 $0x9000  }
0x2b: {  	[tilespmem:s8], [sflag:$0x1] =	stream.linear.gather [hbm4b:s23+s1], $0xC00, $0x38;
	[tilespmem:$0x15300] =	vst v63  }
0x2c: {  	s9 =	simm.s32 $0xA800  }
0x2d: {  	[tilespmem:s9], [sflag:$0x1] =	stream.linear.gather [hbm4b:s24+s1], $0xC00, $0x38;
	[tilespmem:$0x15300] =	vst v63  }
0x2e: {  	s13 =	simm.s32 $0xC000  }
0x2f: {  	[tilespmem:s13], [sflag:$0x1] =	stream.linear.gather [hbm4b:s26+s1], $0xC00, $0x38;
	[tilespmem:$0x15300] =	vst v63  }
0x30: {  	s14 =	simm.s32 $0xD800  }
0x31: {  	[tilespmem:s14], [sflag:$0x1] =	stream.linear.gather [hbm4b:s28+s1], $0xC00, $0x38;
	[tilespmem:$0x15300] =	vst v63  }
0x32: {  	s5 =	simm.s32 @p1 $0x0;
	s7 =	simm.s32 @p1 $0xC00  }
0x33: {  	[tilespmem:s7], [sflag:$0x2] =	stream.linear.gather @p1 [hbm4b:s6+s5], $0x800, $0x38;
	[tilespmem:$0x15300] =	vst v63  }
0x34: {  	s13 =	simm.s32 @p1 $0x2400;
	s7 =	sadd.s32 @p1 $0x4E80, s6  }
0x35: {  	[tilespmem:s13], [sflag:$0x2] =	stream.linear.gather @p1 [hbm4b:s7+s5], $0x800, $0x38;
	[tilespmem:$0x15300] =	vst v63  }
0x36: {  	s7 =	sadd.s32 @p1 $0x9D00, s6;
	s13 =	simm.s32 @p1 $0x3C00  }
0x37: {  	[tilespmem:s13], [sflag:$0x2] =	stream.linear.gather @p1 [hbm4b:s7+s5], $0x800, $0x38;
	[tilespmem:$0x15300] =	vst v63  }
0x38: {  	s7 =	sadd.s32 @p1 $0xEB80, s6;
	s13 =	simm.s32 @p1 $0x5400  }
0x39: {  	[tilespmem:s13], [sflag:$0x2] =	stream.linear.gather @p1 [hbm4b:s7+s5], $0x800, $0x38;
	[tilespmem:$0x15300] =	vst v63  }
0x3a: {  	s7 =	sadd.s32 @p1 $0x13A00, s6;
	s13 =	simm.s32 @p1 $0x6C00  }
0x3b: {  	[tilespmem:s13], [sflag:$0x2] =	stream.linear.gather @p1 [hbm4b:s7+s5], $0x800, $0x38;
	[tilespmem:$0x15300] =	vst v63  }
0x3c: {  	s7 =	sadd.s32 @p1 $0x18880, s6;
	s13 =	simm.s32 @p1 $0x8400  }
0x3d: {  	[tilespmem:s13], [sflag:$0x2] =	stream.linear.gather @p1 [hbm4b:s7+s5], $0x800, $0x38;
	[tilespmem:$0x15300] =	vst v63  }
0x3e: {  	s7 =	sadd.s32 @p1 $0x1D700, s6;
	s13 =	simm.s32 @p1 $0x9C00  }
0x3f: {  	[tilespmem:s13], [sflag:$0x2] =	stream.linear.gather @p1 [hbm4b:s7+s5], $0x800, $0x38;
	[tilespmem:$0x15300] =	vst v63  }
0x40: {  	s7 =	sadd.s32 @p1 $0x22580, s6;
	s13 =	simm.s32 @p1 $0xB400  }
0x41: {  	[tilespmem:s13], [sflag:$0x2] =	stream.linear.gather @p1 [hbm4b:s7+s5], $0x800, $0x38;
	[tilespmem:$0x15300] =	vst v63  }
0x42: {  	s7 =	sadd.s32 @p1 $0x27400, s6;
	s13 =	simm.s32 @p1 $0xCC00  }
0x43: {  	[tilespmem:s13], [sflag:$0x2] =	stream.linear.gather @p1 [hbm4b:s7+s5], $0x800, $0x38;
	[tilespmem:$0x15300] =	vst v63  }
0x44: {  	s8 =	rddreg [dreg:$0x5];
	s7 =	sadd.s32 @p1 $0x2C280, s6;
	s13 =	simm.s32 @p1 $0xE400  }
0x45: {  	[tilespmem:s13], [sflag:$0x2] =	stream.linear.gather @p1 [hbm4b:s7+s5], $0x800, $0x38;
	[tilespmem:$0x15300] =	vst v63  }
0x46: {  	s14 =	simm.s32 @p1 $0xFC00;
	s7 =	simm.s32 @p1 $0x400;
	s13 =	simm.s32 @p1 $0x27400  }
0x47: {  	[tilespmem:s14], [sflag:$0x2] =	stream.strided.gather @p1 [hbm4b:s8+s7], $0x2800, s13, s7, $0x38;
	[tilespmem:$0x15300] =	vst v63  }
0x48: {  	s7 =	simm.s32 @p1 $0xF000;
	s8 =	rddreg [dreg:$0x6]  }
0x49: {  	[tilespmem:s7], [sflag:$0x3] =	stream.linear.gather @p1 [hbm4b:s8+s5], $0xA00, $0x38;
	[tilespmem:$0x15300] =	vst v63  }
0x4a: {  	s7 =	simm.s32 @p1 $0x3  }
0x4b: {  	_ =	swait.ge @p1 [sflag:s7], $0xA00  }
0x4c: {  	[sflag:s7] =	ssyncset.done @p1 $0x0  }
0x4d: {  	s13 =	simm.s32 @p1 $0x12400;
	s8 =	rddreg [dreg:$0x7];
	[sflag:s7] =	ssyncadd.s32 @p1 $0xFFFFF600  }
0x4e: {  	[tilespmem:s13], [sflag:$0x3] =	stream.linear.gather @p1 [hbm4b:s8+s5], $0x200, $0x38;
	[tilespmem:$0x15300] =	vst v63  }
0x4f: {  	_ =	swait.ge @p1 [sflag:s7], $0x200  }
0x50: {  	[sflag:s7] =	ssyncset.done @p1 $0x0  }
0x51: {  	s5 =	simm.s32 @!p1 $0x0;
	[sflag:s7] =	ssyncadd.s32 @p1 $0xFFFFFE00;
	s7 =	simm.s32 @!p1 $0xC00  }
0x52: {  	[tilespmem:s7], [sflag:$0x2] =	stream.linear.gather @!p1 [hbm4b:s4+s5], $0xC00, $0x38;
	[tilespmem:$0x15300] =	vst v63  }
0x53: {  	s13 =	simm.s32 @!p1 $0x2400;
	s7 =	sadd.s32 @!p1 $0x4E80, s4  }
0x54: {  	[tilespmem:s13], [sflag:$0x2] =	stream.linear.gather @!p1 [hbm4b:s7+s5], $0xC00, $0x38;
	[tilespmem:$0x15300] =	vst v63  }
0x55: {  	s7 =	sadd.s32 @!p1 $0x9D00, s4;
	s13 =	simm.s32 @!p1 $0x3C00  }
0x56: {  	[tilespmem:s13], [sflag:$0x2] =	stream.linear.gather @!p1 [hbm4b:s7+s5], $0xC00, $0x38;
	[tilespmem:$0x15300] =	vst v63  }
0x57: {  	s7 =	sadd.s32 @!p1 $0xEB80, s4;
	s13 =	simm.s32 @!p1 $0x5400  }
0x58: {  	[tilespmem:s13], [sflag:$0x2] =	stream.linear.gather @!p1 [hbm4b:s7+s5], $0xC00, $0x38;
	[tilespmem:$0x15300] =	vst v63  }
0x59: {  	s7 =	sadd.s32 @!p1 $0x13A00, s4;
	s13 =	simm.s32 @!p1 $0x6C00  }
0x5a: {  	[tilespmem:s13], [sflag:$0x2] =	stream.linear.gather @!p1 [hbm4b:s7+s5], $0xC00, $0x38;
	[tilespmem:$0x15300] =	vst v63  }
0x5b: {  	s7 =	sadd.s32 @!p1 $0x18880, s4;
	s13 =	simm.s32 @!p1 $0x8400  }
0x5c: {  	[tilespmem:s13], [sflag:$0x2] =	stream.linear.gather @!p1 [hbm4b:s7+s5], $0xC00, $0x38;
	[tilespmem:$0x15300] =	vst v63  }
0x5d: {  	s7 =	sadd.s32 @!p1 $0x1D700, s4;
	s13 =	simm.s32 @!p1 $0x9C00  }
0x5e: {  	[tilespmem:s13], [sflag:$0x2] =	stream.linear.gather @!p1 [hbm4b:s7+s5], $0xC00, $0x38;
	[tilespmem:$0x15300] =	vst v63  }
0x5f: {  	s7 =	sadd.s32 @!p1 $0x22580, s4;
	s13 =	simm.s32 @!p1 $0xB400  }
0x60: {  	[tilespmem:s13], [sflag:$0x2] =	stream.linear.gather @!p1 [hbm4b:s7+s5], $0xC00, $0x38;
	[tilespmem:$0x15300] =	vst v63  }
0x61: {  	s7 =	sadd.s32 @!p1 $0x27400, s4;
	s13 =	simm.s32 @!p1 $0xCC00  }
0x62: {  	[tilespmem:s13], [sflag:$0x2] =	stream.linear.gather @!p1 [hbm4b:s7+s5], $0xC00, $0x38;
	[tilespmem:$0x15300] =	vst v63  }
0x63: {  	s7 =	sadd.s32 @!p1 $0x2C280, s4;
	s13 =	simm.s32 @!p1 $0xE400  }
0x64: {  	[tilespmem:s13], [sflag:$0x2] =	stream.linear.gather @!p1 [hbm4b:s7+s5], $0xC00, $0x38;
	[tilespmem:$0x15300] =	vst v63  }
0x65: {  	s8 =	rddreg [dreg:$0x4];
	s7 =	simm.s32 @!p1 $0xF000  }
0x66: {  	[tilespmem:s7], [sflag:$0x3] =	stream.linear.gather @!p1 [hbm4b:s8+s5], $0xC00, $0x38;
	[tilespmem:$0x15300] =	vst v63  }
0x67: {  	s5 =	simm.s32 @!p1 $0x3  }
0x68: {  	_ =	swait.ge @!p1 [sflag:s5], $0xC00  }
0x69: {  	[sflag:s5] =	ssyncset.done @!p1 $0x0  }
0x6a: {  	[sflag:s5] =	ssyncadd.s32 @!p1 $0xFFFFF400  }
0x6b: {  	s7 =	simm.s32 $0x0;
	_ =	swait.ge [sflag:s0], $0x7800  }
0x6c: {  	s8 =	sand.u32 $0x70, s1;
	s5 =	sand.u32 $0x3FFFFE00, s7;
	[sflag:s0] =	ssyncset.done $0x0  }
0x6d: {  	s9 =	sor.u32 s8, s5;
	[sflag:s0] =	ssyncadd.s32 $0xFFFF8800  }
0x6e: {  	v2 =	vld [tilespmem:s9+$0xF000]  }
0x6f: {  	s14 =	simm.s32 $0x0;
	v3 =	vld [tilespmem:s9+$0xF080]  }
0x70: {  	s5 =	sand.u32 $0x3FFFFC00, s14;
	v4 =	vld [tilespmem:s9+$0xF100]  }
0x71: {  	s5 =	sor.u32 s8, s5;
	v9 =	vld [tilespmem:s9+$0xF180]  }
0x72: {  	v10 =	vld [tilespmem:s5+$0xD800]  }
0x73: {  	v11 =	vld [tilespmem:s5+$0xD880]  }
0x74: {  	v12 =	vld [tilespmem:s5+$0xD900]  }
0x75: {  	v13 =	vld [tilespmem:s5+$0xD980]  }
0x76: {  	v14 =	vld [tilespmem:s5+$0xDA00]  }
0x77: {  	v5 =	vld [tilespmem:s5+$0xDA80]  }
0x78: {  	v6 =	vld [tilespmem:s5+$0xDB00]  }
0x79: {  	v15 =	vld [tilespmem:s5+$0xC000]  }
0x7a: {  	v16 =	vld [tilespmem:s5+$0xC080]  }
0x7b: {  	v17 =	vld [tilespmem:s5+$0xC100]  }
0x7c: {  	v18 =	vld [tilespmem:s5+$0xC180]  }
0x7d: {  	v19 =	vld [tilespmem:s5+$0xC200]  }
0x7e: {  	v7 =	vld [tilespmem:s5+$0xC280]  }
0x7f: {  	v8 =	vld [tilespmem:s5+$0xC300]  }
0x80: {  	v20 =	vld [tilespmem:s5+$0xA800]  }
0x81: {  	v21 =	vld [tilespmem:s5+$0xA880]  }
0x82: {  	v22 =	vld [tilespmem:s5+$0xA900]  }
0x83: {  	v23 =	vld [tilespmem:s5+$0xA980]  }
0x84: {  	v24 =	vld [tilespmem:s5+$0xAA00]  }
0x85: {  	v25 =	vld [tilespmem:s5+$0xAA80]  }
0x86: {  	v26 =	vld [tilespmem:s5+$0xAB00]  }
0x87: {  	v27 =	vld [tilespmem:s5+$0x9000]  }
0x88: {  	v28 =	vld [tilespmem:s5+$0x9080]  }
0x89: {  	v29 =	vld [tilespmem:s5+$0x9100]  }
0x8a: {  	v30 =	vld [tilespmem:s5+$0x9180]  }
0x8b: {  	v31 =	vld [tilespmem:s5+$0x9200]  }
0x8c: {  	v32 =	vld [tilespmem:s5+$0x9280]  }
0x8d: {  	v33 =	vld [tilespmem:s5+$0x9300]  }
0x8e: {  	v34 =	vld [tilespmem:s5+$0x7800]  }
0x8f: {  	v35 =	vld [tilespmem:s5+$0x7880]  }
0x90: {  	v36 =	vld [tilespmem:s5+$0x7900]  }
0x91: {  	v37 =	vld [tilespmem:s5+$0x7980]  }
0x92: {  	v38 =	vld [tilespmem:s5+$0x7A00]  }
0x93: {  	v39 =	vld [tilespmem:s5+$0x7A80]  }
0x94: {  	v40 =	vld [tilespmem:s5+$0x7B00]  }
0x95: {  	v41 =	vld [tilespmem:s5+$0x6000]  }
0x96: {  	v42 =	vld [tilespmem:s5+$0x6080]  }
0x97: {  	v43 =	vld [tilespmem:s5+$0x6100]  }
0x98: {  	v44 =	vld [tilespmem:s5+$0x6180]  }
0x99: {  	v45 =	vld [tilespmem:s5+$0x6200]  }
0x9a: {  	v46 =	vld [tilespmem:s5+$0x6280]  }
0x9b: {  	v47 =	vld [tilespmem:s5+$0x6300]  }
0x9c: {  	v48 =	vld [tilespmem:s5+$0x4800]  }
0x9d: {  	v49 =	vld [tilespmem:s5+$0x4880]  }
0x9e: {  	v50 =	vld [tilespmem:s5+$0x4900]  }
0x9f: {  	v51 =	vld [tilespmem:s5+$0x4980]  }
0xa0: {  	v52 =	vld [tilespmem:s5+$0x4A00]  }
0xa1: {  	v53 =	vld [tilespmem:s5+$0x4A80]  }
0xa2: {  	v54 =	vld [tilespmem:s5+$0x3000]  }
0xa3: {  	v55 =	vld [tilespmem:s5+$0x1800]  }
0xa4: {  	v56 =	vld [tilespmem:s5+$0x0]  }
0xa5: {  	v57 =	vld [tilespmem:s5+$0x80]  }
0xa6: {  	v58 =	vld [tilespmem:s5+$0x1880]  }
0xa7: {  	v59 =	vld [tilespmem:s5+$0x3080]  }
0xa8: {  	v60 =	vld [tilespmem:s5+$0x4B00]  }
0xa9: {  	v61 =	vld [tilespmem:s5+$0x3100]  }
0xaa: {  	v62 =	vld [tilespmem:s5+$0x3180]  }
0xab: {  	v55 =	vmax.f32 v56, v55;
	v56 =	vmax.f32 v57, v58;
	v57 =	vld [tilespmem:s5+$0x100]  }
0xac: {  	v58 =	vld [tilespmem:s5+$0x180]  }
0xad: {  	v54 =	vmax.f32 v55, v54;
	v55 =	vld [tilespmem:s5+$0x1900]  }
0xae: {  	v56 =	vmax.f32 v56, v59;
	v59 =	vld [tilespmem:s5+$0x200];
	v48 =	vmax.f32 v54, v48  }
0xaf: {  	v49 =	vmax.f32 v56, v49;
	v54 =	vld [tilespmem:s5+$0x1980];
	v41 =	vmax.f32 v48, v41  }
0xb0: {  	v56 =	vld [tilespmem:s5+$0x3200];
	v42 =	vmax.f32 v49, v42;
	v34 =	vmax.f32 v41, v34  }
0xb1: {  	v2 =	vadd.f32 v3, v2;
	v49 =	vld [tilespmem:s5+$0x1A00];
	v35 =	vmax.f32 v42, v35;
	v27 =	vmax.f32 v34, v27  }
0xb2: {  	v3 =	vadd.f32 v9, v4;
	v28 =	vmax.f32 v35, v28;
	v20 =	vmax.f32 v27, v20;
	v27 =	vld [tilespmem:s5+$0x3280]  }
0xb3: {  	v21 =	vmax.f32 v28, v21;
	v4 =	vmax.f32 v57, v55;
	v28 =	vld [tilespmem:s5+$0x1B00];
	v15 =	vmax.f32 v20, v15  }
0xb4: {  	v16 =	vmax.f32 v21, v16;
	v20 =	vld [tilespmem:s5+$0x3300];
	v9 =	vmax.f32 v58, v54;
	v4 =	vmax.f32 v4, v61  }
0xb5: {  	v21 =	vld [tilespmem:s5+$0x300];
	v10 =	vmax.f32 v15, v10;
	v11 =	vmax.f32 v16, v11;
	v9 =	vmax.f32 v9, v62  }
0xb6: {  	v58 =	vld [tilespmem:s5+$0x380];
	v4 =	vmax.f32 v4, v50;
	v10 =	vmax.f32 v10, v11;
	v11 =	vmax.f32 v59, v49  }
0xb7: {  	v15 =	vld [tilespmem:s5+$0x280];
	v9 =	vmax.f32 v9, v51;
	v4 =	vmax.f32 v4, v43;
	v11 =	vmax.f32 v11, v56  }
0xb8: {  	v16 =	vld [tilespmem:s5+$0x1A80];
	v9 =	vmax.f32 v9, v44;
	v4 =	vmax.f32 v4, v36;
	v11 =	vmax.f32 v11, v52  }
0xb9: {  	v59 =	vld [tilespmem:s5+$0x1B80];
	v9 =	vmax.f32 v9, v37;
	v4 =	vmax.f32 v4, v29;
	v11 =	vmax.f32 v11, v45  }
0xba: {  	v61 =	vld [tilespmem:s5+$0x3380];
	v9 =	vmax.f32 v9, v30;
	v4 =	vmax.f32 v4, v22;
	v11 =	vmax.f32 v11, v38  }
0xbb: {  	v29 =	vld [tilespmem:s5+$0x4B80];
	v9 =	vmax.f32 v9, v23;
	v4 =	vmax.f32 v4, v17;
	v11 =	vmax.f32 v11, v31  }
0xbc: {  	v22 =	vld [tilespmem:s5+$0x6380];
	v9 =	vmax.f32 v9, v18;
	v4 =	vmax.f32 v4, v12;
	v11 =	vmax.f32 v11, v24  }
0xbd: {  	v17 =	vld [tilespmem:s5+$0x7B80];
	v12 =	vmax.f32 v15, v16;
	v9 =	vmax.f32 v9, v13;
	v11 =	vmax.f32 v11, v19  }
0xbe: {  	v15 =	vld [tilespmem:s5+$0x9380];
	v13 =	vmax.f32 v21, v28;
	v11 =	vmax.f32 v11, v14;
	v14 =	vmax.f32 v58, v59  }
0xbf: {  	v16 =	vld [tilespmem:s5+$0xAB80];
	v12 =	vmax.f32 v12, v27;
	v13 =	vmax.f32 v13, v20;
	v14 =	vmax.f32 v14, v61  }
0xc0: {  	v18 =	vld [tilespmem:s5+$0xC380];
	v12 =	vmax.f32 v12, v53;
	v13 =	vmax.f32 v13, v60;
	v14 =	vmax.f32 v14, v29  }
0xc1: {  	v19 =	vld [tilespmem:s5+$0xDB80];
	v12 =	vmax.f32 v12, v46;
	v13 =	vmax.f32 v13, v47;
	v14 =	vmax.f32 v14, v22  }
0xc2: {  	v12 =	vmax.f32 v12, v39;
	v13 =	vmax.f32 v13, v40;
	v14 =	vmax.f32 v14, v17  }
0xc3: {  	v12 =	vmax.f32 v12, v32;
	v13 =	vmax.f32 v13, v33;
	v14 =	vmax.f32 v14, v15  }
0xc4: {  	v12 =	vmax.f32 v12, v25;
	v13 =	vmax.f32 v13, v26;
	v14 =	vmax.f32 v14, v16  }
0xc5: {  	v7 =	vmax.f32 v12, v7;
	v8 =	vmax.f32 v13, v8;
	v12 =	vmax.f32 v14, v18  }
0xc6: {  	v5 =	vmax.f32 v7, v5;
	v6 =	vmax.f32 v8, v6;
	v7 =	vmax.f32 v12, v19  }
0xc7: {  	v4 =	vmax.f32 v4, v9;
	v5 =	vmax.f32 v11, v5;
	v6 =	vmax.f32 v6, v7  }
0xc8: {  	v2 =	vadd.f32 v3, v2;
	v4 =	vmax.f32 v10, v4;
	v5 =	vmax.f32 v5, v6  }
0xc9: {  	v3 =	vmax.f32 v4, v5  }
0xca: {  	s13 =	simm.s32 $0x10;
	s8 =	simm.s32 $0x40;
	v2 =	vadd.f32 v2, v3  }
0xcb: {  	s7 =	sand.u32 $0x3FFFFE00, s8;
	s9 =	sand.u32 $0x70, s13;
	s5 =	simm.s32 $0x12600  }
0xcc: {  	s31 =	sor.u32 s9, s7;
	[tilespmem:s5+$0x0] =	vst v2  }
0xcd: {  	v22 =	vld [tilespmem:s31+$0xF000]  }
0xce: {  	s8 =	simm.s32 $0x80;
	v24 =	vld [tilespmem:s31+$0xF080]  }
0xcf: {  	s7 =	sand.u32 $0x3FFFFC00, s8;
	v26 =	vld [tilespmem:s31+$0xF100]  }
0xd0: {  	s7 =	sor.u32 s9, s7;
	v29 =	vld [tilespmem:s31+$0xF180]  }
0xd1: {  	v32 =	vld [tilespmem:s7+$0xD800]  }
0xd2: {  	v33 =	vld [tilespmem:s7+$0xD880]  }
0xd3: {  	v13 =	vld [tilespmem:s7+$0xD900]  }
0xd4: {  	v14 =	vld [tilespmem:s7+$0xD980]  }
0xd5: {  	v15 =	vld [tilespmem:s7+$0xDA00]  }
0xd6: {  	v7 =	vld [tilespmem:s7+$0xDA80]  }
0xd7: {  	v8 =	vld [tilespmem:s7+$0xDB00]  }
0xd8: {  	v2 =	vld [tilespmem:s7+$0xC000]  }
0xd9: {  	v56 =	vld [tilespmem:s7+$0xC080]  }
0xda: {  	v18 =	vld [tilespmem:s7+$0xC100]  }
0xdb: {  	v19 =	vld [tilespmem:s7+$0xC180]  }
0xdc: {  	v20 =	vld [tilespmem:s7+$0xC200]  }
0xdd: {  	v9 =	vld [tilespmem:s7+$0xC280]  }
0xde: {  	v10 =	vld [tilespmem:s7+$0xC300]  }
0xdf: {  	v6 =	vld [tilespmem:s7+$0xA800]  }
0xe0: {  	v54 =	vld [tilespmem:s7+$0xA880]  }
0xe1: {  	v25 =	vld [tilespmem:s7+$0xA900]  }
0xe2: {  	v27 =	vld [tilespmem:s7+$0xA980]  }
0xe3: {  	v28 =	vld [tilespmem:s7+$0xAA00]  }
0xe4: {  	v11 =	vld [tilespmem:s7+$0xAA80]  }
0xe5: {  	v12 =	vld [tilespmem:s7+$0xAB00]  }
0xe6: {  	v55 =	vld [tilespmem:s7+$0x9000]  }
0xe7: {  	v57 =	vld [tilespmem:s7+$0x9080]  }
0xe8: {  	v34 =	vld [tilespmem:s7+$0x9100]  }
0xe9: {  	v35 =	vld [tilespmem:s7+$0x9180]  }
0xea: {  	v36 =	vld [tilespmem:s7+$0x9200]  }
0xeb: {  	v16 =	vld [tilespmem:s7+$0x9280]  }
0xec: {  	v17 =	vld [tilespmem:s7+$0x9300]  }
0xed: {  	v52 =	vld [tilespmem:s7+$0x7800]  }
0xee: {  	v53 =	vld [tilespmem:s7+$0x7880]  }
0xef: {  	v38 =	vld [tilespmem:s7+$0x7900]  }
0xf0: {  	v39 =	vld [tilespmem:s7+$0x7980]  }
0xf1: {  	v40 =	vld [tilespmem:s7+$0x7A00]  }
0xf2: {  	v21 =	vld [tilespmem:s7+$0x7A80]  }
0xf3: {  	v23 =	vld [tilespmem:s7+$0x7B00]  }
0xf4: {  	v50 =	vld [tilespmem:s7+$0x6000]  }
0xf5: {  	v51 =	vld [tilespmem:s7+$0x6080]  }
0xf6: {  	v42 =	vld [tilespmem:s7+$0x6100]  }
0xf7: {  	v43 =	vld [tilespmem:s7+$0x6180]  }
0xf8: {  	v44 =	vld [tilespmem:s7+$0x6200]  }
0xf9: {  	v30 =	vld [tilespmem:s7+$0x6280]  }
0xfa: {  	v31 =	vld [tilespmem:s7+$0x6300]  }
0xfb: {  	v49 =	vld [tilespmem:s7+$0x4800]  }
0xfc: {  	v58 =	vld [tilespmem:s7+$0x4880]  }
0xfd: {  	v45 =	vld [tilespmem:s7+$0x4900]  }
0xfe: {  	v46 =	vld [tilespmem:s7+$0x4980]  }
0xff: {  	v47 =	vld [tilespmem:s7+$0x4A00]  }
0x100: {  	v5 =	vld [tilespmem:s7+$0x3000]  }
0x101: {  	v4 =	vld [tilespmem:s7+$0x1800]  }
0x102: {  	v48 =	vld [tilespmem:s7+$0x0]  }
0x103: {  	v59 =	vld [tilespmem:s7+$0x80]  }
0x104: {  	v60 =	vld [tilespmem:s7+$0x1880]  }
0x105: {  	v61 =	vld [tilespmem:s7+$0x3080]  }
0x106: {  	s14 =	simm.s32 @!p1 $0x300;
	v37 =	vld [tilespmem:s7+$0x4A80]  }
0x107: {  	s14 =	simm.s32 @p1 $0x280;
	v41 =	vld [tilespmem:s7+$0x4B00]  }
0x108: {  	s14 =	sadd.s32 s2, s14;
	v48 =	vmax.f32 v48, v4;
	v4 =	vld [tilespmem:s7+$0x3100]  }
0x109: {  	vm0 =	vge.f32 v3, $2.500000000e-01;
	s31 =	smin.u32 s10, s14;
	v3 =	vmax.f32 v59, v60;
	v62 =	vmax.f32 v48, v5;
	v48 =	vld [tilespmem:s7+$0x3180]  }
0x10a: {  	s9 =	sadd.s32 $0x0, s25;
	v0 =	vmov s31;
	v3 =	vmax.f32 v3, v61;
	v59 =	vmax.f32 v62, v49;
	v49 =	vld [tilespmem:s7+$0x100]  }
0x10b: {  	v3 =	vmax.f32 v3, v58;
	v58 =	vor.u32 s9, v63;
	v59 =	vmax.f32 v59, v50;
	v50 =	vld [tilespmem:s7+$0x1900]  }
0x10c: {  	vm0 =	vmneg vm0;
	vm15 =	vlt.u32 v58, v0;
	v3 =	vmax.f32 v3, v51;
	v51 =	vld [tilespmem:s7+$0x180]  }
0x10d: {  	vm1 =	vge.u32 v58, v1;
	vm0 =	vmand vm15, vm0;
	v59 =	vmax.f32 v59, v52;
	v52 =	vld [tilespmem:s7+$0x1980]  }
0x10e: {  	v60 =	vimm.s32 $0x40000000;
	v3 =	vmax.f32 v3, v53;
	v53 =	vld [tilespmem:s7+$0x200];
	vm0 =	vmand vm0, vm1  }
0x10f: {  	v59 =	vmax.f32 v59, v55;
	v3 =	vmax.f32 v3, v57;
	v55 =	vld [tilespmem:s7+$0x1A00];
	v58 =	vnsel vm0, $0x40000000, v58  }
0x110: {  	v63 =	vmax.f32 v59, v6;
	v3 =	vmax.f32 v3, v54;
	v54 =	vld [tilespmem:s7+$0x3200];
	vm0 =	vlt.s32 v60, v58  }
0x111: {  	s14 =	simm.s32 $0x2;
	[tilespmem:$0x1FFA0] =	vst v0;
	v2 =	vmax.f32 v63, v2;
	v56 =	vmax.f32 v3, v56;
	v3 =	vld [tilespmem:s7+$0x3280];
	v6 =	vsel vm0, v60, v58  }
.LBB2_2:
0x112: {  	v57 =	vld [tilespmem:s7+$0x3300];
	v2 =	vmax.f32 v2, v32;
	v63 =	vmax.f32 v56, v33  }
0x113: {  	v58 =	vld [tilespmem:s7+$0x300];
	v22 =	vadd.f32 v24, v22;
	v24 =	vadd.f32 v29, v26;
	v26 =	vmax.f32 v49, v50  }
0x114: {  	v59 =	vld [tilespmem:s7+$0x1B00];
	v29 =	vmax.f32 v51, v52;
	v55 =	vmax.f32 v53, v55;
	v2 =	vmax.f32 v2, v63  }
0x115: {  	v60 =	vld [tilespmem:s7+$0x380];
	v4 =	vmax.f32 v26, v4;
	v26 =	vmax.f32 v29, v48;
	v29 =	vmax.f32 v55, v54  }
0x116: {  	v61 =	vld [tilespmem:s7+$0x1B80];
	v4 =	vmax.f32 v4, v45;
	v26 =	vmax.f32 v26, v46;
	v29 =	vmax.f32 v29, v47  }
0x117: {  	v33 =	vld [tilespmem:s7+$0x280];
	v4 =	vmax.f32 v4, v42;
	v26 =	vmax.f32 v26, v43;
	v29 =	vmax.f32 v29, v44  }
0x118: {  	v56 =	vld [tilespmem:s7+$0x1A80];
	v4 =	vmax.f32 v4, v38;
	v26 =	vmax.f32 v26, v39;
	v29 =	vmax.f32 v29, v40  }
0x119: {  	v62 =	vld [tilespmem:s7+$0x3380];
	v4 =	vmax.f32 v4, v34;
	v26 =	vmax.f32 v26, v35;
	v29 =	vmax.f32 v29, v36  }
0x11a: {  	v63 =	vld [tilespmem:s7+$0x4B80];
	v4 =	vmax.f32 v4, v25;
	v25 =	vmax.f32 v26, v27;
	v26 =	vmax.f32 v29, v28  }
0x11b: {  	v27 =	vld [tilespmem:s7+$0x6380];
	v4 =	vmax.f32 v4, v18;
	v18 =	vmax.f32 v25, v19;
	v19 =	vmax.f32 v26, v20  }
0x11c: {  	v20 =	vld [tilespmem:s7+$0x7B80];
	v4 =	vmax.f32 v4, v13;
	v13 =	vmax.f32 v18, v14;
	v14 =	vmax.f32 v19, v15  }
0x11d: {  	v25 =	vld [tilespmem:s7+$0x9380];
	v15 =	vmax.f32 v33, v56;
	v18 =	vmax.f32 v58, v59;
	v19 =	vmax.f32 v60, v61  }
0x11e: {  	v3 =	vmax.f32 v15, v3;
	v15 =	vmax.f32 v18, v57;
	v18 =	vmax.f32 v19, v62;
	v19 =	vld [tilespmem:s7+$0xAB80]  }
0x11f: {  	v26 =	vld [tilespmem:s7+$0xC380];
	v3 =	vmax.f32 v3, v37;
	v15 =	vmax.f32 v15, v41;
	v18 =	vmax.f32 v18, v63  }
0x120: {  	v3 =	vmax.f32 v3, v30;
	v15 =	vmax.f32 v15, v31;
	v18 =	vmax.f32 v18, v27;
	v27 =	vld [tilespmem:s7+$0xDB80]  }
0x121: {  	v3 =	vmax.f32 v3, v21;
	v15 =	vmax.f32 v15, v23;
	v18 =	vmax.f32 v18, v20  }
0x122: {  	v3 =	vmax.f32 v3, v16;
	v15 =	vmax.f32 v15, v17;
	v16 =	vmax.f32 v18, v25  }
0x123: {  	v3 =	vmax.f32 v3, v11;
	v11 =	vmax.f32 v15, v12;
	v12 =	vmax.f32 v16, v19  }
0x124: {  	v3 =	vmax.f32 v3, v9;
	v9 =	vmax.f32 v11, v10;
	v10 =	vmax.f32 v12, v26  }
0x125: {  	v3 =	vmax.f32 v3, v7;
	v7 =	vmax.f32 v9, v8;
	v8 =	vmax.f32 v10, v27  }
0x126: {  	v4 =	vmax.f32 v4, v13;
	v3 =	vmax.f32 v14, v3;
	v7 =	vmax.f32 v7, v8  }
0x127: {  	v2 =	vmax.f32 v2, v4;
	v4 =	vadd.f32 v24, v22;
	v3 =	vmax.f32 v3, v7  }
0x128: {  	v2 =	vmax.f32 v2, v3  }
0x129: {  	s9 =	sadd.s32 s13, s25;
	s8 =	sshll.u32 s14, $0x6;
	s13 =	sadd.s32 $0x10, s13;
	v3 =	vadd.f32 v4, v2  }
0x12a: {  	v0 =	vlaneseq.u32;
	s5 =	sadd.s32 $0x80, s5;
	s8 =	sand.u32 $0x3FFFFE00, s8;
	s7 =	sand.u32 $0x70, s13  }
0x12b: {  	s8 =	sor.u32 s7, s8;
	v4 =	vor.u32 s9, v0;
	v0 =	vld [tilespmem:$0x1FFA0];
	[tilespmem:s5+$0x0] =	vst v3  }
0x12c: {  	v22 =	vld [tilespmem:s8+$0xF000]  }
0x12d: {  	s9 =	sshll.u32 s14, $0x7;
	v24 =	vld [tilespmem:s8+$0xF080]  }
0x12e: {  	s9 =	sand.u32 $0x3FFFFC00, s9;
	v26 =	vld [tilespmem:s8+$0xF100]  }
0x12f: {  	s7 =	sor.u32 s7, s9;
	v29 =	vld [tilespmem:s8+$0xF180]  }
0x130: {  	v32 =	vld [tilespmem:s7+$0xD800]  }
0x131: {  	v33 =	vld [tilespmem:s7+$0xD880]  }
0x132: {  	v13 =	vld [tilespmem:s7+$0xD900]  }
0x133: {  	v14 =	vld [tilespmem:s7+$0xD980]  }
0x134: {  	v15 =	vld [tilespmem:s7+$0xDA00]  }
0x135: {  	v7 =	vld [tilespmem:s7+$0xDA80]  }
0x136: {  	v8 =	vld [tilespmem:s7+$0xDB00]  }
0x137: {  	v56 =	vld [tilespmem:s7+$0xC080]  }
0x138: {  	v18 =	vld [tilespmem:s7+$0xC100]  }
0x139: {  	v19 =	vld [tilespmem:s7+$0xC180]  }
0x13a: {  	v20 =	vld [tilespmem:s7+$0xC200]  }
0x13b: {  	v9 =	vld [tilespmem:s7+$0xC280]  }
0x13c: {  	v10 =	vld [tilespmem:s7+$0xC300]  }
0x13d: {  	v3 =	vld [tilespmem:s7+$0xA800]  }
0x13e: {  	v57 =	vld [tilespmem:s7+$0xA880]  }
0x13f: {  	v25 =	vld [tilespmem:s7+$0xA900]  }
0x140: {  	v27 =	vld [tilespmem:s7+$0xA980]  }
0x141: {  	v28 =	vld [tilespmem:s7+$0xAA00]  }
0x142: {  	v11 =	vld [tilespmem:s7+$0xAA80]  }
0x143: {  	v12 =	vld [tilespmem:s7+$0xAB00]  }
0x144: {  	v54 =	vld [tilespmem:s7+$0x9000]  }
0x145: {  	v58 =	vld [tilespmem:s7+$0x9080]  }
0x146: {  	v34 =	vld [tilespmem:s7+$0x9100]  }
0x147: {  	v35 =	vld [tilespmem:s7+$0x9180]  }
0x148: {  	v36 =	vld [tilespmem:s7+$0x9200]  }
0x149: {  	v16 =	vld [tilespmem:s7+$0x9280]  }
0x14a: {  	v17 =	vld [tilespmem:s7+$0x9300]  }
0x14b: {  	v55 =	vld [tilespmem:s7+$0x7800]  }
0x14c: {  	v59 =	vld [tilespmem:s7+$0x7880]  }
0x14d: {  	v38 =	vld [tilespmem:s7+$0x7900]  }
0x14e: {  	v39 =	vld [tilespmem:s7+$0x7980]  }
0x14f: {  	v40 =	vld [tilespmem:s7+$0x7A00]  }
0x150: {  	v21 =	vld [tilespmem:s7+$0x7A80]  }
0x151: {  	v23 =	vld [tilespmem:s7+$0x7B00]  }
0x152: {  	v53 =	vld [tilespmem:s7+$0x6000]  }
0x153: {  	v60 =	vld [tilespmem:s7+$0x6080]  }
0x154: {  	v42 =	vld [tilespmem:s7+$0x6100]  }
0x155: {  	v43 =	vld [tilespmem:s7+$0x6180]  }
0x156: {  	v44 =	vld [tilespmem:s7+$0x6200]  }
0x157: {  	v30 =	vld [tilespmem:s7+$0x6280]  }
0x158: {  	v31 =	vld [tilespmem:s7+$0x6300]  }
0x159: {  	v52 =	vld [tilespmem:s7+$0x4800]  }
0x15a: {  	v61 =	vld [tilespmem:s7+$0x4880]  }
0x15b: {  	v45 =	vld [tilespmem:s7+$0x4900]  }
0x15c: {  	v46 =	vld [tilespmem:s7+$0x4980]  }
0x15d: {  	v47 =	vld [tilespmem:s7+$0x4A00]  }
0x15e: {  	v37 =	vld [tilespmem:s7+$0x4A80]  }
0x15f: {  	v51 =	vld [tilespmem:s7+$0x3000]  }
0x160: {  	v50 =	vld [tilespmem:s7+$0x1800]  }
0x161: {  	v62 =	vld [tilespmem:s7+$0x0]  }
0x162: {  	v63 =	vld [tilespmem:s7+$0x80]  }
0x163: {  	v5 =	vld [tilespmem:s7+$0x3080]  }
0x164: {  	vm0 =	vge.f32 v2, $2.500000000e-01;
	vm1 =	vlt.u32 v4, v0;
	v0 =	vld [tilespmem:s7+$0x1880]  }
0x165: {  	vm0 =	vmneg vm0;
	v41 =	vld [tilespmem:s7+$0x4B00]  }
0x166: {  	vm15 =	vge.u32 v4, v1;
	v48 =	vld [tilespmem:s7+$0x3180];
	vm0 =	vmand vm1, vm0  }
0x167: {  	v49 =	vld [tilespmem:s7+$0x100];
	vm0 =	vmand vm0, vm15  }
0x168: {  	v2 =	vnsel vm0, $0x40000000, v4;
	v4 =	vld [tilespmem:s7+$0x3100]  }
0x169: {  	v62 =	vmax.f32 v62, v50;
	v50 =	vld [tilespmem:s7+$0x1900];
	v0 =	vmax.f32 v63, v0  }
0x16a: {  	vm0 =	vlt.s32 v6, v2;
	v62 =	vmax.f32 v62, v51;
	v51 =	vld [tilespmem:s7+$0x180];
	v0 =	vmax.f32 v0, v5  }
0x16b: {  	p3 =	sne.s32 s14, $0x17;
	v6 =	vsel vm0, v6, v2;
	v2 =	vld [tilespmem:s7+$0xC000];
	v5 =	vmax.f32 v62, v52;
	v0 =	vmax.f32 v0, v61  }
.Ltmp2:
0x16c: {  	v52 =	vld [tilespmem:s7+$0x1980];
	v5 =	vmax.f32 v5, v53;
	v0 =	vmax.f32 v0, v60;
	(pc) =	sbr.rel @p3 .LBB2_2-.Ltmp2, $4  }
0x16d: {  	v53 =	vld [tilespmem:s7+$0x200];
	v5 =	vmax.f32 v5, v55;
	v0 =	vmax.f32 v0, v59  }
0x16e: {  	v55 =	vld [tilespmem:s7+$0x1A00];
	v5 =	vmax.f32 v5, v54;
	v0 =	vmax.f32 v0, v58  }
0x16f: {  	v54 =	vld [tilespmem:s7+$0x3200];
	v5 =	vmax.f32 v5, v3;
	v0 =	vmax.f32 v0, v57  }
0x170: {  	s14 =	sadd.s32 $0x1, s14;
	v3 =	vld [tilespmem:s7+$0x3280];
	v2 =	vmax.f32 v5, v2;
	v56 =	vmax.f32 v0, v56  }
0x171: {  	v0 =	vld [tilespmem:s7+$0x3300];
	v2 =	vmax.f32 v2, v32;
	v5 =	vmax.f32 v56, v33  }
0x172: {  	v63 =	vld [tilespmem:s7+$0x280];
	v2 =	vmax.f32 v2, v5;
	v5 =	vadd.f32 v24, v22;
	v22 =	vadd.f32 v29, v26  }
0x173: {  	v56 =	vld [tilespmem:s7+$0x380];
	v24 =	vmax.f32 v49, v50;
	v26 =	vmax.f32 v51, v52;
	v29 =	vmax.f32 v53, v55  }
0x174: {  	v57 =	vld [tilespmem:s7+$0x1B80];
	v4 =	vmax.f32 v24, v4;
	v24 =	vmax.f32 v26, v48;
	v26 =	vmax.f32 v29, v54  }
0x175: {  	v55 =	vld [tilespmem:s7+$0x300];
	v4 =	vmax.f32 v4, v45;
	v24 =	vmax.f32 v24, v46;
	v26 =	vmax.f32 v26, v47  }
0x176: {  	v29 =	vld [tilespmem:s7+$0x1B00];
	v4 =	vmax.f32 v4, v42;
	v24 =	vmax.f32 v24, v43;
	v26 =	vmax.f32 v26, v44  }
0x177: {  	v53 =	vld [tilespmem:s7+$0x1A80];
	v4 =	vmax.f32 v4, v38;
	v24 =	vmax.f32 v24, v39;
	v26 =	vmax.f32 v26, v40  }
0x178: {  	v58 =	vld [tilespmem:s7+$0x3380];
	v4 =	vmax.f32 v4, v34;
	v24 =	vmax.f32 v24, v35;
	v26 =	vmax.f32 v26, v36  }
0x179: {  	v59 =	vld [tilespmem:s7+$0x4B80];
	v4 =	vmax.f32 v4, v25;
	v24 =	vmax.f32 v24, v27;
	v25 =	vmax.f32 v26, v28  }
0x17a: {  	v26 =	vld [tilespmem:s7+$0x6380];
	v4 =	vmax.f32 v4, v18;
	v18 =	vmax.f32 v24, v19;
	v19 =	vmax.f32 v25, v20  }
0x17b: {  	v20 =	vld [tilespmem:s7+$0x7B80];
	v4 =	vmax.f32 v4, v13;
	v13 =	vmax.f32 v18, v14;
	v18 =	vmax.f32 v55, v29  }
0x17c: {  	v24 =	vld [tilespmem:s7+$0x9380];
	v14 =	vmax.f32 v19, v15;
	v15 =	vmax.f32 v63, v53;
	v19 =	vmax.f32 v56, v57  }
0x17d: {  	v0 =	vmax.f32 v18, v0;
	v18 =	vld [tilespmem:s7+$0xAB80];
	v3 =	vmax.f32 v15, v3;
	v15 =	vmax.f32 v19, v58  }
0x17e: {  	v0 =	vmax.f32 v0, v41;
	v19 =	vld [tilespmem:s7+$0xC380];
	v3 =	vmax.f32 v3, v37;
	v15 =	vmax.f32 v15, v59  }
0x17f: {  	v25 =	vld [tilespmem:s7+$0xDB80];
	v0 =	vmax.f32 v0, v31;
	v3 =	vmax.f32 v3, v30;
	v15 =	vmax.f32 v15, v26  }
0x180: {  	v0 =	vmax.f32 v0, v23;
	v3 =	vmax.f32 v3, v21;
	v15 =	vmax.f32 v15, v20  }
0x181: {  	v0 =	vmax.f32 v0, v17;
	v3 =	vmax.f32 v3, v16;
	v15 =	vmax.f32 v15, v24  }
0x182: {  	v0 =	vmax.f32 v0, v12;
	v3 =	vmax.f32 v3, v11;
	v11 =	vmax.f32 v15, v18  }
0x183: {  	v0 =	vmax.f32 v0, v10;
	v3 =	vmax.f32 v3, v9;
	v9 =	vmax.f32 v11, v19  }
0x184: {  	v0 =	vmax.f32 v0, v8;
	v3 =	vmax.f32 v3, v7;
	v7 =	vmax.f32 v9, v25  }
0x185: {  	v4 =	vmax.f32 v4, v13;
	v3 =	vmax.f32 v14, v3;
	v0 =	vmax.f32 v0, v7  }
0x186: {  	v2 =	vmax.f32 v2, v4;
	v0 =	vmax.f32 v3, v0;
	v3 =	vadd.f32 v22, v5  }
0x187: {  	v34 =	vmax.f32 v2, v0  }
0x188: {  	v0 =	vadd.f32 v3, v34  }
0x189: {  	s5 =	sadd.s32 $0x80, s5  }
0x18a: {  	[tilespmem:s5+$0x0] =	vst v0;
	s5 =	simm.s32 @p1 $0x2  }
0x18b: {  	_ =	swait.ge @p1 [sflag:s5], $0x5000  }
0x18c: {  	[sflag:s5] =	ssyncset.done @p1 $0x0  }
0x18d: {  	[sflag:s5] =	ssyncadd.s32 @p1 $0xFFFFB000  }
0x18e: {  	_ =	swait.ge @p1 [sflag:s5], $0x2800  }
0x18f: {  	[sflag:s5] =	ssyncset.done @p1 $0x0  }
0x190: {  	[sflag:s5] =	ssyncadd.s32 @p1 $0xFFFFD800;
	s5 =	simm.s32 @!p1 $0x2  }
0x191: {  	s9 =	simm.s32 $0x180;
	s8 =	simm.s32 $0x600;
	_ =	swait.ge @!p1 [sflag:s5], $0x7800  }
0x192: {  	s8 =	sand.u32 $0x3FFFFE00, s8;
	s7 =	sand.u32 $0x70, s9;
	[sflag:s5] =	ssyncset.done @!p1 $0x0  }
0x193: {  	s8 =	sor.u32 s7, s8;
	[sflag:s5] =	ssyncadd.s32 @!p1 $0xFFFF8800  }
0x194: {  	v0 =	vld [tilespmem:s8+$0xF000]  }
0x195: {  	s14 =	simm.s32 $0xC00;
	v2 =	vld [tilespmem:s8+$0xF080]  }
0x196: {  	s5 =	sand.u32 $0x3FFFFC00, s14;
	v3 =	vld [tilespmem:s8+$0xF100]  }
0x197: {  	s5 =	sor.u32 s7, s5;
	v4 =	vld [tilespmem:s8+$0xF180]  }
0x198: {  	v5 =	vld [tilespmem:s5+$0xD800]  }
0x199: {  	v11 =	vld [tilespmem:s5+$0xD880]  }
0x19a: {  	v12 =	vld [tilespmem:s5+$0xD900]  }
0x19b: {  	v13 =	vld [tilespmem:s5+$0xD980]  }
0x19c: {  	v14 =	vld [tilespmem:s5+$0xDA00]  }
0x19d: {  	v7 =	vld [tilespmem:s5+$0xDA80]  }
0x19e: {  	v8 =	vld [tilespmem:s5+$0xDB00]  }
0x19f: {  	v15 =	vld [tilespmem:s5+$0xC000]  }
0x1a0: {  	v16 =	vld [tilespmem:s5+$0xC080]  }
0x1a1: {  	v17 =	vld [tilespmem:s5+$0xC100]  }
0x1a2: {  	v18 =	vld [tilespmem:s5+$0xC180]  }
0x1a3: {  	v19 =	vld [tilespmem:s5+$0xC200]  }
0x1a4: {  	v9 =	vld [tilespmem:s5+$0xC280]  }
0x1a5: {  	v10 =	vld [tilespmem:s5+$0xC300]  }
0x1a6: {  	v20 =	vld [tilespmem:s5+$0xA800]  }
0x1a7: {  	v21 =	vld [tilespmem:s5+$0xA880]  }
0x1a8: {  	v22 =	vld [tilespmem:s5+$0xA900]  }
0x1a9: {  	v23 =	vld [tilespmem:s5+$0xA980]  }
0x1aa: {  	v24 =	vld [tilespmem:s5+$0xAA00]  }
0x1ab: {  	v25 =	vld [tilespmem:s5+$0xAA80]  }
0x1ac: {  	v26 =	vld [tilespmem:s5+$0xAB00]  }
0x1ad: {  	v27 =	vld [tilespmem:s5+$0x9000]  }
0x1ae: {  	v28 =	vld [tilespmem:s5+$0x9080]  }
0x1af: {  	v29 =	vld [tilespmem:s5+$0x9100]  }
0x1b0: {  	v30 =	vld [tilespmem:s5+$0x9180]  }
0x1b1: {  	v31 =	vld [tilespmem:s5+$0x9200]  }
0x1b2: {  	v32 =	vld [tilespmem:s5+$0x9280]  }
0x1b3: {  	v33 =	vld [tilespmem:s5+$0x9300]  }
0x1b4: {  	v35 =	vld [tilespmem:s5+$0x7800]  }
0x1b5: {  	v36 =	vld [tilespmem:s5+$0x7880]  }
0x1b6: {  	v37 =	vld [tilespmem:s5+$0x7900]  }
0x1b7: {  	v38 =	vld [tilespmem:s5+$0x7980]  }
0x1b8: {  	v39 =	vld [tilespmem:s5+$0x7A00]  }
0x1b9: {  	v40 =	vld [tilespmem:s5+$0x7A80]  }
0x1ba: {  	v41 =	vld [tilespmem:s5+$0x7B00]  }
0x1bb: {  	v42 =	vld [tilespmem:s5+$0x6000]  }
0x1bc: {  	v43 =	vld [tilespmem:s5+$0x6080]  }
0x1bd: {  	v44 =	vld [tilespmem:s5+$0x6100]  }
0x1be: {  	v45 =	vld [tilespmem:s5+$0x6180]  }
0x1bf: {  	v46 =	vld [tilespmem:s5+$0x6200]  }
0x1c0: {  	v47 =	vld [tilespmem:s5+$0x6280]  }
0x1c1: {  	v48 =	vld [tilespmem:s5+$0x6300]  }
0x1c2: {  	v49 =	vld [tilespmem:s5+$0x4800]  }
0x1c3: {  	v50 =	vld [tilespmem:s5+$0x4880]  }
0x1c4: {  	v51 =	vld [tilespmem:s5+$0x4900]  }
0x1c5: {  	v52 =	vld [tilespmem:s5+$0x4980]  }
0x1c6: {  	v53 =	vld [tilespmem:s5+$0x4A00]  }
0x1c7: {  	v54 =	vld [tilespmem:s5+$0x4A80]  }
0x1c8: {  	v55 =	vld [tilespmem:s5+$0x3000]  }
0x1c9: {  	v56 =	vld [tilespmem:s5+$0x1800]  }
0x1ca: {  	v57 =	vld [tilespmem:s5+$0x0]  }
0x1cb: {  	v58 =	vld [tilespmem:s5+$0x80]  }
0x1cc: {  	v59 =	vld [tilespmem:s5+$0x1880]  }
0x1cd: {  	v60 =	vld [tilespmem:s5+$0x3080]  }
0x1ce: {  	v61 =	vld [tilespmem:s5+$0x4B00]  }
0x1cf: {  	v62 =	vld [tilespmem:s5+$0x3100]  }
0x1d0: {  	v63 =	vld [tilespmem:s5+$0x3180]  }
0x1d1: {  	v56 =	vmax.f32 v57, v56;
	v57 =	vld [tilespmem:s5+$0x100]  }
0x1d2: {  	v58 =	vmax.f32 v58, v59;
	v59 =	vld [tilespmem:s5+$0x1900]  }
0x1d3: {  	v60 =	vmax.f32 v58, v60;
	v58 =	vld [tilespmem:s5+$0x180]  }
0x1d4: {  	v55 =	vmax.f32 v56, v55;
	v56 =	vld [tilespmem:s5+$0x3200]  }
0x1d5: {  	v49 =	vmax.f32 v55, v49;
	v50 =	vmax.f32 v60, v50;
	v55 =	vld [tilespmem:s5+$0x1980]  }
0x1d6: {  	v0 =	vadd.f32 v2, v0;
	v60 =	vld [tilespmem:s5+$0x200];
	v42 =	vmax.f32 v49, v42;
	v43 =	vmax.f32 v50, v43  }
0x1d7: {  	v2 =	vadd.f32 v4, v3;
	v50 =	vld [tilespmem:s5+$0x1A00];
	v35 =	vmax.f32 v42, v35;
	v36 =	vmax.f32 v43, v36  }
0x1d8: {  	v27 =	vmax.f32 v35, v27;
	v28 =	vmax.f32 v36, v28;
	v3 =	vmax.f32 v57, v59;
	v59 =	vld [tilespmem:s5+$0x380]  }
0x1d9: {  	v20 =	vmax.f32 v27, v20;
	v21 =	vmax.f32 v28, v21;
	v27 =	vld [tilespmem:s5+$0x3280];
	v3 =	vmax.f32 v3, v62  }
0x1da: {  	v28 =	vld [tilespmem:s5+$0x1B00];
	v15 =	vmax.f32 v20, v15;
	v16 =	vmax.f32 v21, v16;
	v4 =	vmax.f32 v58, v55  }
0x1db: {  	v62 =	vld [tilespmem:s5+$0x3380];
	v3 =	vmax.f32 v3, v51;
	v5 =	vmax.f32 v15, v5;
	v11 =	vmax.f32 v16, v11  }
0x1dc: {  	v21 =	vld [tilespmem:s5+$0x300];
	v4 =	vmax.f32 v4, v63;
	v5 =	vmax.f32 v5, v11;
	v11 =	vmax.f32 v60, v50  }
0x1dd: {  	v15 =	vld [tilespmem:s5+$0x280];
	v3 =	vmax.f32 v3, v44;
	v4 =	vmax.f32 v4, v52;
	v11 =	vmax.f32 v11, v56  }
0x1de: {  	v16 =	vld [tilespmem:s5+$0x1A80];
	v3 =	vmax.f32 v3, v37;
	v4 =	vmax.f32 v4, v45;
	v11 =	vmax.f32 v11, v53  }
0x1df: {  	v60 =	vld [tilespmem:s5+$0x1B80];
	v3 =	vmax.f32 v3, v29;
	v4 =	vmax.f32 v4, v38;
	v11 =	vmax.f32 v11, v46  }
0x1e0: {  	v20 =	vld [tilespmem:s5+$0x3300];
	v3 =	vmax.f32 v3, v22;
	v4 =	vmax.f32 v4, v30;
	v11 =	vmax.f32 v11, v39  }
0x1e1: {  	v29 =	vld [tilespmem:s5+$0x4B80];
	v3 =	vmax.f32 v3, v17;
	v4 =	vmax.f32 v4, v23;
	v11 =	vmax.f32 v11, v31  }
0x1e2: {  	v22 =	vld [tilespmem:s5+$0x6380];
	v3 =	vmax.f32 v3, v12;
	v4 =	vmax.f32 v4, v18;
	v11 =	vmax.f32 v11, v24  }
0x1e3: {  	v17 =	vld [tilespmem:s5+$0x7B80];
	v12 =	vmax.f32 v15, v16;
	v4 =	vmax.f32 v4, v13;
	v11 =	vmax.f32 v11, v19  }
0x1e4: {  	v15 =	vld [tilespmem:s5+$0x9380];
	v13 =	vmax.f32 v21, v28;
	v11 =	vmax.f32 v11, v14;
	v14 =	vmax.f32 v59, v60  }
0x1e5: {  	v16 =	vld [tilespmem:s5+$0xAB80];
	v12 =	vmax.f32 v12, v27;
	v13 =	vmax.f32 v13, v20;
	v14 =	vmax.f32 v14, v62  }
0x1e6: {  	v18 =	vld [tilespmem:s5+$0xC380];
	v12 =	vmax.f32 v12, v54;
	v13 =	vmax.f32 v13, v61;
	v14 =	vmax.f32 v14, v29  }
0x1e7: {  	v12 =	vmax.f32 v12, v47;
	v19 =	vld [tilespmem:s5+$0xDB80];
	v13 =	vmax.f32 v13, v48;
	v14 =	vmax.f32 v14, v22  }
0x1e8: {  	v12 =	vmax.f32 v12, v40;
	v13 =	vmax.f32 v13, v41;
	v14 =	vmax.f32 v14, v17  }
0x1e9: {  	v12 =	vmax.f32 v12, v32;
	v13 =	vmax.f32 v13, v33;
	v14 =	vmax.f32 v14, v15  }
0x1ea: {  	v12 =	vmax.f32 v12, v25;
	v13 =	vmax.f32 v13, v26;
	v14 =	vmax.f32 v14, v16  }
0x1eb: {  	v9 =	vmax.f32 v12, v9;
	v10 =	vmax.f32 v13, v10;
	v12 =	vmax.f32 v14, v18  }
0x1ec: {  	v7 =	vmax.f32 v9, v7;
	v8 =	vmax.f32 v10, v8;
	v9 =	vmax.f32 v12, v19  }
0x1ed: {  	v3 =	vmax.f32 v3, v4;
	v4 =	vmax.f32 v11, v7;
	v7 =	vmax.f32 v8, v9  }
0x1ee: {  	v0 =	vadd.f32 v2, v0;
	v3 =	vmax.f32 v5, v3;
	v4 =	vmax.f32 v4, v7  }
0x1ef: {  	v2 =	vmax.f32 v3, v4  }
0x1f0: {  	s9 =	simm.s32 $0x640;
	s5 =	simm.s32 $0x190;
	v0 =	vadd.f32 v0, v2  }
0x1f1: {  	s14 =	simm.s32 $0x13200;
	s7 =	sand.u32 $0x3FFFFE00, s9;
	s8 =	sand.u32 $0x70, s5  }
0x1f2: {  	s9 =	sor.u32 s8, s7;
	[tilespmem:s14+$0x0] =	vst v0  }
0x1f3: {  	v11 =	vld [tilespmem:s9+$0xF000]  }
0x1f4: {  	s7 =	simm.s32 $0xC80;
	v12 =	vld [tilespmem:s9+$0xF080]  }
0x1f5: {  	s7 =	sand.u32 $0x3FFFFC00, s7;
	v13 =	vld [tilespmem:s9+$0xF100]  }
0x1f6: {  	s7 =	sor.u32 s8, s7;
	v14 =	vld [tilespmem:s9+$0xF180]  }
0x1f7: {  	v30 =	vld [tilespmem:s7+$0xD800]  }
0x1f8: {  	v32 =	vld [tilespmem:s7+$0xD880]  }
0x1f9: {  	v17 =	vld [tilespmem:s7+$0xD900]  }
0x1fa: {  	v18 =	vld [tilespmem:s7+$0xD980]  }
0x1fb: {  	v19 =	vld [tilespmem:s7+$0xDA00]  }
0x1fc: {  	v7 =	vld [tilespmem:s7+$0xDA80]  }
0x1fd: {  	v8 =	vld [tilespmem:s7+$0xDB00]  }
0x1fe: {  	v0 =	vld [tilespmem:s7+$0xC000]  }
0x1ff: {  	v22 =	vld [tilespmem:s7+$0xC100]  }
0x200: {  	v23 =	vld [tilespmem:s7+$0xC180]  }
0x201: {  	v24 =	vld [tilespmem:s7+$0xC200]  }
0x202: {  	v9 =	vld [tilespmem:s7+$0xC280]  }
0x203: {  	v10 =	vld [tilespmem:s7+$0xC300]  }
0x204: {  	v5 =	vld [tilespmem:s7+$0xA800]  }
0x205: {  	v54 =	vld [tilespmem:s7+$0xA880]  }
0x206: {  	v27 =	vld [tilespmem:s7+$0xA900]  }
0x207: {  	v28 =	vld [tilespmem:s7+$0xA980]  }
0x208: {  	v29 =	vld [tilespmem:s7+$0xAA00]  }
0x209: {  	v15 =	vld [tilespmem:s7+$0xAA80]  }
0x20a: {  	v16 =	vld [tilespmem:s7+$0xAB00]  }
0x20b: {  	v55 =	vld [tilespmem:s7+$0x9000]  }
0x20c: {  	v56 =	vld [tilespmem:s7+$0x9080]  }
0x20d: {  	v35 =	vld [tilespmem:s7+$0x9100]  }
0x20e: {  	v36 =	vld [tilespmem:s7+$0x9180]  }
0x20f: {  	v37 =	vld [tilespmem:s7+$0x9200]  }
0x210: {  	v20 =	vld [tilespmem:s7+$0x9280]  }
0x211: {  	v21 =	vld [tilespmem:s7+$0x9300]  }
0x212: {  	v53 =	vld [tilespmem:s7+$0x7800]  }
0x213: {  	v57 =	vld [tilespmem:s7+$0x7880]  }
0x214: {  	v38 =	vld [tilespmem:s7+$0x7900]  }
0x215: {  	v39 =	vld [tilespmem:s7+$0x7980]  }
0x216: {  	v40 =	vld [tilespmem:s7+$0x7A00]  }
0x217: {  	v25 =	vld [tilespmem:s7+$0x7A80]  }
0x218: {  	v26 =	vld [tilespmem:s7+$0x7B00]  }
0x219: {  	v51 =	vld [tilespmem:s7+$0x6000]  }
0x21a: {  	v52 =	vld [tilespmem:s7+$0x6080]  }
0x21b: {  	v42 =	vld [tilespmem:s7+$0x6100]  }
0x21c: {  	v43 =	vld [tilespmem:s7+$0x6180]  }
0x21d: {  	v44 =	vld [tilespmem:s7+$0x6200]  }
0x21e: {  	v31 =	vld [tilespmem:s7+$0x6280]  }
0x21f: {  	[tilespmem:$0x1FF80] =	vst v0;
	v0 =	vld [tilespmem:s7+$0xC080]  }
0x220: {  	v33 =	vld [tilespmem:s7+$0x6300]  }
0x221: {  	v50 =	vld [tilespmem:s7+$0x4800]  }
0x222: {  	v58 =	vld [tilespmem:s7+$0x4880]  }
0x223: {  	v45 =	vld [tilespmem:s7+$0x4900]  }
0x224: {  	[tilespmem:$0x1FF90] =	vst v0;
	v0 =	vld [tilespmem:$0x1FFA0]  }
0x225: {  	v49 =	vld [tilespmem:s7+$0x3000]  }
0x226: {  	v48 =	vld [tilespmem:s7+$0x1800]  }
0x227: {  	v3 =	vlaneseq.u32;
	s9 =	sadd.s32 s13, s25;
	v59 =	vld [tilespmem:s7+$0x0]  }
0x228: {  	vm0 =	vge.f32 v34, $2.500000000e-01;
	v60 =	vld [tilespmem:s7+$0x80];
	v4 =	vor.u32 s9, v3  }
0x229: {  	vm0 =	vmneg vm0;
	v61 =	vld [tilespmem:s7+$0x1880];
	vm1 =	vlt.u32 v4, v0  }
0x22a: {  	v62 =	vld [tilespmem:s7+$0x3080];
	vm15 =	vge.u32 v4, v1;
	vm0 =	vmand vm1, vm0  }
0x22b: {  	v46 =	vld [tilespmem:s7+$0x4980];
	vm0 =	vmand vm0, vm15  }
0x22c: {  	v47 =	vld [tilespmem:s7+$0x4A00];
	v63 =	vnsel vm0, $0x40000000, v4  }
0x22d: {  	v34 =	vld [tilespmem:s7+$0x4A80];
	v59 =	vmax.f32 v59, v48;
	vm0 =	vlt.s32 v6, v63  }
0x22e: {  	v41 =	vld [tilespmem:s7+$0x4B00];
	s13 =	sadd.s32 $0x180, s25;
	v60 =	vmax.f32 v60, v61;
	v6 =	vsel vm0, v6, v63;
	vm0 =	vge.f32 v2, $2.500000000e-01  }
0x22f: {  	v48 =	vld [tilespmem:s7+$0x3180];
	v2 =	vmax.f32 v59, v49;
	v59 =	vmax.f32 v60, v62;
	v60 =	vor.u32 s13, v3  }
0x230: {  	v2 =	vmax.f32 v2, v50;
	vm1 =	vlt.u32 v60, v0;
	v0 =	vld [tilespmem:$0x1FF80]  }
0x231: {  	v4 =	vld [tilespmem:s7+$0x3100];
	v2 =	vmax.f32 v2, v51  }
0x232: {  	v49 =	vld [tilespmem:s7+$0x100];
	v2 =	vmax.f32 v2, v53  }
0x233: {  	v50 =	vld [tilespmem:s7+$0x1900];
	v2 =	vmax.f32 v2, v55  }
0x234: {  	v51 =	vld [tilespmem:s7+$0x180];
	v2 =	vmax.f32 v2, v5  }
0x235: {  	v58 =	vmax.f32 v59, v58;
	vm0 =	vmneg vm0;
	v2 =	vmax.f32 v2, v0;
	v0 =	vld [tilespmem:$0x1FF90]  }
0x236: {  	vm15 =	vge.u32 v60, v1;
	vm0 =	vmand vm1, vm0;
	v58 =	vmax.f32 v58, v52;
	v52 =	vld [tilespmem:s7+$0x1980]  }
0x237: {  	vm0 =	vmand vm0, vm15;
	v57 =	vmax.f32 v58, v57;
	v53 =	vld [tilespmem:s7+$0x200]  }
0x238: {  	v63 =	vnsel vm0, $0x40000000, v60;
	v56 =	vmax.f32 v57, v56;
	v55 =	vld [tilespmem:s7+$0x1A00]  }
0x239: {  	vm0 =	vlt.s32 v6, v63;
	v5 =	vmax.f32 v56, v54;
	v54 =	vld [tilespmem:s7+$0x3200]  }
0x23a: {  	v3 =	vld [tilespmem:s7+$0x3280];
	s13 =	simm.s32 $0x1A;
	v6 =	vsel vm0, v6, v63;
	v63 =	vlaneseq.u32;
	v56 =	vmax.f32 v5, v0  }
.LBB2_4:
0x23b: {  	v0 =	vld [tilespmem:s7+$0x3300];
	v2 =	vmax.f32 v2, v30;
	v5 =	vmax.f32 v56, v32  }
0x23c: {  	v57 =	vld [tilespmem:s7+$0x1B80];
	v2 =	vmax.f32 v2, v5;
	v5 =	vadd.f32 v12, v11;
	v11 =	vadd.f32 v14, v13  }
0x23d: {  	v30 =	vld [tilespmem:s7+$0x280];
	v12 =	vmax.f32 v49, v50;
	v13 =	vmax.f32 v51, v52;
	v14 =	vmax.f32 v53, v55  }
0x23e: {  	v55 =	vld [tilespmem:s7+$0x300];
	v4 =	vmax.f32 v12, v4;
	v12 =	vmax.f32 v13, v48;
	v13 =	vmax.f32 v14, v54  }
0x23f: {  	v14 =	vld [tilespmem:s7+$0x1B00];
	v4 =	vmax.f32 v4, v45;
	v12 =	vmax.f32 v12, v46;
	v13 =	vmax.f32 v13, v47  }
0x240: {  	v56 =	vld [tilespmem:s7+$0x380];
	v4 =	vmax.f32 v4, v42;
	v12 =	vmax.f32 v12, v43;
	v13 =	vmax.f32 v13, v44  }
0x241: {  	v53 =	vld [tilespmem:s7+$0x1A80];
	v4 =	vmax.f32 v4, v38;
	v12 =	vmax.f32 v12, v39;
	v13 =	vmax.f32 v13, v40  }
0x242: {  	v58 =	vld [tilespmem:s7+$0x3380];
	v4 =	vmax.f32 v4, v35;
	v12 =	vmax.f32 v12, v36;
	v13 =	vmax.f32 v13, v37  }
0x243: {  	v59 =	vld [tilespmem:s7+$0x4B80];
	v4 =	vmax.f32 v4, v27;
	v12 =	vmax.f32 v12, v28;
	v13 =	vmax.f32 v13, v29  }
0x244: {  	v27 =	vld [tilespmem:s7+$0x6380];
	v14 =	vmax.f32 v55, v14;
	v4 =	vmax.f32 v4, v22;
	v12 =	vmax.f32 v12, v23  }
0x245: {  	v13 =	vmax.f32 v13, v24;
	v22 =	vld [tilespmem:s7+$0x7B80];
	v4 =	vmax.f32 v4, v17;
	v12 =	vmax.f32 v12, v18  }
0x246: {  	v13 =	vmax.f32 v13, v19;
	v17 =	vmax.f32 v30, v53;
	v18 =	vmax.f32 v56, v57;
	v19 =	vld [tilespmem:s7+$0x9380]  }
0x247: {  	v0 =	vmax.f32 v14, v0;
	v3 =	vmax.f32 v17, v3;
	v14 =	vmax.f32 v18, v58;
	v17 =	vld [tilespmem:s7+$0xAB80]  }
0x248: {  	v0 =	vmax.f32 v0, v41;
	v18 =	vld [tilespmem:s7+$0xC380];
	v3 =	vmax.f32 v3, v34;
	v14 =	vmax.f32 v14, v59  }
0x249: {  	v23 =	vld [tilespmem:s7+$0xDB80];
	v0 =	vmax.f32 v0, v33;
	v3 =	vmax.f32 v3, v31;
	v14 =	vmax.f32 v14, v27  }
0x24a: {  	v0 =	vmax.f32 v0, v26;
	v3 =	vmax.f32 v3, v25;
	v14 =	vmax.f32 v14, v22  }
0x24b: {  	v0 =	vmax.f32 v0, v21;
	v3 =	vmax.f32 v3, v20;
	v14 =	vmax.f32 v14, v19  }
0x24c: {  	v0 =	vmax.f32 v0, v16;
	v3 =	vmax.f32 v3, v15;
	v14 =	vmax.f32 v14, v17  }
0x24d: {  	v0 =	vmax.f32 v0, v10;
	v3 =	vmax.f32 v3, v9;
	v9 =	vmax.f32 v14, v18  }
0x24e: {  	v0 =	vmax.f32 v0, v8;
	v3 =	vmax.f32 v3, v7;
	v7 =	vmax.f32 v9, v23  }
0x24f: {  	v4 =	vmax.f32 v4, v12;
	v3 =	vmax.f32 v13, v3;
	v0 =	vmax.f32 v0, v7  }
0x250: {  	v2 =	vmax.f32 v2, v4;
	v0 =	vmax.f32 v3, v0;
	v3 =	vadd.f32 v11, v5  }
0x251: {  	v0 =	vmax.f32 v2, v0  }
0x252: {  	s9 =	sadd.s32 s5, s25;
	s8 =	sshll.u32 s13, $0x6;
	s5 =	sadd.s32 $0x10, s5;
	v2 =	vadd.f32 v3, v0  }
0x253: {  	s14 =	sadd.s32 $0x80, s14;
	s8 =	sand.u32 $0x3FFFFE00, s8;
	s7 =	sand.u32 $0x70, s5  }
0x254: {  	s8 =	sor.u32 s7, s8;
	vm0 =	vge.f32 v0, $2.500000000e-01;
	v0 =	vld [tilespmem:$0x1FFA0];
	[tilespmem:s14+$0x0] =	vst v2  }
0x255: {  	v11 =	vld [tilespmem:s8+$0xF000]  }
0x256: {  	v3 =	vor.u32 s9, v63;
	s9 =	sshll.u32 s13, $0x7;
	v12 =	vld [tilespmem:s8+$0xF080]  }
0x257: {  	s9 =	sand.u32 $0x3FFFFC00, s9;
	v13 =	vld [tilespmem:s8+$0xF100]  }
0x258: {  	s7 =	sor.u32 s7, s9;
	v14 =	vld [tilespmem:s8+$0xF180]  }
0x259: {  	v30 =	vld [tilespmem:s7+$0xD800]  }
0x25a: {  	v32 =	vld [tilespmem:s7+$0xD880]  }
0x25b: {  	v17 =	vld [tilespmem:s7+$0xD900]  }
0x25c: {  	v18 =	vld [tilespmem:s7+$0xD980]  }
0x25d: {  	v19 =	vld [tilespmem:s7+$0xDA00]  }
0x25e: {  	v7 =	vld [tilespmem:s7+$0xDA80]  }
0x25f: {  	v8 =	vld [tilespmem:s7+$0xDB00]  }
0x260: {  	v2 =	vld [tilespmem:s7+$0xC000]  }
0x261: {  	v22 =	vld [tilespmem:s7+$0xC100]  }
0x262: {  	v23 =	vld [tilespmem:s7+$0xC180]  }
0x263: {  	v24 =	vld [tilespmem:s7+$0xC200]  }
0x264: {  	v9 =	vld [tilespmem:s7+$0xC280]  }
0x265: {  	v10 =	vld [tilespmem:s7+$0xC300]  }
0x266: {  	v5 =	vld [tilespmem:s7+$0xA880]  }
0x267: {  	v27 =	vld [tilespmem:s7+$0xA900]  }
0x268: {  	v28 =	vld [tilespmem:s7+$0xA980]  }
0x269: {  	v29 =	vld [tilespmem:s7+$0xAA00]  }
0x26a: {  	v15 =	vld [tilespmem:s7+$0xAA80]  }
0x26b: {  	v16 =	vld [tilespmem:s7+$0xAB00]  }
0x26c: {  	v54 =	vld [tilespmem:s7+$0x9000]  }
0x26d: {  	v56 =	vld [tilespmem:s7+$0x9080]  }
0x26e: {  	v35 =	vld [tilespmem:s7+$0x9100]  }
0x26f: {  	v36 =	vld [tilespmem:s7+$0x9180]  }
0x270: {  	v37 =	vld [tilespmem:s7+$0x9200]  }
0x271: {  	v20 =	vld [tilespmem:s7+$0x9280]  }
0x272: {  	v21 =	vld [tilespmem:s7+$0x9300]  }
0x273: {  	v55 =	vld [tilespmem:s7+$0x7800]  }
0x274: {  	v57 =	vld [tilespmem:s7+$0x7880]  }
0x275: {  	v38 =	vld [tilespmem:s7+$0x7900]  }
0x276: {  	v39 =	vld [tilespmem:s7+$0x7980]  }
0x277: {  	v40 =	vld [tilespmem:s7+$0x7A00]  }
0x278: {  	v25 =	vld [tilespmem:s7+$0x7A80]  }
0x279: {  	v26 =	vld [tilespmem:s7+$0x7B00]  }
0x27a: {  	v53 =	vld [tilespmem:s7+$0x6000]  }
0x27b: {  	v58 =	vld [tilespmem:s7+$0x6080]  }
0x27c: {  	v42 =	vld [tilespmem:s7+$0x6100]  }
0x27d: {  	v43 =	vld [tilespmem:s7+$0x6180]  }
0x27e: {  	v44 =	vld [tilespmem:s7+$0x6200]  }
0x27f: {  	v31 =	vld [tilespmem:s7+$0x6280]  }
0x280: {  	v33 =	vld [tilespmem:s7+$0x6300]  }
0x281: {  	v52 =	vld [tilespmem:s7+$0x4800]  }
0x282: {  	v59 =	vld [tilespmem:s7+$0x4880]  }
0x283: {  	v45 =	vld [tilespmem:s7+$0x4900]  }
0x284: {  	v46 =	vld [tilespmem:s7+$0x4980]  }
0x285: {  	v47 =	vld [tilespmem:s7+$0x4A00]  }
0x286: {  	v34 =	vld [tilespmem:s7+$0x4A80]  }
0x287: {  	v51 =	vld [tilespmem:s7+$0x3000]  }
0x288: {  	v50 =	vld [tilespmem:s7+$0x1800]  }
0x289: {  	v60 =	vld [tilespmem:s7+$0x0]  }
0x28a: {  	v61 =	vld [tilespmem:s7+$0x80]  }
0x28b: {  	v62 =	vld [tilespmem:s7+$0x1880]  }
0x28c: {  	v63 =	vld [tilespmem:s7+$0x3080]  }
0x28d: {  	v41 =	vld [tilespmem:s7+$0x4B00]  }
0x28e: {  	vm0 =	vmneg vm0;
	v4 =	vld [tilespmem:s7+$0x3100];
	vm1 =	vlt.u32 v3, v0  }
0x28f: {  	vm15 =	vge.u32 v3, v1;
	v48 =	vld [tilespmem:s7+$0x3180];
	vm0 =	vmand vm1, vm0  }
0x290: {  	v49 =	vld [tilespmem:s7+$0x100];
	vm0 =	vmand vm0, vm15  }
0x291: {  	v0 =	vnsel vm0, $0x40000000, v3;
	v3 =	vld [tilespmem:s7+$0xA800]  }
0x292: {  	v60 =	vmax.f32 v60, v50;
	v61 =	vmax.f32 v61, v62;
	v50 =	vld [tilespmem:s7+$0x1900]  }
0x293: {  	vm0 =	vlt.s32 v6, v0;
	v60 =	vmax.f32 v60, v51;
	v61 =	vmax.f32 v61, v63;
	v51 =	vld [tilespmem:s7+$0x180]  }
0x294: {  	p3 =	sne.s32 s13, $0x2F;
	v6 =	vsel vm0, v6, v0;
	v0 =	vld [tilespmem:s7+$0xC080];
	v60 =	vmax.f32 v60, v52;
	v59 =	vmax.f32 v61, v59  }
.Ltmp3:
0x295: {  	v52 =	vld [tilespmem:s7+$0x1980];
	v60 =	vmax.f32 v60, v53;
	v58 =	vmax.f32 v59, v58;
	(pc) =	sbr.rel @p3 .LBB2_4-.Ltmp3, $4  }
0x296: {  	v53 =	vld [tilespmem:s7+$0x200];
	v60 =	vmax.f32 v60, v55;
	v57 =	vmax.f32 v58, v57  }
0x297: {  	v55 =	vld [tilespmem:s7+$0x1A00];
	v61 =	vmax.f32 v60, v54;
	v56 =	vmax.f32 v57, v56  }
0x298: {  	v54 =	vld [tilespmem:s7+$0x3200];
	v62 =	vmax.f32 v61, v3;
	v5 =	vmax.f32 v56, v5  }
0x299: {  	s13 =	sadd.s32 $0x1, s13;
	v63 =	vlaneseq.u32;
	v3 =	vld [tilespmem:s7+$0x3280];
	v2 =	vmax.f32 v62, v2;
	v56 =	vmax.f32 v5, v0  }
0x29a: {  	v0 =	vld [tilespmem:s7+$0x3300]  }
0x29b: {  	v2 =	vmax.f32 v2, v30;
	v30 =	vld [tilespmem:s7+$0x280]  }
0x29c: {  	v5 =	vmax.f32 v56, v32;
	v56 =	vld [tilespmem:s7+$0x1A80]  }
0x29d: {  	v61 =	vmax.f32 v49, v50;
	v57 =	vld [tilespmem:s7+$0x300]  }
0x29e: {  	v62 =	vmax.f32 v51, v52;
	v60 =	vld [tilespmem:s7+$0x1B00];
	v2 =	vmax.f32 v2, v5;
	v4 =	vmax.f32 v61, v4  }
0x29f: {  	v58 =	vmax.f32 v62, v48;
	v61 =	vld [tilespmem:s7+$0x380];
	v55 =	vmax.f32 v53, v55;
	v4 =	vmax.f32 v4, v45  }
0x2a0: {  	v62 =	vld [tilespmem:s7+$0x1B80];
	v5 =	vmax.f32 v58, v46;
	v59 =	vmax.f32 v55, v54;
	v4 =	vmax.f32 v4, v42  }
0x2a1: {  	v5 =	vmax.f32 v5, v43;
	v32 =	vmax.f32 v59, v47;
	v4 =	vmax.f32 v4, v38  }
0x2a2: {  	v5 =	vmax.f32 v5, v39;
	v32 =	vmax.f32 v32, v44;
	v4 =	vmax.f32 v4, v35  }
0x2a3: {  	v43 =	vld [tilespmem:s7+$0x3380];
	v5 =	vmax.f32 v5, v36;
	v50 =	vmax.f32 v30, v56;
	v52 =	vmax.f32 v57, v60  }
0x2a4: {  	v44 =	vld [tilespmem:s7+$0x4B80];
	v32 =	vmax.f32 v32, v40;
	v4 =	vmax.f32 v4, v27;
	v5 =	vmax.f32 v5, v28  }
0x2a5: {  	v28 =	vld [tilespmem:s7+$0x6380];
	v53 =	vmax.f32 v61, v62;
	v3 =	vmax.f32 v50, v3;
	v0 =	vmax.f32 v52, v0  }
0x2a6: {  	v47 =	vld [tilespmem:s7+$0x7B80];
	v32 =	vmax.f32 v32, v37;
	v4 =	vmax.f32 v4, v22;
	v5 =	vmax.f32 v5, v23  }
0x2a7: {  	v54 =	vld [tilespmem:s7+$0x9380];
	v3 =	vmax.f32 v3, v34;
	v0 =	vmax.f32 v0, v41;
	v27 =	vmax.f32 v32, v29  }
0x2a8: {  	v56 =	vld [tilespmem:s7+$0xAB80];
	v4 =	vmax.f32 v4, v17;
	v5 =	vmax.f32 v5, v18;
	v55 =	vmax.f32 v53, v43  }
0x2a9: {  	v57 =	vld [tilespmem:s7+$0xC380];
	v3 =	vmax.f32 v3, v31;
	v0 =	vmax.f32 v0, v33;
	v18 =	vmax.f32 v55, v44  }
0x2aa: {  	v46 =	vmax.f32 v27, v24;
	v27 =	vld [tilespmem:s7+$0xDB80];
	v3 =	vmax.f32 v3, v25;
	v18 =	vmax.f32 v18, v28  }
0x2ab: {  	v0 =	vmax.f32 v0, v26;
	v49 =	vmax.f32 v46, v19;
	v18 =	vmax.f32 v18, v47  }
0x2ac: {  	v3 =	vmax.f32 v3, v20;
	v0 =	vmax.f32 v0, v21;
	v18 =	vmax.f32 v18, v54  }
0x2ad: {  	v3 =	vmax.f32 v3, v15;
	v0 =	vmax.f32 v0, v16;
	v58 =	vmax.f32 v18, v56  }
0x2ae: {  	v3 =	vmax.f32 v3, v9;
	v0 =	vmax.f32 v0, v10;
	v59 =	vmax.f32 v58, v57  }
0x2af: {  	v62 =	vld [tilespmem:$0x1FFA0];
	v3 =	vmax.f32 v3, v7;
	v0 =	vmax.f32 v0, v8;
	v60 =	vmax.f32 v59, v27  }
0x2b0: {  	v4 =	vmax.f32 v4, v5;
	v3 =	vmax.f32 v49, v3;
	v0 =	vmax.f32 v0, v60  }
0x2b1: {  	s5 =	sadd.s32 s5, s25;
	v2 =	vmax.f32 v2, v4;
	v0 =	vmax.f32 v3, v0  }
0x2b2: {  	v61 =	vor.u32 s5, v63;
	v0 =	vmax.f32 v2, v0  }
0x2b3: {  	v3 =	vadd.f32 v12, v11;
	v2 =	vadd.f32 v14, v13;
	vm0 =	vge.f32 v0, $2.500000000e-01  }
0x2b4: {  	vm1 =	vlt.u32 v61, v62;
	vm0 =	vmneg vm0  }
.Ltmp4:
0x2b5: {  	vm15 =	vge.u32 v61, v1;
	v2 =	vadd.f32 v2, v3;
	vm0 =	vmand vm1, vm0;
	(pc) =	sbr.rel @p2 .LBB2_7-.Ltmp4, $4  }
0x2b6: {  	vm0 =	vmand vm0, vm15  }
0x2b7: {  	v0 =	vadd.f32 v2, v0;
	v2 =	vnsel vm0, $0x40000000, v61  }
0x2b8: {  	s14 =	sadd.s32 $0x80, s14;
	vm0 =	vlt.s32 v6, v2  }
0x2b9: {  	[tilespmem:s14+$0x0] =	vst v0;
	v29 =	vsel vm0, v6, v2  }
0x2ba: {  	v0 =	vld [tilespmem:$0x11780];
	_ =	sdelay $0x4  }
0x2bb: {  	[tilespmem:$0x1FDB0] =	vst v0;
	v0 =	vld [tilespmem:$0x11800];
	_ =	sdelay $0x4  }
0x2bc: {  	[tilespmem:$0x1FDC0] =	vst v0;
	v0 =	vld [tilespmem:$0x11880];
	_ =	sdelay $0x4  }
0x2bd: {  	[tilespmem:$0x1FDD0] =	vst v0;
	v0 =	vld [tilespmem:$0x11900];
	_ =	sdelay $0x4  }
0x2be: {  	[tilespmem:$0x1FDE0] =	vst v0;
	v0 =	vld [tilespmem:$0x11980];
	_ =	sdelay $0x4  }
0x2bf: {  	[tilespmem:$0x1FDF0] =	vst v0;
	v0 =	vld [tilespmem:$0x11A00];
	_ =	sdelay $0x4  }
0x2c0: {  	[tilespmem:$0x1FE00] =	vst v0;
	v0 =	vld [tilespmem:$0x11A80];
	_ =	sdelay $0x4  }
0x2c1: {  	[tilespmem:$0x1FE10] =	vst v0;
	v0 =	vld [tilespmem:$0x11B00];
	_ =	sdelay $0x4  }
0x2c2: {  	[tilespmem:$0x1FE20] =	vst v0;
	v0 =	vld [tilespmem:$0x11B80]  }
0x2c3: {  	v9 =	vld [tilespmem:$0xFC00]  }
0x2c4: {  	v8 =	vld [tilespmem:$0xFC80]  }
0x2c5: {  	v10 =	vld [tilespmem:$0xFD00]  }
0x2c6: {  	v11 =	vld [tilespmem:$0xFD80]  }
0x2c7: {  	[tilespmem:$0x1FE30] =	vst v0;
	v0 =	vld [tilespmem:$0x11C00]  }
0x2c8: {  	v12 =	vld [tilespmem:$0xFE00]  }
0x2c9: {  	v13 =	vld [tilespmem:$0xFE80]  }
0x2ca: {  	v14 =	vld [tilespmem:$0xFF00]  }
0x2cb: {  	v15 =	vld [tilespmem:$0xFF80]  }
0x2cc: {  	[tilespmem:$0x1FE40] =	vst v0;
	v0 =	vld [tilespmem:$0x11C80]  }
0x2cd: {  	v16 =	vld [tilespmem:$0x10000]  }
0x2ce: {  	v17 =	vld [tilespmem:$0x10080]  }
0x2cf: {  	v18 =	vld [tilespmem:$0x10100]  }
0x2d0: {  	v19 =	vld [tilespmem:$0x10180]  }
0x2d1: {  	[tilespmem:$0x1FE50] =	vst v0;
	v0 =	vld [tilespmem:$0x11D00]  }
0x2d2: {  	v20 =	vld [tilespmem:$0x10200]  }
0x2d3: {  	v21 =	vld [tilespmem:$0x10280]  }
0x2d4: {  	v22 =	vld [tilespmem:$0x10300]  }
0x2d5: {  	v23 =	vld [tilespmem:$0x10380]  }
0x2d6: {  	[tilespmem:$0x1FE60] =	vst v0;
	v0 =	vld [tilespmem:$0x11D80]  }
0x2d7: {  	v24 =	vld [tilespmem:$0x10400]  }
0x2d8: {  	v25 =	vld [tilespmem:$0x10480]  }
0x2d9: {  	v26 =	vld [tilespmem:$0x10500]  }
0x2da: {  	v27 =	vld [tilespmem:$0x10580]  }
0x2db: {  	[tilespmem:$0x1FE70] =	vst v0;
	v0 =	vld [tilespmem:$0x11E00]  }
0x2dc: {  	v28 =	vld [tilespmem:$0x10600]  }
0x2dd: {  	v30 =	vld [tilespmem:$0x10680]  }
0x2de: {  	v31 =	vld [tilespmem:$0x10700]  }
0x2df: {  	v32 =	vld [tilespmem:$0x10780]  }
0x2e0: {  	[tilespmem:$0x1FE80] =	vst v0;
	v0 =	vld [tilespmem:$0x11E80]  }
0x2e1: {  	v33 =	vld [tilespmem:$0x10800]  }
0x2e2: {  	v34 =	vld [tilespmem:$0x10880]  }
0x2e3: {  	v63 =	vld [tilespmem:$0x10900]  }
0x2e4: {  	v62 =	vld [tilespmem:$0x10980]  }
0x2e5: {  	[tilespmem:$0x1FE90] =	vst v0;
	v0 =	vld [tilespmem:$0x11F00]  }
0x2e6: {  	v61 =	vld [tilespmem:$0x10A00]  }
0x2e7: {  	v60 =	vld [tilespmem:$0x10A80]  }
0x2e8: {  	v59 =	vld [tilespmem:$0x10B00]  }
0x2e9: {  	v58 =	vld [tilespmem:$0x10B80]  }
0x2ea: {  	[tilespmem:$0x1FEA0] =	vst v0;
	v0 =	vld [tilespmem:$0x11F80]  }
0x2eb: {  	v57 =	vld [tilespmem:$0x10C00]  }
0x2ec: {  	v56 =	vld [tilespmem:$0x10C80]  }
0x2ed: {  	v55 =	vld [tilespmem:$0x10D00]  }
0x2ee: {  	v54 =	vld [tilespmem:$0x10D80]  }
0x2ef: {  	[tilespmem:$0x1FEB0] =	vst v0;
	v0 =	vld [tilespmem:$0x12000]  }
0x2f0: {  	v53 =	vld [tilespmem:$0x10E00]  }
0x2f1: {  	v52 =	vld [tilespmem:$0x10E80]  }
0x2f2: {  	v51 =	vld [tilespmem:$0x10F00]  }
0x2f3: {  	v50 =	vld [tilespmem:$0x10F80]  }
0x2f4: {  	[tilespmem:$0x1FEC0] =	vst v0;
	v0 =	vld [tilespmem:$0x12080]  }
0x2f5: {  	v49 =	vld [tilespmem:$0x11000]  }
0x2f6: {  	v48 =	vld [tilespmem:$0x11080]  }
0x2f7: {  	v47 =	vld [tilespmem:$0x11100]  }
0x2f8: {  	v46 =	vld [tilespmem:$0x11180]  }
0x2f9: {  	[tilespmem:$0x1FED0] =	vst v0;
	v0 =	vld [tilespmem:$0x12100]  }
0x2fa: {  	v45 =	vld [tilespmem:$0x11200]  }
0x2fb: {  	v44 =	vld [tilespmem:$0x11280]  }
0x2fc: {  	v43 =	vld [tilespmem:$0x11300]  }
0x2fd: {  	v42 =	vld [tilespmem:$0x11380]  }
0x2fe: {  	[tilespmem:$0x1FEE0] =	vst v0;
	v0 =	vld [tilespmem:$0x12180]  }
0x2ff: {  	v41 =	vld [tilespmem:$0x11400]  }
0x300: {  	v40 =	vld [tilespmem:$0x11480]  }
0x301: {  	v39 =	vld [tilespmem:$0x11500]  }
0x302: {  	v38 =	vld [tilespmem:$0x11580]  }
0x303: {  	[tilespmem:$0x1FEF0] =	vst v0;
	v0 =	vld [tilespmem:$0x12200]  }
0x304: {  	v37 =	vld [tilespmem:$0x11600]  }
0x305: {  	v36 =	vld [tilespmem:$0x11680]  }
0x306: {  	v35 =	vld [tilespmem:$0x11700]  }
0x307: {  	v5 =	vld [tilespmem:$0xFC90]  }
0x308: {  	[tilespmem:$0x1FF00] =	vst v0;
	v0 =	vld [tilespmem:$0x12280]  }
0x309: {  	v2 =	vld [tilespmem:$0xFD10]  }
0x30a: {  	v3 =	vld [tilespmem:$0xFD90]  }
0x30b: {  	v4 =	vld [tilespmem:$0xFE10]  }
0x30c: {  	v6 =	vld [tilespmem:$0xFE90];
	v8 =	vmax.f32 v9, v8  }
0x30d: {  	v8 =	vmax.f32 v8, v10;
	[tilespmem:$0x1FF10] =	vst v0;
	v0 =	vld [tilespmem:$0x12300]  }
0x30e: {  	v7 =	vld [tilespmem:$0xFF10];
	v8 =	vmax.f32 v8, v11  }
0x30f: {  	v9 =	vld [tilespmem:$0xFF90];
	v8 =	vmax.f32 v8, v12  }
0x310: {  	v10 =	vld [tilespmem:$0x10010];
	v8 =	vmax.f32 v8, v13  }
0x311: {  	v12 =	vld [tilespmem:$0x10710];
	v8 =	vmax.f32 v8, v14  }
0x312: {  	v8 =	vmax.f32 v8, v15;
	[tilespmem:$0x1FF40] =	vst v0;
	v0 =	vld [tilespmem:$0x12380]  }
0x313: {  	v13 =	vld [tilespmem:$0x10790];
	v8 =	vmax.f32 v8, v16  }
0x314: {  	v14 =	vld [tilespmem:$0x10210];
	v8 =	vmax.f32 v8, v17  }
0x315: {  	v15 =	vld [tilespmem:$0x10290];
	v8 =	vmax.f32 v8, v18  }
0x316: {  	v16 =	vld [tilespmem:$0x10310];
	v8 =	vmax.f32 v8, v19  }
0x317: {  	v8 =	vmax.f32 v8, v20;
	[tilespmem:$0x1FF50] =	vst v0;
	v0 =	vld [tilespmem:$0x12400]  }
0x318: {  	v17 =	vld [tilespmem:$0x10390];
	v8 =	vmax.f32 v8, v21  }
0x319: {  	v18 =	vld [tilespmem:$0x10410];
	v8 =	vmax.f32 v8, v22  }
0x31a: {  	v19 =	vld [tilespmem:$0x10490];
	v8 =	vmax.f32 v8, v23  }
0x31b: {  	v20 =	vld [tilespmem:$0x10C10];
	v8 =	vmax.f32 v8, v24  }
0x31c: {  	v8 =	vmax.f32 v8, v25;
	[tilespmem:$0x1FF20] =	vst v0;
	v0 =	vld [tilespmem:$0x12480]  }
0x31d: {  	v21 =	vld [tilespmem:$0x10C90];
	v8 =	vmax.f32 v8, v26  }
0x31e: {  	v22 =	vld [tilespmem:$0x10610];
	v8 =	vmax.f32 v8, v27  }
0x31f: {  	v23 =	vld [tilespmem:$0x10690];
	v8 =	vmax.f32 v8, v28  }
0x320: {  	v24 =	vld [tilespmem:$0x10F10];
	v8 =	vmax.f32 v8, v30  }
0x321: {  	v8 =	vmax.f32 v8, v31;
	[tilespmem:$0x1FF30] =	vst v0;
	v0 =	vld [tilespmem:$0x12500]  }
0x322: {  	v25 =	vld [tilespmem:$0x10F90];
	v8 =	vmax.f32 v8, v32  }
0x323: {  	v26 =	vld [tilespmem:$0x11010];
	v8 =	vmax.f32 v8, v33  }
0x324: {  	v32 =	vld [tilespmem:$0x11090];
	v8 =	vmax.f32 v8, v34  }
0x325: {  	v33 =	vld [tilespmem:$0x11210];
	v8 =	vmax.f32 v8, v63  }
0x326: {  	v8 =	vmax.f32 v8, v62;
	[tilespmem:$0x1FF60] =	vst v0;
	v0 =	vld [tilespmem:$0x12580]  }
0x327: {  	v34 =	vld [tilespmem:$0x11290];
	v8 =	vmax.f32 v8, v61  }
0x328: {  	v62 =	vld [tilespmem:$0x11A90];
	v8 =	vmax.f32 v8, v60  }
0x329: {  	v61 =	vld [tilespmem:$0x1FDB0];
	v8 =	vmax.f32 v8, v59  }
0x32a: {  	v60 =	vld [tilespmem:$0x11A10];
	v8 =	vmax.f32 v8, v58  }
0x32b: {  	v8 =	vmax.f32 v8, v57;
	[tilespmem:$0x1FF70] =	vst v0;
	v0 =	vld [tilespmem:$0xFC10]  }
0x32c: {  	v59 =	vld [tilespmem:$0x11890];
	v8 =	vmax.f32 v8, v56  }
0x32d: {  	v58 =	vld [tilespmem:$0x11810];
	v8 =	vmax.f32 v8, v55  }
0x32e: {  	v57 =	vld [tilespmem:$0x11790];
	v8 =	vmax.f32 v8, v54  }
0x32f: {  	v56 =	vld [tilespmem:$0x11710];
	v8 =	vmax.f32 v8, v53  }
0x330: {  	v55 =	vld [tilespmem:$0x11690];
	v8 =	vmax.f32 v8, v52;
	v0 =	vmax.f32 v0, v5  }
0x331: {  	v54 =	vld [tilespmem:$0x11610];
	v8 =	vmax.f32 v8, v51;
	v0 =	vmax.f32 v0, v2  }
0x332: {  	v53 =	vld [tilespmem:$0x11490];
	v8 =	vmax.f32 v8, v50;
	v0 =	vmax.f32 v0, v3  }
0x333: {  	v8 =	vmax.f32 v8, v49;
	v5 =	vld [tilespmem:$0x10090];
	v0 =	vmax.f32 v0, v4  }
0x334: {  	v8 =	vmax.f32 v8, v48;
	v2 =	vld [tilespmem:$0x10110];
	v0 =	vmax.f32 v0, v6  }
0x335: {  	v8 =	vmax.f32 v8, v47;
	v3 =	vld [tilespmem:$0x10190];
	v0 =	vmax.f32 v0, v7  }
0x336: {  	v52 =	vld [tilespmem:$0x11410];
	v8 =	vmax.f32 v8, v46;
	v0 =	vmax.f32 v0, v9  }
0x337: {  	v51 =	vld [tilespmem:$0x11390];
	v8 =	vmax.f32 v8, v45;
	v0 =	vmax.f32 v0, v10  }
0x338: {  	v50 =	vld [tilespmem:$0x11310];
	v8 =	vmax.f32 v8, v44;
	v0 =	vmax.f32 v0, v5  }
0x339: {  	v48 =	vld [tilespmem:$0x12490];
	v8 =	vmax.f32 v8, v43;
	v0 =	vmax.f32 v0, v2  }
0x33a: {  	v46 =	vld [tilespmem:$0x12410];
	v8 =	vmax.f32 v8, v42;
	v0 =	vmax.f32 v0, v3  }
0x33b: {  	v44 =	vld [tilespmem:$0x12290];
	v8 =	vmax.f32 v8, v41;
	v0 =	vmax.f32 v0, v14  }
0x33c: {  	v8 =	vmax.f32 v8, v40;
	v2 =	vld [tilespmem:$0x10510];
	v0 =	vmax.f32 v0, v15  }
0x33d: {  	v8 =	vmax.f32 v8, v39;
	v3 =	vld [tilespmem:$0x10590];
	v0 =	vmax.f32 v0, v16  }
0x33e: {  	v42 =	vld [tilespmem:$0x12210];
	v8 =	vmax.f32 v8, v38;
	v0 =	vmax.f32 v0, v17  }
0x33f: {  	v38 =	vld [tilespmem:$0x12090];
	v8 =	vmax.f32 v8, v37;
	v0 =	vmax.f32 v0, v18  }
0x340: {  	v8 =	vmax.f32 v8, v36;
	v36 =	vld [tilespmem:$0x12010];
	v0 =	vmax.f32 v0, v19  }
0x341: {  	v8 =	vmax.f32 v8, v35;
	v35 =	vld [tilespmem:$0x1FE60];
	v0 =	vmax.f32 v0, v2  }
0x342: {  	v14 =	vld [tilespmem:$0x10810];
	v0 =	vmax.f32 v0, v3  }
0x343: {  	v15 =	vld [tilespmem:$0x10890];
	v0 =	vmax.f32 v0, v22  }
0x344: {  	v2 =	vld [tilespmem:$0x10910];
	v0 =	vmax.f32 v0, v23  }
0x345: {  	v3 =	vld [tilespmem:$0x10990];
	v0 =	vmax.f32 v0, v12  }
0x346: {  	v16 =	vld [tilespmem:$0x10A10];
	v0 =	vmax.f32 v0, v13  }
0x347: {  	v17 =	vld [tilespmem:$0x10A90];
	v0 =	vmax.f32 v0, v14  }
0x348: {  	v18 =	vld [tilespmem:$0x10B10];
	v0 =	vmax.f32 v0, v15  }
0x349: {  	v19 =	vld [tilespmem:$0x10B90];
	v0 =	vmax.f32 v0, v2  }
0x34a: {  	v37 =	vld [tilespmem:$0x1FE70];
	v0 =	vmax.f32 v0, v3  }
0x34b: {  	v39 =	vld [tilespmem:$0x1FE80];
	v0 =	vmax.f32 v0, v16  }
0x34c: {  	v2 =	vld [tilespmem:$0x10D10];
	v0 =	vmax.f32 v0, v17  }
0x34d: {  	v3 =	vld [tilespmem:$0x10D90];
	v0 =	vmax.f32 v0, v18  }
0x34e: {  	v22 =	vld [tilespmem:$0x10E10];
	v0 =	vmax.f32 v0, v19  }
0x34f: {  	v23 =	vld [tilespmem:$0x10E90];
	v0 =	vmax.f32 v0, v20  }
0x350: {  	v40 =	vld [tilespmem:$0x1FE90];
	v0 =	vmax.f32 v0, v21  }
0x351: {  	v41 =	vld [tilespmem:$0x1FEA0];
	v0 =	vmax.f32 v0, v2  }
0x352: {  	v43 =	vld [tilespmem:$0x1FEB0];
	v0 =	vmax.f32 v0, v3  }
0x353: {  	v45 =	vld [tilespmem:$0x1FEC0];
	v0 =	vmax.f32 v0, v22  }
0x354: {  	v2 =	vld [tilespmem:$0x11110];
	v0 =	vmax.f32 v0, v23  }
0x355: {  	v3 =	vld [tilespmem:$0x11190];
	v0 =	vmax.f32 v0, v24  }
0x356: {  	v47 =	vld [tilespmem:$0x1FED0];
	v0 =	vmax.f32 v0, v25  }
0x357: {  	v49 =	vld [tilespmem:$0x1FEE0];
	v0 =	vmax.f32 v0, v26  }
0x358: {  	v12 =	vld [tilespmem:$0x1FDC0];
	v0 =	vmax.f32 v0, v32  }
0x359: {  	v13 =	vld [tilespmem:$0x11B10];
	v0 =	vmax.f32 v0, v2  }
0x35a: {  	v14 =	vld [tilespmem:$0x1FDD0];
	v0 =	vmax.f32 v0, v3  }
0x35b: {  	v15 =	vld [tilespmem:$0x11B90];
	v0 =	vmax.f32 v0, v33  }
0x35c: {  	v2 =	vld [tilespmem:$0x11510];
	v0 =	vmax.f32 v0, v34  }
0x35d: {  	v3 =	vld [tilespmem:$0x11590];
	v0 =	vmax.f32 v0, v50  }
0x35e: {  	v16 =	vld [tilespmem:$0x1FDE0];
	v0 =	vmax.f32 v0, v51  }
0x35f: {  	v17 =	vld [tilespmem:$0x11C10];
	v0 =	vmax.f32 v0, v52  }
0x360: {  	v18 =	vld [tilespmem:$0x1FDF0];
	v0 =	vmax.f32 v0, v53  }
0x361: {  	v19 =	vld [tilespmem:$0x11C90];
	v0 =	vmax.f32 v0, v2  }
0x362: {  	v20 =	vld [tilespmem:$0x1FE00];
	v0 =	vmax.f32 v0, v3  }
0x363: {  	v21 =	vld [tilespmem:$0x1FE10];
	v0 =	vmax.f32 v0, v54  }
0x364: {  	v2 =	vld [tilespmem:$0x11910];
	v0 =	vmax.f32 v0, v55  }
0x365: {  	v3 =	vld [tilespmem:$0x11990];
	v0 =	vmax.f32 v0, v56  }
0x366: {  	v22 =	vld [tilespmem:$0x1FE20];
	v0 =	vmax.f32 v0, v57  }
0x367: {  	v23 =	vld [tilespmem:$0x11E10];
	v0 =	vmax.f32 v0, v58  }
0x368: {  	v24 =	vld [tilespmem:$0x1FE30];
	v0 =	vmax.f32 v0, v59  }
0x369: {  	v8 =	vmax.f32 v8, v61;
	v25 =	vld [tilespmem:$0x11E90];
	v0 =	vmax.f32 v0, v2  }
0x36a: {  	v8 =	vmax.f32 v8, v12;
	v26 =	vld [tilespmem:$0x1FE40];
	v0 =	vmax.f32 v0, v3  }
0x36b: {  	v8 =	vmax.f32 v8, v14;
	v32 =	vld [tilespmem:$0x11F10];
	v0 =	vmax.f32 v0, v60  }
0x36c: {  	v8 =	vmax.f32 v8, v16;
	v2 =	vld [tilespmem:$0x11D10];
	v0 =	vmax.f32 v0, v62  }
0x36d: {  	v8 =	vmax.f32 v8, v18;
	v3 =	vld [tilespmem:$0x11D90];
	v0 =	vmax.f32 v0, v13  }
0x36e: {  	v8 =	vmax.f32 v8, v20;
	v33 =	vld [tilespmem:$0x1FE50];
	v0 =	vmax.f32 v0, v15  }
0x36f: {  	v8 =	vmax.f32 v8, v21;
	v34 =	vld [tilespmem:$0x11F90];
	v0 =	vmax.f32 v0, v17  }
0x370: {  	v8 =	vmax.f32 v8, v22;
	v50 =	vld [tilespmem:$0x12310];
	v0 =	vmax.f32 v0, v19  }
0x371: {  	v8 =	vmax.f32 v8, v24;
	v51 =	vld [tilespmem:$0x1FEF0];
	v0 =	vmax.f32 v0, v2  }
0x372: {  	v8 =	vmax.f32 v8, v26;
	v52 =	vld [tilespmem:$0x12510];
	v0 =	vmax.f32 v0, v3  }
0x373: {  	v8 =	vmax.f32 v8, v33;
	v53 =	vld [tilespmem:$0x1FF00];
	v0 =	vmax.f32 v0, v23  }
0x374: {  	v8 =	vmax.f32 v8, v35;
	v2 =	vld [tilespmem:$0x12110];
	v0 =	vmax.f32 v0, v25  }
0x375: {  	v8 =	vmax.f32 v8, v37;
	v3 =	vld [tilespmem:$0x12190];
	v0 =	vmax.f32 v0, v32  }
0x376: {  	v8 =	vmax.f32 v8, v39;
	v54 =	vld [tilespmem:$0x1FF10];
	v0 =	vmax.f32 v0, v34  }
0x377: {  	v8 =	vmax.f32 v8, v40;
	v55 =	vld [tilespmem:$0x1FF20];
	v0 =	vmax.f32 v0, v36  }
0x378: {  	v8 =	vmax.f32 v8, v41;
	v56 =	vld [tilespmem:$0x1FF30];
	v0 =	vmax.f32 v0, v38  }
0x379: {  	v8 =	vmax.f32 v8, v43;
	v0 =	vmax.f32 v0, v2;
	v2 =	vld [tilespmem:$0x12390]  }
0x37a: {  	v8 =	vmax.f32 v8, v45;
	v0 =	vmax.f32 v0, v3;
	v3 =	vld [tilespmem:$0x12590]  }
0x37b: {  	v57 =	vld [tilespmem:$0x1FF40];
	v58 =	vadd.f32 v48, v46;
	v8 =	vmax.f32 v8, v47  }
0x37c: {  	v59 =	vld [tilespmem:$0x1FF50];
	v8 =	vmax.f32 v8, v49;
	v0 =	vmax.f32 v0, v42  }
0x37d: {  	v4 =	vadd.f32 v52, v58;
	v8 =	vmax.f32 v8, v51;
	v0 =	vmax.f32 v0, v44  }
0x37e: {  	v8 =	vmax.f32 v8, v53;
	v60 =	vld [tilespmem:$0x1FF60];
	v0 =	vmax.f32 v0, v50  }
0x37f: {  	v8 =	vmax.f32 v8, v54;
	v0 =	vmax.f32 v0, v2;
	v2 =	vadd.f32 v3, v4;
	v3 =	vld [tilespmem:$0x1FFC0]  }
0x380: {  	v8 =	vmax.f32 v8, v57  }
0x381: {  	v61 =	vld [tilespmem:$0x1FF70];
	v11 =	vadd.f32 v56, v55;
	v7 =	vmax.f32 v8, v59  }
0x382: {  	vm0 =	vge.f32 v7, $2.500000000e-01  }
0x383: {  	v8 =	vadd.f32 v60, v11;
	vm0 =	vmneg vm0  }
0x384: {  	v3 =	vnsel vm0, $0x40000000, v3;
	vm0 =	vge.f32 v0, $2.500000000e-01;
	v0 =	vadd.f32 v2, v0;
	v2 =	vld [tilespmem:$0x1FFD0];
	_ =	sdelay $0x1  }
0x385: {  	v5 =	vadd.f32 v61, v8;
	_ =	sdelay $0x1  }
0x386: {  	v62 =	vadd.f32 v5, v7;
	vm1 =	vlt.s32 v29, v3;
	vm0 =	vmneg vm0  }
0x387: {  	v3 =	vsel vm1, v29, v3;
	v2 =	vnsel vm0, $0x40000000, v2  }
0x388: {  	[tilespmem:$0x13E00] =	vst v62;
	vm0 =	vlt.s32 v3, v2  }
0x389: {  	v63 =	vlaneseq.u32;
	[tilespmem:$0x13E80] =	vst v0;
	v29 =	vsel vm0, v3, v2  }
.LBB2_7:
0x38a: {  	v0 =	vxor.u32 $0x80000000, v29  }
0x38b: {  	(xrf0) =	vmin.scan.msk.u32 $0xffff, v0;
	_ =	sdelay $0x5  }
0x38c: {  	v0, _, _ =	vpop (xrf0)  }
0x38d: {  	(v2sf) =	vpush v0, $0xF;
	_ =	sdelay $0xe  }
0x38e: {  	s5 =	spop (v2sf)  }
0x38f: {  	[tilespmem:$0x14280] =	vst v29;
	s8 =	simm.s32 $0x12700;
	s5 =	sxor.u32 $0x80000000, s5  }
0x390: {  	v0 =	vld [tilespmem:s8+$0xFFFFFF00];
	p3 =	slt.s32 s5, s31  }
0x391: {  	s7 =	sadd.s32 $0xFFFFFFD0, s29;
	s31 =	smov.u32 @p3 s5  }
0x392: {  	v3 =	vor.u32 s7, v63;
	v2 =	vmov s31  }
0x393: {  	s14 =	sadd.s32 $0xFFFFFFE0, s29;
	v6 =	vld [tilespmem:s8+$0xFFFFFF80];
	vm0 =	vge.u32 v3, v1;
	vm1 =	vlt.s32 v3, v2  }
0x394: {  	v4 =	vor.u32 s14, v63;
	vm0 =	vmand vm0, vm1  }
0x395: {  	vm1 =	vlt.s32 v4, v2;
	v0 =	vnsel vm0, $0x0, v0;
	vm0 =	vge.u32 v4, v1;
	v4 =	vld [tilespmem:s8+$0x0]  }
0x396: {  	s31 =	sadd.s32 $0xFFFFFFF0, s29;
	v3 =	vimm.f32 $0.0e+00  }
0x397: {  	v5 =	vadd.f32 v0, v3;
	vm0 =	vmand vm0, vm1;
	v0 =	vor.u32 s31, v63;
	v3 =	vld [tilespmem:s8+$0x80]  }
0x398: {  	s13 =	smov.u32 s29;
	s7 =	simm.s32 $0x0;
	s14 =	simm.s32 $0x12900;
	v6 =	vnsel vm0, $0x0, v6;
	vm15 =	vge.u32 v0, v1;
	vm0 =	vlt.s32 v0, v2  }
.LBB2_8:
0x399: {  	v0 =	vld [tilespmem:s14+$0xFFFFFF00];
	s7 =	sadd.s32 $0x4, s7;
	v5 =	vadd.f32 v6, v5;
	vm0 =	vmand vm15, vm0;
	v6 =	vor.u32 s13, v63;
	s13 =	sadd.s32 $0x40, s13  }
0x39a: {  	s8 =	sadd.s32 $0xFFFFFFD0, s13;
	p3 =	slt.u32 s7, $0x2C;
	v4 =	vnsel vm0, $0x0, v4;
	vm0 =	vge.u32 v6, v1;
	vm1 =	vlt.s32 v6, v2  }
0x39b: {  	v6 =	vor.u32 s8, v63;
	v7 =	vld [tilespmem:s14+$0xFFFFFF80];
	v5 =	vadd.f32 v4, v5;
	vm0 =	vmand vm0, vm1  }
.Ltmp5:
0x39c: {  	s8 =	sadd.s32 $0xFFFFFFE0, s13;
	vm1 =	vge.u32 v6, v1;
	vm15 =	vlt.s32 v6, v2;
	v3 =	vnsel vm0, $0x0, v3;
	(pc) =	sbr.rel @p3 .LBB2_8-.Ltmp5, $4  }
0x39d: {  	v6 =	vor.u32 s8, v63;
	vm0 =	vmand vm1, vm15;
	v4 =	vld [tilespmem:s14+$0x0];
	v3 =	vadd.f32 v3, v5  }
0x39e: {  	s8 =	sadd.s32 $0xFFFFFFF0, s13;
	vm1 =	vlt.s32 v6, v2;
	v0 =	vnsel vm0, $0x0, v0;
	vm0 =	vge.u32 v6, v1  }
0x39f: {  	v5 =	vadd.f32 v0, v3;
	vm0 =	vmand vm0, vm1;
	v0 =	vor.u32 s8, v63;
	v3 =	vld [tilespmem:s14+$0x80]  }
0x3a0: {  	s14 =	sadd.s32 $0x200, s14;
	v6 =	vnsel vm0, $0x0, v7;
	vm15 =	vge.u32 v0, v1;
	vm0 =	vlt.s32 v0, v2  }
0x3a1: {  	v0 =	vadd.f32 v6, v5;
	vm0 =	vmand vm15, vm0;
	v62 =	vor.u32 s13, v63;
	p3 =	slt.s32 @!p2 s5, s10;
	v6 =	vld @!p2 [tilespmem:$0x13E00]  }
0x3a2: {  	s7 =	smov.u32 s5;
	v4 =	vnsel vm0, $0x0, v4;
	vm0 =	vge.u32 v62, v1;
	vm1 =	vlt.s32 v62, v2;
	p3 =	por !p3, p2  }
0x3a3: {  	v2 =	vlaneseq.u32 @!p2;
	v0 =	vadd.f32 v4, v0;
	vm0 =	vmand vm0, vm1;
	s7 =	smov.u32 @p3 s10;
	v4 =	vld @!p2 [tilespmem:$0x13E80]  }
0x3a4: {  	v7 =	vor.u32 @!p2 $0x4E00, v2;
	v3 =	vnsel vm0, $0x0, v3;
	v5 =	vmov @!p2 s7  }
0x3a5: {  	v0 =	vadd.f32 v3, v0;
	vm0 =	vgt.s32 @!p2 v5, v7  }
0x3a6: {  	v2 =	vor.u32 @!p2 $0x4E10, v2;
	v3 =	vnsel @!p2 vm0, $0x0, v6  }
0x3a7: {  	vm0 =	vgt.s32 @!p2 v5, v2;
	v3 =	vadd.f32 @!p2 v3, v0  }
0x3a8: {  	v2 =	vnsel @!p2 vm0, $0x0, v4  }
0x3a9: {  	v2 =	vadd.f32 @!p2 v2, v3;
	_ =	sdelay $0x1  }
0x3aa: {  	v0 =	vpsel p2, v0, v2  }
0x3ab: {  	(xrf2) =	vadd.scan.msk.f32 $0xffff, v0;
	_ =	sdelay $0x9  }
0x3ac: {  	v0, _, _ =	vpop (xrf2)  }
0x3ad: {  	v0 =	vbroadcast v0, $0xF;
	_ =	sdelay $0x1  }
0x3ae: {  	[tilespmem:$0x14200] =	vst v0;
	v0 =	vmov s5  }
0x3af: {  	s14 =	simm.s32 $0x14200;
	[tilespmem:$0x14280] =	vst v0  }
0x3b0: {  	[hbm4b:s11+s1] =	stream.linear.scatter [tilespmem:s14], [sflag:$0x1], $0x80, $0x38;
	[tilespmem:$0x15300] =	vst v63  }
0x3b1: {  	s31 =	simm.s32 $0x14280  }
0x3b2: {  	[hbm4b:s12+s1] =	stream.linear.scatter [tilespmem:s31], [sflag:$0x2], $0x80, $0x38;
	[tilespmem:$0x15300] =	vst v63  }
0x3b3: {  	_ =	swait.ge [sflag:s0], $0x80  }
0x3b4: {  	[sflag:s0] =	ssyncset.done $0x0  }
0x3b5: {  	[sflag:s0] =	ssyncadd.s32 $0xFFFFFF80  }
.Ltmp6:
0x3b6: {  	_ =	swait.ge [sflag:s15], $0x80;
	(pc) =	sbr.rel @p0 .LBB2_11-.Ltmp6, $3  }
0x3b7: {  	[sflag:s15] =	ssyncset.done $0x0  }
0x3b8: {  	[sflag:s15] =	ssyncadd.s32 $0xFFFFFF80  }
0x3b9: {  	[bflag:$0x0] =	sbarrier.arrive $0xFFFF;
	_ =	sdelay $0x1  }
0x3ba: {  	s5 =	rddreg [dreg:$0x8];
	s7 =	simm.s32 $0x14300  }
0x3bb: {  	[tilespmem:s7], [sflag:$0x1] =	stream.linear.gather [hbm4b:s5+s1], $0x800, $0x38;
	[tilespmem:$0x15300] =	vst v63  }
0x3bc: {  	s14 =	rddreg [dreg:$0x9];
	s31 =	simm.s32 $0x14B00  }
0x3bd: {  	[tilespmem:s31], [sflag:$0x2] =	stream.linear.gather [hbm4b:s14+s1], $0x800, $0x38;
	[tilespmem:$0x15300] =	vst v63  }
0x3be: {  	_ =	swait.ge [sflag:s0], $0x800  }
0x3bf: {  	[sflag:s0] =	ssyncset.done $0x0  }
0x3c0: {  	[sflag:s0] =	ssyncadd.s32 $0xFFFFF800  }
0x3c1: {  	_ =	swait.ge [sflag:s15], $0x800  }
0x3c2: {  	[sflag:s15] =	ssyncset.done $0x0;
	v7 =	vld [tilespmem:$0x1FFE0]  }
0x3c3: {  	v46 =	vld [tilespmem:$0x1FFF0];
	[sflag:s15] =	ssyncadd.s32 $0xFFFFF800  }
0x3c4: {  	v0 =	vld [tilespmem:$0x14B00]  }
0x3c5: {  	v2 =	vld [tilespmem:$0x14B80]  }
0x3c6: {  	v3 =	vld [tilespmem:$0x14C00]  }
0x3c7: {  	v4 =	vld [tilespmem:$0x14C80]  }
0x3c8: {  	v5 =	vld [tilespmem:$0x14D00]  }
0x3c9: {  	v6 =	vld [tilespmem:$0x14D80];
	vm0 =	vnez.u8 v7  }
0x3ca: {  	vm1 =	vnez.u8 v46;
	v0 =	vsel vm0, v0, v2;
	v2 =	vld [tilespmem:$0x14E00]  }
0x3cb: {  	v0 =	vsel vm1, v0, v3;
	v3 =	vld [tilespmem:$0x14E80]  }
0x3cc: {  	v47 =	vld [tilespmem:$0x14F00];
	v0 =	vsel vm2, v0, v4  }
0x3cd: {  	v48 =	vld [tilespmem:$0x14F80];
	v0 =	vsel vm3, v0, v5  }
0x3ce: {  	v49 =	vld [tilespmem:$0x15000];
	v0 =	vsel vm4, v0, v6  }
0x3cf: {  	v0 =	vsel vm5, v0, v2;
	v2 =	vld [tilespmem:$0x15080]  }
0x3d0: {  	v0 =	vsel vm6, v0, v3;
	v3 =	vld [tilespmem:$0x15100]  }
0x3d1: {  	v50 =	vld [tilespmem:$0x15180];
	v0 =	vsel vm7, v0, v47  }
0x3d2: {  	v51 =	vld [tilespmem:$0x15200];
	v0 =	vsel vm8, v0, v48  }
0x3d3: {  	v52 =	vld [tilespmem:$0x15280];
	v0 =	vsel vm9, v0, v49  }
0x3d4: {  	v0 =	vsel vm10, v0, v2  }
0x3d5: {  	v0 =	vsel vm11, v0, v3  }
0x3d6: {  	v0 =	vsel vm12, v0, v50  }
0x3d7: {  	v0 =	vsel vm13, v0, v51  }
0x3d8: {  	v0 =	vsel vm14, v0, v52  }
0x3d9: {  	v0 =	vxor.u32 $0x80000000, v0  }
0x3da: {  	(xrf0) =	vmin.scan.msk.u32 $0xffff, v0;
	_ =	sdelay $0x2  }
0x3db: {  	v2 =	vld [tilespmem:$0x14380]  }
0x3dc: {  	v0 =	vld [tilespmem:$0x14300]  }
0x3dd: {  	v3 =	vld [tilespmem:$0x14400]  }
0x3de: {  	v54 =	vld [tilespmem:$0x14480];
	v53, _, _ =	vpop (xrf0)  }
0x3df: {  	v55 =	vld [tilespmem:$0x14500];
	(v2sf) =	vpush v53, $0xF  }
0x3e0: {  	v56 =	vld [tilespmem:$0x14580]  }
0x3e1: {  	v0 =	vsel vm0, v0, v2;
	v2 =	vld [tilespmem:$0x14600]  }
0x3e2: {  	v0 =	vsel vm1, v0, v3;
	v3 =	vld [tilespmem:$0x14680]  }
0x3e3: {  	v57 =	vld [tilespmem:$0x14700];
	v0 =	vsel vm2, v0, v54  }
0x3e4: {  	v58 =	vld [tilespmem:$0x14780];
	v0 =	vsel vm3, v0, v55  }
0x3e5: {  	v59 =	vld [tilespmem:$0x14800];
	v0 =	vsel vm4, v0, v56  }
0x3e6: {  	v0 =	vsel vm5, v0, v2;
	v2 =	vld [tilespmem:$0x14880]  }
0x3e7: {  	v60 =	vld [tilespmem:$0x14980];
	v0 =	vsel vm6, v0, v3  }
0x3e8: {  	v3 =	vld [tilespmem:$0x14900];
	v0 =	vsel vm7, v0, v57  }
0x3e9: {  	v61 =	vld [tilespmem:$0x14A00];
	v0 =	vsel vm8, v0, v58  }
0x3ea: {  	v62 =	vld [tilespmem:$0x14A80];
	v0 =	vsel vm9, v0, v59  }
0x3eb: {  	v0 =	vsel vm10, v0, v2;
	v2 =	vld [tilespmem:$0x1FFB0];
	_ =	sdelay $0x1  }
0x3ec: {  	v0 =	vsel vm11, v0, v3  }
0x3ed: {  	v0 =	vsel vm12, v0, v60;
	s8 =	spop (v2sf)  }
0x3ee: {  	v0 =	vsel vm13, v0, v61;
	s5 =	sxor.u32 $0x80000000, s8  }
0x3ef: {  	v0 =	vsel vm14, v0, v62;
	vm0 =	vgt.s32 v2, s5  }
0x3f0: {  	v0 =	vsel vm0, $0x0, v0  }
0x3f1: {  	(xrf2) =	vadd.scan.msk.f32 $0xffff, v0;
	_ =	sdelay $0x9  }
0x3f2: {  	v0, _, _ =	vpop (xrf2)  }
0x3f3: {  	v2 =	vmov s5;
	v0 =	vbroadcast v0, $0xF  }
0x3f4: {  	[tilespmem:$0x14280] =	vst v2  }
0x3f5: {  	s13 =	simm.s32 $0x14200;
	s9 =	rddreg [dreg:$0xa];
	[tilespmem:$0x14200] =	vst v0  }
0x3f6: {  	[hbm4b:s9+s1] =	stream.linear.scatter [tilespmem:s13], [sflag:$0x3], $0x80, $0x38;
	[tilespmem:$0x15300] =	vst v63  }
0x3f7: {  	_ =	swait.ge [sflag:s16], $0x80  }
0x3f8: {  	s31 =	simm.s32 $0x14280;
	[sflag:s16] =	ssyncset.done $0x0  }
.Ltmp7:
0x3f9: {  	s14 =	rddreg [dreg:$0xb];
	[sflag:s16] =	ssyncadd.s32 $0xFFFFFF80;
	(pc) =	sbr.rel .LBB2_11-.Ltmp7, $4  }
0x3fa: {  	[hbm4b:s14+s1] =	stream.linear.scatter [tilespmem:s31], [sflag:$0x3], $0x80, $0x38;
	[tilespmem:$0x15300] =	vst v63  }
0x3fb: {  	_ =	swait.ge [sflag:s16], $0x80  }
0x3fc: {  	[sflag:s16] =	ssyncset.done $0x0  }
0x3fd: {  	[sflag:s16] =	ssyncadd.s32 $0xFFFFFF80  }
.LBB2_12:
0x3fe: {  	_ =	sfence.sel $0x180000  }
0x3ff: {  	[bflag:$0x0] =	sbarrier.arrive $0xFFFF  }
0x400: {  	_ =	strace $0x90000047  }
0x401: {  	[bflag:$0x2] =	sbarrier.arrive $0xFFFF  }
0x402: {  	s0 =	rddreg [dreg:$0x3]  }
0x403: {  	s0 =	sadd.s32 @!p0 $0x100000, s0  }
0x404: {  	[sflag:s0] =	ssyncadd.tile.s32 @!p0 $0x1;
	_ =	shalt  }
.Lfunc_end2:
_tile_overlayer_lowered:
.L_overlay_start_2:
0x405: {  	(tag) =	ssettag $0x2  }
0x406: {  	s0 =	rddreg [dreg:$0x0];
	s2 =	stileid.u32  }
0x407: {  	s1 =	rddreg [dreg:$0x1];
	p0 =	sne.s32 s2, $0x0  }
0x408: {  	s3 =	rddreg [dreg:$0x2];
	[bflag:$0x3] =	sbarrier.arrive $0xFFFF;
	s2 =	simm.s32 @!p0 $0x1C03  }
0x409: {  	[timem:s3], [sflag:s2] =	dma.local @!p0 [hbm:s0], s1  }
0x40a: {  	s0 =	simm.s32 @!p0 $0x3  }
0x40b: {  	_ =	swait.ge @!p0 [sflag:s0], s1  }
0x40c: {  	s1 =	ssub.s32 @!p0 $0x0, s1;
	[sflag:s0] =	ssyncset.done @!p0 $0x0  }
0x40d: {  	[sflag:s0] =	ssyncadd.s32 @!p0 s1  }
0x40e: {  	[bflag:$0x3] =	sbarrier.arrive $0xFFFF  }
0x40f: {  	_ =	shalt  }

</sc_bundles>
